<compile_context>
chip_gen: v7x
topology: tpu7x:2x2x1
jax: 0.10.2.dev20260603
libtpu: 0.0.44.dev20260713+nightly
codegen_flags: <defaults>
</compile_context>

<pallas_src>
import functools

import jax
import jax.numpy as jnp
from jax import lax
from jax.experimental import pallas as pl
from jax.experimental.pallas import tpu as pltpu
from jax.experimental.pallas import tpu_sc as plsc

NCORES = 2
NSUB = 16
NW = NCORES * NSUB

G = 512
SEG = 80
NSTREAM = 2
C = SEG * NSTREAM


def _sc_pool(emb, batch2d, ones_hbm_a, zeros_hbm_a):
    N, D = emb.shape
    nchunks = N // C
    jmax = (nchunks + NW - 1) // NW
    mesh = plsc.VectorSubcoreMesh(core_axis_name="c", subcore_axis_name="s",
                                  num_cores=NCORES, num_subcores=NSUB)

    @functools.partial(
        pl.kernel,
        out_type=(
            jax.ShapeDtypeStruct((NCORES, G, D), jnp.float32),
            jax.ShapeDtypeStruct((NCORES, G, D), jnp.float32),
        ),
        mesh=mesh,
        scratch_types=[
            pltpu.VMEM((C, D), jnp.float32),
            pltpu.VMEM((C, D), jnp.float32),
            pltpu.VMEM((NSTREAM, SEG), jnp.int32),
            pltpu.VMEM((NSTREAM, SEG), jnp.int32),
            pltpu.VMEM((SEG, D), jnp.float32),
            pltpu.VMEM_SHARED((G, D), jnp.float32),
            pltpu.VMEM_SHARED((G, D), jnp.float32),
            pltpu.SemaphoreType.DMA,
            pltpu.SemaphoreType.DMA,
            pltpu.SemaphoreType.DMA,
        ],
    )
    def sc_kernel(emb_hbm, batch_hbm, ones_hbm, zeros_hbm,
                  pooled_out, counts_out,
                  rows0, rows1, idx0, idx1, ones_v, acc_sh, cnt_sh,
                  sem0, sem1, sem_s):
        cid = lax.axis_index("c")
        sid = lax.axis_index("s")
        wid = sid * NCORES + cid
        R = G // NSUB

        pltpu.sync_copy(ones_hbm, ones_v)
        pltpu.sync_copy(zeros_hbm.at[pl.ds(R * sid, R)],
                        acc_sh.at[pl.ds(R * sid, R)])
        pltpu.sync_copy(zeros_hbm.at[pl.ds(R * sid, R)],
                        cnt_sh.at[pl.ds(R * sid, R)])

        plsc.subcore_barrier()

        rows = (rows0, rows1)
        idxs = (idx0, idx1)
        sems = (sem0, sem1)

        def start(j):
            b = j % 2
            k = wid + NW * j

            @pl.when(k < nchunks)
            def _():
                pltpu.async_copy(emb_hbm.at[pl.ds(k * C, C)], rows[b],
                                 sems[b])
                pltpu.async_copy(batch_hbm.at[pl.ds(k * NSTREAM, NSTREAM)],
                                 idxs[b], sems[b])

        def process(j):
            b = j % 2
            k = wid + NW * j

            @pl.when(k < nchunks)
            def _():
                pltpu.make_async_copy(emb_hbm.at[pl.ds(k * C, C)], rows[b],
                                      sems[b]).wait()
                pltpu.make_async_copy(
                    batch_hbm.at[pl.ds(k * NSTREAM, NSTREAM)], idxs[b],
                    sems[b]).wait()
                for m in range(NSTREAM):
                    pltpu.sync_copy(rows[b].at[pl.ds(m * SEG, SEG)],
                                    acc_sh.at[idxs[b].at[m]], add=True)
                    pltpu.sync_copy(ones_v, cnt_sh.at[idxs[b].at[m]],
                                    add=True)

        start(0)
        for j in range(jmax):
            if j + 1 < jmax:
                start(j + 1)
            process(j)

        plsc.subcore_barrier()

        @pl.when(sid == 0)
        def _():
            pltpu.sync_copy(acc_sh, pooled_out.at[cid])
            pltpu.sync_copy(cnt_sh, counts_out.at[cid])

    return sc_kernel(emb, batch2d, ones_hbm_a, zeros_hbm_a)


def _head_body(pooled_ref, cnts_ref, w_ref, b_ref, out_ref):
    acc = pooled_ref[0] + pooled_ref[1]
    cnt = cnts_ref[0, :, 0:1] + cnts_ref[1, :, 0:1]
    c = jnp.maximum(cnt, 1.0)
    g = acc / c
    out_ref[...] = lax.dot_general(
        g, w_ref[...], (((1,), (1,)), ((), ())),
        preferred_element_type=jnp.float32) + b_ref[...]


def kernel(node_embeddings, batch, W, b):
    N, D = node_embeddings.shape
    K = W.shape[0]
    batch2d = batch.reshape(N // SEG, SEG)
    ones_a = jnp.ones((SEG, D), jnp.float32)
    zeros_a = jnp.zeros((G, D), jnp.float32)
    pooled, counts = _sc_pool(node_embeddings, batch2d, ones_a, zeros_a)
    head = pl.pallas_call(
        _head_body,
        out_shape=jax.ShapeDtypeStruct((G, K), jnp.float32),
    )
    return head(pooled, counts, W, b.reshape(1, K))

# --- scband reference (transcript-rebuilt; emitter-appended) ---
"""Pipeline reference for scband-graph-head-21311627723570 (READ-ONLY COPY).

The authoritative reference and input builder live on the scoring server;
editing this copy changes nothing except your own understanding.
"""

import jax, jax.numpy as jnp
import numpy as np

N = 100000
D = 128
NUM_CLASSES = 16
NUM_GRAPHS = 512


def setup_inputs(seed: int = 0) -> dict:
    key = jax.random.key(seed)
    k1, k2, k3, k4 = jax.random.split(key, 4)
    node_embeddings = jax.random.normal(k1, (N, D), dtype=jnp.float32)
    batch = jnp.sort(jax.random.randint(k2, (N,), 0, NUM_GRAPHS)).astype(jnp.int32)
    W = jax.random.normal(k3, (NUM_CLASSES, D), dtype=jnp.float32) * 0.05
    b = jax.random.normal(k4, (NUM_CLASSES,), dtype=jnp.float32) * 0.05
    return {"node_embeddings": node_embeddings, "batch": batch, "W": W, "b": b}


def reference(node_embeddings, batch, W, b):
    # mean_pool: scatter-add node embeddings into per-graph slots, divide by counts
    num_graphs = NUM_GRAPHS if batch.shape[0] > 0 else 0
    pooled = jax.ops.segment_sum(node_embeddings, batch, num_segments=num_graphs)
    counts = jax.ops.segment_sum(
        jnp.ones((batch.shape[0],), dtype=node_embeddings.dtype), batch,
        num_segments=num_graphs)
    graph_embeddings = pooled / jnp.maximum(counts, 1.0)[:, None]
    # linear head
    return graph_embeddings @ W.T + b

if __name__ == "__main__":
    import jax
    _d = setup_inputs()
    print(jax.jit(kernel)(*tuple(_d.values())))

</pallas_src>

<mosaic_0001>
#map = affine_map<(d0, d1) -> (0, 0)>
#map1 = affine_map<(d0, d1) -> (0, 0, 0)>
module attributes {stable_mosaic.version = 14 : i64} {
  func.func @sc_kernel(%arg0: i32, %arg1: i32, %arg2: memref<100000x128xf32, #tpu.memory_space<hbm>>, %arg3: memref<1250x80xi32, #tpu.memory_space<hbm>>, %arg4: memref<80x128xf32, #tpu.memory_space<hbm>>, %arg5: memref<512x128xf32, #tpu.memory_space<hbm>>, %arg6: memref<2x512x128xf32, #tpu.memory_space<hbm>>, %arg7: memref<2x512x128xf32, #tpu.memory_space<hbm>>, %arg8: memref<160x128xf32, #tpu.memory_space<vmem>>, %arg9: memref<160x128xf32, #tpu.memory_space<vmem>>, %arg10: memref<2x80xi32, #tpu.memory_space<vmem>>, %arg11: memref<2x80xi32, #tpu.memory_space<vmem>>, %arg12: memref<80x128xf32, #tpu.memory_space<vmem>>, %arg13: memref<512x128xf32, #tpu.memory_space<vmem_shared>>, %arg14: memref<512x128xf32, #tpu.memory_space<vmem_shared>>, %arg15: memref<!tpu.dma_semaphore, #tpu.memory_space<semaphore_mem>>, %arg16: memref<!tpu.dma_semaphore, #tpu.memory_space<semaphore_mem>>, %arg17: memref<!tpu.dma_semaphore, #tpu.memory_space<semaphore_mem>>) attributes {dimension_semantics = [#tpu.dimension_semantics<core_parallel>, #tpu.dimension_semantics<subcore_parallel>], iteration_bounds = array<i64: 2, 16>, scalar_prefetch = 0 : i64, scratch_operands = 10 : i64, tpu.core_type = #tpu.core_type<sc_vector_subcore>, window_params = [{transform_indices = #map}, {transform_indices = #map}, {transform_indices = #map}, {transform_indices = #map}, {transform_indices = #map1}, {transform_indices = #map1}]} {
    %mul3A = arith.constant 2 : i32
    %mul3A_0 = arith.muli %arg1, %mul3A : i32
    %add3A = arith.addi %mul3A_0, %arg0 : i32
    "tpu.region"() ({
      %run_scoped3A = tpu.sem_alloc : memref<!tpu.dma_semaphore, #tpu.memory_space<semaphore_mem>>
      tpu.enqueue_dma source(%arg4 : memref<80x128xf32, #tpu.memory_space<hbm>>) target(%arg12 : memref<80x128xf32, #tpu.memory_space<vmem>>) target_semaphore(%run_scoped3A : memref<!tpu.dma_semaphore, #tpu.memory_space<semaphore_mem>>)
      tpu.wait_dma2 semaphore(%run_scoped3A : memref<!tpu.dma_semaphore, #tpu.memory_space<semaphore_mem>>) src(%arg4 : memref<80x128xf32, #tpu.memory_space<hbm>>) dst(%arg12 : memref<80x128xf32, #tpu.memory_space<vmem>>)
      tpu.yield
    }) : () -> ()
    %mul3A_1 = arith.constant 32 : i32
    %mul3A_2 = arith.muli %mul3A_1, %arg1 : i32
    %mul3A_3 = arith.constant 32 : i32
    %mul3A_4 = arith.muli %mul3A_3, %arg1 : i32
    "tpu.region"() ({
      %run_scoped3A = tpu.sem_alloc : memref<!tpu.dma_semaphore, #tpu.memory_space<semaphore_mem>>
      %dma_start3A = arith.constant 0 : i32
      %dma_start3A_291 = tpu.memref_slice %arg13[%mul3A_4, %dma_start3A] : memref<512x128xf32, #tpu.memory_space<vmem_shared>> -> memref<32x128xf32, #tpu.memory_space<vmem_shared>>
      %dma_start3A_292 = arith.constant 0 : i32
      %dma_start3A_293 = tpu.memref_slice %arg5[%mul3A_2, %dma_start3A_292] : memref<512x128xf32, #tpu.memory_space<hbm>> -> memref<32x128xf32, #tpu.memory_space<hbm>>
      tpu.enqueue_dma source(%dma_start3A_293 : memref<32x128xf32, #tpu.memory_space<hbm>>) target(%dma_start3A_291 : memref<32x128xf32, #tpu.memory_space<vmem_shared>>) target_semaphore(%run_scoped3A : memref<!tpu.dma_semaphore, #tpu.memory_space<semaphore_mem>>)
      %dma_wait3A = arith.constant 0 : i32
      %dma_wait3A_294 = tpu.memref_slice %arg13[%mul3A_4, %dma_wait3A] : memref<512x128xf32, #tpu.memory_space<vmem_shared>> -> memref<32x128xf32, #tpu.memory_space<vmem_shared>>
      %dma_wait3A_295 = arith.constant 0 : i32
      %dma_wait3A_296 = tpu.memref_slice %arg5[%mul3A_2, %dma_wait3A_295] : memref<512x128xf32, #tpu.memory_space<hbm>> -> memref<32x128xf32, #tpu.memory_space<hbm>>
      tpu.wait_dma2 semaphore(%run_scoped3A : memref<!tpu.dma_semaphore, #tpu.memory_space<semaphore_mem>>) src(%dma_wait3A_296 : memref<32x128xf32, #tpu.memory_space<hbm>>) dst(%dma_wait3A_294 : memref<32x128xf32, #tpu.memory_space<vmem_shared>>)
      tpu.yield
    }) : () -> ()
    %mul3A_5 = arith.constant 32 : i32
    %mul3A_6 = arith.muli %mul3A_5, %arg1 : i32
    %mul3A_7 = arith.constant 32 : i32
    %mul3A_8 = arith.muli %mul3A_7, %arg1 : i32
    "tpu.region"() ({
      %run_scoped3A = tpu.sem_alloc : memref<!tpu.dma_semaphore, #tpu.memory_space<semaphore_mem>>
      %dma_start3A = arith.constant 0 : i32
      %dma_start3A_291 = tpu.memref_slice %arg14[%mul3A_8, %dma_start3A] : memref<512x128xf32, #tpu.memory_space<vmem_shared>> -> memref<32x128xf32, #tpu.memory_space<vmem_shared>>
      %dma_start3A_292 = arith.constant 0 : i32
      %dma_start3A_293 = tpu.memref_slice %arg5[%mul3A_6, %dma_start3A_292] : memref<512x128xf32, #tpu.memory_space<hbm>> -> memref<32x128xf32, #tpu.memory_space<hbm>>
      tpu.enqueue_dma source(%dma_start3A_293 : memref<32x128xf32, #tpu.memory_space<hbm>>) target(%dma_start3A_291 : memref<32x128xf32, #tpu.memory_space<vmem_shared>>) target_semaphore(%run_scoped3A : memref<!tpu.dma_semaphore, #tpu.memory_space<semaphore_mem>>)
      %dma_wait3A = arith.constant 0 : i32
      %dma_wait3A_294 = tpu.memref_slice %arg14[%mul3A_8, %dma_wait3A] : memref<512x128xf32, #tpu.memory_space<vmem_shared>> -> memref<32x128xf32, #tpu.memory_space<vmem_shared>>
      %dma_wait3A_295 = arith.constant 0 : i32
      %dma_wait3A_296 = tpu.memref_slice %arg5[%mul3A_6, %dma_wait3A_295] : memref<512x128xf32, #tpu.memory_space<hbm>> -> memref<32x128xf32, #tpu.memory_space<hbm>>
      tpu.wait_dma2 semaphore(%run_scoped3A : memref<!tpu.dma_semaphore, #tpu.memory_space<semaphore_mem>>) src(%dma_wait3A_296 : memref<32x128xf32, #tpu.memory_space<hbm>>) dst(%dma_wait3A_294 : memref<32x128xf32, #tpu.memory_space<vmem_shared>>)
      tpu.yield
    }) : () -> ()
    %barrier3A = arith.constant 0 : index
    tpu.barrier barrier_id(%barrier3A)
    %add3A_9 = arith.constant 0 : i32
    %add3A_10 = arith.addi %add3A, %add3A_9 : i32
    %lt3A = arith.constant 625 : i32
    %lt3A_11 = arith.cmpi slt, %add3A_10, %lt3A : i32
    %convert_element_type3A = arith.extui %lt3A_11 : i1 to i32
    %cond3A = arith.constant 0 : i32
    %cond3A_12 = arith.cmpi ne, %convert_element_type3A, %cond3A : i32
    scf.if %cond3A_12 {
      %mul3A_291 = arith.constant 160 : i32
      %mul3A_292 = arith.muli %add3A_10, %mul3A_291 : i32
      %dma_start3A = arith.constant 0 : i32
      %dma_start3A_293 = tpu.memref_slice %arg2[%mul3A_292, %dma_start3A] : memref<100000x128xf32, #tpu.memory_space<hbm>> -> memref<160x128xf32, #tpu.memory_space<hbm>>
      %dma_start3A_294 = arith.constant 0 : i32
      %dma_start3A_295 = tpu.memref_slice %arg2[%mul3A_292, %dma_start3A_294] : memref<100000x128xf32, #tpu.memory_space<hbm>> -> memref<160x128xf32, #tpu.memory_space<hbm>>
      tpu.enqueue_dma source(%dma_start3A_295 : memref<160x128xf32, #tpu.memory_space<hbm>>) target(%arg8 : memref<160x128xf32, #tpu.memory_space<vmem>>) target_semaphore(%arg15 : memref<!tpu.dma_semaphore, #tpu.memory_space<semaphore_mem>>)
      %mul3A_296 = arith.constant 2 : i32
      %mul3A_297 = arith.muli %add3A_10, %mul3A_296 : i32
      %dma_start3A_298 = arith.constant 0 : i32
      %dma_start3A_299 = tpu.memref_slice %arg3[%mul3A_297, %dma_start3A_298] : memref<1250x80xi32, #tpu.memory_space<hbm>> -> memref<2x80xi32, #tpu.memory_space<hbm>>
      %dma_start3A_300 = arith.constant 0 : i32
      %dma_start3A_301 = tpu.memref_slice %arg3[%mul3A_297, %dma_start3A_300] : memref<1250x80xi32, #tpu.memory_space<hbm>> -> memref<2x80xi32, #tpu.memory_space<hbm>>
      tpu.enqueue_dma source(%dma_start3A_301 : memref<2x80xi32, #tpu.memory_space<hbm>>) target(%arg10 : memref<2x80xi32, #tpu.memory_space<vmem>>) target_semaphore(%arg15 : memref<!tpu.dma_semaphore, #tpu.memory_space<semaphore_mem>>)
    } else {
    }
    %add3A_13 = arith.constant 32 : i32
    %add3A_14 = arith.addi %add3A, %add3A_13 : i32
    %lt3A_15 = arith.constant 625 : i32
    %lt3A_16 = arith.cmpi slt, %add3A_14, %lt3A_15 : i32
    %convert_element_type3A_17 = arith.extui %lt3A_16 : i1 to i32
    %cond3A_18 = arith.constant 0 : i32
    %cond3A_19 = arith.cmpi ne, %convert_element_type3A_17, %cond3A_18 : i32
    scf.if %cond3A_19 {
      %mul3A_291 = arith.constant 160 : i32
      %mul3A_292 = arith.muli %add3A_14, %mul3A_291 : i32
      %dma_start3A = arith.constant 0 : i32
      %dma_start3A_293 = tpu.memref_slice %arg2[%mul3A_292, %dma_start3A] : memref<100000x128xf32, #tpu.memory_space<hbm>> -> memref<160x128xf32, #tpu.memory_space<hbm>>
      %dma_start3A_294 = arith.constant 0 : i32
      %dma_start3A_295 = tpu.memref_slice %arg2[%mul3A_292, %dma_start3A_294] : memref<100000x128xf32, #tpu.memory_space<hbm>> -> memref<160x128xf32, #tpu.memory_space<hbm>>
      tpu.enqueue_dma source(%dma_start3A_295 : memref<160x128xf32, #tpu.memory_space<hbm>>) target(%arg9 : memref<160x128xf32, #tpu.memory_space<vmem>>) target_semaphore(%arg16 : memref<!tpu.dma_semaphore, #tpu.memory_space<semaphore_mem>>)
      %mul3A_296 = arith.constant 2 : i32
      %mul3A_297 = arith.muli %add3A_14, %mul3A_296 : i32
      %dma_start3A_298 = arith.constant 0 : i32
      %dma_start3A_299 = tpu.memref_slice %arg3[%mul3A_297, %dma_start3A_298] : memref<1250x80xi32, #tpu.memory_space<hbm>> -> memref<2x80xi32, #tpu.memory_space<hbm>>
      %dma_start3A_300 = arith.constant 0 : i32
      %dma_start3A_301 = tpu.memref_slice %arg3[%mul3A_297, %dma_start3A_300] : memref<1250x80xi32, #tpu.memory_space<hbm>> -> memref<2x80xi32, #tpu.memory_space<hbm>>
      tpu.enqueue_dma source(%dma_start3A_301 : memref<2x80xi32, #tpu.memory_space<hbm>>) target(%arg11 : memref<2x80xi32, #tpu.memory_space<vmem>>) target_semaphore(%arg16 : memref<!tpu.dma_semaphore, #tpu.memory_space<semaphore_mem>>)
    } else {
    }
    %add3A_20 = arith.constant 0 : i32
    %add3A_21 = arith.addi %add3A, %add3A_20 : i32
    %lt3A_22 = arith.constant 625 : i32
    %lt3A_23 = arith.cmpi slt, %add3A_21, %lt3A_22 : i32
    %convert_element_type3A_24 = arith.extui %lt3A_23 : i1 to i32
    %cond3A_25 = arith.constant 0 : i32
    %cond3A_26 = arith.cmpi ne, %convert_element_type3A_24, %cond3A_25 : i32
    scf.if %cond3A_26 {
      %mul3A_291 = arith.constant 160 : i32
      %mul3A_292 = arith.muli %add3A_21, %mul3A_291 : i32
      %dma_wait3A = arith.constant 0 : i32
      %dma_wait3A_293 = tpu.memref_slice %arg2[%mul3A_292, %dma_wait3A] : memref<100000x128xf32, #tpu.memory_space<hbm>> -> memref<160x128xf32, #tpu.memory_space<hbm>>
      %dma_wait3A_294 = arith.constant 0 : i32
      %dma_wait3A_295 = tpu.memref_slice %arg2[%mul3A_292, %dma_wait3A_294] : memref<100000x128xf32, #tpu.memory_space<hbm>> -> memref<160x128xf32, #tpu.memory_space<hbm>>
      tpu.wait_dma2 semaphore(%arg15 : memref<!tpu.dma_semaphore, #tpu.memory_space<semaphore_mem>>) src(%dma_wait3A_295 : memref<160x128xf32, #tpu.memory_space<hbm>>) dst(%arg8 : memref<160x128xf32, #tpu.memory_space<vmem>>)
      %mul3A_296 = arith.constant 2 : i32
      %mul3A_297 = arith.muli %add3A_21, %mul3A_296 : i32
      %dma_wait3A_298 = arith.constant 0 : i32
      %dma_wait3A_299 = tpu.memref_slice %arg3[%mul3A_297, %dma_wait3A_298] : memref<1250x80xi32, #tpu.memory_space<hbm>> -> memref<2x80xi32, #tpu.memory_space<hbm>>
      %dma_wait3A_300 = arith.constant 0 : i32
      %dma_wait3A_301 = tpu.memref_slice %arg3[%mul3A_297, %dma_wait3A_300] : memref<1250x80xi32, #tpu.memory_space<hbm>> -> memref<2x80xi32, #tpu.memory_space<hbm>>
      tpu.wait_dma2 semaphore(%arg15 : memref<!tpu.dma_semaphore, #tpu.memory_space<semaphore_mem>>) src(%dma_wait3A_301 : memref<2x80xi32, #tpu.memory_space<hbm>>) dst(%arg10 : memref<2x80xi32, #tpu.memory_space<vmem>>)
      %run_scoped3A = arith.constant 0 : i32
      "tpu.region"() ({
        %run_scoped3A_305 = tpu.sem_alloc : memref<!tpu.dma_semaphore, #tpu.memory_space<semaphore_mem>>
        %dma_start3A = arith.constant 0 : i32
        %dma_start3A_306 = arith.constant 0 : i32
        %dma_start3A_307 = tpu.memref_slice %arg8[%dma_start3A, %dma_start3A_306] : memref<160x128xf32, #tpu.memory_space<vmem>> -> memref<80x128xf32, #tpu.memory_space<vmem>>
        %dma_start3A_308 = arith.constant 0 : i32
        %dma_start3A_309 = tpu.memref_slice %arg10[%run_scoped3A, %dma_start3A_308] : memref<2x80xi32, #tpu.memory_space<vmem>> -> memref<1x80xi32, #tpu.memory_space<vmem>>
        %dma_start3A_310 = tpu.memref_squeeze %dma_start3A_309 : memref<1x80xi32, #tpu.memory_space<vmem>> -> memref<80xi32, #tpu.memory_space<vmem>>
        %dma_start3A_311 = arith.constant 0 : i32
        %dma_start3A_312 = arith.constant 0 : i32
        %dma_start3A_313 = tpu.memref_slice %arg13[%dma_start3A_311, %dma_start3A_312] : memref<512x128xf32, #tpu.memory_space<vmem_shared>> -> memref<512x128xf32, #tpu.memory_space<vmem_shared>>
        tpu.enqueue_indirect_dma source(%dma_start3A_307 : memref<80x128xf32, #tpu.memory_space<vmem>>) target(%dma_start3A_313 : memref<512x128xf32, #tpu.memory_space<vmem_shared>>) offsets(%dma_start3A_310 : memref<80xi32, #tpu.memory_space<vmem>>) semaphore(%run_scoped3A_305 : memref<!tpu.dma_semaphore, #tpu.memory_space<semaphore_mem>>) {add = true}
        %dma_wait3A_314 = arith.constant 0 : i32
        %dma_wait3A_315 = arith.constant 0 : i32
        %dma_wait3A_316 = tpu.memref_slice %arg8[%dma_wait3A_314, %dma_wait3A_315] : memref<160x128xf32, #tpu.memory_space<vmem>> -> memref<80x128xf32, #tpu.memory_space<vmem>>
        %dma_wait3A_317 = arith.constant 0 : i32
        %dma_wait3A_318 = tpu.memref_slice %arg10[%run_scoped3A, %dma_wait3A_317] : memref<2x80xi32, #tpu.memory_space<vmem>> -> memref<1x80xi32, #tpu.memory_space<vmem>>
        %dma_wait3A_319 = tpu.memref_squeeze %dma_wait3A_318 : memref<1x80xi32, #tpu.memory_space<vmem>> -> memref<80xi32, #tpu.memory_space<vmem>>
        %dma_wait3A_320 = arith.constant 0 : i32
        %dma_wait3A_321 = arith.constant 0 : i32
        %dma_wait3A_322 = tpu.memref_slice %arg13[%dma_wait3A_320, %dma_wait3A_321] : memref<512x128xf32, #tpu.memory_space<vmem_shared>> -> memref<512x128xf32, #tpu.memory_space<vmem_shared>>
        tpu.wait_indirect_dma semaphore(%run_scoped3A_305 : memref<!tpu.dma_semaphore, #tpu.memory_space<semaphore_mem>>) src(%dma_wait3A_316 : memref<80x128xf32, #tpu.memory_space<vmem>>) dst(%dma_wait3A_322 : memref<512x128xf32, #tpu.memory_space<vmem_shared>>)
        tpu.yield
      }) : () -> ()
      %run_scoped3A_302 = arith.constant 0 : i32
      "tpu.region"() ({
        %run_scoped3A_305 = tpu.sem_alloc : memref<!tpu.dma_semaphore, #tpu.memory_space<semaphore_mem>>
        %dma_start3A = arith.constant 0 : i32
        %dma_start3A_306 = tpu.memref_slice %arg10[%run_scoped3A_302, %dma_start3A] : memref<2x80xi32, #tpu.memory_space<vmem>> -> memref<1x80xi32, #tpu.memory_space<vmem>>
        %dma_start3A_307 = tpu.memref_squeeze %dma_start3A_306 : memref<1x80xi32, #tpu.memory_space<vmem>> -> memref<80xi32, #tpu.memory_space<vmem>>
        %dma_start3A_308 = arith.constant 0 : i32
        %dma_start3A_309 = arith.constant 0 : i32
        %dma_start3A_310 = tpu.memref_slice %arg14[%dma_start3A_308, %dma_start3A_309] : memref<512x128xf32, #tpu.memory_space<vmem_shared>> -> memref<512x128xf32, #tpu.memory_space<vmem_shared>>
        tpu.enqueue_indirect_dma source(%arg12 : memref<80x128xf32, #tpu.memory_space<vmem>>) target(%dma_start3A_310 : memref<512x128xf32, #tpu.memory_space<vmem_shared>>) offsets(%dma_start3A_307 : memref<80xi32, #tpu.memory_space<vmem>>) semaphore(%run_scoped3A_305 : memref<!tpu.dma_semaphore, #tpu.memory_space<semaphore_mem>>) {add = true}
        %dma_wait3A_311 = arith.constant 0 : i32
        %dma_wait3A_312 = tpu.memref_slice %arg10[%run_scoped3A_302, %dma_wait3A_311] : memref<2x80xi32, #tpu.memory_space<vmem>> -> memref<1x80xi32, #tpu.memory_space<vmem>>
        %dma_wait3A_313 = tpu.memref_squeeze %dma_wait3A_312 : memref<1x80xi32, #tpu.memory_space<vmem>> -> memref<80xi32, #tpu.memory_space<vmem>>
        %dma_wait3A_314 = arith.constant 0 : i32
        %dma_wait3A_315 = arith.constant 0 : i32
        %dma_wait3A_316 = tpu.memref_slice %arg14[%dma_wait3A_314, %dma_wait3A_315] : memref<512x128xf32, #tpu.memory_space<vmem_shared>> -> memref<512x128xf32, #tpu.memory_space<vmem_shared>>
        tpu.wait_indirect_dma semaphore(%run_scoped3A_305 : memref<!tpu.dma_semaphore, #tpu.memory_space<semaphore_mem>>) src(%arg12 : memref<80x128xf32, #tpu.memory_space<vmem>>) dst(%dma_wait3A_316 : memref<512x128xf32, #tpu.memory_space<vmem_shared>>)
        tpu.yield
      }) : () -> ()
      %run_scoped3A_303 = arith.constant 1 : i32
      "tpu.region"() ({
        %run_scoped3A_305 = tpu.sem_alloc : memref<!tpu.dma_semaphore, #tpu.memory_space<semaphore_mem>>
        %dma_start3A = arith.constant 80 : i32
        %dma_start3A_306 = arith.constant 0 : i32
        %dma_start3A_307 = tpu.memref_slice %arg8[%dma_start3A, %dma_start3A_306] : memref<160x128xf32, #tpu.memory_space<vmem>> -> memref<80x128xf32, #tpu.memory_space<vmem>>
        %dma_start3A_308 = arith.constant 0 : i32
        %dma_start3A_309 = tpu.memref_slice %arg10[%run_scoped3A_303, %dma_start3A_308] : memref<2x80xi32, #tpu.memory_space<vmem>> -> memref<1x80xi32, #tpu.memory_space<vmem>>
        %dma_start3A_310 = tpu.memref_squeeze %dma_start3A_309 : memref<1x80xi32, #tpu.memory_space<vmem>> -> memref<80xi32, #tpu.memory_space<vmem>>
        %dma_start3A_311 = arith.constant 0 : i32
        %dma_start3A_312 = arith.constant 0 : i32
        %dma_start3A_313 = tpu.memref_slice %arg13[%dma_start3A_311, %dma_start3A_312] : memref<512x128xf32, #tpu.memory_space<vmem_shared>> -> memref<512x128xf32, #tpu.memory_space<vmem_shared>>
        tpu.enqueue_indirect_dma source(%dma_start3A_307 : memref<80x128xf32, #tpu.memory_space<vmem>>) target(%dma_start3A_313 : memref<512x128xf32, #tpu.memory_space<vmem_shared>>) offsets(%dma_start3A_310 : memref<80xi32, #tpu.memory_space<vmem>>) semaphore(%run_scoped3A_305 : memref<!tpu.dma_semaphore, #tpu.memory_space<semaphore_mem>>) {add = true}
        %dma_wait3A_314 = arith.constant 80 : i32
        %dma_wait3A_315 = arith.constant 0 : i32
        %dma_wait3A_316 = tpu.memref_slice %arg8[%dma_wait3A_314, %dma_wait3A_315] : memref<160x128xf32, #tpu.memory_space<vmem>> -> memref<80x128xf32, #tpu.memory_space<vmem>>
        %dma_wait3A_317 = arith.constant 0 : i32
        %dma_wait3A_318 = tpu.memref_slice %arg10[%run_scoped3A_303, %dma_wait3A_317] : memref<2x80xi32, #tpu.memory_space<vmem>> -> memref<1x80xi32, #tpu.memory_space<vmem>>
        %dma_wait3A_319 = tpu.memref_squeeze %dma_wait3A_318 : memref<1x80xi32, #tpu.memory_space<vmem>> -> memref<80xi32, #tpu.memory_space<vmem>>
        %dma_wait3A_320 = arith.constant 0 : i32
        %dma_wait3A_321 = arith.constant 0 : i32
        %dma_wait3A_322 = tpu.memref_slice %arg13[%dma_wait3A_320, %dma_wait3A_321] : memref<512x128xf32, #tpu.memory_space<vmem_shared>> -> memref<512x128xf32, #tpu.memory_space<vmem_shared>>
        tpu.wait_indirect_dma semaphore(%run_scoped3A_305 : memref<!tpu.dma_semaphore, #tpu.memory_space<semaphore_mem>>) src(%dma_wait3A_316 : memref<80x128xf32, #tpu.memory_space<vmem>>) dst(%dma_wait3A_322 : memref<512x128xf32, #tpu.memory_space<vmem_shared>>)
        tpu.yield
      }) : () -> ()
      %run_scoped3A_304 = arith.constant 1 : i32
      "tpu.region"() ({
        %run_scoped3A_305 = tpu.sem_alloc : memref<!tpu.dma_semaphore, #tpu.memory_space<semaphore_mem>>
        %dma_start3A = arith.constant 0 : i32
        %dma_start3A_306 = tpu.memref_slice %arg10[%run_scoped3A_304, %dma_start3A] : memref<2x80xi32, #tpu.memory_space<vmem>> -> memref<1x80xi32, #tpu.memory_space<vmem>>
        %dma_start3A_307 = tpu.memref_squeeze %dma_start3A_306 : memref<1x80xi32, #tpu.memory_space<vmem>> -> memref<80xi32, #tpu.memory_space<vmem>>
        %dma_start3A_308 = arith.constant 0 : i32
        %dma_start3A_309 = arith.constant 0 : i32
        %dma_start3A_310 = tpu.memref_slice %arg14[%dma_start3A_308, %dma_start3A_309] : memref<512x128xf32, #tpu.memory_space<vmem_shared>> -> memref<512x128xf32, #tpu.memory_space<vmem_shared>>
        tpu.enqueue_indirect_dma source(%arg12 : memref<80x128xf32, #tpu.memory_space<vmem>>) target(%dma_start3A_310 : memref<512x128xf32, #tpu.memory_space<vmem_shared>>) offsets(%dma_start3A_307 : memref<80xi32, #tpu.memory_space<vmem>>) semaphore(%run_scoped3A_305 : memref<!tpu.dma_semaphore, #tpu.memory_space<semaphore_mem>>) {add = true}
        %dma_wait3A_311 = arith.constant 0 : i32
        %dma_wait3A_312 = tpu.memref_slice %arg10[%run_scoped3A_304, %dma_wait3A_311] : memref<2x80xi32, #tpu.memory_space<vmem>> -> memref<1x80xi32, #tpu.memory_space<vmem>>
        %dma_wait3A_313 = tpu.memref_squeeze %dma_wait3A_312 : memref<1x80xi32, #tpu.memory_space<vmem>> -> memref<80xi32, #tpu.memory_space<vmem>>
        %dma_wait3A_314 = arith.constant 0 : i32
        %dma_wait3A_315 = arith.constant 0 : i32
        %dma_wait3A_316 = tpu.memref_slice %arg14[%dma_wait3A_314, %dma_wait3A_315] : memref<512x128xf32, #tpu.memory_space<vmem_shared>> -> memref<512x128xf32, #tpu.memory_space<vmem_shared>>
        tpu.wait_indirect_dma semaphore(%run_scoped3A_305 : memref<!tpu.dma_semaphore, #tpu.memory_space<semaphore_mem>>) src(%arg12 : memref<80x128xf32, #tpu.memory_space<vmem>>) dst(%dma_wait3A_316 : memref<512x128xf32, #tpu.memory_space<vmem_shared>>)
        tpu.yield
      }) : () -> ()
    } else {
    }
    %add3A_27 = arith.constant 64 : i32
    %add3A_28 = arith.addi %add3A, %add3A_27 : i32
    %lt3A_29 = arith.constant 625 : i32
    %lt3A_30 = arith.cmpi slt, %add3A_28, %lt3A_29 : i32
    %convert_element_type3A_31 = arith.extui %lt3A_30 : i1 to i32
    %cond3A_32 = arith.constant 0 : i32
    %cond3A_33 = arith.cmpi ne, %convert_element_type3A_31, %cond3A_32 : i32
    scf.if %cond3A_33 {
      %mul3A_291 = arith.constant 160 : i32
      %mul3A_292 = arith.muli %add3A_28, %mul3A_291 : i32
      %dma_start3A = arith.constant 0 : i32
      %dma_start3A_293 = tpu.memref_slice %arg2[%mul3A_292, %dma_start3A] : memref<100000x128xf32, #tpu.memory_space<hbm>> -> memref<160x128xf32, #tpu.memory_space<hbm>>
      %dma_start3A_294 = arith.constant 0 : i32
      %dma_start3A_295 = tpu.memref_slice %arg2[%mul3A_292, %dma_start3A_294] : memref<100000x128xf32, #tpu.memory_space<hbm>> -> memref<160x128xf32, #tpu.memory_space<hbm>>
      tpu.enqueue_dma source(%dma_start3A_295 : memref<160x128xf32, #tpu.memory_space<hbm>>) target(%arg8 : memref<160x128xf32, #tpu.memory_space<vmem>>) target_semaphore(%arg15 : memref<!tpu.dma_semaphore, #tpu.memory_space<semaphore_mem>>)
      %mul3A_296 = arith.constant 2 : i32
      %mul3A_297 = arith.muli %add3A_28, %mul3A_296 : i32
      %dma_start3A_298 = arith.constant 0 : i32
      %dma_start3A_299 = tpu.memref_slice %arg3[%mul3A_297, %dma_start3A_298] : memref<1250x80xi32, #tpu.memory_space<hbm>> -> memref<2x80xi32, #tpu.memory_space<hbm>>
      %dma_start3A_300 = arith.constant 0 : i32
      %dma_start3A_301 = tpu.memref_slice %arg3[%mul3A_297, %dma_start3A_300] : memref<1250x80xi32, #tpu.memory_space<hbm>> -> memref<2x80xi32, #tpu.memory_space<hbm>>
      tpu.enqueue_dma source(%dma_start3A_301 : memref<2x80xi32, #tpu.memory_space<hbm>>) target(%arg10 : memref<2x80xi32, #tpu.memory_space<vmem>>) target_semaphore(%arg15 : memref<!tpu.dma_semaphore, #tpu.memory_space<semaphore_mem>>)
    } else {
    }
    %add3A_34 = arith.constant 32 : i32
    %add3A_35 = arith.addi %add3A, %add3A_34 : i32
    %lt3A_36 = arith.constant 625 : i32
    %lt3A_37 = arith.cmpi slt, %add3A_35, %lt3A_36 : i32
    %convert_element_type3A_38 = arith.extui %lt3A_37 : i1 to i32
    %cond3A_39 = arith.constant 0 : i32
    %cond3A_40 = arith.cmpi ne, %convert_element_type3A_38, %cond3A_39 : i32
    scf.if %cond3A_40 {
      %mul3A_291 = arith.constant 160 : i32
      %mul3A_292 = arith.muli %add3A_35, %mul3A_291 : i32
      %dma_wait3A = arith.constant 0 : i32
      %dma_wait3A_293 = tpu.memref_slice %arg2[%mul3A_292, %dma_wait3A] : memref<100000x128xf32, #tpu.memory_space<hbm>> -> memref<160x128xf32, #tpu.memory_space<hbm>>
      %dma_wait3A_294 = arith.constant 0 : i32
      %dma_wait3A_295 = tpu.memref_slice %arg2[%mul3A_292, %dma_wait3A_294] : memref<100000x128xf32, #tpu.memory_space<hbm>> -> memref<160x128xf32, #tpu.memory_space<hbm>>
      tpu.wait_dma2 semaphore(%arg16 : memref<!tpu.dma_semaphore, #tpu.memory_space<semaphore_mem>>) src(%dma_wait3A_295 : memref<160x128xf32, #tpu.memory_space<hbm>>) dst(%arg9 : memref<160x128xf32, #tpu.memory_space<vmem>>)
      %mul3A_296 = arith.constant 2 : i32
      %mul3A_297 = arith.muli %add3A_35, %mul3A_296 : i32
      %dma_wait3A_298 = arith.constant 0 : i32
      %dma_wait3A_299 = tpu.memref_slice %arg3[%mul3A_297, %dma_wait3A_298] : memref<1250x80xi32, #tpu.memory_space<hbm>> -> memref<2x80xi32, #tpu.memory_space<hbm>>
      %dma_wait3A_300 = arith.constant 0 : i32
      %dma_wait3A_301 = tpu.memref_slice %arg3[%mul3A_297, %dma_wait3A_300] : memref<1250x80xi32, #tpu.memory_space<hbm>> -> memref<2x80xi32, #tpu.memory_space<hbm>>
      tpu.wait_dma2 semaphore(%arg16 : memref<!tpu.dma_semaphore, #tpu.memory_space<semaphore_mem>>) src(%dma_wait3A_301 : memref<2x80xi32, #tpu.memory_space<hbm>>) dst(%arg11 : memref<2x80xi32, #tpu.memory_space<vmem>>)
      %run_scoped3A = arith.constant 0 : i32
      "tpu.region"() ({
        %run_scoped3A_305 = tpu.sem_alloc : memref<!tpu.dma_semaphore, #tpu.memory_space<semaphore_mem>>
        %dma_start3A = arith.constant 0 : i32
        %dma_start3A_306 = arith.constant 0 : i32
        %dma_start3A_307 = tpu.memref_slice %arg9[%dma_start3A, %dma_start3A_306] : memref<160x128xf32, #tpu.memory_space<vmem>> -> memref<80x128xf32, #tpu.memory_space<vmem>>
        %dma_start3A_308 = arith.constant 0 : i32
        %dma_start3A_309 = tpu.memref_slice %arg11[%run_scoped3A, %dma_start3A_308] : memref<2x80xi32, #tpu.memory_space<vmem>> -> memref<1x80xi32, #tpu.memory_space<vmem>>
        %dma_start3A_310 = tpu.memref_squeeze %dma_start3A_309 : memref<1x80xi32, #tpu.memory_space<vmem>> -> memref<80xi32, #tpu.memory_space<vmem>>
        %dma_start3A_311 = arith.constant 0 : i32
        %dma_start3A_312 = arith.constant 0 : i32
        %dma_start3A_313 = tpu.memref_slice %arg13[%dma_start3A_311, %dma_start3A_312] : memref<512x128xf32, #tpu.memory_space<vmem_shared>> -> memref<512x128xf32, #tpu.memory_space<vmem_shared>>
        tpu.enqueue_indirect_dma source(%dma_start3A_307 : memref<80x128xf32, #tpu.memory_space<vmem>>) target(%dma_start3A_313 : memref<512x128xf32, #tpu.memory_space<vmem_shared>>) offsets(%dma_start3A_310 : memref<80xi32, #tpu.memory_space<vmem>>) semaphore(%run_scoped3A_305 : memref<!tpu.dma_semaphore, #tpu.memory_space<semaphore_mem>>) {add = true}
        %dma_wait3A_314 = arith.constant 0 : i32
        %dma_wait3A_315 = arith.constant 0 : i32
        %dma_wait3A_316 = tpu.memref_slice %arg9[%dma_wait3A_314, %dma_wait3A_315] : memref<160x128xf32, #tpu.memory_space<vmem>> -> memref<80x128xf32, #tpu.memory_space<vmem>>
        %dma_wait3A_317 = arith.constant 0 : i32
        %dma_wait3A_318 = tpu.memref_slice %arg11[%run_scoped3A, %dma_wait3A_317] : memref<2x80xi32, #tpu.memory_space<vmem>> -> memref<1x80xi32, #tpu.memory_space<vmem>>
        %dma_wait3A_319 = tpu.memref_squeeze %dma_wait3A_318 : memref<1x80xi32, #tpu.memory_space<vmem>> -> memref<80xi32, #tpu.memory_space<vmem>>
        %dma_wait3A_320 = arith.constant 0 : i32
        %dma_wait3A_321 = arith.constant 0 : i32
        %dma_wait3A_322 = tpu.memref_slice %arg13[%dma_wait3A_320, %dma_wait3A_321] : memref<512x128xf32, #tpu.memory_space<vmem_shared>> -> memref<512x128xf32, #tpu.memory_space<vmem_shared>>
        tpu.wait_indirect_dma semaphore(%run_scoped3A_305 : memref<!tpu.dma_semaphore, #tpu.memory_space<semaphore_mem>>) src(%dma_wait3A_316 : memref<80x128xf32, #tpu.memory_space<vmem>>) dst(%dma_wait3A_322 : memref<512x128xf32, #tpu.memory_space<vmem_shared>>)
        tpu.yield
      }) : () -> ()
      %run_scoped3A_302 = arith.constant 0 : i32
      "tpu.region"() ({
        %run_scoped3A_305 = tpu.sem_alloc : memref<!tpu.dma_semaphore, #tpu.memory_space<semaphore_mem>>
        %dma_start3A = arith.constant 0 : i32
        %dma_start3A_306 = tpu.memref_slice %arg11[%run_scoped3A_302, %dma_start3A] : memref<2x80xi32, #tpu.memory_space<vmem>> -> memref<1x80xi32, #tpu.memory_space<vmem>>
        %dma_start3A_307 = tpu.memref_squeeze %dma_start3A_306 : memref<1x80xi32, #tpu.memory_space<vmem>> -> memref<80xi32, #tpu.memory_space<vmem>>
        %dma_start3A_308 = arith.constant 0 : i32
        %dma_start3A_309 = arith.constant 0 : i32
        %dma_start3A_310 = tpu.memref_slice %arg14[%dma_start3A_308, %dma_start3A_309] : memref<512x128xf32, #tpu.memory_space<vmem_shared>> -> memref<512x128xf32, #tpu.memory_space<vmem_shared>>
        tpu.enqueue_indirect_dma source(%arg12 : memref<80x128xf32, #tpu.memory_space<vmem>>) target(%dma_start3A_310 : memref<512x128xf32, #tpu.memory_space<vmem_shared>>) offsets(%dma_start3A_307 : memref<80xi32, #tpu.memory_space<vmem>>) semaphore(%run_scoped3A_305 : memref<!tpu.dma_semaphore, #tpu.memory_space<semaphore_mem>>) {add = true}
        %dma_wait3A_311 = arith.constant 0 : i32
        %dma_wait3A_312 = tpu.memref_slice %arg11[%run_scoped3A_302, %dma_wait3A_311] : memref<2x80xi32, #tpu.memory_space<vmem>> -> memref<1x80xi32, #tpu.memory_space<vmem>>
        %dma_wait3A_313 = tpu.memref_squeeze %dma_wait3A_312 : memref<1x80xi32, #tpu.memory_space<vmem>> -> memref<80xi32, #tpu.memory_space<vmem>>
        %dma_wait3A_314 = arith.constant 0 : i32
        %dma_wait3A_315 = arith.constant 0 : i32
        %dma_wait3A_316 = tpu.memref_slice %arg14[%dma_wait3A_314, %dma_wait3A_315] : memref<512x128xf32, #tpu.memory_space<vmem_shared>> -> memref<512x128xf32, #tpu.memory_space<vmem_shared>>
        tpu.wait_indirect_dma semaphore(%run_scoped3A_305 : memref<!tpu.dma_semaphore, #tpu.memory_space<semaphore_mem>>) src(%arg12 : memref<80x128xf32, #tpu.memory_space<vmem>>) dst(%dma_wait3A_316 : memref<512x128xf32, #tpu.memory_space<vmem_shared>>)
        tpu.yield
      }) : () -> ()
      %run_scoped3A_303 = arith.constant 1 : i32
      "tpu.region"() ({
        %run_scoped3A_305 = tpu.sem_alloc : memref<!tpu.dma_semaphore, #tpu.memory_space<semaphore_mem>>
        %dma_start3A = arith.constant 80 : i32
        %dma_start3A_306 = arith.constant 0 : i32
        %dma_start3A_307 = tpu.memref_slice %arg9[%dma_start3A, %dma_start3A_306] : memref<160x128xf32, #tpu.memory_space<vmem>> -> memref<80x128xf32, #tpu.memory_space<vmem>>
        %dma_start3A_308 = arith.constant 0 : i32
        %dma_start3A_309 = tpu.memref_slice %arg11[%run_scoped3A_303, %dma_start3A_308] : memref<2x80xi32, #tpu.memory_space<vmem>> -> memref<1x80xi32, #tpu.memory_space<vmem>>
        %dma_start3A_310 = tpu.memref_squeeze %dma_start3A_309 : memref<1x80xi32, #tpu.memory_space<vmem>> -> memref<80xi32, #tpu.memory_space<vmem>>
        %dma_start3A_311 = arith.constant 0 : i32
        %dma_start3A_312 = arith.constant 0 : i32
        %dma_start3A_313 = tpu.memref_slice %arg13[%dma_start3A_311, %dma_start3A_312] : memref<512x128xf32, #tpu.memory_space<vmem_shared>> -> memref<512x128xf32, #tpu.memory_space<vmem_shared>>
        tpu.enqueue_indirect_dma source(%dma_start3A_307 : memref<80x128xf32, #tpu.memory_space<vmem>>) target(%dma_start3A_313 : memref<512x128xf32, #tpu.memory_space<vmem_shared>>) offsets(%dma_start3A_310 : memref<80xi32, #tpu.memory_space<vmem>>) semaphore(%run_scoped3A_305 : memref<!tpu.dma_semaphore, #tpu.memory_space<semaphore_mem>>) {add = true}
        %dma_wait3A_314 = arith.constant 80 : i32
        %dma_wait3A_315 = arith.constant 0 : i32
        %dma_wait3A_316 = tpu.memref_slice %arg9[%dma_wait3A_314, %dma_wait3A_315] : memref<160x128xf32, #tpu.memory_space<vmem>> -> memref<80x128xf32, #tpu.memory_space<vmem>>
        %dma_wait3A_317 = arith.constant 0 : i32
        %dma_wait3A_318 = tpu.memref_slice %arg11[%run_scoped3A_303, %dma_wait3A_317] : memref<2x80xi32, #tpu.memory_space<vmem>> -> memref<1x80xi32, #tpu.memory_space<vmem>>
        %dma_wait3A_319 = tpu.memref_squeeze %dma_wait3A_318 : memref<1x80xi32, #tpu.memory_space<vmem>> -> memref<80xi32, #tpu.memory_space<vmem>>
        %dma_wait3A_320 = arith.constant 0 : i32
        %dma_wait3A_321 = arith.constant 0 : i32
        %dma_wait3A_322 = tpu.memref_slice %arg13[%dma_wait3A_320, %dma_wait3A_321] : memref<512x128xf32, #tpu.memory_space<vmem_shared>> -> memref<512x128xf32, #tpu.memory_space<vmem_shared>>
        tpu.wait_indirect_dma semaphore(%run_scoped3A_305 : memref<!tpu.dma_semaphore, #tpu.memory_space<semaphore_mem>>) src(%dma_wait3A_316 : memref<80x128xf32, #tpu.memory_space<vmem>>) dst(%dma_wait3A_322 : memref<512x128xf32, #tpu.memory_space<vmem_shared>>)
        tpu.yield
      }) : () -> ()
      %run_scoped3A_304 = arith.constant 1 : i32
      "tpu.region"() ({
        %run_scoped3A_305 = tpu.sem_alloc : memref<!tpu.dma_semaphore, #tpu.memory_space<semaphore_mem>>
        %dma_start3A = arith.constant 0 : i32
        %dma_start3A_306 = tpu.memref_slice %arg11[%run_scoped3A_304, %dma_start3A] : memref<2x80xi32, #tpu.memory_space<vmem>> -> memref<1x80xi32, #tpu.memory_space<vmem>>
        %dma_start3A_307 = tpu.memref_squeeze %dma_start3A_306 : memref<1x80xi32, #tpu.memory_space<vmem>> -> memref<80xi32, #tpu.memory_space<vmem>>
        %dma_start3A_308 = arith.constant 0 : i32
        %dma_start3A_309 = arith.constant 0 : i32
        %dma_start3A_310 = tpu.memref_slice %arg14[%dma_start3A_308, %dma_start3A_309] : memref<512x128xf32, #tpu.memory_space<vmem_shared>> -> memref<512x128xf32, #tpu.memory_space<vmem_shared>>
        tpu.enqueue_indirect_dma source(%arg12 : memref<80x128xf32, #tpu.memory_space<vmem>>) target(%dma_start3A_310 : memref<512x128xf32, #tpu.memory_space<vmem_shared>>) offsets(%dma_start3A_307 : memref<80xi32, #tpu.memory_space<vmem>>) semaphore(%run_scoped3A_305 : memref<!tpu.dma_semaphore, #tpu.memory_space<semaphore_mem>>) {add = true}
        %dma_wait3A_311 = arith.constant 0 : i32
        %dma_wait3A_312 = tpu.memref_slice %arg11[%run_scoped3A_304, %dma_wait3A_311] : memref<2x80xi32, #tpu.memory_space<vmem>> -> memref<1x80xi32, #tpu.memory_space<vmem>>
        %dma_wait3A_313 = tpu.memref_squeeze %dma_wait3A_312 : memref<1x80xi32, #tpu.memory_space<vmem>> -> memref<80xi32, #tpu.memory_space<vmem>>
        %dma_wait3A_314 = arith.constant 0 : i32
        %dma_wait3A_315 = arith.constant 0 : i32
        %dma_wait3A_316 = tpu.memref_slice %arg14[%dma_wait3A_314, %dma_wait3A_315] : memref<512x128xf32, #tpu.memory_space<vmem_shared>> -> memref<512x128xf32, #tpu.memory_space<vmem_shared>>
        tpu.wait_indirect_dma semaphore(%run_scoped3A_305 : memref<!tpu.dma_semaphore, #tpu.memory_space<semaphore_mem>>) src(%arg12 : memref<80x128xf32, #tpu.memory_space<vmem>>) dst(%dma_wait3A_316 : memref<512x128xf32, #tpu.memory_space<vmem_shared>>)
        tpu.yield
      }) : () -> ()
    } else {
    }
    %add3A_41 = arith.constant 96 : i32
    %add3A_42 = arith.addi %add3A, %add3A_41 : i32
    %lt3A_43 = arith.constant 625 : i32
    %lt3A_44 = arith.cmpi slt, %add3A_42, %lt3A_43 : i32
    %convert_element_type3A_45 = arith.extui %lt3A_44 : i1 to i32
    %cond3A_46 = arith.constant 0 : i32
    %cond3A_47 = arith.cmpi ne, %convert_element_type3A_45, %cond3A_46 : i32
    scf.if %cond3A_47 {
      %mul3A_291 = arith.constant 160 : i32
      %mul3A_292 = arith.muli %add3A_42, %mul3A_291 : i32
      %dma_start3A = arith.constant 0 : i32
      %dma_start3A_293 = tpu.memref_slice %arg2[%mul3A_292, %dma_start3A] : memref<100000x128xf32, #tpu.memory_space<hbm>> -> memref<160x128xf32, #tpu.memory_space<hbm>>
      %dma_start3A_294 = arith.constant 0 : i32
      %dma_start3A_295 = tpu.memref_slice %arg2[%mul3A_292, %dma_start3A_294] : memref<100000x128xf32, #tpu.memory_space<hbm>> -> memref<160x128xf32, #tpu.memory_space<hbm>>
      tpu.enqueue_dma source(%dma_start3A_295 : memref<160x128xf32, #tpu.memory_space<hbm>>) target(%arg9 : memref<160x128xf32, #tpu.memory_space<vmem>>) target_semaphore(%arg16 : memref<!tpu.dma_semaphore, #tpu.memory_space<semaphore_mem>>)
      %mul3A_296 = arith.constant 2 : i32
      %mul3A_297 = arith.muli %add3A_42, %mul3A_296 : i32
      %dma_start3A_298 = arith.constant 0 : i32
      %dma_start3A_299 = tpu.memref_slice %arg3[%mul3A_297, %dma_start3A_298] : memref<1250x80xi32, #tpu.memory_space<hbm>> -> memref<2x80xi32, #tpu.memory_space<hbm>>
      %dma_start3A_300 = arith.constant 0 : i32
      %dma_start3A_301 = tpu.memref_slice %arg3[%mul3A_297, %dma_start3A_300] : memref<1250x80xi32, #tpu.memory_space<hbm>> -> memref<2x80xi32, #tpu.memory_space<hbm>>
      tpu.enqueue_dma source(%dma_start3A_301 : memref<2x80xi32, #tpu.memory_space<hbm>>) target(%arg11 : memref<2x80xi32, #tpu.memory_space<vmem>>) target_semaphore(%arg16 : memref<!tpu.dma_semaphore, #tpu.memory_space<semaphore_mem>>)
    } else {
    }
    %add3A_48 = arith.constant 64 : i32
    %add3A_49 = arith.addi %add3A, %add3A_48 : i32
    %lt3A_50 = arith.constant 625 : i32
    %lt3A_51 = arith.cmpi slt, %add3A_49, %lt3A_50 : i32
    %convert_element_type3A_52 = arith.extui %lt3A_51 : i1 to i32
    %cond3A_53 = arith.constant 0 : i32
    %cond3A_54 = arith.cmpi ne, %convert_element_type3A_52, %cond3A_53 : i32
    scf.if %cond3A_54 {
      %mul3A_291 = arith.constant 160 : i32
      %mul3A_292 = arith.muli %add3A_49, %mul3A_291 : i32
      %dma_wait3A = arith.constant 0 : i32
      %dma_wait3A_293 = tpu.memref_slice %arg2[%mul3A_292, %dma_wait3A] : memref<100000x128xf32, #tpu.memory_space<hbm>> -> memref<160x128xf32, #tpu.memory_space<hbm>>
      %dma_wait3A_294 = arith.constant 0 : i32
      %dma_wait3A_295 = tpu.memref_slice %arg2[%mul3A_292, %dma_wait3A_294] : memref<100000x128xf32, #tpu.memory_space<hbm>> -> memref<160x128xf32, #tpu.memory_space<hbm>>
      tpu.wait_dma2 semaphore(%arg15 : memref<!tpu.dma_semaphore, #tpu.memory_space<semaphore_mem>>) src(%dma_wait3A_295 : memref<160x128xf32, #tpu.memory_space<hbm>>) dst(%arg8 : memref<160x128xf32, #tpu.memory_space<vmem>>)
      %mul3A_296 = arith.constant 2 : i32
      %mul3A_297 = arith.muli %add3A_49, %mul3A_296 : i32
      %dma_wait3A_298 = arith.constant 0 : i32
      %dma_wait3A_299 = tpu.memref_slice %arg3[%mul3A_297, %dma_wait3A_298] : memref<1250x80xi32, #tpu.memory_space<hbm>> -> memref<2x80xi32, #tpu.memory_space<hbm>>
      %dma_wait3A_300 = arith.constant 0 : i32
      %dma_wait3A_301 = tpu.memref_slice %arg3[%mul3A_297, %dma_wait3A_300] : memref<1250x80xi32, #tpu.memory_space<hbm>> -> memref<2x80xi32, #tpu.memory_space<hbm>>
      tpu.wait_dma2 semaphore(%arg15 : memref<!tpu.dma_semaphore, #tpu.memory_space<semaphore_mem>>) src(%dma_wait3A_301 : memref<2x80xi32, #tpu.memory_space<hbm>>) dst(%arg10 : memref<2x80xi32, #tpu.memory_space<vmem>>)
      %run_scoped3A = arith.constant 0 : i32
      "tpu.region"() ({
        %run_scoped3A_305 = tpu.sem_alloc : memref<!tpu.dma_semaphore, #tpu.memory_space<semaphore_mem>>
        %dma_start3A = arith.constant 0 : i32
        %dma_start3A_306 = arith.constant 0 : i32
        %dma_start3A_307 = tpu.memref_slice %arg8[%dma_start3A, %dma_start3A_306] : memref<160x128xf32, #tpu.memory_space<vmem>> -> memref<80x128xf32, #tpu.memory_space<vmem>>
        %dma_start3A_308 = arith.constant 0 : i32
        %dma_start3A_309 = tpu.memref_slice %arg10[%run_scoped3A, %dma_start3A_308] : memref<2x80xi32, #tpu.memory_space<vmem>> -> memref<1x80xi32, #tpu.memory_space<vmem>>
        %dma_start3A_310 = tpu.memref_squeeze %dma_start3A_309 : memref<1x80xi32, #tpu.memory_space<vmem>> -> memref<80xi32, #tpu.memory_space<vmem>>
        %dma_start3A_311 = arith.constant 0 : i32
        %dma_start3A_312 = arith.constant 0 : i32
        %dma_start3A_313 = tpu.memref_slice %arg13[%dma_start3A_311, %dma_start3A_312] : memref<512x128xf32, #tpu.memory_space<vmem_shared>> -> memref<512x128xf32, #tpu.memory_space<vmem_shared>>
        tpu.enqueue_indirect_dma source(%dma_start3A_307 : memref<80x128xf32, #tpu.memory_space<vmem>>) target(%dma_start3A_313 : memref<512x128xf32, #tpu.memory_space<vmem_shared>>) offsets(%dma_start3A_310 : memref<80xi32, #tpu.memory_space<vmem>>) semaphore(%run_scoped3A_305 : memref<!tpu.dma_semaphore, #tpu.memory_space<semaphore_mem>>) {add = true}
        %dma_wait3A_314 = arith.constant 0 : i32
        %dma_wait3A_315 = arith.constant 0 : i32
        %dma_wait3A_316 = tpu.memref_slice %arg8[%dma_wait3A_314, %dma_wait3A_315] : memref<160x128xf32, #tpu.memory_space<vmem>> -> memref<80x128xf32, #tpu.memory_space<vmem>>
        %dma_wait3A_317 = arith.constant 0 : i32
        %dma_wait3A_318 = tpu.memref_slice %arg10[%run_scoped3A, %dma_wait3A_317] : memref<2x80xi32, #tpu.memory_space<vmem>> -> memref<1x80xi32, #tpu.memory_space<vmem>>
        %dma_wait3A_319 = tpu.memref_squeeze %dma_wait3A_318 : memref<1x80xi32, #tpu.memory_space<vmem>> -> memref<80xi32, #tpu.memory_space<vmem>>
        %dma_wait3A_320 = arith.constant 0 : i32
        %dma_wait3A_321 = arith.constant 0 : i32
        %dma_wait3A_322 = tpu.memref_slice %arg13[%dma_wait3A_320, %dma_wait3A_321] : memref<512x128xf32, #tpu.memory_space<vmem_shared>> -> memref<512x128xf32, #tpu.memory_space<vmem_shared>>
        tpu.wait_indirect_dma semaphore(%run_scoped3A_305 : memref<!tpu.dma_semaphore, #tpu.memory_space<semaphore_mem>>) src(%dma_wait3A_316 : memref<80x128xf32, #tpu.memory_space<vmem>>) dst(%dma_wait3A_322 : memref<512x128xf32, #tpu.memory_space<vmem_shared>>)
        tpu.yield
      }) : () -> ()
      %run_scoped3A_302 = arith.constant 0 : i32
      "tpu.region"() ({
        %run_scoped3A_305 = tpu.sem_alloc : memref<!tpu.dma_semaphore, #tpu.memory_space<semaphore_mem>>
        %dma_start3A = arith.constant 0 : i32
        %dma_start3A_306 = tpu.memref_slice %arg10[%run_scoped3A_302, %dma_start3A] : memref<2x80xi32, #tpu.memory_space<vmem>> -> memref<1x80xi32, #tpu.memory_space<vmem>>
        %dma_start3A_307 = tpu.memref_squeeze %dma_start3A_306 : memref<1x80xi32, #tpu.memory_space<vmem>> -> memref<80xi32, #tpu.memory_space<vmem>>
        %dma_start3A_308 = arith.constant 0 : i32
        %dma_start3A_309 = arith.constant 0 : i32
        %dma_start3A_310 = tpu.memref_slice %arg14[%dma_start3A_308, %dma_start3A_309] : memref<512x128xf32, #tpu.memory_space<vmem_shared>> -> memref<512x128xf32, #tpu.memory_space<vmem_shared>>
        tpu.enqueue_indirect_dma source(%arg12 : memref<80x128xf32, #tpu.memory_space<vmem>>) target(%dma_start3A_310 : memref<512x128xf32, #tpu.memory_space<vmem_shared>>) offsets(%dma_start3A_307 : memref<80xi32, #tpu.memory_space<vmem>>) semaphore(%run_scoped3A_305 : memref<!tpu.dma_semaphore, #tpu.memory_space<semaphore_mem>>) {add = true}
        %dma_wait3A_311 = arith.constant 0 : i32
        %dma_wait3A_312 = tpu.memref_slice %arg10[%run_scoped3A_302, %dma_wait3A_311] : memref<2x80xi32, #tpu.memory_space<vmem>> -> memref<1x80xi32, #tpu.memory_space<vmem>>
        %dma_wait3A_313 = tpu.memref_squeeze %dma_wait3A_312 : memref<1x80xi32, #tpu.memory_space<vmem>> -> memref<80xi32, #tpu.memory_space<vmem>>
        %dma_wait3A_314 = arith.constant 0 : i32
        %dma_wait3A_315 = arith.constant 0 : i32
        %dma_wait3A_316 = tpu.memref_slice %arg14[%dma_wait3A_314, %dma_wait3A_315] : memref<512x128xf32, #tpu.memory_space<vmem_shared>> -> memref<512x128xf32, #tpu.memory_space<vmem_shared>>
        tpu.wait_indirect_dma semaphore(%run_scoped3A_305 : memref<!tpu.dma_semaphore, #tpu.memory_space<semaphore_mem>>) src(%arg12 : memref<80x128xf32, #tpu.memory_space<vmem>>) dst(%dma_wait3A_316 : memref<512x128xf32, #tpu.memory_space<vmem_shared>>)
        tpu.yield
      }) : () -> ()
      %run_scoped3A_303 = arith.constant 1 : i32
      "tpu.region"() ({
        %run_scoped3A_305 = tpu.sem_alloc : memref<!tpu.dma_semaphore, #tpu.memory_space<semaphore_mem>>
        %dma_start3A = arith.constant 80 : i32
        %dma_start3A_306 = arith.constant 0 : i32
        %dma_start3A_307 = tpu.memref_slice %arg8[%dma_start3A, %dma_start3A_306] : memref<160x128xf32, #tpu.memory_space<vmem>> -> memref<80x128xf32, #tpu.memory_space<vmem>>
        %dma_start3A_308 = arith.constant 0 : i32
        %dma_start3A_309 = tpu.memref_slice %arg10[%run_scoped3A_303, %dma_start3A_308] : memref<2x80xi32, #tpu.memory_space<vmem>> -> memref<1x80xi32, #tpu.memory_space<vmem>>
        %dma_start3A_310 = tpu.memref_squeeze %dma_start3A_309 : memref<1x80xi32, #tpu.memory_space<vmem>> -> memref<80xi32, #tpu.memory_space<vmem>>
        %dma_start3A_311 = arith.constant 0 : i32
        %dma_start3A_312 = arith.constant 0 : i32
        %dma_start3A_313 = tpu.memref_slice %arg13[%dma_start3A_311, %dma_start3A_312] : memref<512x128xf32, #tpu.memory_space<vmem_shared>> -> memref<512x128xf32, #tpu.memory_space<vmem_shared>>
        tpu.enqueue_indirect_dma source(%dma_start3A_307 : memref<80x128xf32, #tpu.memory_space<vmem>>) target(%dma_start3A_313 : memref<512x128xf32, #tpu.memory_space<vmem_shared>>) offsets(%dma_start3A_310 : memref<80xi32, #tpu.memory_space<vmem>>) semaphore(%run_scoped3A_305 : memref<!tpu.dma_semaphore, #tpu.memory_space<semaphore_mem>>) {add = true}
        %dma_wait3A_314 = arith.constant 80 : i32
        %dma_wait3A_315 = arith.constant 0 : i32
        %dma_wait3A_316 = tpu.memref_slice %arg8[%dma_wait3A_314, %dma_wait3A_315] : memref<160x128xf32, #tpu.memory_space<vmem>> -> memref<80x128xf32, #tpu.memory_space<vmem>>
        %dma_wait3A_317 = arith.constant 0 : i32
        %dma_wait3A_318 = tpu.memref_slice %arg10[%run_scoped3A_303, %dma_wait3A_317] : memref<2x80xi32, #tpu.memory_space<vmem>> -> memref<1x80xi32, #tpu.memory_space<vmem>>
        %dma_wait3A_319 = tpu.memref_squeeze %dma_wait3A_318 : memref<1x80xi32, #tpu.memory_space<vmem>> -> memref<80xi32, #tpu.memory_space<vmem>>
        %dma_wait3A_320 = arith.constant 0 : i32
        %dma_wait3A_321 = arith.constant 0 : i32
        %dma_wait3A_322 = tpu.memref_slice %arg13[%dma_wait3A_320, %dma_wait3A_321] : memref<512x128xf32, #tpu.memory_space<vmem_shared>> -> memref<512x128xf32, #tpu.memory_space<vmem_shared>>
        tpu.wait_indirect_dma semaphore(%run_scoped3A_305 : memref<!tpu.dma_semaphore, #tpu.memory_space<semaphore_mem>>) src(%dma_wait3A_316 : memref<80x128xf32, #tpu.memory_space<vmem>>) dst(%dma_wait3A_322 : memref<512x128xf32, #tpu.memory_space<vmem_shared>>)
        tpu.yield
      }) : () -> ()
      %run_scoped3A_304 = arith.constant 1 : i32
      "tpu.region"() ({
        %run_scoped3A_305 = tpu.sem_alloc : memref<!tpu.dma_semaphore, #tpu.memory_space<semaphore_mem>>
        %dma_start3A = arith.constant 0 : i32
        %dma_start3A_306 = tpu.memref_slice %arg10[%run_scoped3A_304, %dma_start3A] : memref<2x80xi32, #tpu.memory_space<vmem>> -> memref<1x80xi32, #tpu.memory_space<vmem>>
        %dma_start3A_307 = tpu.memref_squeeze %dma_start3A_306 : memref<1x80xi32, #tpu.memory_space<vmem>> -> memref<80xi32, #tpu.memory_space<vmem>>
        %dma_start3A_308 = arith.constant 0 : i32
        %dma_start3A_309 = arith.constant 0 : i32
        %dma_start3A_310 = tpu.memref_slice %arg14[%dma_start3A_308, %dma_start3A_309] : memref<512x128xf32, #tpu.memory_space<vmem_shared>> -> memref<512x128xf32, #tpu.memory_space<vmem_shared>>
        tpu.enqueue_indirect_dma source(%arg12 : memref<80x128xf32, #tpu.memory_space<vmem>>) target(%dma_start3A_310 : memref<512x128xf32, #tpu.memory_space<vmem_shared>>) offsets(%dma_start3A_307 : memref<80xi32, #tpu.memory_space<vmem>>) semaphore(%run_scoped3A_305 : memref<!tpu.dma_semaphore, #tpu.memory_space<semaphore_mem>>) {add = true}
        %dma_wait3A_311 = arith.constant 0 : i32
        %dma_wait3A_312 = tpu.memref_slice %arg10[%run_scoped3A_304, %dma_wait3A_311] : memref<2x80xi32, #tpu.memory_space<vmem>> -> memref<1x80xi32, #tpu.memory_space<vmem>>
        %dma_wait3A_313 = tpu.memref_squeeze %dma_wait3A_312 : memref<1x80xi32, #tpu.memory_space<vmem>> -> memref<80xi32, #tpu.memory_space<vmem>>
        %dma_wait3A_314 = arith.constant 0 : i32
        %dma_wait3A_315 = arith.constant 0 : i32
        %dma_wait3A_316 = tpu.memref_slice %arg14[%dma_wait3A_314, %dma_wait3A_315] : memref<512x128xf32, #tpu.memory_space<vmem_shared>> -> memref<512x128xf32, #tpu.memory_space<vmem_shared>>
        tpu.wait_indirect_dma semaphore(%run_scoped3A_305 : memref<!tpu.dma_semaphore, #tpu.memory_space<semaphore_mem>>) src(%arg12 : memref<80x128xf32, #tpu.memory_space<vmem>>) dst(%dma_wait3A_316 : memref<512x128xf32, #tpu.memory_space<vmem_shared>>)
        tpu.yield
      }) : () -> ()
    } else {
    }
    %add3A_55 = arith.constant 128 : i32
    %add3A_56 = arith.addi %add3A, %add3A_55 : i32
    %lt3A_57 = arith.constant 625 : i32
    %lt3A_58 = arith.cmpi slt, %add3A_56, %lt3A_57 : i32
    %convert_element_type3A_59 = arith.extui %lt3A_58 : i1 to i32
    %cond3A_60 = arith.constant 0 : i32
    %cond3A_61 = arith.cmpi ne, %convert_element_type3A_59, %cond3A_60 : i32
    scf.if %cond3A_61 {
      %mul3A_291 = arith.constant 160 : i32
      %mul3A_292 = arith.muli %add3A_56, %mul3A_291 : i32
      %dma_start3A = arith.constant 0 : i32
      %dma_start3A_293 = tpu.memref_slice %arg2[%mul3A_292, %dma_start3A] : memref<100000x128xf32, #tpu.memory_space<hbm>> -> memref<160x128xf32, #tpu.memory_space<hbm>>
      %dma_start3A_294 = arith.constant 0 : i32
      %dma_start3A_295 = tpu.memref_slice %arg2[%mul3A_292, %dma_start3A_294] : memref<100000x128xf32, #tpu.memory_space<hbm>> -> memref<160x128xf32, #tpu.memory_space<hbm>>
      tpu.enqueue_dma source(%dma_start3A_295 : memref<160x128xf32, #tpu.memory_space<hbm>>) target(%arg8 : memref<160x128xf32, #tpu.memory_space<vmem>>) target_semaphore(%arg15 : memref<!tpu.dma_semaphore, #tpu.memory_space<semaphore_mem>>)
      %mul3A_296 = arith.constant 2 : i32
      %mul3A_297 = arith.muli %add3A_56, %mul3A_296 : i32
      %dma_start3A_298 = arith.constant 0 : i32
      %dma_start3A_299 = tpu.memref_slice %arg3[%mul3A_297, %dma_start3A_298] : memref<1250x80xi32, #tpu.memory_space<hbm>> -> memref<2x80xi32, #tpu.memory_space<hbm>>
      %dma_start3A_300 = arith.constant 0 : i32
      %dma_start3A_301 = tpu.memref_slice %arg3[%mul3A_297, %dma_start3A_300] : memref<1250x80xi32, #tpu.memory_space<hbm>> -> memref<2x80xi32, #tpu.memory_space<hbm>>
      tpu.enqueue_dma source(%dma_start3A_301 : memref<2x80xi32, #tpu.memory_space<hbm>>) target(%arg10 : memref<2x80xi32, #tpu.memory_space<vmem>>) target_semaphore(%arg15 : memref<!tpu.dma_semaphore, #tpu.memory_space<semaphore_mem>>)
    } else {
    }
    %add3A_62 = arith.constant 96 : i32
    %add3A_63 = arith.addi %add3A, %add3A_62 : i32
    %lt3A_64 = arith.constant 625 : i32
    %lt3A_65 = arith.cmpi slt, %add3A_63, %lt3A_64 : i32
    %convert_element_type3A_66 = arith.extui %lt3A_65 : i1 to i32
    %cond3A_67 = arith.constant 0 : i32
    %cond3A_68 = arith.cmpi ne, %convert_element_type3A_66, %cond3A_67 : i32
    scf.if %cond3A_68 {
      %mul3A_291 = arith.constant 160 : i32
      %mul3A_292 = arith.muli %add3A_63, %mul3A_291 : i32
      %dma_wait3A = arith.constant 0 : i32
      %dma_wait3A_293 = tpu.memref_slice %arg2[%mul3A_292, %dma_wait3A] : memref<100000x128xf32, #tpu.memory_space<hbm>> -> memref<160x128xf32, #tpu.memory_space<hbm>>
      %dma_wait3A_294 = arith.constant 0 : i32
      %dma_wait3A_295 = tpu.memref_slice %arg2[%mul3A_292, %dma_wait3A_294] : memref<100000x128xf32, #tpu.memory_space<hbm>> -> memref<160x128xf32, #tpu.memory_space<hbm>>
      tpu.wait_dma2 semaphore(%arg16 : memref<!tpu.dma_semaphore, #tpu.memory_space<semaphore_mem>>) src(%dma_wait3A_295 : memref<160x128xf32, #tpu.memory_space<hbm>>) dst(%arg9 : memref<160x128xf32, #tpu.memory_space<vmem>>)
      %mul3A_296 = arith.constant 2 : i32
      %mul3A_297 = arith.muli %add3A_63, %mul3A_296 : i32
      %dma_wait3A_298 = arith.constant 0 : i32
      %dma_wait3A_299 = tpu.memref_slice %arg3[%mul3A_297, %dma_wait3A_298] : memref<1250x80xi32, #tpu.memory_space<hbm>> -> memref<2x80xi32, #tpu.memory_space<hbm>>
      %dma_wait3A_300 = arith.constant 0 : i32
      %dma_wait3A_301 = tpu.memref_slice %arg3[%mul3A_297, %dma_wait3A_300] : memref<1250x80xi32, #tpu.memory_space<hbm>> -> memref<2x80xi32, #tpu.memory_space<hbm>>
      tpu.wait_dma2 semaphore(%arg16 : memref<!tpu.dma_semaphore, #tpu.memory_space<semaphore_mem>>) src(%dma_wait3A_301 : memref<2x80xi32, #tpu.memory_space<hbm>>) dst(%arg11 : memref<2x80xi32, #tpu.memory_space<vmem>>)
      %run_scoped3A = arith.constant 0 : i32
      "tpu.region"() ({
        %run_scoped3A_305 = tpu.sem_alloc : memref<!tpu.dma_semaphore, #tpu.memory_space<semaphore_mem>>
        %dma_start3A = arith.constant 0 : i32
        %dma_start3A_306 = arith.constant 0 : i32
        %dma_start3A_307 = tpu.memref_slice %arg9[%dma_start3A, %dma_start3A_306] : memref<160x128xf32, #tpu.memory_space<vmem>> -> memref<80x128xf32, #tpu.memory_space<vmem>>
        %dma_start3A_308 = arith.constant 0 : i32
        %dma_start3A_309 = tpu.memref_slice %arg11[%run_scoped3A, %dma_start3A_308] : memref<2x80xi32, #tpu.memory_space<vmem>> -> memref<1x80xi32, #tpu.memory_space<vmem>>
        %dma_start3A_310 = tpu.memref_squeeze %dma_start3A_309 : memref<1x80xi32, #tpu.memory_space<vmem>> -> memref<80xi32, #tpu.memory_space<vmem>>
        %dma_start3A_311 = arith.constant 0 : i32
        %dma_start3A_312 = arith.constant 0 : i32
        %dma_start3A_313 = tpu.memref_slice %arg13[%dma_start3A_311, %dma_start3A_312] : memref<512x128xf32, #tpu.memory_space<vmem_shared>> -> memref<512x128xf32, #tpu.memory_space<vmem_shared>>
        tpu.enqueue_indirect_dma source(%dma_start3A_307 : memref<80x128xf32, #tpu.memory_space<vmem>>) target(%dma_start3A_313 : memref<512x128xf32, #tpu.memory_space<vmem_shared>>) offsets(%dma_start3A_310 : memref<80xi32, #tpu.memory_space<vmem>>) semaphore(%run_scoped3A_305 : memref<!tpu.dma_semaphore, #tpu.memory_space<semaphore_mem>>) {add = true}
        %dma_wait3A_314 = arith.constant 0 : i32
        %dma_wait3A_315 = arith.constant 0 : i32
        %dma_wait3A_316 = tpu.memref_slice %arg9[%dma_wait3A_314, %dma_wait3A_315] : memref<160x128xf32, #tpu.memory_space<vmem>> -> memref<80x128xf32, #tpu.memory_space<vmem>>
        %dma_wait3A_317 = arith.constant 0 : i32
        %dma_wait3A_318 = tpu.memref_slice %arg11[%run_scoped3A, %dma_wait3A_317] : memref<2x80xi32, #tpu.memory_space<vmem>> -> memref<1x80xi32, #tpu.memory_space<vmem>>
        %dma_wait3A_319 = tpu.memref_squeeze %dma_wait3A_318 : memref<1x80xi32, #tpu.memory_space<vmem>> -> memref<80xi32, #tpu.memory_space<vmem>>
        %dma_wait3A_320 = arith.constant 0 : i32
        %dma_wait3A_321 = arith.constant 0 : i32
        %dma_wait3A_322 = tpu.memref_slice %arg13[%dma_wait3A_320, %dma_wait3A_321] : memref<512x128xf32, #tpu.memory_space<vmem_shared>> -> memref<512x128xf32, #tpu.memory_space<vmem_shared>>
        tpu.wait_indirect_dma semaphore(%run_scoped3A_305 : memref<!tpu.dma_semaphore, #tpu.memory_space<semaphore_mem>>) src(%dma_wait3A_316 : memref<80x128xf32, #tpu.memory_space<vmem>>) dst(%dma_wait3A_322 : memref<512x128xf32, #tpu.memory_space<vmem_shared>>)
        tpu.yield
      }) : () -> ()
      %run_scoped3A_302 = arith.constant 0 : i32
      "tpu.region"() ({
        %run_scoped3A_305 = tpu.sem_alloc : memref<!tpu.dma_semaphore, #tpu.memory_space<semaphore_mem>>
        %dma_start3A = arith.constant 0 : i32
        %dma_start3A_306 = tpu.memref_slice %arg11[%run_scoped3A_302, %dma_start3A] : memref<2x80xi32, #tpu.memory_space<vmem>> -> memref<1x80xi32, #tpu.memory_space<vmem>>
        %dma_start3A_307 = tpu.memref_squeeze %dma_start3A_306 : memref<1x80xi32, #tpu.memory_space<vmem>> -> memref<80xi32, #tpu.memory_space<vmem>>
        %dma_start3A_308 = arith.constant 0 : i32
        %dma_start3A_309 = arith.constant 0 : i32
        %dma_start3A_310 = tpu.memref_slice %arg14[%dma_start3A_308, %dma_start3A_309] : memref<512x128xf32, #tpu.memory_space<vmem_shared>> -> memref<512x128xf32, #tpu.memory_space<vmem_shared>>
        tpu.enqueue_indirect_dma source(%arg12 : memref<80x128xf32, #tpu.memory_space<vmem>>) target(%dma_start3A_310 : memref<512x128xf32, #tpu.memory_space<vmem_shared>>) offsets(%dma_start3A_307 : memref<80xi32, #tpu.memory_space<vmem>>) semaphore(%run_scoped3A_305 : memref<!tpu.dma_semaphore, #tpu.memory_space<semaphore_mem>>) {add = true}
        %dma_wait3A_311 = arith.constant 0 : i32
        %dma_wait3A_312 = tpu.memref_slice %arg11[%run_scoped3A_302, %dma_wait3A_311] : memref<2x80xi32, #tpu.memory_space<vmem>> -> memref<1x80xi32, #tpu.memory_space<vmem>>
        %dma_wait3A_313 = tpu.memref_squeeze %dma_wait3A_312 : memref<1x80xi32, #tpu.memory_space<vmem>> -> memref<80xi32, #tpu.memory_space<vmem>>
        %dma_wait3A_314 = arith.constant 0 : i32
        %dma_wait3A_315 = arith.constant 0 : i32
        %dma_wait3A_316 = tpu.memref_slice %arg14[%dma_wait3A_314, %dma_wait3A_315] : memref<512x128xf32, #tpu.memory_space<vmem_shared>> -> memref<512x128xf32, #tpu.memory_space<vmem_shared>>
        tpu.wait_indirect_dma semaphore(%run_scoped3A_305 : memref<!tpu.dma_semaphore, #tpu.memory_space<semaphore_mem>>) src(%arg12 : memref<80x128xf32, #tpu.memory_space<vmem>>) dst(%dma_wait3A_316 : memref<512x128xf32, #tpu.memory_space<vmem_shared>>)
        tpu.yield
      }) : () -> ()
      %run_scoped3A_303 = arith.constant 1 : i32
      "tpu.region"() ({
        %run_scoped3A_305 = tpu.sem_alloc : memref<!tpu.dma_semaphore, #tpu.memory_space<semaphore_mem>>
        %dma_start3A = arith.constant 80 : i32
        %dma_start3A_306 = arith.constant 0 : i32
        %dma_start3A_307 = tpu.memref_slice %arg9[%dma_start3A, %dma_start3A_306] : memref<160x128xf32, #tpu.memory_space<vmem>> -> memref<80x128xf32, #tpu.memory_space<vmem>>
        %dma_start3A_308 = arith.constant 0 : i32
        %dma_start3A_309 = tpu.memref_slice %arg11[%run_scoped3A_303, %dma_start3A_308] : memref<2x80xi32, #tpu.memory_space<vmem>> -> memref<1x80xi32, #tpu.memory_space<vmem>>
        %dma_start3A_310 = tpu.memref_squeeze %dma_start3A_309 : memref<1x80xi32, #tpu.memory_space<vmem>> -> memref<80xi32, #tpu.memory_space<vmem>>
        %dma_start3A_311 = arith.constant 0 : i32
        %dma_start3A_312 = arith.constant 0 : i32
        %dma_start3A_313 = tpu.memref_slice %arg13[%dma_start3A_311, %dma_start3A_312] : memref<512x128xf32, #tpu.memory_space<vmem_shared>> -> memref<512x128xf32, #tpu.memory_space<vmem_shared>>
        tpu.enqueue_indirect_dma source(%dma_start3A_307 : memref<80x128xf32, #tpu.memory_space<vmem>>) target(%dma_start3A_313 : memref<512x128xf32, #tpu.memory_space<vmem_shared>>) offsets(%dma_start3A_310 : memref<80xi32, #tpu.memory_space<vmem>>) semaphore(%run_scoped3A_305 : memref<!tpu.dma_semaphore, #tpu.memory_space<semaphore_mem>>) {add = true}
        %dma_wait3A_314 = arith.constant 80 : i32
        %dma_wait3A_315 = arith.constant 0 : i32
        %dma_wait3A_316 = tpu.memref_slice %arg9[%dma_wait3A_314, %dma_wait3A_315] : memref<160x128xf32, #tpu.memory_space<vmem>> -> memref<80x128xf32, #tpu.memory_space<vmem>>
        %dma_wait3A_317 = arith.constant 0 : i32
        %dma_wait3A_318 = tpu.memref_slice %arg11[%run_scoped3A_303, %dma_wait3A_317] : memref<2x80xi32, #tpu.memory_space<vmem>> -> memref<1x80xi32, #tpu.memory_space<vmem>>
        %dma_wait3A_319 = tpu.memref_squeeze %dma_wait3A_318 : memref<1x80xi32, #tpu.memory_space<vmem>> -> memref<80xi32, #tpu.memory_space<vmem>>
        %dma_wait3A_320 = arith.constant 0 : i32
        %dma_wait3A_321 = arith.constant 0 : i32
        %dma_wait3A_322 = tpu.memref_slice %arg13[%dma_wait3A_320, %dma_wait3A_321] : memref<512x128xf32, #tpu.memory_space<vmem_shared>> -> memref<512x128xf32, #tpu.memory_space<vmem_shared>>
        tpu.wait_indirect_dma semaphore(%run_scoped3A_305 : memref<!tpu.dma_semaphore, #tpu.memory_space<semaphore_mem>>) src(%dma_wait3A_316 : memref<80x128xf32, #tpu.memory_space<vmem>>) dst(%dma_wait3A_322 : memref<512x128xf32, #tpu.memory_space<vmem_shared>>)
        tpu.yield
      }) : () -> ()
      %run_scoped3A_304 = arith.constant 1 : i32
      "tpu.region"() ({
        %run_scoped3A_305 = tpu.sem_alloc : memref<!tpu.dma_semaphore, #tpu.memory_space<semaphore_mem>>
        %dma_start3A = arith.constant 0 : i32
        %dma_start3A_306 = tpu.memref_slice %arg11[%run_scoped3A_304, %dma_start3A] : memref<2x80xi32, #tpu.memory_space<vmem>> -> memref<1x80xi32, #tpu.memory_space<vmem>>
        %dma_start3A_307 = tpu.memref_squeeze %dma_start3A_306 : memref<1x80xi32, #tpu.memory_space<vmem>> -> memref<80xi32, #tpu.memory_space<vmem>>
        %dma_start3A_308 = arith.constant 0 : i32
        %dma_start3A_309 = arith.constant 0 : i32
        %dma_start3A_310 = tpu.memref_slice %arg14[%dma_start3A_308, %dma_start3A_309] : memref<512x128xf32, #tpu.memory_space<vmem_shared>> -> memref<512x128xf32, #tpu.memory_space<vmem_shared>>
        tpu.enqueue_indirect_dma source(%arg12 : memref<80x128xf32, #tpu.memory_space<vmem>>) target(%dma_start3A_310 : memref<512x128xf32, #tpu.memory_space<vmem_shared>>) offsets(%dma_start3A_307 : memref<80xi32, #tpu.memory_space<vmem>>) semaphore(%run_scoped3A_305 : memref<!tpu.dma_semaphore, #tpu.memory_space<semaphore_mem>>) {add = true}
        %dma_wait3A_311 = arith.constant 0 : i32
        %dma_wait3A_312 = tpu.memref_slice %arg11[%run_scoped3A_304, %dma_wait3A_311] : memref<2x80xi32, #tpu.memory_space<vmem>> -> memref<1x80xi32, #tpu.memory_space<vmem>>
        %dma_wait3A_313 = tpu.memref_squeeze %dma_wait3A_312 : memref<1x80xi32, #tpu.memory_space<vmem>> -> memref<80xi32, #tpu.memory_space<vmem>>
        %dma_wait3A_314 = arith.constant 0 : i32
        %dma_wait3A_315 = arith.constant 0 : i32
        %dma_wait3A_316 = tpu.memref_slice %arg14[%dma_wait3A_314, %dma_wait3A_315] : memref<512x128xf32, #tpu.memory_space<vmem_shared>> -> memref<512x128xf32, #tpu.memory_space<vmem_shared>>
        tpu.wait_indirect_dma semaphore(%run_scoped3A_305 : memref<!tpu.dma_semaphore, #tpu.memory_space<semaphore_mem>>) src(%arg12 : memref<80x128xf32, #tpu.memory_space<vmem>>) dst(%dma_wait3A_316 : memref<512x128xf32, #tpu.memory_space<vmem_shared>>)
        tpu.yield
      }) : () -> ()
    } else {
    }
    %add3A_69 = arith.constant 160 : i32
    %add3A_70 = arith.addi %add3A, %add3A_69 : i32
    %lt3A_71 = arith.constant 625 : i32
    %lt3A_72 = arith.cmpi slt, %add3A_70, %lt3A_71 : i32
    %convert_element_type3A_73 = arith.extui %lt3A_72 : i1 to i32
    %cond3A_74 = arith.constant 0 : i32
    %cond3A_75 = arith.cmpi ne, %convert_element_type3A_73, %cond3A_74 : i32
    scf.if %cond3A_75 {
      %mul3A_291 = arith.constant 160 : i32
      %mul3A_292 = arith.muli %add3A_70, %mul3A_291 : i32
      %dma_start3A = arith.constant 0 : i32
      %dma_start3A_293 = tpu.memref_slice %arg2[%mul3A_292, %dma_start3A] : memref<100000x128xf32, #tpu.memory_space<hbm>> -> memref<160x128xf32, #tpu.memory_space<hbm>>
      %dma_start3A_294 = arith.constant 0 : i32
      %dma_start3A_295 = tpu.memref_slice %arg2[%mul3A_292, %dma_start3A_294] : memref<100000x128xf32, #tpu.memory_space<hbm>> -> memref<160x128xf32, #tpu.memory_space<hbm>>
      tpu.enqueue_dma source(%dma_start3A_295 : memref<160x128xf32, #tpu.memory_space<hbm>>) target(%arg9 : memref<160x128xf32, #tpu.memory_space<vmem>>) target_semaphore(%arg16 : memref<!tpu.dma_semaphore, #tpu.memory_space<semaphore_mem>>)
      %mul3A_296 = arith.constant 2 : i32
      %mul3A_297 = arith.muli %add3A_70, %mul3A_296 : i32
      %dma_start3A_298 = arith.constant 0 : i32
      %dma_start3A_299 = tpu.memref_slice %arg3[%mul3A_297, %dma_start3A_298] : memref<1250x80xi32, #tpu.memory_space<hbm>> -> memref<2x80xi32, #tpu.memory_space<hbm>>
      %dma_start3A_300 = arith.constant 0 : i32
      %dma_start3A_301 = tpu.memref_slice %arg3[%mul3A_297, %dma_start3A_300] : memref<1250x80xi32, #tpu.memory_space<hbm>> -> memref<2x80xi32, #tpu.memory_space<hbm>>
      tpu.enqueue_dma source(%dma_start3A_301 : memref<2x80xi32, #tpu.memory_space<hbm>>) target(%arg11 : memref<2x80xi32, #tpu.memory_space<vmem>>) target_semaphore(%arg16 : memref<!tpu.dma_semaphore, #tpu.memory_space<semaphore_mem>>)
    } else {
    }
    %add3A_76 = arith.constant 128 : i32
    %add3A_77 = arith.addi %add3A, %add3A_76 : i32
    %lt3A_78 = arith.constant 625 : i32
    %lt3A_79 = arith.cmpi slt, %add3A_77, %lt3A_78 : i32
    %convert_element_type3A_80 = arith.extui %lt3A_79 : i1 to i32
    %cond3A_81 = arith.constant 0 : i32
    %cond3A_82 = arith.cmpi ne, %convert_element_type3A_80, %cond3A_81 : i32
    scf.if %cond3A_82 {
      %mul3A_291 = arith.constant 160 : i32
      %mul3A_292 = arith.muli %add3A_77, %mul3A_291 : i32
      %dma_wait3A = arith.constant 0 : i32
      %dma_wait3A_293 = tpu.memref_slice %arg2[%mul3A_292, %dma_wait3A] : memref<100000x128xf32, #tpu.memory_space<hbm>> -> memref<160x128xf32, #tpu.memory_space<hbm>>
      %dma_wait3A_294 = arith.constant 0 : i32
      %dma_wait3A_295 = tpu.memref_slice %arg2[%mul3A_292, %dma_wait3A_294] : memref<100000x128xf32, #tpu.memory_space<hbm>> -> memref<160x128xf32, #tpu.memory_space<hbm>>
      tpu.wait_dma2 semaphore(%arg15 : memref<!tpu.dma_semaphore, #tpu.memory_space<semaphore_mem>>) src(%dma_wait3A_295 : memref<160x128xf32, #tpu.memory_space<hbm>>) dst(%arg8 : memref<160x128xf32, #tpu.memory_space<vmem>>)
      %mul3A_296 = arith.constant 2 : i32
      %mul3A_297 = arith.muli %add3A_77, %mul3A_296 : i32
      %dma_wait3A_298 = arith.constant 0 : i32
      %dma_wait3A_299 = tpu.memref_slice %arg3[%mul3A_297, %dma_wait3A_298] : memref<1250x80xi32, #tpu.memory_space<hbm>> -> memref<2x80xi32, #tpu.memory_space<hbm>>
      %dma_wait3A_300 = arith.constant 0 : i32
      %dma_wait3A_301 = tpu.memref_slice %arg3[%mul3A_297, %dma_wait3A_300] : memref<1250x80xi32, #tpu.memory_space<hbm>> -> memref<2x80xi32, #tpu.memory_space<hbm>>
      tpu.wait_dma2 semaphore(%arg15 : memref<!tpu.dma_semaphore, #tpu.memory_space<semaphore_mem>>) src(%dma_wait3A_301 : memref<2x80xi32, #tpu.memory_space<hbm>>) dst(%arg10 : memref<2x80xi32, #tpu.memory_space<vmem>>)
      %run_scoped3A = arith.constant 0 : i32
      "tpu.region"() ({
        %run_scoped3A_305 = tpu.sem_alloc : memref<!tpu.dma_semaphore, #tpu.memory_space<semaphore_mem>>
        %dma_start3A = arith.constant 0 : i32
        %dma_start3A_306 = arith.constant 0 : i32
        %dma_start3A_307 = tpu.memref_slice %arg8[%dma_start3A, %dma_start3A_306] : memref<160x128xf32, #tpu.memory_space<vmem>> -> memref<80x128xf32, #tpu.memory_space<vmem>>
        %dma_start3A_308 = arith.constant 0 : i32
        %dma_start3A_309 = tpu.memref_slice %arg10[%run_scoped3A, %dma_start3A_308] : memref<2x80xi32, #tpu.memory_space<vmem>> -> memref<1x80xi32, #tpu.memory_space<vmem>>
        %dma_start3A_310 = tpu.memref_squeeze %dma_start3A_309 : memref<1x80xi32, #tpu.memory_space<vmem>> -> memref<80xi32, #tpu.memory_space<vmem>>
        %dma_start3A_311 = arith.constant 0 : i32
        %dma_start3A_312 = arith.constant 0 : i32
        %dma_start3A_313 = tpu.memref_slice %arg13[%dma_start3A_311, %dma_start3A_312] : memref<512x128xf32, #tpu.memory_space<vmem_shared>> -> memref<512x128xf32, #tpu.memory_space<vmem_shared>>
        tpu.enqueue_indirect_dma source(%dma_start3A_307 : memref<80x128xf32, #tpu.memory_space<vmem>>) target(%dma_start3A_313 : memref<512x128xf32, #tpu.memory_space<vmem_shared>>) offsets(%dma_start3A_310 : memref<80xi32, #tpu.memory_space<vmem>>) semaphore(%run_scoped3A_305 : memref<!tpu.dma_semaphore, #tpu.memory_space<semaphore_mem>>) {add = true}
        %dma_wait3A_314 = arith.constant 0 : i32
        %dma_wait3A_315 = arith.constant 0 : i32
        %dma_wait3A_316 = tpu.memref_slice %arg8[%dma_wait3A_314, %dma_wait3A_315] : memref<160x128xf32, #tpu.memory_space<vmem>> -> memref<80x128xf32, #tpu.memory_space<vmem>>
        %dma_wait3A_317 = arith.constant 0 : i32
        %dma_wait3A_318 = tpu.memref_slice %arg10[%run_scoped3A, %dma_wait3A_317] : memref<2x80xi32, #tpu.memory_space<vmem>> -> memref<1x80xi32, #tpu.memory_space<vmem>>
        %dma_wait3A_319 = tpu.memref_squeeze %dma_wait3A_318 : memref<1x80xi32, #tpu.memory_space<vmem>> -> memref<80xi32, #tpu.memory_space<vmem>>
        %dma_wait3A_320 = arith.constant 0 : i32
        %dma_wait3A_321 = arith.constant 0 : i32
        %dma_wait3A_322 = tpu.memref_slice %arg13[%dma_wait3A_320, %dma_wait3A_321] : memref<512x128xf32, #tpu.memory_space<vmem_shared>> -> memref<512x128xf32, #tpu.memory_space<vmem_shared>>
        tpu.wait_indirect_dma semaphore(%run_scoped3A_305 : memref<!tpu.dma_semaphore, #tpu.memory_space<semaphore_mem>>) src(%dma_wait3A_316 : memref<80x128xf32, #tpu.memory_space<vmem>>) dst(%dma_wait3A_322 : memref<512x128xf32, #tpu.memory_space<vmem_shared>>)
        tpu.yield
      }) : () -> ()
      %run_scoped3A_302 = arith.constant 0 : i32
      "tpu.region"() ({
        %run_scoped3A_305 = tpu.sem_alloc : memref<!tpu.dma_semaphore, #tpu.memory_space<semaphore_mem>>
        %dma_start3A = arith.constant 0 : i32
        %dma_start3A_306 = tpu.memref_slice %arg10[%run_scoped3A_302, %dma_start3A] : memref<2x80xi32, #tpu.memory_space<vmem>> -> memref<1x80xi32, #tpu.memory_space<vmem>>
        %dma_start3A_307 = tpu.memref_squeeze %dma_start3A_306 : memref<1x80xi32, #tpu.memory_space<vmem>> -> memref<80xi32, #tpu.memory_space<vmem>>
        %dma_start3A_308 = arith.constant 0 : i32
        %dma_start3A_309 = arith.constant 0 : i32
        %dma_start3A_310 = tpu.memref_slice %arg14[%dma_start3A_308, %dma_start3A_309] : memref<512x128xf32, #tpu.memory_space<vmem_shared>> -> memref<512x128xf32, #tpu.memory_space<vmem_shared>>
        tpu.enqueue_indirect_dma source(%arg12 : memref<80x128xf32, #tpu.memory_space<vmem>>) target(%dma_start3A_310 : memref<512x128xf32, #tpu.memory_space<vmem_shared>>) offsets(%dma_start3A_307 : memref<80xi32, #tpu.memory_space<vmem>>) semaphore(%run_scoped3A_305 : memref<!tpu.dma_semaphore, #tpu.memory_space<semaphore_mem>>) {add = true}
        %dma_wait3A_311 = arith.constant 0 : i32
        %dma_wait3A_312 = tpu.memref_slice %arg10[%run_scoped3A_302, %dma_wait3A_311] : memref<2x80xi32, #tpu.memory_space<vmem>> -> memref<1x80xi32, #tpu.memory_space<vmem>>
        %dma_wait3A_313 = tpu.memref_squeeze %dma_wait3A_312 : memref<1x80xi32, #tpu.memory_space<vmem>> -> memref<80xi32, #tpu.memory_space<vmem>>
        %dma_wait3A_314 = arith.constant 0 : i32
        %dma_wait3A_315 = arith.constant 0 : i32
        %dma_wait3A_316 = tpu.memref_slice %arg14[%dma_wait3A_314, %dma_wait3A_315] : memref<512x128xf32, #tpu.memory_space<vmem_shared>> -> memref<512x128xf32, #tpu.memory_space<vmem_shared>>
        tpu.wait_indirect_dma semaphore(%run_scoped3A_305 : memref<!tpu.dma_semaphore, #tpu.memory_space<semaphore_mem>>) src(%arg12 : memref<80x128xf32, #tpu.memory_space<vmem>>) dst(%dma_wait3A_316 : memref<512x128xf32, #tpu.memory_space<vmem_shared>>)
        tpu.yield
      }) : () -> ()
      %run_scoped3A_303 = arith.constant 1 : i32
      "tpu.region"() ({
        %run_scoped3A_305 = tpu.sem_alloc : memref<!tpu.dma_semaphore, #tpu.memory_space<semaphore_mem>>
        %dma_start3A = arith.constant 80 : i32
        %dma_start3A_306 = arith.constant 0 : i32
        %dma_start3A_307 = tpu.memref_slice %arg8[%dma_start3A, %dma_start3A_306] : memref<160x128xf32, #tpu.memory_space<vmem>> -> memref<80x128xf32, #tpu.memory_space<vmem>>
        %dma_start3A_308 = arith.constant 0 : i32
        %dma_start3A_309 = tpu.memref_slice %arg10[%run_scoped3A_303, %dma_start3A_308] : memref<2x80xi32, #tpu.memory_space<vmem>> -> memref<1x80xi32, #tpu.memory_space<vmem>>
        %dma_start3A_310 = tpu.memref_squeeze %dma_start3A_309 : memref<1x80xi32, #tpu.memory_space<vmem>> -> memref<80xi32, #tpu.memory_space<vmem>>
        %dma_start3A_311 = arith.constant 0 : i32
        %dma_start3A_312 = arith.constant 0 : i32
        %dma_start3A_313 = tpu.memref_slice %arg13[%dma_start3A_311, %dma_start3A_312] : memref<512x128xf32, #tpu.memory_space<vmem_shared>> -> memref<512x128xf32, #tpu.memory_space<vmem_shared>>
        tpu.enqueue_indirect_dma source(%dma_start3A_307 : memref<80x128xf32, #tpu.memory_space<vmem>>) target(%dma_start3A_313 : memref<512x128xf32, #tpu.memory_space<vmem_shared>>) offsets(%dma_start3A_310 : memref<80xi32, #tpu.memory_space<vmem>>) semaphore(%run_scoped3A_305 : memref<!tpu.dma_semaphore, #tpu.memory_space<semaphore_mem>>) {add = true}
        %dma_wait3A_314 = arith.constant 80 : i32
        %dma_wait3A_315 = arith.constant 0 : i32
        %dma_wait3A_316 = tpu.memref_slice %arg8[%dma_wait3A_314, %dma_wait3A_315] : memref<160x128xf32, #tpu.memory_space<vmem>> -> memref<80x128xf32, #tpu.memory_space<vmem>>
        %dma_wait3A_317 = arith.constant 0 : i32
        %dma_wait3A_318 = tpu.memref_slice %arg10[%run_scoped3A_303, %dma_wait3A_317] : memref<2x80xi32, #tpu.memory_space<vmem>> -> memref<1x80xi32, #tpu.memory_space<vmem>>
        %dma_wait3A_319 = tpu.memref_squeeze %dma_wait3A_318 : memref<1x80xi32, #tpu.memory_space<vmem>> -> memref<80xi32, #tpu.memory_space<vmem>>
        %dma_wait3A_320 = arith.constant 0 : i32
        %dma_wait3A_321 = arith.constant 0 : i32
        %dma_wait3A_322 = tpu.memref_slice %arg13[%dma_wait3A_320, %dma_wait3A_321] : memref<512x128xf32, #tpu.memory_space<vmem_shared>> -> memref<512x128xf32, #tpu.memory_space<vmem_shared>>
        tpu.wait_indirect_dma semaphore(%run_scoped3A_305 : memref<!tpu.dma_semaphore, #tpu.memory_space<semaphore_mem>>) src(%dma_wait3A_316 : memref<80x128xf32, #tpu.memory_space<vmem>>) dst(%dma_wait3A_322 : memref<512x128xf32, #tpu.memory_space<vmem_shared>>)
        tpu.yield
      }) : () -> ()
      %run_scoped3A_304 = arith.constant 1 : i32
      "tpu.region"() ({
        %run_scoped3A_305 = tpu.sem_alloc : memref<!tpu.dma_semaphore, #tpu.memory_space<semaphore_mem>>
        %dma_start3A = arith.constant 0 : i32
        %dma_start3A_306 = tpu.memref_slice %arg10[%run_scoped3A_304, %dma_start3A] : memref<2x80xi32, #tpu.memory_space<vmem>> -> memref<1x80xi32, #tpu.memory_space<vmem>>
        %dma_start3A_307 = tpu.memref_squeeze %dma_start3A_306 : memref<1x80xi32, #tpu.memory_space<vmem>> -> memref<80xi32, #tpu.memory_space<vmem>>
        %dma_start3A_308 = arith.constant 0 : i32
        %dma_start3A_309 = arith.constant 0 : i32
        %dma_start3A_310 = tpu.memref_slice %arg14[%dma_start3A_308, %dma_start3A_309] : memref<512x128xf32, #tpu.memory_space<vmem_shared>> -> memref<512x128xf32, #tpu.memory_space<vmem_shared>>
        tpu.enqueue_indirect_dma source(%arg12 : memref<80x128xf32, #tpu.memory_space<vmem>>) target(%dma_start3A_310 : memref<512x128xf32, #tpu.memory_space<vmem_shared>>) offsets(%dma_start3A_307 : memref<80xi32, #tpu.memory_space<vmem>>) semaphore(%run_scoped3A_305 : memref<!tpu.dma_semaphore, #tpu.memory_space<semaphore_mem>>) {add = true}
        %dma_wait3A_311 = arith.constant 0 : i32
        %dma_wait3A_312 = tpu.memref_slice %arg10[%run_scoped3A_304, %dma_wait3A_311] : memref<2x80xi32, #tpu.memory_space<vmem>> -> memref<1x80xi32, #tpu.memory_space<vmem>>
        %dma_wait3A_313 = tpu.memref_squeeze %dma_wait3A_312 : memref<1x80xi32, #tpu.memory_space<vmem>> -> memref<80xi32, #tpu.memory_space<vmem>>
        %dma_wait3A_314 = arith.constant 0 : i32
        %dma_wait3A_315 = arith.constant 0 : i32
        %dma_wait3A_316 = tpu.memref_slice %arg14[%dma_wait3A_314, %dma_wait3A_315] : memref<512x128xf32, #tpu.memory_space<vmem_shared>> -> memref<512x128xf32, #tpu.memory_space<vmem_shared>>
        tpu.wait_indirect_dma semaphore(%run_scoped3A_305 : memref<!tpu.dma_semaphore, #tpu.memory_space<semaphore_mem>>) src(%arg12 : memref<80x128xf32, #tpu.memory_space<vmem>>) dst(%dma_wait3A_316 : memref<512x128xf32, #tpu.memory_space<vmem_shared>>)
        tpu.yield
      }) : () -> ()
    } else {
    }
    %add3A_83 = arith.constant 192 : i32
    %add3A_84 = arith.addi %add3A, %add3A_83 : i32
    %lt3A_85 = arith.constant 625 : i32
    %lt3A_86 = arith.cmpi slt, %add3A_84, %lt3A_85 : i32
    %convert_element_type3A_87 = arith.extui %lt3A_86 : i1 to i32
    %cond3A_88 = arith.constant 0 : i32
    %cond3A_89 = arith.cmpi ne, %convert_element_type3A_87, %cond3A_88 : i32
    scf.if %cond3A_89 {
      %mul3A_291 = arith.constant 160 : i32
      %mul3A_292 = arith.muli %add3A_84, %mul3A_291 : i32
      %dma_start3A = arith.constant 0 : i32
      %dma_start3A_293 = tpu.memref_slice %arg2[%mul3A_292, %dma_start3A] : memref<100000x128xf32, #tpu.memory_space<hbm>> -> memref<160x128xf32, #tpu.memory_space<hbm>>
      %dma_start3A_294 = arith.constant 0 : i32
      %dma_start3A_295 = tpu.memref_slice %arg2[%mul3A_292, %dma_start3A_294] : memref<100000x128xf32, #tpu.memory_space<hbm>> -> memref<160x128xf32, #tpu.memory_space<hbm>>
      tpu.enqueue_dma source(%dma_start3A_295 : memref<160x128xf32, #tpu.memory_space<hbm>>) target(%arg8 : memref<160x128xf32, #tpu.memory_space<vmem>>) target_semaphore(%arg15 : memref<!tpu.dma_semaphore, #tpu.memory_space<semaphore_mem>>)
      %mul3A_296 = arith.constant 2 : i32
      %mul3A_297 = arith.muli %add3A_84, %mul3A_296 : i32
      %dma_start3A_298 = arith.constant 0 : i32
      %dma_start3A_299 = tpu.memref_slice %arg3[%mul3A_297, %dma_start3A_298] : memref<1250x80xi32, #tpu.memory_space<hbm>> -> memref<2x80xi32, #tpu.memory_space<hbm>>
      %dma_start3A_300 = arith.constant 0 : i32
      %dma_start3A_301 = tpu.memref_slice %arg3[%mul3A_297, %dma_start3A_300] : memref<1250x80xi32, #tpu.memory_space<hbm>> -> memref<2x80xi32, #tpu.memory_space<hbm>>
      tpu.enqueue_dma source(%dma_start3A_301 : memref<2x80xi32, #tpu.memory_space<hbm>>) target(%arg10 : memref<2x80xi32, #tpu.memory_space<vmem>>) target_semaphore(%arg15 : memref<!tpu.dma_semaphore, #tpu.memory_space<semaphore_mem>>)
    } else {
    }
    %add3A_90 = arith.constant 160 : i32
    %add3A_91 = arith.addi %add3A, %add3A_90 : i32
    %lt3A_92 = arith.constant 625 : i32
    %lt3A_93 = arith.cmpi slt, %add3A_91, %lt3A_92 : i32
    %convert_element_type3A_94 = arith.extui %lt3A_93 : i1 to i32
    %cond3A_95 = arith.constant 0 : i32
    %cond3A_96 = arith.cmpi ne, %convert_element_type3A_94, %cond3A_95 : i32
    scf.if %cond3A_96 {
      %mul3A_291 = arith.constant 160 : i32
      %mul3A_292 = arith.muli %add3A_91, %mul3A_291 : i32
      %dma_wait3A = arith.constant 0 : i32
      %dma_wait3A_293 = tpu.memref_slice %arg2[%mul3A_292, %dma_wait3A] : memref<100000x128xf32, #tpu.memory_space<hbm>> -> memref<160x128xf32, #tpu.memory_space<hbm>>
      %dma_wait3A_294 = arith.constant 0 : i32
      %dma_wait3A_295 = tpu.memref_slice %arg2[%mul3A_292, %dma_wait3A_294] : memref<100000x128xf32, #tpu.memory_space<hbm>> -> memref<160x128xf32, #tpu.memory_space<hbm>>
      tpu.wait_dma2 semaphore(%arg16 : memref<!tpu.dma_semaphore, #tpu.memory_space<semaphore_mem>>) src(%dma_wait3A_295 : memref<160x128xf32, #tpu.memory_space<hbm>>) dst(%arg9 : memref<160x128xf32, #tpu.memory_space<vmem>>)
      %mul3A_296 = arith.constant 2 : i32
      %mul3A_297 = arith.muli %add3A_91, %mul3A_296 : i32
      %dma_wait3A_298 = arith.constant 0 : i32
      %dma_wait3A_299 = tpu.memref_slice %arg3[%mul3A_297, %dma_wait3A_298] : memref<1250x80xi32, #tpu.memory_space<hbm>> -> memref<2x80xi32, #tpu.memory_space<hbm>>
      %dma_wait3A_300 = arith.constant 0 : i32
      %dma_wait3A_301 = tpu.memref_slice %arg3[%mul3A_297, %dma_wait3A_300] : memref<1250x80xi32, #tpu.memory_space<hbm>> -> memref<2x80xi32, #tpu.memory_space<hbm>>
      tpu.wait_dma2 semaphore(%arg16 : memref<!tpu.dma_semaphore, #tpu.memory_space<semaphore_mem>>) src(%dma_wait3A_301 : memref<2x80xi32, #tpu.memory_space<hbm>>) dst(%arg11 : memref<2x80xi32, #tpu.memory_space<vmem>>)
      %run_scoped3A = arith.constant 0 : i32
      "tpu.region"() ({
        %run_scoped3A_305 = tpu.sem_alloc : memref<!tpu.dma_semaphore, #tpu.memory_space<semaphore_mem>>
        %dma_start3A = arith.constant 0 : i32
        %dma_start3A_306 = arith.constant 0 : i32
        %dma_start3A_307 = tpu.memref_slice %arg9[%dma_start3A, %dma_start3A_306] : memref<160x128xf32, #tpu.memory_space<vmem>> -> memref<80x128xf32, #tpu.memory_space<vmem>>
        %dma_start3A_308 = arith.constant 0 : i32
        %dma_start3A_309 = tpu.memref_slice %arg11[%run_scoped3A, %dma_start3A_308] : memref<2x80xi32, #tpu.memory_space<vmem>> -> memref<1x80xi32, #tpu.memory_space<vmem>>
        %dma_start3A_310 = tpu.memref_squeeze %dma_start3A_309 : memref<1x80xi32, #tpu.memory_space<vmem>> -> memref<80xi32, #tpu.memory_space<vmem>>
        %dma_start3A_311 = arith.constant 0 : i32
        %dma_start3A_312 = arith.constant 0 : i32
        %dma_start3A_313 = tpu.memref_slice %arg13[%dma_start3A_311, %dma_start3A_312] : memref<512x128xf32, #tpu.memory_space<vmem_shared>> -> memref<512x128xf32, #tpu.memory_space<vmem_shared>>
        tpu.enqueue_indirect_dma source(%dma_start3A_307 : memref<80x128xf32, #tpu.memory_space<vmem>>) target(%dma_start3A_313 : memref<512x128xf32, #tpu.memory_space<vmem_shared>>) offsets(%dma_start3A_310 : memref<80xi32, #tpu.memory_space<vmem>>) semaphore(%run_scoped3A_305 : memref<!tpu.dma_semaphore, #tpu.memory_space<semaphore_mem>>) {add = true}
        %dma_wait3A_314 = arith.constant 0 : i32
        %dma_wait3A_315 = arith.constant 0 : i32
        %dma_wait3A_316 = tpu.memref_slice %arg9[%dma_wait3A_314, %dma_wait3A_315] : memref<160x128xf32, #tpu.memory_space<vmem>> -> memref<80x128xf32, #tpu.memory_space<vmem>>
        %dma_wait3A_317 = arith.constant 0 : i32
        %dma_wait3A_318 = tpu.memref_slice %arg11[%run_scoped3A, %dma_wait3A_317] : memref<2x80xi32, #tpu.memory_space<vmem>> -> memref<1x80xi32, #tpu.memory_space<vmem>>
        %dma_wait3A_319 = tpu.memref_squeeze %dma_wait3A_318 : memref<1x80xi32, #tpu.memory_space<vmem>> -> memref<80xi32, #tpu.memory_space<vmem>>
        %dma_wait3A_320 = arith.constant 0 : i32
        %dma_wait3A_321 = arith.constant 0 : i32
        %dma_wait3A_322 = tpu.memref_slice %arg13[%dma_wait3A_320, %dma_wait3A_321] : memref<512x128xf32, #tpu.memory_space<vmem_shared>> -> memref<512x128xf32, #tpu.memory_space<vmem_shared>>
        tpu.wait_indirect_dma semaphore(%run_scoped3A_305 : memref<!tpu.dma_semaphore, #tpu.memory_space<semaphore_mem>>) src(%dma_wait3A_316 : memref<80x128xf32, #tpu.memory_space<vmem>>) dst(%dma_wait3A_322 : memref<512x128xf32, #tpu.memory_space<vmem_shared>>)
        tpu.yield
      }) : () -> ()
      %run_scoped3A_302 = arith.constant 0 : i32
      "tpu.region"() ({
        %run_scoped3A_305 = tpu.sem_alloc : memref<!tpu.dma_semaphore, #tpu.memory_space<semaphore_mem>>
        %dma_start3A = arith.constant 0 : i32
        %dma_start3A_306 = tpu.memref_slice %arg11[%run_scoped3A_302, %dma_start3A] : memref<2x80xi32, #tpu.memory_space<vmem>> -> memref<1x80xi32, #tpu.memory_space<vmem>>
        %dma_start3A_307 = tpu.memref_squeeze %dma_start3A_306 : memref<1x80xi32, #tpu.memory_space<vmem>> -> memref<80xi32, #tpu.memory_space<vmem>>
        %dma_start3A_308 = arith.constant 0 : i32
        %dma_start3A_309 = arith.constant 0 : i32
        %dma_start3A_310 = tpu.memref_slice %arg14[%dma_start3A_308, %dma_start3A_309] : memref<512x128xf32, #tpu.memory_space<vmem_shared>> -> memref<512x128xf32, #tpu.memory_space<vmem_shared>>
        tpu.enqueue_indirect_dma source(%arg12 : memref<80x128xf32, #tpu.memory_space<vmem>>) target(%dma_start3A_310 : memref<512x128xf32, #tpu.memory_space<vmem_shared>>) offsets(%dma_start3A_307 : memref<80xi32, #tpu.memory_space<vmem>>) semaphore(%run_scoped3A_305 : memref<!tpu.dma_semaphore, #tpu.memory_space<semaphore_mem>>) {add = true}
        %dma_wait3A_311 = arith.constant 0 : i32
        %dma_wait3A_312 = tpu.memref_slice %arg11[%run_scoped3A_302, %dma_wait3A_311] : memref<2x80xi32, #tpu.memory_space<vmem>> -> memref<1x80xi32, #tpu.memory_space<vmem>>
        %dma_wait3A_313 = tpu.memref_squeeze %dma_wait3A_312 : memref<1x80xi32, #tpu.memory_space<vmem>> -> memref<80xi32, #tpu.memory_space<vmem>>
        %dma_wait3A_314 = arith.constant 0 : i32
        %dma_wait3A_315 = arith.constant 0 : i32
        %dma_wait3A_316 = tpu.memref_slice %arg14[%dma_wait3A_314, %dma_wait3A_315] : memref<512x128xf32, #tpu.memory_space<vmem_shared>> -> memref<512x128xf32, #tpu.memory_space<vmem_shared>>
        tpu.wait_indirect_dma semaphore(%run_scoped3A_305 : memref<!tpu.dma_semaphore, #tpu.memory_space<semaphore_mem>>) src(%arg12 : memref<80x128xf32, #tpu.memory_space<vmem>>) dst(%dma_wait3A_316 : memref<512x128xf32, #tpu.memory_space<vmem_shared>>)
        tpu.yield
      }) : () -> ()
      %run_scoped3A_303 = arith.constant 1 : i32
      "tpu.region"() ({
        %run_scoped3A_305 = tpu.sem_alloc : memref<!tpu.dma_semaphore, #tpu.memory_space<semaphore_mem>>
        %dma_start3A = arith.constant 80 : i32
        %dma_start3A_306 = arith.constant 0 : i32
        %dma_start3A_307 = tpu.memref_slice %arg9[%dma_start3A, %dma_start3A_306] : memref<160x128xf32, #tpu.memory_space<vmem>> -> memref<80x128xf32, #tpu.memory_space<vmem>>
        %dma_start3A_308 = arith.constant 0 : i32
        %dma_start3A_309 = tpu.memref_slice %arg11[%run_scoped3A_303, %dma_start3A_308] : memref<2x80xi32, #tpu.memory_space<vmem>> -> memref<1x80xi32, #tpu.memory_space<vmem>>
        %dma_start3A_310 = tpu.memref_squeeze %dma_start3A_309 : memref<1x80xi32, #tpu.memory_space<vmem>> -> memref<80xi32, #tpu.memory_space<vmem>>
        %dma_start3A_311 = arith.constant 0 : i32
        %dma_start3A_312 = arith.constant 0 : i32
        %dma_start3A_313 = tpu.memref_slice %arg13[%dma_start3A_311, %dma_start3A_312] : memref<512x128xf32, #tpu.memory_space<vmem_shared>> -> memref<512x128xf32, #tpu.memory_space<vmem_shared>>
        tpu.enqueue_indirect_dma source(%dma_start3A_307 : memref<80x128xf32, #tpu.memory_space<vmem>>) target(%dma_start3A_313 : memref<512x128xf32, #tpu.memory_space<vmem_shared>>) offsets(%dma_start3A_310 : memref<80xi32, #tpu.memory_space<vmem>>) semaphore(%run_scoped3A_305 : memref<!tpu.dma_semaphore, #tpu.memory_space<semaphore_mem>>) {add = true}
        %dma_wait3A_314 = arith.constant 80 : i32
        %dma_wait3A_315 = arith.constant 0 : i32
        %dma_wait3A_316 = tpu.memref_slice %arg9[%dma_wait3A_314, %dma_wait3A_315] : memref<160x128xf32, #tpu.memory_space<vmem>> -> memref<80x128xf32, #tpu.memory_space<vmem>>
        %dma_wait3A_317 = arith.constant 0 : i32
        %dma_wait3A_318 = tpu.memref_slice %arg11[%run_scoped3A_303, %dma_wait3A_317] : memref<2x80xi32, #tpu.memory_space<vmem>> -> memref<1x80xi32, #tpu.memory_space<vmem>>
        %dma_wait3A_319 = tpu.memref_squeeze %dma_wait3A_318 : memref<1x80xi32, #tpu.memory_space<vmem>> -> memref<80xi32, #tpu.memory_space<vmem>>
        %dma_wait3A_320 = arith.constant 0 : i32
        %dma_wait3A_321 = arith.constant 0 : i32
        %dma_wait3A_322 = tpu.memref_slice %arg13[%dma_wait3A_320, %dma_wait3A_321] : memref<512x128xf32, #tpu.memory_space<vmem_shared>> -> memref<512x128xf32, #tpu.memory_space<vmem_shared>>
        tpu.wait_indirect_dma semaphore(%run_scoped3A_305 : memref<!tpu.dma_semaphore, #tpu.memory_space<semaphore_mem>>) src(%dma_wait3A_316 : memref<80x128xf32, #tpu.memory_space<vmem>>) dst(%dma_wait3A_322 : memref<512x128xf32, #tpu.memory_space<vmem_shared>>)
        tpu.yield
      }) : () -> ()
      %run_scoped3A_304 = arith.constant 1 : i32
      "tpu.region"() ({
        %run_scoped3A_305 = tpu.sem_alloc : memref<!tpu.dma_semaphore, #tpu.memory_space<semaphore_mem>>
        %dma_start3A = arith.constant 0 : i32
        %dma_start3A_306 = tpu.memref_slice %arg11[%run_scoped3A_304, %dma_start3A] : memref<2x80xi32, #tpu.memory_space<vmem>> -> memref<1x80xi32, #tpu.memory_space<vmem>>
        %dma_start3A_307 = tpu.memref_squeeze %dma_start3A_306 : memref<1x80xi32, #tpu.memory_space<vmem>> -> memref<80xi32, #tpu.memory_space<vmem>>
        %dma_start3A_308 = arith.constant 0 : i32
        %dma_start3A_309 = arith.constant 0 : i32
        %dma_start3A_310 = tpu.memref_slice %arg14[%dma_start3A_308, %dma_start3A_309] : memref<512x128xf32, #tpu.memory_space<vmem_shared>> -> memref<512x128xf32, #tpu.memory_space<vmem_shared>>
        tpu.enqueue_indirect_dma source(%arg12 : memref<80x128xf32, #tpu.memory_space<vmem>>) target(%dma_start3A_310 : memref<512x128xf32, #tpu.memory_space<vmem_shared>>) offsets(%dma_start3A_307 : memref<80xi32, #tpu.memory_space<vmem>>) semaphore(%run_scoped3A_305 : memref<!tpu.dma_semaphore, #tpu.memory_space<semaphore_mem>>) {add = true}
        %dma_wait3A_311 = arith.constant 0 : i32
        %dma_wait3A_312 = tpu.memref_slice %arg11[%run_scoped3A_304, %dma_wait3A_311] : memref<2x80xi32, #tpu.memory_space<vmem>> -> memref<1x80xi32, #tpu.memory_space<vmem>>
        %dma_wait3A_313 = tpu.memref_squeeze %dma_wait3A_312 : memref<1x80xi32, #tpu.memory_space<vmem>> -> memref<80xi32, #tpu.memory_space<vmem>>
        %dma_wait3A_314 = arith.constant 0 : i32
        %dma_wait3A_315 = arith.constant 0 : i32
        %dma_wait3A_316 = tpu.memref_slice %arg14[%dma_wait3A_314, %dma_wait3A_315] : memref<512x128xf32, #tpu.memory_space<vmem_shared>> -> memref<512x128xf32, #tpu.memory_space<vmem_shared>>
        tpu.wait_indirect_dma semaphore(%run_scoped3A_305 : memref<!tpu.dma_semaphore, #tpu.memory_space<semaphore_mem>>) src(%arg12 : memref<80x128xf32, #tpu.memory_space<vmem>>) dst(%dma_wait3A_316 : memref<512x128xf32, #tpu.memory_space<vmem_shared>>)
        tpu.yield
      }) : () -> ()
    } else {
    }
    %add3A_97 = arith.constant 224 : i32
    %add3A_98 = arith.addi %add3A, %add3A_97 : i32
    %lt3A_99 = arith.constant 625 : i32
    %lt3A_100 = arith.cmpi slt, %add3A_98, %lt3A_99 : i32
    %convert_element_type3A_101 = arith.extui %lt3A_100 : i1 to i32
    %cond3A_102 = arith.constant 0 : i32
    %cond3A_103 = arith.cmpi ne, %convert_element_type3A_101, %cond3A_102 : i32
    scf.if %cond3A_103 {
      %mul3A_291 = arith.constant 160 : i32
      %mul3A_292 = arith.muli %add3A_98, %mul3A_291 : i32
      %dma_start3A = arith.constant 0 : i32
      %dma_start3A_293 = tpu.memref_slice %arg2[%mul3A_292, %dma_start3A] : memref<100000x128xf32, #tpu.memory_space<hbm>> -> memref<160x128xf32, #tpu.memory_space<hbm>>
      %dma_start3A_294 = arith.constant 0 : i32
      %dma_start3A_295 = tpu.memref_slice %arg2[%mul3A_292, %dma_start3A_294] : memref<100000x128xf32, #tpu.memory_space<hbm>> -> memref<160x128xf32, #tpu.memory_space<hbm>>
      tpu.enqueue_dma source(%dma_start3A_295 : memref<160x128xf32, #tpu.memory_space<hbm>>) target(%arg9 : memref<160x128xf32, #tpu.memory_space<vmem>>) target_semaphore(%arg16 : memref<!tpu.dma_semaphore, #tpu.memory_space<semaphore_mem>>)
      %mul3A_296 = arith.constant 2 : i32
      %mul3A_297 = arith.muli %add3A_98, %mul3A_296 : i32
      %dma_start3A_298 = arith.constant 0 : i32
      %dma_start3A_299 = tpu.memref_slice %arg3[%mul3A_297, %dma_start3A_298] : memref<1250x80xi32, #tpu.memory_space<hbm>> -> memref<2x80xi32, #tpu.memory_space<hbm>>
      %dma_start3A_300 = arith.constant 0 : i32
      %dma_start3A_301 = tpu.memref_slice %arg3[%mul3A_297, %dma_start3A_300] : memref<1250x80xi32, #tpu.memory_space<hbm>> -> memref<2x80xi32, #tpu.memory_space<hbm>>
      tpu.enqueue_dma source(%dma_start3A_301 : memref<2x80xi32, #tpu.memory_space<hbm>>) target(%arg11 : memref<2x80xi32, #tpu.memory_space<vmem>>) target_semaphore(%arg16 : memref<!tpu.dma_semaphore, #tpu.memory_space<semaphore_mem>>)
    } else {
    }
    %add3A_104 = arith.constant 192 : i32
    %add3A_105 = arith.addi %add3A, %add3A_104 : i32
    %lt3A_106 = arith.constant 625 : i32
    %lt3A_107 = arith.cmpi slt, %add3A_105, %lt3A_106 : i32
    %convert_element_type3A_108 = arith.extui %lt3A_107 : i1 to i32
    %cond3A_109 = arith.constant 0 : i32
    %cond3A_110 = arith.cmpi ne, %convert_element_type3A_108, %cond3A_109 : i32
    scf.if %cond3A_110 {
      %mul3A_291 = arith.constant 160 : i32
      %mul3A_292 = arith.muli %add3A_105, %mul3A_291 : i32
      %dma_wait3A = arith.constant 0 : i32
      %dma_wait3A_293 = tpu.memref_slice %arg2[%mul3A_292, %dma_wait3A] : memref<100000x128xf32, #tpu.memory_space<hbm>> -> memref<160x128xf32, #tpu.memory_space<hbm>>
      %dma_wait3A_294 = arith.constant 0 : i32
      %dma_wait3A_295 = tpu.memref_slice %arg2[%mul3A_292, %dma_wait3A_294] : memref<100000x128xf32, #tpu.memory_space<hbm>> -> memref<160x128xf32, #tpu.memory_space<hbm>>
      tpu.wait_dma2 semaphore(%arg15 : memref<!tpu.dma_semaphore, #tpu.memory_space<semaphore_mem>>) src(%dma_wait3A_295 : memref<160x128xf32, #tpu.memory_space<hbm>>) dst(%arg8 : memref<160x128xf32, #tpu.memory_space<vmem>>)
      %mul3A_296 = arith.constant 2 : i32
      %mul3A_297 = arith.muli %add3A_105, %mul3A_296 : i32
      %dma_wait3A_298 = arith.constant 0 : i32
      %dma_wait3A_299 = tpu.memref_slice %arg3[%mul3A_297, %dma_wait3A_298] : memref<1250x80xi32, #tpu.memory_space<hbm>> -> memref<2x80xi32, #tpu.memory_space<hbm>>
      %dma_wait3A_300 = arith.constant 0 : i32
      %dma_wait3A_301 = tpu.memref_slice %arg3[%mul3A_297, %dma_wait3A_300] : memref<1250x80xi32, #tpu.memory_space<hbm>> -> memref<2x80xi32, #tpu.memory_space<hbm>>
      tpu.wait_dma2 semaphore(%arg15 : memref<!tpu.dma_semaphore, #tpu.memory_space<semaphore_mem>>) src(%dma_wait3A_301 : memref<2x80xi32, #tpu.memory_space<hbm>>) dst(%arg10 : memref<2x80xi32, #tpu.memory_space<vmem>>)
      %run_scoped3A = arith.constant 0 : i32
      "tpu.region"() ({
        %run_scoped3A_305 = tpu.sem_alloc : memref<!tpu.dma_semaphore, #tpu.memory_space<semaphore_mem>>
        %dma_start3A = arith.constant 0 : i32
        %dma_start3A_306 = arith.constant 0 : i32
        %dma_start3A_307 = tpu.memref_slice %arg8[%dma_start3A, %dma_start3A_306] : memref<160x128xf32, #tpu.memory_space<vmem>> -> memref<80x128xf32, #tpu.memory_space<vmem>>
        %dma_start3A_308 = arith.constant 0 : i32
        %dma_start3A_309 = tpu.memref_slice %arg10[%run_scoped3A, %dma_start3A_308] : memref<2x80xi32, #tpu.memory_space<vmem>> -> memref<1x80xi32, #tpu.memory_space<vmem>>
        %dma_start3A_310 = tpu.memref_squeeze %dma_start3A_309 : memref<1x80xi32, #tpu.memory_space<vmem>> -> memref<80xi32, #tpu.memory_space<vmem>>
        %dma_start3A_311 = arith.constant 0 : i32
        %dma_start3A_312 = arith.constant 0 : i32
        %dma_start3A_313 = tpu.memref_slice %arg13[%dma_start3A_311, %dma_start3A_312] : memref<512x128xf32, #tpu.memory_space<vmem_shared>> -> memref<512x128xf32, #tpu.memory_space<vmem_shared>>
        tpu.enqueue_indirect_dma source(%dma_start3A_307 : memref<80x128xf32, #tpu.memory_space<vmem>>) target(%dma_start3A_313 : memref<512x128xf32, #tpu.memory_space<vmem_shared>>) offsets(%dma_start3A_310 : memref<80xi32, #tpu.memory_space<vmem>>) semaphore(%run_scoped3A_305 : memref<!tpu.dma_semaphore, #tpu.memory_space<semaphore_mem>>) {add = true}
        %dma_wait3A_314 = arith.constant 0 : i32
        %dma_wait3A_315 = arith.constant 0 : i32
        %dma_wait3A_316 = tpu.memref_slice %arg8[%dma_wait3A_314, %dma_wait3A_315] : memref<160x128xf32, #tpu.memory_space<vmem>> -> memref<80x128xf32, #tpu.memory_space<vmem>>
        %dma_wait3A_317 = arith.constant 0 : i32
        %dma_wait3A_318 = tpu.memref_slice %arg10[%run_scoped3A, %dma_wait3A_317] : memref<2x80xi32, #tpu.memory_space<vmem>> -> memref<1x80xi32, #tpu.memory_space<vmem>>
        %dma_wait3A_319 = tpu.memref_squeeze %dma_wait3A_318 : memref<1x80xi32, #tpu.memory_space<vmem>> -> memref<80xi32, #tpu.memory_space<vmem>>
        %dma_wait3A_320 = arith.constant 0 : i32
        %dma_wait3A_321 = arith.constant 0 : i32
        %dma_wait3A_322 = tpu.memref_slice %arg13[%dma_wait3A_320, %dma_wait3A_321] : memref<512x128xf32, #tpu.memory_space<vmem_shared>> -> memref<512x128xf32, #tpu.memory_space<vmem_shared>>
        tpu.wait_indirect_dma semaphore(%run_scoped3A_305 : memref<!tpu.dma_semaphore, #tpu.memory_space<semaphore_mem>>) src(%dma_wait3A_316 : memref<80x128xf32, #tpu.memory_space<vmem>>) dst(%dma_wait3A_322 : memref<512x128xf32, #tpu.memory_space<vmem_shared>>)
        tpu.yield
      }) : () -> ()
      %run_scoped3A_302 = arith.constant 0 : i32
      "tpu.region"() ({
        %run_scoped3A_305 = tpu.sem_alloc : memref<!tpu.dma_semaphore, #tpu.memory_space<semaphore_mem>>
        %dma_start3A = arith.constant 0 : i32
        %dma_start3A_306 = tpu.memref_slice %arg10[%run_scoped3A_302, %dma_start3A] : memref<2x80xi32, #tpu.memory_space<vmem>> -> memref<1x80xi32, #tpu.memory_space<vmem>>
        %dma_start3A_307 = tpu.memref_squeeze %dma_start3A_306 : memref<1x80xi32, #tpu.memory_space<vmem>> -> memref<80xi32, #tpu.memory_space<vmem>>
        %dma_start3A_308 = arith.constant 0 : i32
        %dma_start3A_309 = arith.constant 0 : i32
        %dma_start3A_310 = tpu.memref_slice %arg14[%dma_start3A_308, %dma_start3A_309] : memref<512x128xf32, #tpu.memory_space<vmem_shared>> -> memref<512x128xf32, #tpu.memory_space<vmem_shared>>
        tpu.enqueue_indirect_dma source(%arg12 : memref<80x128xf32, #tpu.memory_space<vmem>>) target(%dma_start3A_310 : memref<512x128xf32, #tpu.memory_space<vmem_shared>>) offsets(%dma_start3A_307 : memref<80xi32, #tpu.memory_space<vmem>>) semaphore(%run_scoped3A_305 : memref<!tpu.dma_semaphore, #tpu.memory_space<semaphore_mem>>) {add = true}
        %dma_wait3A_311 = arith.constant 0 : i32
        %dma_wait3A_312 = tpu.memref_slice %arg10[%run_scoped3A_302, %dma_wait3A_311] : memref<2x80xi32, #tpu.memory_space<vmem>> -> memref<1x80xi32, #tpu.memory_space<vmem>>
        %dma_wait3A_313 = tpu.memref_squeeze %dma_wait3A_312 : memref<1x80xi32, #tpu.memory_space<vmem>> -> memref<80xi32, #tpu.memory_space<vmem>>
        %dma_wait3A_314 = arith.constant 0 : i32
        %dma_wait3A_315 = arith.constant 0 : i32
        %dma_wait3A_316 = tpu.memref_slice %arg14[%dma_wait3A_314, %dma_wait3A_315] : memref<512x128xf32, #tpu.memory_space<vmem_shared>> -> memref<512x128xf32, #tpu.memory_space<vmem_shared>>
        tpu.wait_indirect_dma semaphore(%run_scoped3A_305 : memref<!tpu.dma_semaphore, #tpu.memory_space<semaphore_mem>>) src(%arg12 : memref<80x128xf32, #tpu.memory_space<vmem>>) dst(%dma_wait3A_316 : memref<512x128xf32, #tpu.memory_space<vmem_shared>>)
        tpu.yield
      }) : () -> ()
      %run_scoped3A_303 = arith.constant 1 : i32
      "tpu.region"() ({
        %run_scoped3A_305 = tpu.sem_alloc : memref<!tpu.dma_semaphore, #tpu.memory_space<semaphore_mem>>
        %dma_start3A = arith.constant 80 : i32
        %dma_start3A_306 = arith.constant 0 : i32
        %dma_start3A_307 = tpu.memref_slice %arg8[%dma_start3A, %dma_start3A_306] : memref<160x128xf32, #tpu.memory_space<vmem>> -> memref<80x128xf32, #tpu.memory_space<vmem>>
        %dma_start3A_308 = arith.constant 0 : i32
        %dma_start3A_309 = tpu.memref_slice %arg10[%run_scoped3A_303, %dma_start3A_308] : memref<2x80xi32, #tpu.memory_space<vmem>> -> memref<1x80xi32, #tpu.memory_space<vmem>>
        %dma_start3A_310 = tpu.memref_squeeze %dma_start3A_309 : memref<1x80xi32, #tpu.memory_space<vmem>> -> memref<80xi32, #tpu.memory_space<vmem>>
        %dma_start3A_311 = arith.constant 0 : i32
        %dma_start3A_312 = arith.constant 0 : i32
        %dma_start3A_313 = tpu.memref_slice %arg13[%dma_start3A_311, %dma_start3A_312] : memref<512x128xf32, #tpu.memory_space<vmem_shared>> -> memref<512x128xf32, #tpu.memory_space<vmem_shared>>
        tpu.enqueue_indirect_dma source(%dma_start3A_307 : memref<80x128xf32, #tpu.memory_space<vmem>>) target(%dma_start3A_313 : memref<512x128xf32, #tpu.memory_space<vmem_shared>>) offsets(%dma_start3A_310 : memref<80xi32, #tpu.memory_space<vmem>>) semaphore(%run_scoped3A_305 : memref<!tpu.dma_semaphore, #tpu.memory_space<semaphore_mem>>) {add = true}
        %dma_wait3A_314 = arith.constant 80 : i32
        %dma_wait3A_315 = arith.constant 0 : i32
        %dma_wait3A_316 = tpu.memref_slice %arg8[%dma_wait3A_314, %dma_wait3A_315] : memref<160x128xf32, #tpu.memory_space<vmem>> -> memref<80x128xf32, #tpu.memory_space<vmem>>
        %dma_wait3A_317 = arith.constant 0 : i32
        %dma_wait3A_318 = tpu.memref_slice %arg10[%run_scoped3A_303, %dma_wait3A_317] : memref<2x80xi32, #tpu.memory_space<vmem>> -> memref<1x80xi32, #tpu.memory_space<vmem>>
        %dma_wait3A_319 = tpu.memref_squeeze %dma_wait3A_318 : memref<1x80xi32, #tpu.memory_space<vmem>> -> memref<80xi32, #tpu.memory_space<vmem>>
        %dma_wait3A_320 = arith.constant 0 : i32
        %dma_wait3A_321 = arith.constant 0 : i32
        %dma_wait3A_322 = tpu.memref_slice %arg13[%dma_wait3A_320, %dma_wait3A_321] : memref<512x128xf32, #tpu.memory_space<vmem_shared>> -> memref<512x128xf32, #tpu.memory_space<vmem_shared>>
        tpu.wait_indirect_dma semaphore(%run_scoped3A_305 : memref<!tpu.dma_semaphore, #tpu.memory_space<semaphore_mem>>) src(%dma_wait3A_316 : memref<80x128xf32, #tpu.memory_space<vmem>>) dst(%dma_wait3A_322 : memref<512x128xf32, #tpu.memory_space<vmem_shared>>)
        tpu.yield
      }) : () -> ()
      %run_scoped3A_304 = arith.constant 1 : i32
      "tpu.region"() ({
        %run_scoped3A_305 = tpu.sem_alloc : memref<!tpu.dma_semaphore, #tpu.memory_space<semaphore_mem>>
        %dma_start3A = arith.constant 0 : i32
        %dma_start3A_306 = tpu.memref_slice %arg10[%run_scoped3A_304, %dma_start3A] : memref<2x80xi32, #tpu.memory_space<vmem>> -> memref<1x80xi32, #tpu.memory_space<vmem>>
        %dma_start3A_307 = tpu.memref_squeeze %dma_start3A_306 : memref<1x80xi32, #tpu.memory_space<vmem>> -> memref<80xi32, #tpu.memory_space<vmem>>
        %dma_start3A_308 = arith.constant 0 : i32
        %dma_start3A_309 = arith.constant 0 : i32
        %dma_start3A_310 = tpu.memref_slice %arg14[%dma_start3A_308, %dma_start3A_309] : memref<512x128xf32, #tpu.memory_space<vmem_shared>> -> memref<512x128xf32, #tpu.memory_space<vmem_shared>>
        tpu.enqueue_indirect_dma source(%arg12 : memref<80x128xf32, #tpu.memory_space<vmem>>) target(%dma_start3A_310 : memref<512x128xf32, #tpu.memory_space<vmem_shared>>) offsets(%dma_start3A_307 : memref<80xi32, #tpu.memory_space<vmem>>) semaphore(%run_scoped3A_305 : memref<!tpu.dma_semaphore, #tpu.memory_space<semaphore_mem>>) {add = true}
        %dma_wait3A_311 = arith.constant 0 : i32
        %dma_wait3A_312 = tpu.memref_slice %arg10[%run_scoped3A_304, %dma_wait3A_311] : memref<2x80xi32, #tpu.memory_space<vmem>> -> memref<1x80xi32, #tpu.memory_space<vmem>>
        %dma_wait3A_313 = tpu.memref_squeeze %dma_wait3A_312 : memref<1x80xi32, #tpu.memory_space<vmem>> -> memref<80xi32, #tpu.memory_space<vmem>>
        %dma_wait3A_314 = arith.constant 0 : i32
        %dma_wait3A_315 = arith.constant 0 : i32
        %dma_wait3A_316 = tpu.memref_slice %arg14[%dma_wait3A_314, %dma_wait3A_315] : memref<512x128xf32, #tpu.memory_space<vmem_shared>> -> memref<512x128xf32, #tpu.memory_space<vmem_shared>>
        tpu.wait_indirect_dma semaphore(%run_scoped3A_305 : memref<!tpu.dma_semaphore, #tpu.memory_space<semaphore_mem>>) src(%arg12 : memref<80x128xf32, #tpu.memory_space<vmem>>) dst(%dma_wait3A_316 : memref<512x128xf32, #tpu.memory_space<vmem_shared>>)
        tpu.yield
      }) : () -> ()
    } else {
    }
    %add3A_111 = arith.constant 256 : i32
    %add3A_112 = arith.addi %add3A, %add3A_111 : i32
    %lt3A_113 = arith.constant 625 : i32
    %lt3A_114 = arith.cmpi slt, %add3A_112, %lt3A_113 : i32
    %convert_element_type3A_115 = arith.extui %lt3A_114 : i1 to i32
    %cond3A_116 = arith.constant 0 : i32
    %cond3A_117 = arith.cmpi ne, %convert_element_type3A_115, %cond3A_116 : i32
    scf.if %cond3A_117 {
      %mul3A_291 = arith.constant 160 : i32
      %mul3A_292 = arith.muli %add3A_112, %mul3A_291 : i32
      %dma_start3A = arith.constant 0 : i32
      %dma_start3A_293 = tpu.memref_slice %arg2[%mul3A_292, %dma_start3A] : memref<100000x128xf32, #tpu.memory_space<hbm>> -> memref<160x128xf32, #tpu.memory_space<hbm>>
      %dma_start3A_294 = arith.constant 0 : i32
      %dma_start3A_295 = tpu.memref_slice %arg2[%mul3A_292, %dma_start3A_294] : memref<100000x128xf32, #tpu.memory_space<hbm>> -> memref<160x128xf32, #tpu.memory_space<hbm>>
      tpu.enqueue_dma source(%dma_start3A_295 : memref<160x128xf32, #tpu.memory_space<hbm>>) target(%arg8 : memref<160x128xf32, #tpu.memory_space<vmem>>) target_semaphore(%arg15 : memref<!tpu.dma_semaphore, #tpu.memory_space<semaphore_mem>>)
      %mul3A_296 = arith.constant 2 : i32
      %mul3A_297 = arith.muli %add3A_112, %mul3A_296 : i32
      %dma_start3A_298 = arith.constant 0 : i32
      %dma_start3A_299 = tpu.memref_slice %arg3[%mul3A_297, %dma_start3A_298] : memref<1250x80xi32, #tpu.memory_space<hbm>> -> memref<2x80xi32, #tpu.memory_space<hbm>>
      %dma_start3A_300 = arith.constant 0 : i32
      %dma_start3A_301 = tpu.memref_slice %arg3[%mul3A_297, %dma_start3A_300] : memref<1250x80xi32, #tpu.memory_space<hbm>> -> memref<2x80xi32, #tpu.memory_space<hbm>>
      tpu.enqueue_dma source(%dma_start3A_301 : memref<2x80xi32, #tpu.memory_space<hbm>>) target(%arg10 : memref<2x80xi32, #tpu.memory_space<vmem>>) target_semaphore(%arg15 : memref<!tpu.dma_semaphore, #tpu.memory_space<semaphore_mem>>)
    } else {
    }
    %add3A_118 = arith.constant 224 : i32
    %add3A_119 = arith.addi %add3A, %add3A_118 : i32
    %lt3A_120 = arith.constant 625 : i32
    %lt3A_121 = arith.cmpi slt, %add3A_119, %lt3A_120 : i32
    %convert_element_type3A_122 = arith.extui %lt3A_121 : i1 to i32
    %cond3A_123 = arith.constant 0 : i32
    %cond3A_124 = arith.cmpi ne, %convert_element_type3A_122, %cond3A_123 : i32
    scf.if %cond3A_124 {
      %mul3A_291 = arith.constant 160 : i32
      %mul3A_292 = arith.muli %add3A_119, %mul3A_291 : i32
      %dma_wait3A = arith.constant 0 : i32
      %dma_wait3A_293 = tpu.memref_slice %arg2[%mul3A_292, %dma_wait3A] : memref<100000x128xf32, #tpu.memory_space<hbm>> -> memref<160x128xf32, #tpu.memory_space<hbm>>
      %dma_wait3A_294 = arith.constant 0 : i32
      %dma_wait3A_295 = tpu.memref_slice %arg2[%mul3A_292, %dma_wait3A_294] : memref<100000x128xf32, #tpu.memory_space<hbm>> -> memref<160x128xf32, #tpu.memory_space<hbm>>
      tpu.wait_dma2 semaphore(%arg16 : memref<!tpu.dma_semaphore, #tpu.memory_space<semaphore_mem>>) src(%dma_wait3A_295 : memref<160x128xf32, #tpu.memory_space<hbm>>) dst(%arg9 : memref<160x128xf32, #tpu.memory_space<vmem>>)
      %mul3A_296 = arith.constant 2 : i32
      %mul3A_297 = arith.muli %add3A_119, %mul3A_296 : i32
      %dma_wait3A_298 = arith.constant 0 : i32
      %dma_wait3A_299 = tpu.memref_slice %arg3[%mul3A_297, %dma_wait3A_298] : memref<1250x80xi32, #tpu.memory_space<hbm>> -> memref<2x80xi32, #tpu.memory_space<hbm>>
      %dma_wait3A_300 = arith.constant 0 : i32
      %dma_wait3A_301 = tpu.memref_slice %arg3[%mul3A_297, %dma_wait3A_300] : memref<1250x80xi32, #tpu.memory_space<hbm>> -> memref<2x80xi32, #tpu.memory_space<hbm>>
      tpu.wait_dma2 semaphore(%arg16 : memref<!tpu.dma_semaphore, #tpu.memory_space<semaphore_mem>>) src(%dma_wait3A_301 : memref<2x80xi32, #tpu.memory_space<hbm>>) dst(%arg11 : memref<2x80xi32, #tpu.memory_space<vmem>>)
      %run_scoped3A = arith.constant 0 : i32
      "tpu.region"() ({
        %run_scoped3A_305 = tpu.sem_alloc : memref<!tpu.dma_semaphore, #tpu.memory_space<semaphore_mem>>
        %dma_start3A = arith.constant 0 : i32
        %dma_start3A_306 = arith.constant 0 : i32
        %dma_start3A_307 = tpu.memref_slice %arg9[%dma_start3A, %dma_start3A_306] : memref<160x128xf32, #tpu.memory_space<vmem>> -> memref<80x128xf32, #tpu.memory_space<vmem>>
        %dma_start3A_308 = arith.constant 0 : i32
        %dma_start3A_309 = tpu.memref_slice %arg11[%run_scoped3A, %dma_start3A_308] : memref<2x80xi32, #tpu.memory_space<vmem>> -> memref<1x80xi32, #tpu.memory_space<vmem>>
        %dma_start3A_310 = tpu.memref_squeeze %dma_start3A_309 : memref<1x80xi32, #tpu.memory_space<vmem>> -> memref<80xi32, #tpu.memory_space<vmem>>
        %dma_start3A_311 = arith.constant 0 : i32
        %dma_start3A_312 = arith.constant 0 : i32
        %dma_start3A_313 = tpu.memref_slice %arg13[%dma_start3A_311, %dma_start3A_312] : memref<512x128xf32, #tpu.memory_space<vmem_shared>> -> memref<512x128xf32, #tpu.memory_space<vmem_shared>>
        tpu.enqueue_indirect_dma source(%dma_start3A_307 : memref<80x128xf32, #tpu.memory_space<vmem>>) target(%dma_start3A_313 : memref<512x128xf32, #tpu.memory_space<vmem_shared>>) offsets(%dma_start3A_310 : memref<80xi32, #tpu.memory_space<vmem>>) semaphore(%run_scoped3A_305 : memref<!tpu.dma_semaphore, #tpu.memory_space<semaphore_mem>>) {add = true}
        %dma_wait3A_314 = arith.constant 0 : i32
        %dma_wait3A_315 = arith.constant 0 : i32
        %dma_wait3A_316 = tpu.memref_slice %arg9[%dma_wait3A_314, %dma_wait3A_315] : memref<160x128xf32, #tpu.memory_space<vmem>> -> memref<80x128xf32, #tpu.memory_space<vmem>>
        %dma_wait3A_317 = arith.constant 0 : i32
        %dma_wait3A_318 = tpu.memref_slice %arg11[%run_scoped3A, %dma_wait3A_317] : memref<2x80xi32, #tpu.memory_space<vmem>> -> memref<1x80xi32, #tpu.memory_space<vmem>>
        %dma_wait3A_319 = tpu.memref_squeeze %dma_wait3A_318 : memref<1x80xi32, #tpu.memory_space<vmem>> -> memref<80xi32, #tpu.memory_space<vmem>>
        %dma_wait3A_320 = arith.constant 0 : i32
        %dma_wait3A_321 = arith.constant 0 : i32
        %dma_wait3A_322 = tpu.memref_slice %arg13[%dma_wait3A_320, %dma_wait3A_321] : memref<512x128xf32, #tpu.memory_space<vmem_shared>> -> memref<512x128xf32, #tpu.memory_space<vmem_shared>>
        tpu.wait_indirect_dma semaphore(%run_scoped3A_305 : memref<!tpu.dma_semaphore, #tpu.memory_space<semaphore_mem>>) src(%dma_wait3A_316 : memref<80x128xf32, #tpu.memory_space<vmem>>) dst(%dma_wait3A_322 : memref<512x128xf32, #tpu.memory_space<vmem_shared>>)
        tpu.yield
      }) : () -> ()
      %run_scoped3A_302 = arith.constant 0 : i32
      "tpu.region"() ({
        %run_scoped3A_305 = tpu.sem_alloc : memref<!tpu.dma_semaphore, #tpu.memory_space<semaphore_mem>>
        %dma_start3A = arith.constant 0 : i32
        %dma_start3A_306 = tpu.memref_slice %arg11[%run_scoped3A_302, %dma_start3A] : memref<2x80xi32, #tpu.memory_space<vmem>> -> memref<1x80xi32, #tpu.memory_space<vmem>>
        %dma_start3A_307 = tpu.memref_squeeze %dma_start3A_306 : memref<1x80xi32, #tpu.memory_space<vmem>> -> memref<80xi32, #tpu.memory_space<vmem>>
        %dma_start3A_308 = arith.constant 0 : i32
        %dma_start3A_309 = arith.constant 0 : i32
        %dma_start3A_310 = tpu.memref_slice %arg14[%dma_start3A_308, %dma_start3A_309] : memref<512x128xf32, #tpu.memory_space<vmem_shared>> -> memref<512x128xf32, #tpu.memory_space<vmem_shared>>
        tpu.enqueue_indirect_dma source(%arg12 : memref<80x128xf32, #tpu.memory_space<vmem>>) target(%dma_start3A_310 : memref<512x128xf32, #tpu.memory_space<vmem_shared>>) offsets(%dma_start3A_307 : memref<80xi32, #tpu.memory_space<vmem>>) semaphore(%run_scoped3A_305 : memref<!tpu.dma_semaphore, #tpu.memory_space<semaphore_mem>>) {add = true}
        %dma_wait3A_311 = arith.constant 0 : i32
        %dma_wait3A_312 = tpu.memref_slice %arg11[%run_scoped3A_302, %dma_wait3A_311] : memref<2x80xi32, #tpu.memory_space<vmem>> -> memref<1x80xi32, #tpu.memory_space<vmem>>
        %dma_wait3A_313 = tpu.memref_squeeze %dma_wait3A_312 : memref<1x80xi32, #tpu.memory_space<vmem>> -> memref<80xi32, #tpu.memory_space<vmem>>
        %dma_wait3A_314 = arith.constant 0 : i32
        %dma_wait3A_315 = arith.constant 0 : i32
        %dma_wait3A_316 = tpu.memref_slice %arg14[%dma_wait3A_314, %dma_wait3A_315] : memref<512x128xf32, #tpu.memory_space<vmem_shared>> -> memref<512x128xf32, #tpu.memory_space<vmem_shared>>
        tpu.wait_indirect_dma semaphore(%run_scoped3A_305 : memref<!tpu.dma_semaphore, #tpu.memory_space<semaphore_mem>>) src(%arg12 : memref<80x128xf32, #tpu.memory_space<vmem>>) dst(%dma_wait3A_316 : memref<512x128xf32, #tpu.memory_space<vmem_shared>>)
        tpu.yield
      }) : () -> ()
      %run_scoped3A_303 = arith.constant 1 : i32
      "tpu.region"() ({
        %run_scoped3A_305 = tpu.sem_alloc : memref<!tpu.dma_semaphore, #tpu.memory_space<semaphore_mem>>
        %dma_start3A = arith.constant 80 : i32
        %dma_start3A_306 = arith.constant 0 : i32
        %dma_start3A_307 = tpu.memref_slice %arg9[%dma_start3A, %dma_start3A_306] : memref<160x128xf32, #tpu.memory_space<vmem>> -> memref<80x128xf32, #tpu.memory_space<vmem>>
        %dma_start3A_308 = arith.constant 0 : i32
        %dma_start3A_309 = tpu.memref_slice %arg11[%run_scoped3A_303, %dma_start3A_308] : memref<2x80xi32, #tpu.memory_space<vmem>> -> memref<1x80xi32, #tpu.memory_space<vmem>>
        %dma_start3A_310 = tpu.memref_squeeze %dma_start3A_309 : memref<1x80xi32, #tpu.memory_space<vmem>> -> memref<80xi32, #tpu.memory_space<vmem>>
        %dma_start3A_311 = arith.constant 0 : i32
        %dma_start3A_312 = arith.constant 0 : i32
        %dma_start3A_313 = tpu.memref_slice %arg13[%dma_start3A_311, %dma_start3A_312] : memref<512x128xf32, #tpu.memory_space<vmem_shared>> -> memref<512x128xf32, #tpu.memory_space<vmem_shared>>
        tpu.enqueue_indirect_dma source(%dma_start3A_307 : memref<80x128xf32, #tpu.memory_space<vmem>>) target(%dma_start3A_313 : memref<512x128xf32, #tpu.memory_space<vmem_shared>>) offsets(%dma_start3A_310 : memref<80xi32, #tpu.memory_space<vmem>>) semaphore(%run_scoped3A_305 : memref<!tpu.dma_semaphore, #tpu.memory_space<semaphore_mem>>) {add = true}
        %dma_wait3A_314 = arith.constant 80 : i32
        %dma_wait3A_315 = arith.constant 0 : i32
        %dma_wait3A_316 = tpu.memref_slice %arg9[%dma_wait3A_314, %dma_wait3A_315] : memref<160x128xf32, #tpu.memory_space<vmem>> -> memref<80x128xf32, #tpu.memory_space<vmem>>
        %dma_wait3A_317 = arith.constant 0 : i32
        %dma_wait3A_318 = tpu.memref_slice %arg11[%run_scoped3A_303, %dma_wait3A_317] : memref<2x80xi32, #tpu.memory_space<vmem>> -> memref<1x80xi32, #tpu.memory_space<vmem>>
        %dma_wait3A_319 = tpu.memref_squeeze %dma_wait3A_318 : memref<1x80xi32, #tpu.memory_space<vmem>> -> memref<80xi32, #tpu.memory_space<vmem>>
        %dma_wait3A_320 = arith.constant 0 : i32
        %dma_wait3A_321 = arith.constant 0 : i32
        %dma_wait3A_322 = tpu.memref_slice %arg13[%dma_wait3A_320, %dma_wait3A_321] : memref<512x128xf32, #tpu.memory_space<vmem_shared>> -> memref<512x128xf32, #tpu.memory_space<vmem_shared>>
        tpu.wait_indirect_dma semaphore(%run_scoped3A_305 : memref<!tpu.dma_semaphore, #tpu.memory_space<semaphore_mem>>) src(%dma_wait3A_316 : memref<80x128xf32, #tpu.memory_space<vmem>>) dst(%dma_wait3A_322 : memref<512x128xf32, #tpu.memory_space<vmem_shared>>)
        tpu.yield
      }) : () -> ()
      %run_scoped3A_304 = arith.constant 1 : i32
      "tpu.region"() ({
        %run_scoped3A_305 = tpu.sem_alloc : memref<!tpu.dma_semaphore, #tpu.memory_space<semaphore_mem>>
        %dma_start3A = arith.constant 0 : i32
        %dma_start3A_306 = tpu.memref_slice %arg11[%run_scoped3A_304, %dma_start3A] : memref<2x80xi32, #tpu.memory_space<vmem>> -> memref<1x80xi32, #tpu.memory_space<vmem>>
        %dma_start3A_307 = tpu.memref_squeeze %dma_start3A_306 : memref<1x80xi32, #tpu.memory_space<vmem>> -> memref<80xi32, #tpu.memory_space<vmem>>
        %dma_start3A_308 = arith.constant 0 : i32
        %dma_start3A_309 = arith.constant 0 : i32
        %dma_start3A_310 = tpu.memref_slice %arg14[%dma_start3A_308, %dma_start3A_309] : memref<512x128xf32, #tpu.memory_space<vmem_shared>> -> memref<512x128xf32, #tpu.memory_space<vmem_shared>>
        tpu.enqueue_indirect_dma source(%arg12 : memref<80x128xf32, #tpu.memory_space<vmem>>) target(%dma_start3A_310 : memref<512x128xf32, #tpu.memory_space<vmem_shared>>) offsets(%dma_start3A_307 : memref<80xi32, #tpu.memory_space<vmem>>) semaphore(%run_scoped3A_305 : memref<!tpu.dma_semaphore, #tpu.memory_space<semaphore_mem>>) {add = true}
        %dma_wait3A_311 = arith.constant 0 : i32
        %dma_wait3A_312 = tpu.memref_slice %arg11[%run_scoped3A_304, %dma_wait3A_311] : memref<2x80xi32, #tpu.memory_space<vmem>> -> memref<1x80xi32, #tpu.memory_space<vmem>>
        %dma_wait3A_313 = tpu.memref_squeeze %dma_wait3A_312 : memref<1x80xi32, #tpu.memory_space<vmem>> -> memref<80xi32, #tpu.memory_space<vmem>>
        %dma_wait3A_314 = arith.constant 0 : i32
        %dma_wait3A_315 = arith.constant 0 : i32
        %dma_wait3A_316 = tpu.memref_slice %arg14[%dma_wait3A_314, %dma_wait3A_315] : memref<512x128xf32, #tpu.memory_space<vmem_shared>> -> memref<512x128xf32, #tpu.memory_space<vmem_shared>>
        tpu.wait_indirect_dma semaphore(%run_scoped3A_305 : memref<!tpu.dma_semaphore, #tpu.memory_space<semaphore_mem>>) src(%arg12 : memref<80x128xf32, #tpu.memory_space<vmem>>) dst(%dma_wait3A_316 : memref<512x128xf32, #tpu.memory_space<vmem_shared>>)
        tpu.yield
      }) : () -> ()
    } else {
    }
    %add3A_125 = arith.constant 288 : i32
    %add3A_126 = arith.addi %add3A, %add3A_125 : i32
    %lt3A_127 = arith.constant 625 : i32
    %lt3A_128 = arith.cmpi slt, %add3A_126, %lt3A_127 : i32
    %convert_element_type3A_129 = arith.extui %lt3A_128 : i1 to i32
    %cond3A_130 = arith.constant 0 : i32
    %cond3A_131 = arith.cmpi ne, %convert_element_type3A_129, %cond3A_130 : i32
    scf.if %cond3A_131 {
      %mul3A_291 = arith.constant 160 : i32
      %mul3A_292 = arith.muli %add3A_126, %mul3A_291 : i32
      %dma_start3A = arith.constant 0 : i32
      %dma_start3A_293 = tpu.memref_slice %arg2[%mul3A_292, %dma_start3A] : memref<100000x128xf32, #tpu.memory_space<hbm>> -> memref<160x128xf32, #tpu.memory_space<hbm>>
      %dma_start3A_294 = arith.constant 0 : i32
      %dma_start3A_295 = tpu.memref_slice %arg2[%mul3A_292, %dma_start3A_294] : memref<100000x128xf32, #tpu.memory_space<hbm>> -> memref<160x128xf32, #tpu.memory_space<hbm>>
      tpu.enqueue_dma source(%dma_start3A_295 : memref<160x128xf32, #tpu.memory_space<hbm>>) target(%arg9 : memref<160x128xf32, #tpu.memory_space<vmem>>) target_semaphore(%arg16 : memref<!tpu.dma_semaphore, #tpu.memory_space<semaphore_mem>>)
      %mul3A_296 = arith.constant 2 : i32
      %mul3A_297 = arith.muli %add3A_126, %mul3A_296 : i32
      %dma_start3A_298 = arith.constant 0 : i32
      %dma_start3A_299 = tpu.memref_slice %arg3[%mul3A_297, %dma_start3A_298] : memref<1250x80xi32, #tpu.memory_space<hbm>> -> memref<2x80xi32, #tpu.memory_space<hbm>>
      %dma_start3A_300 = arith.constant 0 : i32
      %dma_start3A_301 = tpu.memref_slice %arg3[%mul3A_297, %dma_start3A_300] : memref<1250x80xi32, #tpu.memory_space<hbm>> -> memref<2x80xi32, #tpu.memory_space<hbm>>
      tpu.enqueue_dma source(%dma_start3A_301 : memref<2x80xi32, #tpu.memory_space<hbm>>) target(%arg11 : memref<2x80xi32, #tpu.memory_space<vmem>>) target_semaphore(%arg16 : memref<!tpu.dma_semaphore, #tpu.memory_space<semaphore_mem>>)
    } else {
    }
    %add3A_132 = arith.constant 256 : i32
    %add3A_133 = arith.addi %add3A, %add3A_132 : i32
    %lt3A_134 = arith.constant 625 : i32
    %lt3A_135 = arith.cmpi slt, %add3A_133, %lt3A_134 : i32
    %convert_element_type3A_136 = arith.extui %lt3A_135 : i1 to i32
    %cond3A_137 = arith.constant 0 : i32
    %cond3A_138 = arith.cmpi ne, %convert_element_type3A_136, %cond3A_137 : i32
    scf.if %cond3A_138 {
      %mul3A_291 = arith.constant 160 : i32
      %mul3A_292 = arith.muli %add3A_133, %mul3A_291 : i32
      %dma_wait3A = arith.constant 0 : i32
      %dma_wait3A_293 = tpu.memref_slice %arg2[%mul3A_292, %dma_wait3A] : memref<100000x128xf32, #tpu.memory_space<hbm>> -> memref<160x128xf32, #tpu.memory_space<hbm>>
      %dma_wait3A_294 = arith.constant 0 : i32
      %dma_wait3A_295 = tpu.memref_slice %arg2[%mul3A_292, %dma_wait3A_294] : memref<100000x128xf32, #tpu.memory_space<hbm>> -> memref<160x128xf32, #tpu.memory_space<hbm>>
      tpu.wait_dma2 semaphore(%arg15 : memref<!tpu.dma_semaphore, #tpu.memory_space<semaphore_mem>>) src(%dma_wait3A_295 : memref<160x128xf32, #tpu.memory_space<hbm>>) dst(%arg8 : memref<160x128xf32, #tpu.memory_space<vmem>>)
      %mul3A_296 = arith.constant 2 : i32
      %mul3A_297 = arith.muli %add3A_133, %mul3A_296 : i32
      %dma_wait3A_298 = arith.constant 0 : i32
      %dma_wait3A_299 = tpu.memref_slice %arg3[%mul3A_297, %dma_wait3A_298] : memref<1250x80xi32, #tpu.memory_space<hbm>> -> memref<2x80xi32, #tpu.memory_space<hbm>>
      %dma_wait3A_300 = arith.constant 0 : i32
      %dma_wait3A_301 = tpu.memref_slice %arg3[%mul3A_297, %dma_wait3A_300] : memref<1250x80xi32, #tpu.memory_space<hbm>> -> memref<2x80xi32, #tpu.memory_space<hbm>>
      tpu.wait_dma2 semaphore(%arg15 : memref<!tpu.dma_semaphore, #tpu.memory_space<semaphore_mem>>) src(%dma_wait3A_301 : memref<2x80xi32, #tpu.memory_space<hbm>>) dst(%arg10 : memref<2x80xi32, #tpu.memory_space<vmem>>)
      %run_scoped3A = arith.constant 0 : i32
      "tpu.region"() ({
        %run_scoped3A_305 = tpu.sem_alloc : memref<!tpu.dma_semaphore, #tpu.memory_space<semaphore_mem>>
        %dma_start3A = arith.constant 0 : i32
        %dma_start3A_306 = arith.constant 0 : i32
        %dma_start3A_307 = tpu.memref_slice %arg8[%dma_start3A, %dma_start3A_306] : memref<160x128xf32, #tpu.memory_space<vmem>> -> memref<80x128xf32, #tpu.memory_space<vmem>>
        %dma_start3A_308 = arith.constant 0 : i32
        %dma_start3A_309 = tpu.memref_slice %arg10[%run_scoped3A, %dma_start3A_308] : memref<2x80xi32, #tpu.memory_space<vmem>> -> memref<1x80xi32, #tpu.memory_space<vmem>>
        %dma_start3A_310 = tpu.memref_squeeze %dma_start3A_309 : memref<1x80xi32, #tpu.memory_space<vmem>> -> memref<80xi32, #tpu.memory_space<vmem>>
        %dma_start3A_311 = arith.constant 0 : i32
        %dma_start3A_312 = arith.constant 0 : i32
        %dma_start3A_313 = tpu.memref_slice %arg13[%dma_start3A_311, %dma_start3A_312] : memref<512x128xf32, #tpu.memory_space<vmem_shared>> -> memref<512x128xf32, #tpu.memory_space<vmem_shared>>
        tpu.enqueue_indirect_dma source(%dma_start3A_307 : memref<80x128xf32, #tpu.memory_space<vmem>>) target(%dma_start3A_313 : memref<512x128xf32, #tpu.memory_space<vmem_shared>>) offsets(%dma_start3A_310 : memref<80xi32, #tpu.memory_space<vmem>>) semaphore(%run_scoped3A_305 : memref<!tpu.dma_semaphore, #tpu.memory_space<semaphore_mem>>) {add = true}
        %dma_wait3A_314 = arith.constant 0 : i32
        %dma_wait3A_315 = arith.constant 0 : i32
        %dma_wait3A_316 = tpu.memref_slice %arg8[%dma_wait3A_314, %dma_wait3A_315] : memref<160x128xf32, #tpu.memory_space<vmem>> -> memref<80x128xf32, #tpu.memory_space<vmem>>
        %dma_wait3A_317 = arith.constant 0 : i32
        %dma_wait3A_318 = tpu.memref_slice %arg10[%run_scoped3A, %dma_wait3A_317] : memref<2x80xi32, #tpu.memory_space<vmem>> -> memref<1x80xi32, #tpu.memory_space<vmem>>
        %dma_wait3A_319 = tpu.memref_squeeze %dma_wait3A_318 : memref<1x80xi32, #tpu.memory_space<vmem>> -> memref<80xi32, #tpu.memory_space<vmem>>
        %dma_wait3A_320 = arith.constant 0 : i32
        %dma_wait3A_321 = arith.constant 0 : i32
        %dma_wait3A_322 = tpu.memref_slice %arg13[%dma_wait3A_320, %dma_wait3A_321] : memref<512x128xf32, #tpu.memory_space<vmem_shared>> -> memref<512x128xf32, #tpu.memory_space<vmem_shared>>
        tpu.wait_indirect_dma semaphore(%run_scoped3A_305 : memref<!tpu.dma_semaphore, #tpu.memory_space<semaphore_mem>>) src(%dma_wait3A_316 : memref<80x128xf32, #tpu.memory_space<vmem>>) dst(%dma_wait3A_322 : memref<512x128xf32, #tpu.memory_space<vmem_shared>>)
        tpu.yield
      }) : () -> ()
      %run_scoped3A_302 = arith.constant 0 : i32
      "tpu.region"() ({
        %run_scoped3A_305 = tpu.sem_alloc : memref<!tpu.dma_semaphore, #tpu.memory_space<semaphore_mem>>
        %dma_start3A = arith.constant 0 : i32
        %dma_start3A_306 = tpu.memref_slice %arg10[%run_scoped3A_302, %dma_start3A] : memref<2x80xi32, #tpu.memory_space<vmem>> -> memref<1x80xi32, #tpu.memory_space<vmem>>
        %dma_start3A_307 = tpu.memref_squeeze %dma_start3A_306 : memref<1x80xi32, #tpu.memory_space<vmem>> -> memref<80xi32, #tpu.memory_space<vmem>>
        %dma_start3A_308 = arith.constant 0 : i32
        %dma_start3A_309 = arith.constant 0 : i32
        %dma_start3A_310 = tpu.memref_slice %arg14[%dma_start3A_308, %dma_start3A_309] : memref<512x128xf32, #tpu.memory_space<vmem_shared>> -> memref<512x128xf32, #tpu.memory_space<vmem_shared>>
        tpu.enqueue_indirect_dma source(%arg12 : memref<80x128xf32, #tpu.memory_space<vmem>>) target(%dma_start3A_310 : memref<512x128xf32, #tpu.memory_space<vmem_shared>>) offsets(%dma_start3A_307 : memref<80xi32, #tpu.memory_space<vmem>>) semaphore(%run_scoped3A_305 : memref<!tpu.dma_semaphore, #tpu.memory_space<semaphore_mem>>) {add = true}
        %dma_wait3A_311 = arith.constant 0 : i32
        %dma_wait3A_312 = tpu.memref_slice %arg10[%run_scoped3A_302, %dma_wait3A_311] : memref<2x80xi32, #tpu.memory_space<vmem>> -> memref<1x80xi32, #tpu.memory_space<vmem>>
        %dma_wait3A_313 = tpu.memref_squeeze %dma_wait3A_312 : memref<1x80xi32, #tpu.memory_space<vmem>> -> memref<80xi32, #tpu.memory_space<vmem>>
        %dma_wait3A_314 = arith.constant 0 : i32
        %dma_wait3A_315 = arith.constant 0 : i32
        %dma_wait3A_316 = tpu.memref_slice %arg14[%dma_wait3A_314, %dma_wait3A_315] : memref<512x128xf32, #tpu.memory_space<vmem_shared>> -> memref<512x128xf32, #tpu.memory_space<vmem_shared>>
        tpu.wait_indirect_dma semaphore(%run_scoped3A_305 : memref<!tpu.dma_semaphore, #tpu.memory_space<semaphore_mem>>) src(%arg12 : memref<80x128xf32, #tpu.memory_space<vmem>>) dst(%dma_wait3A_316 : memref<512x128xf32, #tpu.memory_space<vmem_shared>>)
        tpu.yield
      }) : () -> ()
      %run_scoped3A_303 = arith.constant 1 : i32
      "tpu.region"() ({
        %run_scoped3A_305 = tpu.sem_alloc : memref<!tpu.dma_semaphore, #tpu.memory_space<semaphore_mem>>
        %dma_start3A = arith.constant 80 : i32
        %dma_start3A_306 = arith.constant 0 : i32
        %dma_start3A_307 = tpu.memref_slice %arg8[%dma_start3A, %dma_start3A_306] : memref<160x128xf32, #tpu.memory_space<vmem>> -> memref<80x128xf32, #tpu.memory_space<vmem>>
        %dma_start3A_308 = arith.constant 0 : i32
        %dma_start3A_309 = tpu.memref_slice %arg10[%run_scoped3A_303, %dma_start3A_308] : memref<2x80xi32, #tpu.memory_space<vmem>> -> memref<1x80xi32, #tpu.memory_space<vmem>>
        %dma_start3A_310 = tpu.memref_squeeze %dma_start3A_309 : memref<1x80xi32, #tpu.memory_space<vmem>> -> memref<80xi32, #tpu.memory_space<vmem>>
        %dma_start3A_311 = arith.constant 0 : i32
        %dma_start3A_312 = arith.constant 0 : i32
        %dma_start3A_313 = tpu.memref_slice %arg13[%dma_start3A_311, %dma_start3A_312] : memref<512x128xf32, #tpu.memory_space<vmem_shared>> -> memref<512x128xf32, #tpu.memory_space<vmem_shared>>
        tpu.enqueue_indirect_dma source(%dma_start3A_307 : memref<80x128xf32, #tpu.memory_space<vmem>>) target(%dma_start3A_313 : memref<512x128xf32, #tpu.memory_space<vmem_shared>>) offsets(%dma_start3A_310 : memref<80xi32, #tpu.memory_space<vmem>>) semaphore(%run_scoped3A_305 : memref<!tpu.dma_semaphore, #tpu.memory_space<semaphore_mem>>) {add = true}
        %dma_wait3A_314 = arith.constant 80 : i32
        %dma_wait3A_315 = arith.constant 0 : i32
        %dma_wait3A_316 = tpu.memref_slice %arg8[%dma_wait3A_314, %dma_wait3A_315] : memref<160x128xf32, #tpu.memory_space<vmem>> -> memref<80x128xf32, #tpu.memory_space<vmem>>
        %dma_wait3A_317 = arith.constant 0 : i32
        %dma_wait3A_318 = tpu.memref_slice %arg10[%run_scoped3A_303, %dma_wait3A_317] : memref<2x80xi32, #tpu.memory_space<vmem>> -> memref<1x80xi32, #tpu.memory_space<vmem>>
        %dma_wait3A_319 = tpu.memref_squeeze %dma_wait3A_318 : memref<1x80xi32, #tpu.memory_space<vmem>> -> memref<80xi32, #tpu.memory_space<vmem>>
        %dma_wait3A_320 = arith.constant 0 : i32
        %dma_wait3A_321 = arith.constant 0 : i32
        %dma_wait3A_322 = tpu.memref_slice %arg13[%dma_wait3A_320, %dma_wait3A_321] : memref<512x128xf32, #tpu.memory_space<vmem_shared>> -> memref<512x128xf32, #tpu.memory_space<vmem_shared>>
        tpu.wait_indirect_dma semaphore(%run_scoped3A_305 : memref<!tpu.dma_semaphore, #tpu.memory_space<semaphore_mem>>) src(%dma_wait3A_316 : memref<80x128xf32, #tpu.memory_space<vmem>>) dst(%dma_wait3A_322 : memref<512x128xf32, #tpu.memory_space<vmem_shared>>)
        tpu.yield
      }) : () -> ()
      %run_scoped3A_304 = arith.constant 1 : i32
      "tpu.region"() ({
        %run_scoped3A_305 = tpu.sem_alloc : memref<!tpu.dma_semaphore, #tpu.memory_space<semaphore_mem>>
        %dma_start3A = arith.constant 0 : i32
        %dma_start3A_306 = tpu.memref_slice %arg10[%run_scoped3A_304, %dma_start3A] : memref<2x80xi32, #tpu.memory_space<vmem>> -> memref<1x80xi32, #tpu.memory_space<vmem>>
        %dma_start3A_307 = tpu.memref_squeeze %dma_start3A_306 : memref<1x80xi32, #tpu.memory_space<vmem>> -> memref<80xi32, #tpu.memory_space<vmem>>
        %dma_start3A_308 = arith.constant 0 : i32
        %dma_start3A_309 = arith.constant 0 : i32
        %dma_start3A_310 = tpu.memref_slice %arg14[%dma_start3A_308, %dma_start3A_309] : memref<512x128xf32, #tpu.memory_space<vmem_shared>> -> memref<512x128xf32, #tpu.memory_space<vmem_shared>>
        tpu.enqueue_indirect_dma source(%arg12 : memref<80x128xf32, #tpu.memory_space<vmem>>) target(%dma_start3A_310 : memref<512x128xf32, #tpu.memory_space<vmem_shared>>) offsets(%dma_start3A_307 : memref<80xi32, #tpu.memory_space<vmem>>) semaphore(%run_scoped3A_305 : memref<!tpu.dma_semaphore, #tpu.memory_space<semaphore_mem>>) {add = true}
        %dma_wait3A_311 = arith.constant 0 : i32
        %dma_wait3A_312 = tpu.memref_slice %arg10[%run_scoped3A_304, %dma_wait3A_311] : memref<2x80xi32, #tpu.memory_space<vmem>> -> memref<1x80xi32, #tpu.memory_space<vmem>>
        %dma_wait3A_313 = tpu.memref_squeeze %dma_wait3A_312 : memref<1x80xi32, #tpu.memory_space<vmem>> -> memref<80xi32, #tpu.memory_space<vmem>>
        %dma_wait3A_314 = arith.constant 0 : i32
        %dma_wait3A_315 = arith.constant 0 : i32
        %dma_wait3A_316 = tpu.memref_slice %arg14[%dma_wait3A_314, %dma_wait3A_315] : memref<512x128xf32, #tpu.memory_space<vmem_shared>> -> memref<512x128xf32, #tpu.memory_space<vmem_shared>>
        tpu.wait_indirect_dma semaphore(%run_scoped3A_305 : memref<!tpu.dma_semaphore, #tpu.memory_space<semaphore_mem>>) src(%arg12 : memref<80x128xf32, #tpu.memory_space<vmem>>) dst(%dma_wait3A_316 : memref<512x128xf32, #tpu.memory_space<vmem_shared>>)
        tpu.yield
      }) : () -> ()
    } else {
    }
    %add3A_139 = arith.constant 320 : i32
    %add3A_140 = arith.addi %add3A, %add3A_139 : i32
    %lt3A_141 = arith.constant 625 : i32
    %lt3A_142 = arith.cmpi slt, %add3A_140, %lt3A_141 : i32
    %convert_element_type3A_143 = arith.extui %lt3A_142 : i1 to i32
    %cond3A_144 = arith.constant 0 : i32
    %cond3A_145 = arith.cmpi ne, %convert_element_type3A_143, %cond3A_144 : i32
    scf.if %cond3A_145 {
      %mul3A_291 = arith.constant 160 : i32
      %mul3A_292 = arith.muli %add3A_140, %mul3A_291 : i32
      %dma_start3A = arith.constant 0 : i32
      %dma_start3A_293 = tpu.memref_slice %arg2[%mul3A_292, %dma_start3A] : memref<100000x128xf32, #tpu.memory_space<hbm>> -> memref<160x128xf32, #tpu.memory_space<hbm>>
      %dma_start3A_294 = arith.constant 0 : i32
      %dma_start3A_295 = tpu.memref_slice %arg2[%mul3A_292, %dma_start3A_294] : memref<100000x128xf32, #tpu.memory_space<hbm>> -> memref<160x128xf32, #tpu.memory_space<hbm>>
      tpu.enqueue_dma source(%dma_start3A_295 : memref<160x128xf32, #tpu.memory_space<hbm>>) target(%arg8 : memref<160x128xf32, #tpu.memory_space<vmem>>) target_semaphore(%arg15 : memref<!tpu.dma_semaphore, #tpu.memory_space<semaphore_mem>>)
      %mul3A_296 = arith.constant 2 : i32
      %mul3A_297 = arith.muli %add3A_140, %mul3A_296 : i32
      %dma_start3A_298 = arith.constant 0 : i32
      %dma_start3A_299 = tpu.memref_slice %arg3[%mul3A_297, %dma_start3A_298] : memref<1250x80xi32, #tpu.memory_space<hbm>> -> memref<2x80xi32, #tpu.memory_space<hbm>>
      %dma_start3A_300 = arith.constant 0 : i32
      %dma_start3A_301 = tpu.memref_slice %arg3[%mul3A_297, %dma_start3A_300] : memref<1250x80xi32, #tpu.memory_space<hbm>> -> memref<2x80xi32, #tpu.memory_space<hbm>>
      tpu.enqueue_dma source(%dma_start3A_301 : memref<2x80xi32, #tpu.memory_space<hbm>>) target(%arg10 : memref<2x80xi32, #tpu.memory_space<vmem>>) target_semaphore(%arg15 : memref<!tpu.dma_semaphore, #tpu.memory_space<semaphore_mem>>)
    } else {
    }
    %add3A_146 = arith.constant 288 : i32
    %add3A_147 = arith.addi %add3A, %add3A_146 : i32
    %lt3A_148 = arith.constant 625 : i32
    %lt3A_149 = arith.cmpi slt, %add3A_147, %lt3A_148 : i32
    %convert_element_type3A_150 = arith.extui %lt3A_149 : i1 to i32
    %cond3A_151 = arith.constant 0 : i32
    %cond3A_152 = arith.cmpi ne, %convert_element_type3A_150, %cond3A_151 : i32
    scf.if %cond3A_152 {
      %mul3A_291 = arith.constant 160 : i32
      %mul3A_292 = arith.muli %add3A_147, %mul3A_291 : i32
      %dma_wait3A = arith.constant 0 : i32
      %dma_wait3A_293 = tpu.memref_slice %arg2[%mul3A_292, %dma_wait3A] : memref<100000x128xf32, #tpu.memory_space<hbm>> -> memref<160x128xf32, #tpu.memory_space<hbm>>
      %dma_wait3A_294 = arith.constant 0 : i32
      %dma_wait3A_295 = tpu.memref_slice %arg2[%mul3A_292, %dma_wait3A_294] : memref<100000x128xf32, #tpu.memory_space<hbm>> -> memref<160x128xf32, #tpu.memory_space<hbm>>
      tpu.wait_dma2 semaphore(%arg16 : memref<!tpu.dma_semaphore, #tpu.memory_space<semaphore_mem>>) src(%dma_wait3A_295 : memref<160x128xf32, #tpu.memory_space<hbm>>) dst(%arg9 : memref<160x128xf32, #tpu.memory_space<vmem>>)
      %mul3A_296 = arith.constant 2 : i32
      %mul3A_297 = arith.muli %add3A_147, %mul3A_296 : i32
      %dma_wait3A_298 = arith.constant 0 : i32
      %dma_wait3A_299 = tpu.memref_slice %arg3[%mul3A_297, %dma_wait3A_298] : memref<1250x80xi32, #tpu.memory_space<hbm>> -> memref<2x80xi32, #tpu.memory_space<hbm>>
      %dma_wait3A_300 = arith.constant 0 : i32
      %dma_wait3A_301 = tpu.memref_slice %arg3[%mul3A_297, %dma_wait3A_300] : memref<1250x80xi32, #tpu.memory_space<hbm>> -> memref<2x80xi32, #tpu.memory_space<hbm>>
      tpu.wait_dma2 semaphore(%arg16 : memref<!tpu.dma_semaphore, #tpu.memory_space<semaphore_mem>>) src(%dma_wait3A_301 : memref<2x80xi32, #tpu.memory_space<hbm>>) dst(%arg11 : memref<2x80xi32, #tpu.memory_space<vmem>>)
      %run_scoped3A = arith.constant 0 : i32
      "tpu.region"() ({
        %run_scoped3A_305 = tpu.sem_alloc : memref<!tpu.dma_semaphore, #tpu.memory_space<semaphore_mem>>
        %dma_start3A = arith.constant 0 : i32
        %dma_start3A_306 = arith.constant 0 : i32
        %dma_start3A_307 = tpu.memref_slice %arg9[%dma_start3A, %dma_start3A_306] : memref<160x128xf32, #tpu.memory_space<vmem>> -> memref<80x128xf32, #tpu.memory_space<vmem>>
        %dma_start3A_308 = arith.constant 0 : i32
        %dma_start3A_309 = tpu.memref_slice %arg11[%run_scoped3A, %dma_start3A_308] : memref<2x80xi32, #tpu.memory_space<vmem>> -> memref<1x80xi32, #tpu.memory_space<vmem>>
        %dma_start3A_310 = tpu.memref_squeeze %dma_start3A_309 : memref<1x80xi32, #tpu.memory_space<vmem>> -> memref<80xi32, #tpu.memory_space<vmem>>
        %dma_start3A_311 = arith.constant 0 : i32
        %dma_start3A_312 = arith.constant 0 : i32
        %dma_start3A_313 = tpu.memref_slice %arg13[%dma_start3A_311, %dma_start3A_312] : memref<512x128xf32, #tpu.memory_space<vmem_shared>> -> memref<512x128xf32, #tpu.memory_space<vmem_shared>>
        tpu.enqueue_indirect_dma source(%dma_start3A_307 : memref<80x128xf32, #tpu.memory_space<vmem>>) target(%dma_start3A_313 : memref<512x128xf32, #tpu.memory_space<vmem_shared>>) offsets(%dma_start3A_310 : memref<80xi32, #tpu.memory_space<vmem>>) semaphore(%run_scoped3A_305 : memref<!tpu.dma_semaphore, #tpu.memory_space<semaphore_mem>>) {add = true}
        %dma_wait3A_314 = arith.constant 0 : i32
        %dma_wait3A_315 = arith.constant 0 : i32
        %dma_wait3A_316 = tpu.memref_slice %arg9[%dma_wait3A_314, %dma_wait3A_315] : memref<160x128xf32, #tpu.memory_space<vmem>> -> memref<80x128xf32, #tpu.memory_space<vmem>>
        %dma_wait3A_317 = arith.constant 0 : i32
        %dma_wait3A_318 = tpu.memref_slice %arg11[%run_scoped3A, %dma_wait3A_317] : memref<2x80xi32, #tpu.memory_space<vmem>> -> memref<1x80xi32, #tpu.memory_space<vmem>>
        %dma_wait3A_319 = tpu.memref_squeeze %dma_wait3A_318 : memref<1x80xi32, #tpu.memory_space<vmem>> -> memref<80xi32, #tpu.memory_space<vmem>>
        %dma_wait3A_320 = arith.constant 0 : i32
        %dma_wait3A_321 = arith.constant 0 : i32
        %dma_wait3A_322 = tpu.memref_slice %arg13[%dma_wait3A_320, %dma_wait3A_321] : memref<512x128xf32, #tpu.memory_space<vmem_shared>> -> memref<512x128xf32, #tpu.memory_space<vmem_shared>>
        tpu.wait_indirect_dma semaphore(%run_scoped3A_305 : memref<!tpu.dma_semaphore, #tpu.memory_space<semaphore_mem>>) src(%dma_wait3A_316 : memref<80x128xf32, #tpu.memory_space<vmem>>) dst(%dma_wait3A_322 : memref<512x128xf32, #tpu.memory_space<vmem_shared>>)
        tpu.yield
      }) : () -> ()
      %run_scoped3A_302 = arith.constant 0 : i32
      "tpu.region"() ({
        %run_scoped3A_305 = tpu.sem_alloc : memref<!tpu.dma_semaphore, #tpu.memory_space<semaphore_mem>>
        %dma_start3A = arith.constant 0 : i32
        %dma_start3A_306 = tpu.memref_slice %arg11[%run_scoped3A_302, %dma_start3A] : memref<2x80xi32, #tpu.memory_space<vmem>> -> memref<1x80xi32, #tpu.memory_space<vmem>>
        %dma_start3A_307 = tpu.memref_squeeze %dma_start3A_306 : memref<1x80xi32, #tpu.memory_space<vmem>> -> memref<80xi32, #tpu.memory_space<vmem>>
        %dma_start3A_308 = arith.constant 0 : i32
        %dma_start3A_309 = arith.constant 0 : i32
        %dma_start3A_310 = tpu.memref_slice %arg14[%dma_start3A_308, %dma_start3A_309] : memref<512x128xf32, #tpu.memory_space<vmem_shared>> -> memref<512x128xf32, #tpu.memory_space<vmem_shared>>
        tpu.enqueue_indirect_dma source(%arg12 : memref<80x128xf32, #tpu.memory_space<vmem>>) target(%dma_start3A_310 : memref<512x128xf32, #tpu.memory_space<vmem_shared>>) offsets(%dma_start3A_307 : memref<80xi32, #tpu.memory_space<vmem>>) semaphore(%run_scoped3A_305 : memref<!tpu.dma_semaphore, #tpu.memory_space<semaphore_mem>>) {add = true}
        %dma_wait3A_311 = arith.constant 0 : i32
        %dma_wait3A_312 = tpu.memref_slice %arg11[%run_scoped3A_302, %dma_wait3A_311] : memref<2x80xi32, #tpu.memory_space<vmem>> -> memref<1x80xi32, #tpu.memory_space<vmem>>
        %dma_wait3A_313 = tpu.memref_squeeze %dma_wait3A_312 : memref<1x80xi32, #tpu.memory_space<vmem>> -> memref<80xi32, #tpu.memory_space<vmem>>
        %dma_wait3A_314 = arith.constant 0 : i32
        %dma_wait3A_315 = arith.constant 0 : i32
        %dma_wait3A_316 = tpu.memref_slice %arg14[%dma_wait3A_314, %dma_wait3A_315] : memref<512x128xf32, #tpu.memory_space<vmem_shared>> -> memref<512x128xf32, #tpu.memory_space<vmem_shared>>
        tpu.wait_indirect_dma semaphore(%run_scoped3A_305 : memref<!tpu.dma_semaphore, #tpu.memory_space<semaphore_mem>>) src(%arg12 : memref<80x128xf32, #tpu.memory_space<vmem>>) dst(%dma_wait3A_316 : memref<512x128xf32, #tpu.memory_space<vmem_shared>>)
        tpu.yield
      }) : () -> ()
      %run_scoped3A_303 = arith.constant 1 : i32
      "tpu.region"() ({
        %run_scoped3A_305 = tpu.sem_alloc : memref<!tpu.dma_semaphore, #tpu.memory_space<semaphore_mem>>
        %dma_start3A = arith.constant 80 : i32
        %dma_start3A_306 = arith.constant 0 : i32
        %dma_start3A_307 = tpu.memref_slice %arg9[%dma_start3A, %dma_start3A_306] : memref<160x128xf32, #tpu.memory_space<vmem>> -> memref<80x128xf32, #tpu.memory_space<vmem>>
        %dma_start3A_308 = arith.constant 0 : i32
        %dma_start3A_309 = tpu.memref_slice %arg11[%run_scoped3A_303, %dma_start3A_308] : memref<2x80xi32, #tpu.memory_space<vmem>> -> memref<1x80xi32, #tpu.memory_space<vmem>>
        %dma_start3A_310 = tpu.memref_squeeze %dma_start3A_309 : memref<1x80xi32, #tpu.memory_space<vmem>> -> memref<80xi32, #tpu.memory_space<vmem>>
        %dma_start3A_311 = arith.constant 0 : i32
        %dma_start3A_312 = arith.constant 0 : i32
        %dma_start3A_313 = tpu.memref_slice %arg13[%dma_start3A_311, %dma_start3A_312] : memref<512x128xf32, #tpu.memory_space<vmem_shared>> -> memref<512x128xf32, #tpu.memory_space<vmem_shared>>
        tpu.enqueue_indirect_dma source(%dma_start3A_307 : memref<80x128xf32, #tpu.memory_space<vmem>>) target(%dma_start3A_313 : memref<512x128xf32, #tpu.memory_space<vmem_shared>>) offsets(%dma_start3A_310 : memref<80xi32, #tpu.memory_space<vmem>>) semaphore(%run_scoped3A_305 : memref<!tpu.dma_semaphore, #tpu.memory_space<semaphore_mem>>) {add = true}
        %dma_wait3A_314 = arith.constant 80 : i32
        %dma_wait3A_315 = arith.constant 0 : i32
        %dma_wait3A_316 = tpu.memref_slice %arg9[%dma_wait3A_314, %dma_wait3A_315] : memref<160x128xf32, #tpu.memory_space<vmem>> -> memref<80x128xf32, #tpu.memory_space<vmem>>
        %dma_wait3A_317 = arith.constant 0 : i32
        %dma_wait3A_318 = tpu.memref_slice %arg11[%run_scoped3A_303, %dma_wait3A_317] : memref<2x80xi32, #tpu.memory_space<vmem>> -> memref<1x80xi32, #tpu.memory_space<vmem>>
        %dma_wait3A_319 = tpu.memref_squeeze %dma_wait3A_318 : memref<1x80xi32, #tpu.memory_space<vmem>> -> memref<80xi32, #tpu.memory_space<vmem>>
        %dma_wait3A_320 = arith.constant 0 : i32
        %dma_wait3A_321 = arith.constant 0 : i32
        %dma_wait3A_322 = tpu.memref_slice %arg13[%dma_wait3A_320, %dma_wait3A_321] : memref<512x128xf32, #tpu.memory_space<vmem_shared>> -> memref<512x128xf32, #tpu.memory_space<vmem_shared>>
        tpu.wait_indirect_dma semaphore(%run_scoped3A_305 : memref<!tpu.dma_semaphore, #tpu.memory_space<semaphore_mem>>) src(%dma_wait3A_316 : memref<80x128xf32, #tpu.memory_space<vmem>>) dst(%dma_wait3A_322 : memref<512x128xf32, #tpu.memory_space<vmem_shared>>)
        tpu.yield
      }) : () -> ()
      %run_scoped3A_304 = arith.constant 1 : i32
      "tpu.region"() ({
        %run_scoped3A_305 = tpu.sem_alloc : memref<!tpu.dma_semaphore, #tpu.memory_space<semaphore_mem>>
        %dma_start3A = arith.constant 0 : i32
        %dma_start3A_306 = tpu.memref_slice %arg11[%run_scoped3A_304, %dma_start3A] : memref<2x80xi32, #tpu.memory_space<vmem>> -> memref<1x80xi32, #tpu.memory_space<vmem>>
        %dma_start3A_307 = tpu.memref_squeeze %dma_start3A_306 : memref<1x80xi32, #tpu.memory_space<vmem>> -> memref<80xi32, #tpu.memory_space<vmem>>
        %dma_start3A_308 = arith.constant 0 : i32
        %dma_start3A_309 = arith.constant 0 : i32
        %dma_start3A_310 = tpu.memref_slice %arg14[%dma_start3A_308, %dma_start3A_309] : memref<512x128xf32, #tpu.memory_space<vmem_shared>> -> memref<512x128xf32, #tpu.memory_space<vmem_shared>>
        tpu.enqueue_indirect_dma source(%arg12 : memref<80x128xf32, #tpu.memory_space<vmem>>) target(%dma_start3A_310 : memref<512x128xf32, #tpu.memory_space<vmem_shared>>) offsets(%dma_start3A_307 : memref<80xi32, #tpu.memory_space<vmem>>) semaphore(%run_scoped3A_305 : memref<!tpu.dma_semaphore, #tpu.memory_space<semaphore_mem>>) {add = true}
        %dma_wait3A_311 = arith.constant 0 : i32
        %dma_wait3A_312 = tpu.memref_slice %arg11[%run_scoped3A_304, %dma_wait3A_311] : memref<2x80xi32, #tpu.memory_space<vmem>> -> memref<1x80xi32, #tpu.memory_space<vmem>>
        %dma_wait3A_313 = tpu.memref_squeeze %dma_wait3A_312 : memref<1x80xi32, #tpu.memory_space<vmem>> -> memref<80xi32, #tpu.memory_space<vmem>>
        %dma_wait3A_314 = arith.constant 0 : i32
        %dma_wait3A_315 = arith.constant 0 : i32
        %dma_wait3A_316 = tpu.memref_slice %arg14[%dma_wait3A_314, %dma_wait3A_315] : memref<512x128xf32, #tpu.memory_space<vmem_shared>> -> memref<512x128xf32, #tpu.memory_space<vmem_shared>>
        tpu.wait_indirect_dma semaphore(%run_scoped3A_305 : memref<!tpu.dma_semaphore, #tpu.memory_space<semaphore_mem>>) src(%arg12 : memref<80x128xf32, #tpu.memory_space<vmem>>) dst(%dma_wait3A_316 : memref<512x128xf32, #tpu.memory_space<vmem_shared>>)
        tpu.yield
      }) : () -> ()
    } else {
    }
    %add3A_153 = arith.constant 352 : i32
    %add3A_154 = arith.addi %add3A, %add3A_153 : i32
    %lt3A_155 = arith.constant 625 : i32
    %lt3A_156 = arith.cmpi slt, %add3A_154, %lt3A_155 : i32
    %convert_element_type3A_157 = arith.extui %lt3A_156 : i1 to i32
    %cond3A_158 = arith.constant 0 : i32
    %cond3A_159 = arith.cmpi ne, %convert_element_type3A_157, %cond3A_158 : i32
    scf.if %cond3A_159 {
      %mul3A_291 = arith.constant 160 : i32
      %mul3A_292 = arith.muli %add3A_154, %mul3A_291 : i32
      %dma_start3A = arith.constant 0 : i32
      %dma_start3A_293 = tpu.memref_slice %arg2[%mul3A_292, %dma_start3A] : memref<100000x128xf32, #tpu.memory_space<hbm>> -> memref<160x128xf32, #tpu.memory_space<hbm>>
      %dma_start3A_294 = arith.constant 0 : i32
      %dma_start3A_295 = tpu.memref_slice %arg2[%mul3A_292, %dma_start3A_294] : memref<100000x128xf32, #tpu.memory_space<hbm>> -> memref<160x128xf32, #tpu.memory_space<hbm>>
      tpu.enqueue_dma source(%dma_start3A_295 : memref<160x128xf32, #tpu.memory_space<hbm>>) target(%arg9 : memref<160x128xf32, #tpu.memory_space<vmem>>) target_semaphore(%arg16 : memref<!tpu.dma_semaphore, #tpu.memory_space<semaphore_mem>>)
      %mul3A_296 = arith.constant 2 : i32
      %mul3A_297 = arith.muli %add3A_154, %mul3A_296 : i32
      %dma_start3A_298 = arith.constant 0 : i32
      %dma_start3A_299 = tpu.memref_slice %arg3[%mul3A_297, %dma_start3A_298] : memref<1250x80xi32, #tpu.memory_space<hbm>> -> memref<2x80xi32, #tpu.memory_space<hbm>>
      %dma_start3A_300 = arith.constant 0 : i32
      %dma_start3A_301 = tpu.memref_slice %arg3[%mul3A_297, %dma_start3A_300] : memref<1250x80xi32, #tpu.memory_space<hbm>> -> memref<2x80xi32, #tpu.memory_space<hbm>>
      tpu.enqueue_dma source(%dma_start3A_301 : memref<2x80xi32, #tpu.memory_space<hbm>>) target(%arg11 : memref<2x80xi32, #tpu.memory_space<vmem>>) target_semaphore(%arg16 : memref<!tpu.dma_semaphore, #tpu.memory_space<semaphore_mem>>)
    } else {
    }
    %add3A_160 = arith.constant 320 : i32
    %add3A_161 = arith.addi %add3A, %add3A_160 : i32
    %lt3A_162 = arith.constant 625 : i32
    %lt3A_163 = arith.cmpi slt, %add3A_161, %lt3A_162 : i32
    %convert_element_type3A_164 = arith.extui %lt3A_163 : i1 to i32
    %cond3A_165 = arith.constant 0 : i32
    %cond3A_166 = arith.cmpi ne, %convert_element_type3A_164, %cond3A_165 : i32
    scf.if %cond3A_166 {
      %mul3A_291 = arith.constant 160 : i32
      %mul3A_292 = arith.muli %add3A_161, %mul3A_291 : i32
      %dma_wait3A = arith.constant 0 : i32
      %dma_wait3A_293 = tpu.memref_slice %arg2[%mul3A_292, %dma_wait3A] : memref<100000x128xf32, #tpu.memory_space<hbm>> -> memref<160x128xf32, #tpu.memory_space<hbm>>
      %dma_wait3A_294 = arith.constant 0 : i32
      %dma_wait3A_295 = tpu.memref_slice %arg2[%mul3A_292, %dma_wait3A_294] : memref<100000x128xf32, #tpu.memory_space<hbm>> -> memref<160x128xf32, #tpu.memory_space<hbm>>
      tpu.wait_dma2 semaphore(%arg15 : memref<!tpu.dma_semaphore, #tpu.memory_space<semaphore_mem>>) src(%dma_wait3A_295 : memref<160x128xf32, #tpu.memory_space<hbm>>) dst(%arg8 : memref<160x128xf32, #tpu.memory_space<vmem>>)
      %mul3A_296 = arith.constant 2 : i32
      %mul3A_297 = arith.muli %add3A_161, %mul3A_296 : i32
      %dma_wait3A_298 = arith.constant 0 : i32
      %dma_wait3A_299 = tpu.memref_slice %arg3[%mul3A_297, %dma_wait3A_298] : memref<1250x80xi32, #tpu.memory_space<hbm>> -> memref<2x80xi32, #tpu.memory_space<hbm>>
      %dma_wait3A_300 = arith.constant 0 : i32
      %dma_wait3A_301 = tpu.memref_slice %arg3[%mul3A_297, %dma_wait3A_300] : memref<1250x80xi32, #tpu.memory_space<hbm>> -> memref<2x80xi32, #tpu.memory_space<hbm>>
      tpu.wait_dma2 semaphore(%arg15 : memref<!tpu.dma_semaphore, #tpu.memory_space<semaphore_mem>>) src(%dma_wait3A_301 : memref<2x80xi32, #tpu.memory_space<hbm>>) dst(%arg10 : memref<2x80xi32, #tpu.memory_space<vmem>>)
      %run_scoped3A = arith.constant 0 : i32
      "tpu.region"() ({
        %run_scoped3A_305 = tpu.sem_alloc : memref<!tpu.dma_semaphore, #tpu.memory_space<semaphore_mem>>
        %dma_start3A = arith.constant 0 : i32
        %dma_start3A_306 = arith.constant 0 : i32
        %dma_start3A_307 = tpu.memref_slice %arg8[%dma_start3A, %dma_start3A_306] : memref<160x128xf32, #tpu.memory_space<vmem>> -> memref<80x128xf32, #tpu.memory_space<vmem>>
        %dma_start3A_308 = arith.constant 0 : i32
        %dma_start3A_309 = tpu.memref_slice %arg10[%run_scoped3A, %dma_start3A_308] : memref<2x80xi32, #tpu.memory_space<vmem>> -> memref<1x80xi32, #tpu.memory_space<vmem>>
        %dma_start3A_310 = tpu.memref_squeeze %dma_start3A_309 : memref<1x80xi32, #tpu.memory_space<vmem>> -> memref<80xi32, #tpu.memory_space<vmem>>
        %dma_start3A_311 = arith.constant 0 : i32
        %dma_start3A_312 = arith.constant 0 : i32
        %dma_start3A_313 = tpu.memref_slice %arg13[%dma_start3A_311, %dma_start3A_312] : memref<512x128xf32, #tpu.memory_space<vmem_shared>> -> memref<512x128xf32, #tpu.memory_space<vmem_shared>>
        tpu.enqueue_indirect_dma source(%dma_start3A_307 : memref<80x128xf32, #tpu.memory_space<vmem>>) target(%dma_start3A_313 : memref<512x128xf32, #tpu.memory_space<vmem_shared>>) offsets(%dma_start3A_310 : memref<80xi32, #tpu.memory_space<vmem>>) semaphore(%run_scoped3A_305 : memref<!tpu.dma_semaphore, #tpu.memory_space<semaphore_mem>>) {add = true}
        %dma_wait3A_314 = arith.constant 0 : i32
        %dma_wait3A_315 = arith.constant 0 : i32
        %dma_wait3A_316 = tpu.memref_slice %arg8[%dma_wait3A_314, %dma_wait3A_315] : memref<160x128xf32, #tpu.memory_space<vmem>> -> memref<80x128xf32, #tpu.memory_space<vmem>>
        %dma_wait3A_317 = arith.constant 0 : i32
        %dma_wait3A_318 = tpu.memref_slice %arg10[%run_scoped3A, %dma_wait3A_317] : memref<2x80xi32, #tpu.memory_space<vmem>> -> memref<1x80xi32, #tpu.memory_space<vmem>>
        %dma_wait3A_319 = tpu.memref_squeeze %dma_wait3A_318 : memref<1x80xi32, #tpu.memory_space<vmem>> -> memref<80xi32, #tpu.memory_space<vmem>>
        %dma_wait3A_320 = arith.constant 0 : i32
        %dma_wait3A_321 = arith.constant 0 : i32
        %dma_wait3A_322 = tpu.memref_slice %arg13[%dma_wait3A_320, %dma_wait3A_321] : memref<512x128xf32, #tpu.memory_space<vmem_shared>> -> memref<512x128xf32, #tpu.memory_space<vmem_shared>>
        tpu.wait_indirect_dma semaphore(%run_scoped3A_305 : memref<!tpu.dma_semaphore, #tpu.memory_space<semaphore_mem>>) src(%dma_wait3A_316 : memref<80x128xf32, #tpu.memory_space<vmem>>) dst(%dma_wait3A_322 : memref<512x128xf32, #tpu.memory_space<vmem_shared>>)
        tpu.yield
      }) : () -> ()
      %run_scoped3A_302 = arith.constant 0 : i32
      "tpu.region"() ({
        %run_scoped3A_305 = tpu.sem_alloc : memref<!tpu.dma_semaphore, #tpu.memory_space<semaphore_mem>>
        %dma_start3A = arith.constant 0 : i32
        %dma_start3A_306 = tpu.memref_slice %arg10[%run_scoped3A_302, %dma_start3A] : memref<2x80xi32, #tpu.memory_space<vmem>> -> memref<1x80xi32, #tpu.memory_space<vmem>>
        %dma_start3A_307 = tpu.memref_squeeze %dma_start3A_306 : memref<1x80xi32, #tpu.memory_space<vmem>> -> memref<80xi32, #tpu.memory_space<vmem>>
        %dma_start3A_308 = arith.constant 0 : i32
        %dma_start3A_309 = arith.constant 0 : i32
        %dma_start3A_310 = tpu.memref_slice %arg14[%dma_start3A_308, %dma_start3A_309] : memref<512x128xf32, #tpu.memory_space<vmem_shared>> -> memref<512x128xf32, #tpu.memory_space<vmem_shared>>
        tpu.enqueue_indirect_dma source(%arg12 : memref<80x128xf32, #tpu.memory_space<vmem>>) target(%dma_start3A_310 : memref<512x128xf32, #tpu.memory_space<vmem_shared>>) offsets(%dma_start3A_307 : memref<80xi32, #tpu.memory_space<vmem>>) semaphore(%run_scoped3A_305 : memref<!tpu.dma_semaphore, #tpu.memory_space<semaphore_mem>>) {add = true}
        %dma_wait3A_311 = arith.constant 0 : i32
        %dma_wait3A_312 = tpu.memref_slice %arg10[%run_scoped3A_302, %dma_wait3A_311] : memref<2x80xi32, #tpu.memory_space<vmem>> -> memref<1x80xi32, #tpu.memory_space<vmem>>
        %dma_wait3A_313 = tpu.memref_squeeze %dma_wait3A_312 : memref<1x80xi32, #tpu.memory_space<vmem>> -> memref<80xi32, #tpu.memory_space<vmem>>
        %dma_wait3A_314 = arith.constant 0 : i32
        %dma_wait3A_315 = arith.constant 0 : i32
        %dma_wait3A_316 = tpu.memref_slice %arg14[%dma_wait3A_314, %dma_wait3A_315] : memref<512x128xf32, #tpu.memory_space<vmem_shared>> -> memref<512x128xf32, #tpu.memory_space<vmem_shared>>
        tpu.wait_indirect_dma semaphore(%run_scoped3A_305 : memref<!tpu.dma_semaphore, #tpu.memory_space<semaphore_mem>>) src(%arg12 : memref<80x128xf32, #tpu.memory_space<vmem>>) dst(%dma_wait3A_316 : memref<512x128xf32, #tpu.memory_space<vmem_shared>>)
        tpu.yield
      }) : () -> ()
      %run_scoped3A_303 = arith.constant 1 : i32
      "tpu.region"() ({
        %run_scoped3A_305 = tpu.sem_alloc : memref<!tpu.dma_semaphore, #tpu.memory_space<semaphore_mem>>
        %dma_start3A = arith.constant 80 : i32
        %dma_start3A_306 = arith.constant 0 : i32
        %dma_start3A_307 = tpu.memref_slice %arg8[%dma_start3A, %dma_start3A_306] : memref<160x128xf32, #tpu.memory_space<vmem>> -> memref<80x128xf32, #tpu.memory_space<vmem>>
        %dma_start3A_308 = arith.constant 0 : i32
        %dma_start3A_309 = tpu.memref_slice %arg10[%run_scoped3A_303, %dma_start3A_308] : memref<2x80xi32, #tpu.memory_space<vmem>> -> memref<1x80xi32, #tpu.memory_space<vmem>>
        %dma_start3A_310 = tpu.memref_squeeze %dma_start3A_309 : memref<1x80xi32, #tpu.memory_space<vmem>> -> memref<80xi32, #tpu.memory_space<vmem>>
        %dma_start3A_311 = arith.constant 0 : i32
        %dma_start3A_312 = arith.constant 0 : i32
        %dma_start3A_313 = tpu.memref_slice %arg13[%dma_start3A_311, %dma_start3A_312] : memref<512x128xf32, #tpu.memory_space<vmem_shared>> -> memref<512x128xf32, #tpu.memory_space<vmem_shared>>
        tpu.enqueue_indirect_dma source(%dma_start3A_307 : memref<80x128xf32, #tpu.memory_space<vmem>>) target(%dma_start3A_313 : memref<512x128xf32, #tpu.memory_space<vmem_shared>>) offsets(%dma_start3A_310 : memref<80xi32, #tpu.memory_space<vmem>>) semaphore(%run_scoped3A_305 : memref<!tpu.dma_semaphore, #tpu.memory_space<semaphore_mem>>) {add = true}
        %dma_wait3A_314 = arith.constant 80 : i32
        %dma_wait3A_315 = arith.constant 0 : i32
        %dma_wait3A_316 = tpu.memref_slice %arg8[%dma_wait3A_314, %dma_wait3A_315] : memref<160x128xf32, #tpu.memory_space<vmem>> -> memref<80x128xf32, #tpu.memory_space<vmem>>
        %dma_wait3A_317 = arith.constant 0 : i32
        %dma_wait3A_318 = tpu.memref_slice %arg10[%run_scoped3A_303, %dma_wait3A_317] : memref<2x80xi32, #tpu.memory_space<vmem>> -> memref<1x80xi32, #tpu.memory_space<vmem>>
        %dma_wait3A_319 = tpu.memref_squeeze %dma_wait3A_318 : memref<1x80xi32, #tpu.memory_space<vmem>> -> memref<80xi32, #tpu.memory_space<vmem>>
        %dma_wait3A_320 = arith.constant 0 : i32
        %dma_wait3A_321 = arith.constant 0 : i32
        %dma_wait3A_322 = tpu.memref_slice %arg13[%dma_wait3A_320, %dma_wait3A_321] : memref<512x128xf32, #tpu.memory_space<vmem_shared>> -> memref<512x128xf32, #tpu.memory_space<vmem_shared>>
        tpu.wait_indirect_dma semaphore(%run_scoped3A_305 : memref<!tpu.dma_semaphore, #tpu.memory_space<semaphore_mem>>) src(%dma_wait3A_316 : memref<80x128xf32, #tpu.memory_space<vmem>>) dst(%dma_wait3A_322 : memref<512x128xf32, #tpu.memory_space<vmem_shared>>)
        tpu.yield
      }) : () -> ()
      %run_scoped3A_304 = arith.constant 1 : i32
      "tpu.region"() ({
        %run_scoped3A_305 = tpu.sem_alloc : memref<!tpu.dma_semaphore, #tpu.memory_space<semaphore_mem>>
        %dma_start3A = arith.constant 0 : i32
        %dma_start3A_306 = tpu.memref_slice %arg10[%run_scoped3A_304, %dma_start3A] : memref<2x80xi32, #tpu.memory_space<vmem>> -> memref<1x80xi32, #tpu.memory_space<vmem>>
        %dma_start3A_307 = tpu.memref_squeeze %dma_start3A_306 : memref<1x80xi32, #tpu.memory_space<vmem>> -> memref<80xi32, #tpu.memory_space<vmem>>
        %dma_start3A_308 = arith.constant 0 : i32
        %dma_start3A_309 = arith.constant 0 : i32
        %dma_start3A_310 = tpu.memref_slice %arg14[%dma_start3A_308, %dma_start3A_309] : memref<512x128xf32, #tpu.memory_space<vmem_shared>> -> memref<512x128xf32, #tpu.memory_space<vmem_shared>>
        tpu.enqueue_indirect_dma source(%arg12 : memref<80x128xf32, #tpu.memory_space<vmem>>) target(%dma_start3A_310 : memref<512x128xf32, #tpu.memory_space<vmem_shared>>) offsets(%dma_start3A_307 : memref<80xi32, #tpu.memory_space<vmem>>) semaphore(%run_scoped3A_305 : memref<!tpu.dma_semaphore, #tpu.memory_space<semaphore_mem>>) {add = true}
        %dma_wait3A_311 = arith.constant 0 : i32
        %dma_wait3A_312 = tpu.memref_slice %arg10[%run_scoped3A_304, %dma_wait3A_311] : memref<2x80xi32, #tpu.memory_space<vmem>> -> memref<1x80xi32, #tpu.memory_space<vmem>>
        %dma_wait3A_313 = tpu.memref_squeeze %dma_wait3A_312 : memref<1x80xi32, #tpu.memory_space<vmem>> -> memref<80xi32, #tpu.memory_space<vmem>>
        %dma_wait3A_314 = arith.constant 0 : i32
        %dma_wait3A_315 = arith.constant 0 : i32
        %dma_wait3A_316 = tpu.memref_slice %arg14[%dma_wait3A_314, %dma_wait3A_315] : memref<512x128xf32, #tpu.memory_space<vmem_shared>> -> memref<512x128xf32, #tpu.memory_space<vmem_shared>>
        tpu.wait_indirect_dma semaphore(%run_scoped3A_305 : memref<!tpu.dma_semaphore, #tpu.memory_space<semaphore_mem>>) src(%arg12 : memref<80x128xf32, #tpu.memory_space<vmem>>) dst(%dma_wait3A_316 : memref<512x128xf32, #tpu.memory_space<vmem_shared>>)
        tpu.yield
      }) : () -> ()
    } else {
    }
    %add3A_167 = arith.constant 384 : i32
    %add3A_168 = arith.addi %add3A, %add3A_167 : i32
    %lt3A_169 = arith.constant 625 : i32
    %lt3A_170 = arith.cmpi slt, %add3A_168, %lt3A_169 : i32
    %convert_element_type3A_171 = arith.extui %lt3A_170 : i1 to i32
    %cond3A_172 = arith.constant 0 : i32
    %cond3A_173 = arith.cmpi ne, %convert_element_type3A_171, %cond3A_172 : i32
    scf.if %cond3A_173 {
      %mul3A_291 = arith.constant 160 : i32
      %mul3A_292 = arith.muli %add3A_168, %mul3A_291 : i32
      %dma_start3A = arith.constant 0 : i32
      %dma_start3A_293 = tpu.memref_slice %arg2[%mul3A_292, %dma_start3A] : memref<100000x128xf32, #tpu.memory_space<hbm>> -> memref<160x128xf32, #tpu.memory_space<hbm>>
      %dma_start3A_294 = arith.constant 0 : i32
      %dma_start3A_295 = tpu.memref_slice %arg2[%mul3A_292, %dma_start3A_294] : memref<100000x128xf32, #tpu.memory_space<hbm>> -> memref<160x128xf32, #tpu.memory_space<hbm>>
      tpu.enqueue_dma source(%dma_start3A_295 : memref<160x128xf32, #tpu.memory_space<hbm>>) target(%arg8 : memref<160x128xf32, #tpu.memory_space<vmem>>) target_semaphore(%arg15 : memref<!tpu.dma_semaphore, #tpu.memory_space<semaphore_mem>>)
      %mul3A_296 = arith.constant 2 : i32
      %mul3A_297 = arith.muli %add3A_168, %mul3A_296 : i32
      %dma_start3A_298 = arith.constant 0 : i32
      %dma_start3A_299 = tpu.memref_slice %arg3[%mul3A_297, %dma_start3A_298] : memref<1250x80xi32, #tpu.memory_space<hbm>> -> memref<2x80xi32, #tpu.memory_space<hbm>>
      %dma_start3A_300 = arith.constant 0 : i32
      %dma_start3A_301 = tpu.memref_slice %arg3[%mul3A_297, %dma_start3A_300] : memref<1250x80xi32, #tpu.memory_space<hbm>> -> memref<2x80xi32, #tpu.memory_space<hbm>>
      tpu.enqueue_dma source(%dma_start3A_301 : memref<2x80xi32, #tpu.memory_space<hbm>>) target(%arg10 : memref<2x80xi32, #tpu.memory_space<vmem>>) target_semaphore(%arg15 : memref<!tpu.dma_semaphore, #tpu.memory_space<semaphore_mem>>)
    } else {
    }
    %add3A_174 = arith.constant 352 : i32
    %add3A_175 = arith.addi %add3A, %add3A_174 : i32
    %lt3A_176 = arith.constant 625 : i32
    %lt3A_177 = arith.cmpi slt, %add3A_175, %lt3A_176 : i32
    %convert_element_type3A_178 = arith.extui %lt3A_177 : i1 to i32
    %cond3A_179 = arith.constant 0 : i32
    %cond3A_180 = arith.cmpi ne, %convert_element_type3A_178, %cond3A_179 : i32
    scf.if %cond3A_180 {
      %mul3A_291 = arith.constant 160 : i32
      %mul3A_292 = arith.muli %add3A_175, %mul3A_291 : i32
      %dma_wait3A = arith.constant 0 : i32
      %dma_wait3A_293 = tpu.memref_slice %arg2[%mul3A_292, %dma_wait3A] : memref<100000x128xf32, #tpu.memory_space<hbm>> -> memref<160x128xf32, #tpu.memory_space<hbm>>
      %dma_wait3A_294 = arith.constant 0 : i32
      %dma_wait3A_295 = tpu.memref_slice %arg2[%mul3A_292, %dma_wait3A_294] : memref<100000x128xf32, #tpu.memory_space<hbm>> -> memref<160x128xf32, #tpu.memory_space<hbm>>
      tpu.wait_dma2 semaphore(%arg16 : memref<!tpu.dma_semaphore, #tpu.memory_space<semaphore_mem>>) src(%dma_wait3A_295 : memref<160x128xf32, #tpu.memory_space<hbm>>) dst(%arg9 : memref<160x128xf32, #tpu.memory_space<vmem>>)
      %mul3A_296 = arith.constant 2 : i32
      %mul3A_297 = arith.muli %add3A_175, %mul3A_296 : i32
      %dma_wait3A_298 = arith.constant 0 : i32
      %dma_wait3A_299 = tpu.memref_slice %arg3[%mul3A_297, %dma_wait3A_298] : memref<1250x80xi32, #tpu.memory_space<hbm>> -> memref<2x80xi32, #tpu.memory_space<hbm>>
      %dma_wait3A_300 = arith.constant 0 : i32
      %dma_wait3A_301 = tpu.memref_slice %arg3[%mul3A_297, %dma_wait3A_300] : memref<1250x80xi32, #tpu.memory_space<hbm>> -> memref<2x80xi32, #tpu.memory_space<hbm>>
      tpu.wait_dma2 semaphore(%arg16 : memref<!tpu.dma_semaphore, #tpu.memory_space<semaphore_mem>>) src(%dma_wait3A_301 : memref<2x80xi32, #tpu.memory_space<hbm>>) dst(%arg11 : memref<2x80xi32, #tpu.memory_space<vmem>>)
      %run_scoped3A = arith.constant 0 : i32
      "tpu.region"() ({
        %run_scoped3A_305 = tpu.sem_alloc : memref<!tpu.dma_semaphore, #tpu.memory_space<semaphore_mem>>
        %dma_start3A = arith.constant 0 : i32
        %dma_start3A_306 = arith.constant 0 : i32
        %dma_start3A_307 = tpu.memref_slice %arg9[%dma_start3A, %dma_start3A_306] : memref<160x128xf32, #tpu.memory_space<vmem>> -> memref<80x128xf32, #tpu.memory_space<vmem>>
        %dma_start3A_308 = arith.constant 0 : i32
        %dma_start3A_309 = tpu.memref_slice %arg11[%run_scoped3A, %dma_start3A_308] : memref<2x80xi32, #tpu.memory_space<vmem>> -> memref<1x80xi32, #tpu.memory_space<vmem>>
        %dma_start3A_310 = tpu.memref_squeeze %dma_start3A_309 : memref<1x80xi32, #tpu.memory_space<vmem>> -> memref<80xi32, #tpu.memory_space<vmem>>
        %dma_start3A_311 = arith.constant 0 : i32
        %dma_start3A_312 = arith.constant 0 : i32
        %dma_start3A_313 = tpu.memref_slice %arg13[%dma_start3A_311, %dma_start3A_312] : memref<512x128xf32, #tpu.memory_space<vmem_shared>> -> memref<512x128xf32, #tpu.memory_space<vmem_shared>>
        tpu.enqueue_indirect_dma source(%dma_start3A_307 : memref<80x128xf32, #tpu.memory_space<vmem>>) target(%dma_start3A_313 : memref<512x128xf32, #tpu.memory_space<vmem_shared>>) offsets(%dma_start3A_310 : memref<80xi32, #tpu.memory_space<vmem>>) semaphore(%run_scoped3A_305 : memref<!tpu.dma_semaphore, #tpu.memory_space<semaphore_mem>>) {add = true}
        %dma_wait3A_314 = arith.constant 0 : i32
        %dma_wait3A_315 = arith.constant 0 : i32
        %dma_wait3A_316 = tpu.memref_slice %arg9[%dma_wait3A_314, %dma_wait3A_315] : memref<160x128xf32, #tpu.memory_space<vmem>> -> memref<80x128xf32, #tpu.memory_space<vmem>>
        %dma_wait3A_317 = arith.constant 0 : i32
        %dma_wait3A_318 = tpu.memref_slice %arg11[%run_scoped3A, %dma_wait3A_317] : memref<2x80xi32, #tpu.memory_space<vmem>> -> memref<1x80xi32, #tpu.memory_space<vmem>>
        %dma_wait3A_319 = tpu.memref_squeeze %dma_wait3A_318 : memref<1x80xi32, #tpu.memory_space<vmem>> -> memref<80xi32, #tpu.memory_space<vmem>>
        %dma_wait3A_320 = arith.constant 0 : i32
        %dma_wait3A_321 = arith.constant 0 : i32
        %dma_wait3A_322 = tpu.memref_slice %arg13[%dma_wait3A_320, %dma_wait3A_321] : memref<512x128xf32, #tpu.memory_space<vmem_shared>> -> memref<512x128xf32, #tpu.memory_space<vmem_shared>>
        tpu.wait_indirect_dma semaphore(%run_scoped3A_305 : memref<!tpu.dma_semaphore, #tpu.memory_space<semaphore_mem>>) src(%dma_wait3A_316 : memref<80x128xf32, #tpu.memory_space<vmem>>) dst(%dma_wait3A_322 : memref<512x128xf32, #tpu.memory_space<vmem_shared>>)
        tpu.yield
      }) : () -> ()
      %run_scoped3A_302 = arith.constant 0 : i32
      "tpu.region"() ({
        %run_scoped3A_305 = tpu.sem_alloc : memref<!tpu.dma_semaphore, #tpu.memory_space<semaphore_mem>>
        %dma_start3A = arith.constant 0 : i32
        %dma_start3A_306 = tpu.memref_slice %arg11[%run_scoped3A_302, %dma_start3A] : memref<2x80xi32, #tpu.memory_space<vmem>> -> memref<1x80xi32, #tpu.memory_space<vmem>>
        %dma_start3A_307 = tpu.memref_squeeze %dma_start3A_306 : memref<1x80xi32, #tpu.memory_space<vmem>> -> memref<80xi32, #tpu.memory_space<vmem>>
        %dma_start3A_308 = arith.constant 0 : i32
        %dma_start3A_309 = arith.constant 0 : i32
        %dma_start3A_310 = tpu.memref_slice %arg14[%dma_start3A_308, %dma_start3A_309] : memref<512x128xf32, #tpu.memory_space<vmem_shared>> -> memref<512x128xf32, #tpu.memory_space<vmem_shared>>
        tpu.enqueue_indirect_dma source(%arg12 : memref<80x128xf32, #tpu.memory_space<vmem>>) target(%dma_start3A_310 : memref<512x128xf32, #tpu.memory_space<vmem_shared>>) offsets(%dma_start3A_307 : memref<80xi32, #tpu.memory_space<vmem>>) semaphore(%run_scoped3A_305 : memref<!tpu.dma_semaphore, #tpu.memory_space<semaphore_mem>>) {add = true}
        %dma_wait3A_311 = arith.constant 0 : i32
        %dma_wait3A_312 = tpu.memref_slice %arg11[%run_scoped3A_302, %dma_wait3A_311] : memref<2x80xi32, #tpu.memory_space<vmem>> -> memref<1x80xi32, #tpu.memory_space<vmem>>
        %dma_wait3A_313 = tpu.memref_squeeze %dma_wait3A_312 : memref<1x80xi32, #tpu.memory_space<vmem>> -> memref<80xi32, #tpu.memory_space<vmem>>
        %dma_wait3A_314 = arith.constant 0 : i32
        %dma_wait3A_315 = arith.constant 0 : i32
        %dma_wait3A_316 = tpu.memref_slice %arg14[%dma_wait3A_314, %dma_wait3A_315] : memref<512x128xf32, #tpu.memory_space<vmem_shared>> -> memref<512x128xf32, #tpu.memory_space<vmem_shared>>
        tpu.wait_indirect_dma semaphore(%run_scoped3A_305 : memref<!tpu.dma_semaphore, #tpu.memory_space<semaphore_mem>>) src(%arg12 : memref<80x128xf32, #tpu.memory_space<vmem>>) dst(%dma_wait3A_316 : memref<512x128xf32, #tpu.memory_space<vmem_shared>>)
        tpu.yield
      }) : () -> ()
      %run_scoped3A_303 = arith.constant 1 : i32
      "tpu.region"() ({
        %run_scoped3A_305 = tpu.sem_alloc : memref<!tpu.dma_semaphore, #tpu.memory_space<semaphore_mem>>
        %dma_start3A = arith.constant 80 : i32
        %dma_start3A_306 = arith.constant 0 : i32
        %dma_start3A_307 = tpu.memref_slice %arg9[%dma_start3A, %dma_start3A_306] : memref<160x128xf32, #tpu.memory_space<vmem>> -> memref<80x128xf32, #tpu.memory_space<vmem>>
        %dma_start3A_308 = arith.constant 0 : i32
        %dma_start3A_309 = tpu.memref_slice %arg11[%run_scoped3A_303, %dma_start3A_308] : memref<2x80xi32, #tpu.memory_space<vmem>> -> memref<1x80xi32, #tpu.memory_space<vmem>>
        %dma_start3A_310 = tpu.memref_squeeze %dma_start3A_309 : memref<1x80xi32, #tpu.memory_space<vmem>> -> memref<80xi32, #tpu.memory_space<vmem>>
        %dma_start3A_311 = arith.constant 0 : i32
        %dma_start3A_312 = arith.constant 0 : i32
        %dma_start3A_313 = tpu.memref_slice %arg13[%dma_start3A_311, %dma_start3A_312] : memref<512x128xf32, #tpu.memory_space<vmem_shared>> -> memref<512x128xf32, #tpu.memory_space<vmem_shared>>
        tpu.enqueue_indirect_dma source(%dma_start3A_307 : memref<80x128xf32, #tpu.memory_space<vmem>>) target(%dma_start3A_313 : memref<512x128xf32, #tpu.memory_space<vmem_shared>>) offsets(%dma_start3A_310 : memref<80xi32, #tpu.memory_space<vmem>>) semaphore(%run_scoped3A_305 : memref<!tpu.dma_semaphore, #tpu.memory_space<semaphore_mem>>) {add = true}
        %dma_wait3A_314 = arith.constant 80 : i32
        %dma_wait3A_315 = arith.constant 0 : i32
        %dma_wait3A_316 = tpu.memref_slice %arg9[%dma_wait3A_314, %dma_wait3A_315] : memref<160x128xf32, #tpu.memory_space<vmem>> -> memref<80x128xf32, #tpu.memory_space<vmem>>
        %dma_wait3A_317 = arith.constant 0 : i32
        %dma_wait3A_318 = tpu.memref_slice %arg11[%run_scoped3A_303, %dma_wait3A_317] : memref<2x80xi32, #tpu.memory_space<vmem>> -> memref<1x80xi32, #tpu.memory_space<vmem>>
        %dma_wait3A_319 = tpu.memref_squeeze %dma_wait3A_318 : memref<1x80xi32, #tpu.memory_space<vmem>> -> memref<80xi32, #tpu.memory_space<vmem>>
        %dma_wait3A_320 = arith.constant 0 : i32
        %dma_wait3A_321 = arith.constant 0 : i32
        %dma_wait3A_322 = tpu.memref_slice %arg13[%dma_wait3A_320, %dma_wait3A_321] : memref<512x128xf32, #tpu.memory_space<vmem_shared>> -> memref<512x128xf32, #tpu.memory_space<vmem_shared>>
        tpu.wait_indirect_dma semaphore(%run_scoped3A_305 : memref<!tpu.dma_semaphore, #tpu.memory_space<semaphore_mem>>) src(%dma_wait3A_316 : memref<80x128xf32, #tpu.memory_space<vmem>>) dst(%dma_wait3A_322 : memref<512x128xf32, #tpu.memory_space<vmem_shared>>)
        tpu.yield
      }) : () -> ()
      %run_scoped3A_304 = arith.constant 1 : i32
      "tpu.region"() ({
        %run_scoped3A_305 = tpu.sem_alloc : memref<!tpu.dma_semaphore, #tpu.memory_space<semaphore_mem>>
        %dma_start3A = arith.constant 0 : i32
        %dma_start3A_306 = tpu.memref_slice %arg11[%run_scoped3A_304, %dma_start3A] : memref<2x80xi32, #tpu.memory_space<vmem>> -> memref<1x80xi32, #tpu.memory_space<vmem>>
        %dma_start3A_307 = tpu.memref_squeeze %dma_start3A_306 : memref<1x80xi32, #tpu.memory_space<vmem>> -> memref<80xi32, #tpu.memory_space<vmem>>
        %dma_start3A_308 = arith.constant 0 : i32
        %dma_start3A_309 = arith.constant 0 : i32
        %dma_start3A_310 = tpu.memref_slice %arg14[%dma_start3A_308, %dma_start3A_309] : memref<512x128xf32, #tpu.memory_space<vmem_shared>> -> memref<512x128xf32, #tpu.memory_space<vmem_shared>>
        tpu.enqueue_indirect_dma source(%arg12 : memref<80x128xf32, #tpu.memory_space<vmem>>) target(%dma_start3A_310 : memref<512x128xf32, #tpu.memory_space<vmem_shared>>) offsets(%dma_start3A_307 : memref<80xi32, #tpu.memory_space<vmem>>) semaphore(%run_scoped3A_305 : memref<!tpu.dma_semaphore, #tpu.memory_space<semaphore_mem>>) {add = true}
        %dma_wait3A_311 = arith.constant 0 : i32
        %dma_wait3A_312 = tpu.memref_slice %arg11[%run_scoped3A_304, %dma_wait3A_311] : memref<2x80xi32, #tpu.memory_space<vmem>> -> memref<1x80xi32, #tpu.memory_space<vmem>>
        %dma_wait3A_313 = tpu.memref_squeeze %dma_wait3A_312 : memref<1x80xi32, #tpu.memory_space<vmem>> -> memref<80xi32, #tpu.memory_space<vmem>>
        %dma_wait3A_314 = arith.constant 0 : i32
        %dma_wait3A_315 = arith.constant 0 : i32
        %dma_wait3A_316 = tpu.memref_slice %arg14[%dma_wait3A_314, %dma_wait3A_315] : memref<512x128xf32, #tpu.memory_space<vmem_shared>> -> memref<512x128xf32, #tpu.memory_space<vmem_shared>>
        tpu.wait_indirect_dma semaphore(%run_scoped3A_305 : memref<!tpu.dma_semaphore, #tpu.memory_space<semaphore_mem>>) src(%arg12 : memref<80x128xf32, #tpu.memory_space<vmem>>) dst(%dma_wait3A_316 : memref<512x128xf32, #tpu.memory_space<vmem_shared>>)
        tpu.yield
      }) : () -> ()
    } else {
    }
    %add3A_181 = arith.constant 416 : i32
    %add3A_182 = arith.addi %add3A, %add3A_181 : i32
    %lt3A_183 = arith.constant 625 : i32
    %lt3A_184 = arith.cmpi slt, %add3A_182, %lt3A_183 : i32
    %convert_element_type3A_185 = arith.extui %lt3A_184 : i1 to i32
    %cond3A_186 = arith.constant 0 : i32
    %cond3A_187 = arith.cmpi ne, %convert_element_type3A_185, %cond3A_186 : i32
    scf.if %cond3A_187 {
      %mul3A_291 = arith.constant 160 : i32
      %mul3A_292 = arith.muli %add3A_182, %mul3A_291 : i32
      %dma_start3A = arith.constant 0 : i32
      %dma_start3A_293 = tpu.memref_slice %arg2[%mul3A_292, %dma_start3A] : memref<100000x128xf32, #tpu.memory_space<hbm>> -> memref<160x128xf32, #tpu.memory_space<hbm>>
      %dma_start3A_294 = arith.constant 0 : i32
      %dma_start3A_295 = tpu.memref_slice %arg2[%mul3A_292, %dma_start3A_294] : memref<100000x128xf32, #tpu.memory_space<hbm>> -> memref<160x128xf32, #tpu.memory_space<hbm>>
      tpu.enqueue_dma source(%dma_start3A_295 : memref<160x128xf32, #tpu.memory_space<hbm>>) target(%arg9 : memref<160x128xf32, #tpu.memory_space<vmem>>) target_semaphore(%arg16 : memref<!tpu.dma_semaphore, #tpu.memory_space<semaphore_mem>>)
      %mul3A_296 = arith.constant 2 : i32
      %mul3A_297 = arith.muli %add3A_182, %mul3A_296 : i32
      %dma_start3A_298 = arith.constant 0 : i32
      %dma_start3A_299 = tpu.memref_slice %arg3[%mul3A_297, %dma_start3A_298] : memref<1250x80xi32, #tpu.memory_space<hbm>> -> memref<2x80xi32, #tpu.memory_space<hbm>>
      %dma_start3A_300 = arith.constant 0 : i32
      %dma_start3A_301 = tpu.memref_slice %arg3[%mul3A_297, %dma_start3A_300] : memref<1250x80xi32, #tpu.memory_space<hbm>> -> memref<2x80xi32, #tpu.memory_space<hbm>>
      tpu.enqueue_dma source(%dma_start3A_301 : memref<2x80xi32, #tpu.memory_space<hbm>>) target(%arg11 : memref<2x80xi32, #tpu.memory_space<vmem>>) target_semaphore(%arg16 : memref<!tpu.dma_semaphore, #tpu.memory_space<semaphore_mem>>)
    } else {
    }
    %add3A_188 = arith.constant 384 : i32
    %add3A_189 = arith.addi %add3A, %add3A_188 : i32
    %lt3A_190 = arith.constant 625 : i32
    %lt3A_191 = arith.cmpi slt, %add3A_189, %lt3A_190 : i32
    %convert_element_type3A_192 = arith.extui %lt3A_191 : i1 to i32
    %cond3A_193 = arith.constant 0 : i32
    %cond3A_194 = arith.cmpi ne, %convert_element_type3A_192, %cond3A_193 : i32
    scf.if %cond3A_194 {
      %mul3A_291 = arith.constant 160 : i32
      %mul3A_292 = arith.muli %add3A_189, %mul3A_291 : i32
      %dma_wait3A = arith.constant 0 : i32
      %dma_wait3A_293 = tpu.memref_slice %arg2[%mul3A_292, %dma_wait3A] : memref<100000x128xf32, #tpu.memory_space<hbm>> -> memref<160x128xf32, #tpu.memory_space<hbm>>
      %dma_wait3A_294 = arith.constant 0 : i32
      %dma_wait3A_295 = tpu.memref_slice %arg2[%mul3A_292, %dma_wait3A_294] : memref<100000x128xf32, #tpu.memory_space<hbm>> -> memref<160x128xf32, #tpu.memory_space<hbm>>
      tpu.wait_dma2 semaphore(%arg15 : memref<!tpu.dma_semaphore, #tpu.memory_space<semaphore_mem>>) src(%dma_wait3A_295 : memref<160x128xf32, #tpu.memory_space<hbm>>) dst(%arg8 : memref<160x128xf32, #tpu.memory_space<vmem>>)
      %mul3A_296 = arith.constant 2 : i32
      %mul3A_297 = arith.muli %add3A_189, %mul3A_296 : i32
      %dma_wait3A_298 = arith.constant 0 : i32
      %dma_wait3A_299 = tpu.memref_slice %arg3[%mul3A_297, %dma_wait3A_298] : memref<1250x80xi32, #tpu.memory_space<hbm>> -> memref<2x80xi32, #tpu.memory_space<hbm>>
      %dma_wait3A_300 = arith.constant 0 : i32
      %dma_wait3A_301 = tpu.memref_slice %arg3[%mul3A_297, %dma_wait3A_300] : memref<1250x80xi32, #tpu.memory_space<hbm>> -> memref<2x80xi32, #tpu.memory_space<hbm>>
      tpu.wait_dma2 semaphore(%arg15 : memref<!tpu.dma_semaphore, #tpu.memory_space<semaphore_mem>>) src(%dma_wait3A_301 : memref<2x80xi32, #tpu.memory_space<hbm>>) dst(%arg10 : memref<2x80xi32, #tpu.memory_space<vmem>>)
      %run_scoped3A = arith.constant 0 : i32
      "tpu.region"() ({
        %run_scoped3A_305 = tpu.sem_alloc : memref<!tpu.dma_semaphore, #tpu.memory_space<semaphore_mem>>
        %dma_start3A = arith.constant 0 : i32
        %dma_start3A_306 = arith.constant 0 : i32
        %dma_start3A_307 = tpu.memref_slice %arg8[%dma_start3A, %dma_start3A_306] : memref<160x128xf32, #tpu.memory_space<vmem>> -> memref<80x128xf32, #tpu.memory_space<vmem>>
        %dma_start3A_308 = arith.constant 0 : i32
        %dma_start3A_309 = tpu.memref_slice %arg10[%run_scoped3A, %dma_start3A_308] : memref<2x80xi32, #tpu.memory_space<vmem>> -> memref<1x80xi32, #tpu.memory_space<vmem>>
        %dma_start3A_310 = tpu.memref_squeeze %dma_start3A_309 : memref<1x80xi32, #tpu.memory_space<vmem>> -> memref<80xi32, #tpu.memory_space<vmem>>
        %dma_start3A_311 = arith.constant 0 : i32
        %dma_start3A_312 = arith.constant 0 : i32
        %dma_start3A_313 = tpu.memref_slice %arg13[%dma_start3A_311, %dma_start3A_312] : memref<512x128xf32, #tpu.memory_space<vmem_shared>> -> memref<512x128xf32, #tpu.memory_space<vmem_shared>>
        tpu.enqueue_indirect_dma source(%dma_start3A_307 : memref<80x128xf32, #tpu.memory_space<vmem>>) target(%dma_start3A_313 : memref<512x128xf32, #tpu.memory_space<vmem_shared>>) offsets(%dma_start3A_310 : memref<80xi32, #tpu.memory_space<vmem>>) semaphore(%run_scoped3A_305 : memref<!tpu.dma_semaphore, #tpu.memory_space<semaphore_mem>>) {add = true}
        %dma_wait3A_314 = arith.constant 0 : i32
        %dma_wait3A_315 = arith.constant 0 : i32
        %dma_wait3A_316 = tpu.memref_slice %arg8[%dma_wait3A_314, %dma_wait3A_315] : memref<160x128xf32, #tpu.memory_space<vmem>> -> memref<80x128xf32, #tpu.memory_space<vmem>>
        %dma_wait3A_317 = arith.constant 0 : i32
        %dma_wait3A_318 = tpu.memref_slice %arg10[%run_scoped3A, %dma_wait3A_317] : memref<2x80xi32, #tpu.memory_space<vmem>> -> memref<1x80xi32, #tpu.memory_space<vmem>>
        %dma_wait3A_319 = tpu.memref_squeeze %dma_wait3A_318 : memref<1x80xi32, #tpu.memory_space<vmem>> -> memref<80xi32, #tpu.memory_space<vmem>>
        %dma_wait3A_320 = arith.constant 0 : i32
        %dma_wait3A_321 = arith.constant 0 : i32
        %dma_wait3A_322 = tpu.memref_slice %arg13[%dma_wait3A_320, %dma_wait3A_321] : memref<512x128xf32, #tpu.memory_space<vmem_shared>> -> memref<512x128xf32, #tpu.memory_space<vmem_shared>>
        tpu.wait_indirect_dma semaphore(%run_scoped3A_305 : memref<!tpu.dma_semaphore, #tpu.memory_space<semaphore_mem>>) src(%dma_wait3A_316 : memref<80x128xf32, #tpu.memory_space<vmem>>) dst(%dma_wait3A_322 : memref<512x128xf32, #tpu.memory_space<vmem_shared>>)
        tpu.yield
      }) : () -> ()
      %run_scoped3A_302 = arith.constant 0 : i32
      "tpu.region"() ({
        %run_scoped3A_305 = tpu.sem_alloc : memref<!tpu.dma_semaphore, #tpu.memory_space<semaphore_mem>>
        %dma_start3A = arith.constant 0 : i32
        %dma_start3A_306 = tpu.memref_slice %arg10[%run_scoped3A_302, %dma_start3A] : memref<2x80xi32, #tpu.memory_space<vmem>> -> memref<1x80xi32, #tpu.memory_space<vmem>>
        %dma_start3A_307 = tpu.memref_squeeze %dma_start3A_306 : memref<1x80xi32, #tpu.memory_space<vmem>> -> memref<80xi32, #tpu.memory_space<vmem>>
        %dma_start3A_308 = arith.constant 0 : i32
        %dma_start3A_309 = arith.constant 0 : i32
        %dma_start3A_310 = tpu.memref_slice %arg14[%dma_start3A_308, %dma_start3A_309] : memref<512x128xf32, #tpu.memory_space<vmem_shared>> -> memref<512x128xf32, #tpu.memory_space<vmem_shared>>
        tpu.enqueue_indirect_dma source(%arg12 : memref<80x128xf32, #tpu.memory_space<vmem>>) target(%dma_start3A_310 : memref<512x128xf32, #tpu.memory_space<vmem_shared>>) offsets(%dma_start3A_307 : memref<80xi32, #tpu.memory_space<vmem>>) semaphore(%run_scoped3A_305 : memref<!tpu.dma_semaphore, #tpu.memory_space<semaphore_mem>>) {add = true}
        %dma_wait3A_311 = arith.constant 0 : i32
        %dma_wait3A_312 = tpu.memref_slice %arg10[%run_scoped3A_302, %dma_wait3A_311] : memref<2x80xi32, #tpu.memory_space<vmem>> -> memref<1x80xi32, #tpu.memory_space<vmem>>
        %dma_wait3A_313 = tpu.memref_squeeze %dma_wait3A_312 : memref<1x80xi32, #tpu.memory_space<vmem>> -> memref<80xi32, #tpu.memory_space<vmem>>
        %dma_wait3A_314 = arith.constant 0 : i32
        %dma_wait3A_315 = arith.constant 0 : i32
        %dma_wait3A_316 = tpu.memref_slice %arg14[%dma_wait3A_314, %dma_wait3A_315] : memref<512x128xf32, #tpu.memory_space<vmem_shared>> -> memref<512x128xf32, #tpu.memory_space<vmem_shared>>
        tpu.wait_indirect_dma semaphore(%run_scoped3A_305 : memref<!tpu.dma_semaphore, #tpu.memory_space<semaphore_mem>>) src(%arg12 : memref<80x128xf32, #tpu.memory_space<vmem>>) dst(%dma_wait3A_316 : memref<512x128xf32, #tpu.memory_space<vmem_shared>>)
        tpu.yield
      }) : () -> ()
      %run_scoped3A_303 = arith.constant 1 : i32
      "tpu.region"() ({
        %run_scoped3A_305 = tpu.sem_alloc : memref<!tpu.dma_semaphore, #tpu.memory_space<semaphore_mem>>
        %dma_start3A = arith.constant 80 : i32
        %dma_start3A_306 = arith.constant 0 : i32
        %dma_start3A_307 = tpu.memref_slice %arg8[%dma_start3A, %dma_start3A_306] : memref<160x128xf32, #tpu.memory_space<vmem>> -> memref<80x128xf32, #tpu.memory_space<vmem>>
        %dma_start3A_308 = arith.constant 0 : i32
        %dma_start3A_309 = tpu.memref_slice %arg10[%run_scoped3A_303, %dma_start3A_308] : memref<2x80xi32, #tpu.memory_space<vmem>> -> memref<1x80xi32, #tpu.memory_space<vmem>>
        %dma_start3A_310 = tpu.memref_squeeze %dma_start3A_309 : memref<1x80xi32, #tpu.memory_space<vmem>> -> memref<80xi32, #tpu.memory_space<vmem>>
        %dma_start3A_311 = arith.constant 0 : i32
        %dma_start3A_312 = arith.constant 0 : i32
        %dma_start3A_313 = tpu.memref_slice %arg13[%dma_start3A_311, %dma_start3A_312] : memref<512x128xf32, #tpu.memory_space<vmem_shared>> -> memref<512x128xf32, #tpu.memory_space<vmem_shared>>
        tpu.enqueue_indirect_dma source(%dma_start3A_307 : memref<80x128xf32, #tpu.memory_space<vmem>>) target(%dma_start3A_313 : memref<512x128xf32, #tpu.memory_space<vmem_shared>>) offsets(%dma_start3A_310 : memref<80xi32, #tpu.memory_space<vmem>>) semaphore(%run_scoped3A_305 : memref<!tpu.dma_semaphore, #tpu.memory_space<semaphore_mem>>) {add = true}
        %dma_wait3A_314 = arith.constant 80 : i32
        %dma_wait3A_315 = arith.constant 0 : i32
        %dma_wait3A_316 = tpu.memref_slice %arg8[%dma_wait3A_314, %dma_wait3A_315] : memref<160x128xf32, #tpu.memory_space<vmem>> -> memref<80x128xf32, #tpu.memory_space<vmem>>
        %dma_wait3A_317 = arith.constant 0 : i32
        %dma_wait3A_318 = tpu.memref_slice %arg10[%run_scoped3A_303, %dma_wait3A_317] : memref<2x80xi32, #tpu.memory_space<vmem>> -> memref<1x80xi32, #tpu.memory_space<vmem>>
        %dma_wait3A_319 = tpu.memref_squeeze %dma_wait3A_318 : memref<1x80xi32, #tpu.memory_space<vmem>> -> memref<80xi32, #tpu.memory_space<vmem>>
        %dma_wait3A_320 = arith.constant 0 : i32
        %dma_wait3A_321 = arith.constant 0 : i32
        %dma_wait3A_322 = tpu.memref_slice %arg13[%dma_wait3A_320, %dma_wait3A_321] : memref<512x128xf32, #tpu.memory_space<vmem_shared>> -> memref<512x128xf32, #tpu.memory_space<vmem_shared>>
        tpu.wait_indirect_dma semaphore(%run_scoped3A_305 : memref<!tpu.dma_semaphore, #tpu.memory_space<semaphore_mem>>) src(%dma_wait3A_316 : memref<80x128xf32, #tpu.memory_space<vmem>>) dst(%dma_wait3A_322 : memref<512x128xf32, #tpu.memory_space<vmem_shared>>)
        tpu.yield
      }) : () -> ()
      %run_scoped3A_304 = arith.constant 1 : i32
      "tpu.region"() ({
        %run_scoped3A_305 = tpu.sem_alloc : memref<!tpu.dma_semaphore, #tpu.memory_space<semaphore_mem>>
        %dma_start3A = arith.constant 0 : i32
        %dma_start3A_306 = tpu.memref_slice %arg10[%run_scoped3A_304, %dma_start3A] : memref<2x80xi32, #tpu.memory_space<vmem>> -> memref<1x80xi32, #tpu.memory_space<vmem>>
        %dma_start3A_307 = tpu.memref_squeeze %dma_start3A_306 : memref<1x80xi32, #tpu.memory_space<vmem>> -> memref<80xi32, #tpu.memory_space<vmem>>
        %dma_start3A_308 = arith.constant 0 : i32
        %dma_start3A_309 = arith.constant 0 : i32
        %dma_start3A_310 = tpu.memref_slice %arg14[%dma_start3A_308, %dma_start3A_309] : memref<512x128xf32, #tpu.memory_space<vmem_shared>> -> memref<512x128xf32, #tpu.memory_space<vmem_shared>>
        tpu.enqueue_indirect_dma source(%arg12 : memref<80x128xf32, #tpu.memory_space<vmem>>) target(%dma_start3A_310 : memref<512x128xf32, #tpu.memory_space<vmem_shared>>) offsets(%dma_start3A_307 : memref<80xi32, #tpu.memory_space<vmem>>) semaphore(%run_scoped3A_305 : memref<!tpu.dma_semaphore, #tpu.memory_space<semaphore_mem>>) {add = true}
        %dma_wait3A_311 = arith.constant 0 : i32
        %dma_wait3A_312 = tpu.memref_slice %arg10[%run_scoped3A_304, %dma_wait3A_311] : memref<2x80xi32, #tpu.memory_space<vmem>> -> memref<1x80xi32, #tpu.memory_space<vmem>>
        %dma_wait3A_313 = tpu.memref_squeeze %dma_wait3A_312 : memref<1x80xi32, #tpu.memory_space<vmem>> -> memref<80xi32, #tpu.memory_space<vmem>>
        %dma_wait3A_314 = arith.constant 0 : i32
        %dma_wait3A_315 = arith.constant 0 : i32
        %dma_wait3A_316 = tpu.memref_slice %arg14[%dma_wait3A_314, %dma_wait3A_315] : memref<512x128xf32, #tpu.memory_space<vmem_shared>> -> memref<512x128xf32, #tpu.memory_space<vmem_shared>>
        tpu.wait_indirect_dma semaphore(%run_scoped3A_305 : memref<!tpu.dma_semaphore, #tpu.memory_space<semaphore_mem>>) src(%arg12 : memref<80x128xf32, #tpu.memory_space<vmem>>) dst(%dma_wait3A_316 : memref<512x128xf32, #tpu.memory_space<vmem_shared>>)
        tpu.yield
      }) : () -> ()
    } else {
    }
    %add3A_195 = arith.constant 448 : i32
    %add3A_196 = arith.addi %add3A, %add3A_195 : i32
    %lt3A_197 = arith.constant 625 : i32
    %lt3A_198 = arith.cmpi slt, %add3A_196, %lt3A_197 : i32
    %convert_element_type3A_199 = arith.extui %lt3A_198 : i1 to i32
    %cond3A_200 = arith.constant 0 : i32
    %cond3A_201 = arith.cmpi ne, %convert_element_type3A_199, %cond3A_200 : i32
    scf.if %cond3A_201 {
      %mul3A_291 = arith.constant 160 : i32
      %mul3A_292 = arith.muli %add3A_196, %mul3A_291 : i32
      %dma_start3A = arith.constant 0 : i32
      %dma_start3A_293 = tpu.memref_slice %arg2[%mul3A_292, %dma_start3A] : memref<100000x128xf32, #tpu.memory_space<hbm>> -> memref<160x128xf32, #tpu.memory_space<hbm>>
      %dma_start3A_294 = arith.constant 0 : i32
      %dma_start3A_295 = tpu.memref_slice %arg2[%mul3A_292, %dma_start3A_294] : memref<100000x128xf32, #tpu.memory_space<hbm>> -> memref<160x128xf32, #tpu.memory_space<hbm>>
      tpu.enqueue_dma source(%dma_start3A_295 : memref<160x128xf32, #tpu.memory_space<hbm>>) target(%arg8 : memref<160x128xf32, #tpu.memory_space<vmem>>) target_semaphore(%arg15 : memref<!tpu.dma_semaphore, #tpu.memory_space<semaphore_mem>>)
      %mul3A_296 = arith.constant 2 : i32
      %mul3A_297 = arith.muli %add3A_196, %mul3A_296 : i32
      %dma_start3A_298 = arith.constant 0 : i32
      %dma_start3A_299 = tpu.memref_slice %arg3[%mul3A_297, %dma_start3A_298] : memref<1250x80xi32, #tpu.memory_space<hbm>> -> memref<2x80xi32, #tpu.memory_space<hbm>>
      %dma_start3A_300 = arith.constant 0 : i32
      %dma_start3A_301 = tpu.memref_slice %arg3[%mul3A_297, %dma_start3A_300] : memref<1250x80xi32, #tpu.memory_space<hbm>> -> memref<2x80xi32, #tpu.memory_space<hbm>>
      tpu.enqueue_dma source(%dma_start3A_301 : memref<2x80xi32, #tpu.memory_space<hbm>>) target(%arg10 : memref<2x80xi32, #tpu.memory_space<vmem>>) target_semaphore(%arg15 : memref<!tpu.dma_semaphore, #tpu.memory_space<semaphore_mem>>)
    } else {
    }
    %add3A_202 = arith.constant 416 : i32
    %add3A_203 = arith.addi %add3A, %add3A_202 : i32
    %lt3A_204 = arith.constant 625 : i32
    %lt3A_205 = arith.cmpi slt, %add3A_203, %lt3A_204 : i32
    %convert_element_type3A_206 = arith.extui %lt3A_205 : i1 to i32
    %cond3A_207 = arith.constant 0 : i32
    %cond3A_208 = arith.cmpi ne, %convert_element_type3A_206, %cond3A_207 : i32
    scf.if %cond3A_208 {
      %mul3A_291 = arith.constant 160 : i32
      %mul3A_292 = arith.muli %add3A_203, %mul3A_291 : i32
      %dma_wait3A = arith.constant 0 : i32
      %dma_wait3A_293 = tpu.memref_slice %arg2[%mul3A_292, %dma_wait3A] : memref<100000x128xf32, #tpu.memory_space<hbm>> -> memref<160x128xf32, #tpu.memory_space<hbm>>
      %dma_wait3A_294 = arith.constant 0 : i32
      %dma_wait3A_295 = tpu.memref_slice %arg2[%mul3A_292, %dma_wait3A_294] : memref<100000x128xf32, #tpu.memory_space<hbm>> -> memref<160x128xf32, #tpu.memory_space<hbm>>
      tpu.wait_dma2 semaphore(%arg16 : memref<!tpu.dma_semaphore, #tpu.memory_space<semaphore_mem>>) src(%dma_wait3A_295 : memref<160x128xf32, #tpu.memory_space<hbm>>) dst(%arg9 : memref<160x128xf32, #tpu.memory_space<vmem>>)
      %mul3A_296 = arith.constant 2 : i32
      %mul3A_297 = arith.muli %add3A_203, %mul3A_296 : i32
      %dma_wait3A_298 = arith.constant 0 : i32
      %dma_wait3A_299 = tpu.memref_slice %arg3[%mul3A_297, %dma_wait3A_298] : memref<1250x80xi32, #tpu.memory_space<hbm>> -> memref<2x80xi32, #tpu.memory_space<hbm>>
      %dma_wait3A_300 = arith.constant 0 : i32
      %dma_wait3A_301 = tpu.memref_slice %arg3[%mul3A_297, %dma_wait3A_300] : memref<1250x80xi32, #tpu.memory_space<hbm>> -> memref<2x80xi32, #tpu.memory_space<hbm>>
      tpu.wait_dma2 semaphore(%arg16 : memref<!tpu.dma_semaphore, #tpu.memory_space<semaphore_mem>>) src(%dma_wait3A_301 : memref<2x80xi32, #tpu.memory_space<hbm>>) dst(%arg11 : memref<2x80xi32, #tpu.memory_space<vmem>>)
      %run_scoped3A = arith.constant 0 : i32
      "tpu.region"() ({
        %run_scoped3A_305 = tpu.sem_alloc : memref<!tpu.dma_semaphore, #tpu.memory_space<semaphore_mem>>
        %dma_start3A = arith.constant 0 : i32
        %dma_start3A_306 = arith.constant 0 : i32
        %dma_start3A_307 = tpu.memref_slice %arg9[%dma_start3A, %dma_start3A_306] : memref<160x128xf32, #tpu.memory_space<vmem>> -> memref<80x128xf32, #tpu.memory_space<vmem>>
        %dma_start3A_308 = arith.constant 0 : i32
        %dma_start3A_309 = tpu.memref_slice %arg11[%run_scoped3A, %dma_start3A_308] : memref<2x80xi32, #tpu.memory_space<vmem>> -> memref<1x80xi32, #tpu.memory_space<vmem>>
        %dma_start3A_310 = tpu.memref_squeeze %dma_start3A_309 : memref<1x80xi32, #tpu.memory_space<vmem>> -> memref<80xi32, #tpu.memory_space<vmem>>
        %dma_start3A_311 = arith.constant 0 : i32
        %dma_start3A_312 = arith.constant 0 : i32
        %dma_start3A_313 = tpu.memref_slice %arg13[%dma_start3A_311, %dma_start3A_312] : memref<512x128xf32, #tpu.memory_space<vmem_shared>> -> memref<512x128xf32, #tpu.memory_space<vmem_shared>>
        tpu.enqueue_indirect_dma source(%dma_start3A_307 : memref<80x128xf32, #tpu.memory_space<vmem>>) target(%dma_start3A_313 : memref<512x128xf32, #tpu.memory_space<vmem_shared>>) offsets(%dma_start3A_310 : memref<80xi32, #tpu.memory_space<vmem>>) semaphore(%run_scoped3A_305 : memref<!tpu.dma_semaphore, #tpu.memory_space<semaphore_mem>>) {add = true}
        %dma_wait3A_314 = arith.constant 0 : i32
        %dma_wait3A_315 = arith.constant 0 : i32
        %dma_wait3A_316 = tpu.memref_slice %arg9[%dma_wait3A_314, %dma_wait3A_315] : memref<160x128xf32, #tpu.memory_space<vmem>> -> memref<80x128xf32, #tpu.memory_space<vmem>>
        %dma_wait3A_317 = arith.constant 0 : i32
        %dma_wait3A_318 = tpu.memref_slice %arg11[%run_scoped3A, %dma_wait3A_317] : memref<2x80xi32, #tpu.memory_space<vmem>> -> memref<1x80xi32, #tpu.memory_space<vmem>>
        %dma_wait3A_319 = tpu.memref_squeeze %dma_wait3A_318 : memref<1x80xi32, #tpu.memory_space<vmem>> -> memref<80xi32, #tpu.memory_space<vmem>>
        %dma_wait3A_320 = arith.constant 0 : i32
        %dma_wait3A_321 = arith.constant 0 : i32
        %dma_wait3A_322 = tpu.memref_slice %arg13[%dma_wait3A_320, %dma_wait3A_321] : memref<512x128xf32, #tpu.memory_space<vmem_shared>> -> memref<512x128xf32, #tpu.memory_space<vmem_shared>>
        tpu.wait_indirect_dma semaphore(%run_scoped3A_305 : memref<!tpu.dma_semaphore, #tpu.memory_space<semaphore_mem>>) src(%dma_wait3A_316 : memref<80x128xf32, #tpu.memory_space<vmem>>) dst(%dma_wait3A_322 : memref<512x128xf32, #tpu.memory_space<vmem_shared>>)
        tpu.yield
      }) : () -> ()
      %run_scoped3A_302 = arith.constant 0 : i32
      "tpu.region"() ({
        %run_scoped3A_305 = tpu.sem_alloc : memref<!tpu.dma_semaphore, #tpu.memory_space<semaphore_mem>>
        %dma_start3A = arith.constant 0 : i32
        %dma_start3A_306 = tpu.memref_slice %arg11[%run_scoped3A_302, %dma_start3A] : memref<2x80xi32, #tpu.memory_space<vmem>> -> memref<1x80xi32, #tpu.memory_space<vmem>>
        %dma_start3A_307 = tpu.memref_squeeze %dma_start3A_306 : memref<1x80xi32, #tpu.memory_space<vmem>> -> memref<80xi32, #tpu.memory_space<vmem>>
        %dma_start3A_308 = arith.constant 0 : i32
        %dma_start3A_309 = arith.constant 0 : i32
        %dma_start3A_310 = tpu.memref_slice %arg14[%dma_start3A_308, %dma_start3A_309] : memref<512x128xf32, #tpu.memory_space<vmem_shared>> -> memref<512x128xf32, #tpu.memory_space<vmem_shared>>
        tpu.enqueue_indirect_dma source(%arg12 : memref<80x128xf32, #tpu.memory_space<vmem>>) target(%dma_start3A_310 : memref<512x128xf32, #tpu.memory_space<vmem_shared>>) offsets(%dma_start3A_307 : memref<80xi32, #tpu.memory_space<vmem>>) semaphore(%run_scoped3A_305 : memref<!tpu.dma_semaphore, #tpu.memory_space<semaphore_mem>>) {add = true}
        %dma_wait3A_311 = arith.constant 0 : i32
        %dma_wait3A_312 = tpu.memref_slice %arg11[%run_scoped3A_302, %dma_wait3A_311] : memref<2x80xi32, #tpu.memory_space<vmem>> -> memref<1x80xi32, #tpu.memory_space<vmem>>
        %dma_wait3A_313 = tpu.memref_squeeze %dma_wait3A_312 : memref<1x80xi32, #tpu.memory_space<vmem>> -> memref<80xi32, #tpu.memory_space<vmem>>
        %dma_wait3A_314 = arith.constant 0 : i32
        %dma_wait3A_315 = arith.constant 0 : i32
        %dma_wait3A_316 = tpu.memref_slice %arg14[%dma_wait3A_314, %dma_wait3A_315] : memref<512x128xf32, #tpu.memory_space<vmem_shared>> -> memref<512x128xf32, #tpu.memory_space<vmem_shared>>
        tpu.wait_indirect_dma semaphore(%run_scoped3A_305 : memref<!tpu.dma_semaphore, #tpu.memory_space<semaphore_mem>>) src(%arg12 : memref<80x128xf32, #tpu.memory_space<vmem>>) dst(%dma_wait3A_316 : memref<512x128xf32, #tpu.memory_space<vmem_shared>>)
        tpu.yield
      }) : () -> ()
      %run_scoped3A_303 = arith.constant 1 : i32
      "tpu.region"() ({
        %run_scoped3A_305 = tpu.sem_alloc : memref<!tpu.dma_semaphore, #tpu.memory_space<semaphore_mem>>
        %dma_start3A = arith.constant 80 : i32
        %dma_start3A_306 = arith.constant 0 : i32
        %dma_start3A_307 = tpu.memref_slice %arg9[%dma_start3A, %dma_start3A_306] : memref<160x128xf32, #tpu.memory_space<vmem>> -> memref<80x128xf32, #tpu.memory_space<vmem>>
        %dma_start3A_308 = arith.constant 0 : i32
        %dma_start3A_309 = tpu.memref_slice %arg11[%run_scoped3A_303, %dma_start3A_308] : memref<2x80xi32, #tpu.memory_space<vmem>> -> memref<1x80xi32, #tpu.memory_space<vmem>>
        %dma_start3A_310 = tpu.memref_squeeze %dma_start3A_309 : memref<1x80xi32, #tpu.memory_space<vmem>> -> memref<80xi32, #tpu.memory_space<vmem>>
        %dma_start3A_311 = arith.constant 0 : i32
        %dma_start3A_312 = arith.constant 0 : i32
        %dma_start3A_313 = tpu.memref_slice %arg13[%dma_start3A_311, %dma_start3A_312] : memref<512x128xf32, #tpu.memory_space<vmem_shared>> -> memref<512x128xf32, #tpu.memory_space<vmem_shared>>
        tpu.enqueue_indirect_dma source(%dma_start3A_307 : memref<80x128xf32, #tpu.memory_space<vmem>>) target(%dma_start3A_313 : memref<512x128xf32, #tpu.memory_space<vmem_shared>>) offsets(%dma_start3A_310 : memref<80xi32, #tpu.memory_space<vmem>>) semaphore(%run_scoped3A_305 : memref<!tpu.dma_semaphore, #tpu.memory_space<semaphore_mem>>) {add = true}
        %dma_wait3A_314 = arith.constant 80 : i32
        %dma_wait3A_315 = arith.constant 0 : i32
        %dma_wait3A_316 = tpu.memref_slice %arg9[%dma_wait3A_314, %dma_wait3A_315] : memref<160x128xf32, #tpu.memory_space<vmem>> -> memref<80x128xf32, #tpu.memory_space<vmem>>
        %dma_wait3A_317 = arith.constant 0 : i32
        %dma_wait3A_318 = tpu.memref_slice %arg11[%run_scoped3A_303, %dma_wait3A_317] : memref<2x80xi32, #tpu.memory_space<vmem>> -> memref<1x80xi32, #tpu.memory_space<vmem>>
        %dma_wait3A_319 = tpu.memref_squeeze %dma_wait3A_318 : memref<1x80xi32, #tpu.memory_space<vmem>> -> memref<80xi32, #tpu.memory_space<vmem>>
        %dma_wait3A_320 = arith.constant 0 : i32
        %dma_wait3A_321 = arith.constant 0 : i32
        %dma_wait3A_322 = tpu.memref_slice %arg13[%dma_wait3A_320, %dma_wait3A_321] : memref<512x128xf32, #tpu.memory_space<vmem_shared>> -> memref<512x128xf32, #tpu.memory_space<vmem_shared>>
        tpu.wait_indirect_dma semaphore(%run_scoped3A_305 : memref<!tpu.dma_semaphore, #tpu.memory_space<semaphore_mem>>) src(%dma_wait3A_316 : memref<80x128xf32, #tpu.memory_space<vmem>>) dst(%dma_wait3A_322 : memref<512x128xf32, #tpu.memory_space<vmem_shared>>)
        tpu.yield
      }) : () -> ()
      %run_scoped3A_304 = arith.constant 1 : i32
      "tpu.region"() ({
        %run_scoped3A_305 = tpu.sem_alloc : memref<!tpu.dma_semaphore, #tpu.memory_space<semaphore_mem>>
        %dma_start3A = arith.constant 0 : i32
        %dma_start3A_306 = tpu.memref_slice %arg11[%run_scoped3A_304, %dma_start3A] : memref<2x80xi32, #tpu.memory_space<vmem>> -> memref<1x80xi32, #tpu.memory_space<vmem>>
        %dma_start3A_307 = tpu.memref_squeeze %dma_start3A_306 : memref<1x80xi32, #tpu.memory_space<vmem>> -> memref<80xi32, #tpu.memory_space<vmem>>
        %dma_start3A_308 = arith.constant 0 : i32
        %dma_start3A_309 = arith.constant 0 : i32
        %dma_start3A_310 = tpu.memref_slice %arg14[%dma_start3A_308, %dma_start3A_309] : memref<512x128xf32, #tpu.memory_space<vmem_shared>> -> memref<512x128xf32, #tpu.memory_space<vmem_shared>>
        tpu.enqueue_indirect_dma source(%arg12 : memref<80x128xf32, #tpu.memory_space<vmem>>) target(%dma_start3A_310 : memref<512x128xf32, #tpu.memory_space<vmem_shared>>) offsets(%dma_start3A_307 : memref<80xi32, #tpu.memory_space<vmem>>) semaphore(%run_scoped3A_305 : memref<!tpu.dma_semaphore, #tpu.memory_space<semaphore_mem>>) {add = true}
        %dma_wait3A_311 = arith.constant 0 : i32
        %dma_wait3A_312 = tpu.memref_slice %arg11[%run_scoped3A_304, %dma_wait3A_311] : memref<2x80xi32, #tpu.memory_space<vmem>> -> memref<1x80xi32, #tpu.memory_space<vmem>>
        %dma_wait3A_313 = tpu.memref_squeeze %dma_wait3A_312 : memref<1x80xi32, #tpu.memory_space<vmem>> -> memref<80xi32, #tpu.memory_space<vmem>>
        %dma_wait3A_314 = arith.constant 0 : i32
        %dma_wait3A_315 = arith.constant 0 : i32
        %dma_wait3A_316 = tpu.memref_slice %arg14[%dma_wait3A_314, %dma_wait3A_315] : memref<512x128xf32, #tpu.memory_space<vmem_shared>> -> memref<512x128xf32, #tpu.memory_space<vmem_shared>>
        tpu.wait_indirect_dma semaphore(%run_scoped3A_305 : memref<!tpu.dma_semaphore, #tpu.memory_space<semaphore_mem>>) src(%arg12 : memref<80x128xf32, #tpu.memory_space<vmem>>) dst(%dma_wait3A_316 : memref<512x128xf32, #tpu.memory_space<vmem_shared>>)
        tpu.yield
      }) : () -> ()
    } else {
    }
    %add3A_209 = arith.constant 480 : i32
    %add3A_210 = arith.addi %add3A, %add3A_209 : i32
    %lt3A_211 = arith.constant 625 : i32
    %lt3A_212 = arith.cmpi slt, %add3A_210, %lt3A_211 : i32
    %convert_element_type3A_213 = arith.extui %lt3A_212 : i1 to i32
    %cond3A_214 = arith.constant 0 : i32
    %cond3A_215 = arith.cmpi ne, %convert_element_type3A_213, %cond3A_214 : i32
    scf.if %cond3A_215 {
      %mul3A_291 = arith.constant 160 : i32
      %mul3A_292 = arith.muli %add3A_210, %mul3A_291 : i32
      %dma_start3A = arith.constant 0 : i32
      %dma_start3A_293 = tpu.memref_slice %arg2[%mul3A_292, %dma_start3A] : memref<100000x128xf32, #tpu.memory_space<hbm>> -> memref<160x128xf32, #tpu.memory_space<hbm>>
      %dma_start3A_294 = arith.constant 0 : i32
      %dma_start3A_295 = tpu.memref_slice %arg2[%mul3A_292, %dma_start3A_294] : memref<100000x128xf32, #tpu.memory_space<hbm>> -> memref<160x128xf32, #tpu.memory_space<hbm>>
      tpu.enqueue_dma source(%dma_start3A_295 : memref<160x128xf32, #tpu.memory_space<hbm>>) target(%arg9 : memref<160x128xf32, #tpu.memory_space<vmem>>) target_semaphore(%arg16 : memref<!tpu.dma_semaphore, #tpu.memory_space<semaphore_mem>>)
      %mul3A_296 = arith.constant 2 : i32
      %mul3A_297 = arith.muli %add3A_210, %mul3A_296 : i32
      %dma_start3A_298 = arith.constant 0 : i32
      %dma_start3A_299 = tpu.memref_slice %arg3[%mul3A_297, %dma_start3A_298] : memref<1250x80xi32, #tpu.memory_space<hbm>> -> memref<2x80xi32, #tpu.memory_space<hbm>>
      %dma_start3A_300 = arith.constant 0 : i32
      %dma_start3A_301 = tpu.memref_slice %arg3[%mul3A_297, %dma_start3A_300] : memref<1250x80xi32, #tpu.memory_space<hbm>> -> memref<2x80xi32, #tpu.memory_space<hbm>>
      tpu.enqueue_dma source(%dma_start3A_301 : memref<2x80xi32, #tpu.memory_space<hbm>>) target(%arg11 : memref<2x80xi32, #tpu.memory_space<vmem>>) target_semaphore(%arg16 : memref<!tpu.dma_semaphore, #tpu.memory_space<semaphore_mem>>)
    } else {
    }
    %add3A_216 = arith.constant 448 : i32
    %add3A_217 = arith.addi %add3A, %add3A_216 : i32
    %lt3A_218 = arith.constant 625 : i32
    %lt3A_219 = arith.cmpi slt, %add3A_217, %lt3A_218 : i32
    %convert_element_type3A_220 = arith.extui %lt3A_219 : i1 to i32
    %cond3A_221 = arith.constant 0 : i32
    %cond3A_222 = arith.cmpi ne, %convert_element_type3A_220, %cond3A_221 : i32
    scf.if %cond3A_222 {
      %mul3A_291 = arith.constant 160 : i32
      %mul3A_292 = arith.muli %add3A_217, %mul3A_291 : i32
      %dma_wait3A = arith.constant 0 : i32
      %dma_wait3A_293 = tpu.memref_slice %arg2[%mul3A_292, %dma_wait3A] : memref<100000x128xf32, #tpu.memory_space<hbm>> -> memref<160x128xf32, #tpu.memory_space<hbm>>
      %dma_wait3A_294 = arith.constant 0 : i32
      %dma_wait3A_295 = tpu.memref_slice %arg2[%mul3A_292, %dma_wait3A_294] : memref<100000x128xf32, #tpu.memory_space<hbm>> -> memref<160x128xf32, #tpu.memory_space<hbm>>
      tpu.wait_dma2 semaphore(%arg15 : memref<!tpu.dma_semaphore, #tpu.memory_space<semaphore_mem>>) src(%dma_wait3A_295 : memref<160x128xf32, #tpu.memory_space<hbm>>) dst(%arg8 : memref<160x128xf32, #tpu.memory_space<vmem>>)
      %mul3A_296 = arith.constant 2 : i32
      %mul3A_297 = arith.muli %add3A_217, %mul3A_296 : i32
      %dma_wait3A_298 = arith.constant 0 : i32
      %dma_wait3A_299 = tpu.memref_slice %arg3[%mul3A_297, %dma_wait3A_298] : memref<1250x80xi32, #tpu.memory_space<hbm>> -> memref<2x80xi32, #tpu.memory_space<hbm>>
      %dma_wait3A_300 = arith.constant 0 : i32
      %dma_wait3A_301 = tpu.memref_slice %arg3[%mul3A_297, %dma_wait3A_300] : memref<1250x80xi32, #tpu.memory_space<hbm>> -> memref<2x80xi32, #tpu.memory_space<hbm>>
      tpu.wait_dma2 semaphore(%arg15 : memref<!tpu.dma_semaphore, #tpu.memory_space<semaphore_mem>>) src(%dma_wait3A_301 : memref<2x80xi32, #tpu.memory_space<hbm>>) dst(%arg10 : memref<2x80xi32, #tpu.memory_space<vmem>>)
      %run_scoped3A = arith.constant 0 : i32
      "tpu.region"() ({
        %run_scoped3A_305 = tpu.sem_alloc : memref<!tpu.dma_semaphore, #tpu.memory_space<semaphore_mem>>
        %dma_start3A = arith.constant 0 : i32
        %dma_start3A_306 = arith.constant 0 : i32
        %dma_start3A_307 = tpu.memref_slice %arg8[%dma_start3A, %dma_start3A_306] : memref<160x128xf32, #tpu.memory_space<vmem>> -> memref<80x128xf32, #tpu.memory_space<vmem>>
        %dma_start3A_308 = arith.constant 0 : i32
        %dma_start3A_309 = tpu.memref_slice %arg10[%run_scoped3A, %dma_start3A_308] : memref<2x80xi32, #tpu.memory_space<vmem>> -> memref<1x80xi32, #tpu.memory_space<vmem>>
        %dma_start3A_310 = tpu.memref_squeeze %dma_start3A_309 : memref<1x80xi32, #tpu.memory_space<vmem>> -> memref<80xi32, #tpu.memory_space<vmem>>
        %dma_start3A_311 = arith.constant 0 : i32
        %dma_start3A_312 = arith.constant 0 : i32
        %dma_start3A_313 = tpu.memref_slice %arg13[%dma_start3A_311, %dma_start3A_312] : memref<512x128xf32, #tpu.memory_space<vmem_shared>> -> memref<512x128xf32, #tpu.memory_space<vmem_shared>>
        tpu.enqueue_indirect_dma source(%dma_start3A_307 : memref<80x128xf32, #tpu.memory_space<vmem>>) target(%dma_start3A_313 : memref<512x128xf32, #tpu.memory_space<vmem_shared>>) offsets(%dma_start3A_310 : memref<80xi32, #tpu.memory_space<vmem>>) semaphore(%run_scoped3A_305 : memref<!tpu.dma_semaphore, #tpu.memory_space<semaphore_mem>>) {add = true}
        %dma_wait3A_314 = arith.constant 0 : i32
        %dma_wait3A_315 = arith.constant 0 : i32
        %dma_wait3A_316 = tpu.memref_slice %arg8[%dma_wait3A_314, %dma_wait3A_315] : memref<160x128xf32, #tpu.memory_space<vmem>> -> memref<80x128xf32, #tpu.memory_space<vmem>>
        %dma_wait3A_317 = arith.constant 0 : i32
        %dma_wait3A_318 = tpu.memref_slice %arg10[%run_scoped3A, %dma_wait3A_317] : memref<2x80xi32, #tpu.memory_space<vmem>> -> memref<1x80xi32, #tpu.memory_space<vmem>>
        %dma_wait3A_319 = tpu.memref_squeeze %dma_wait3A_318 : memref<1x80xi32, #tpu.memory_space<vmem>> -> memref<80xi32, #tpu.memory_space<vmem>>
        %dma_wait3A_320 = arith.constant 0 : i32
        %dma_wait3A_321 = arith.constant 0 : i32
        %dma_wait3A_322 = tpu.memref_slice %arg13[%dma_wait3A_320, %dma_wait3A_321] : memref<512x128xf32, #tpu.memory_space<vmem_shared>> -> memref<512x128xf32, #tpu.memory_space<vmem_shared>>
        tpu.wait_indirect_dma semaphore(%run_scoped3A_305 : memref<!tpu.dma_semaphore, #tpu.memory_space<semaphore_mem>>) src(%dma_wait3A_316 : memref<80x128xf32, #tpu.memory_space<vmem>>) dst(%dma_wait3A_322 : memref<512x128xf32, #tpu.memory_space<vmem_shared>>)
        tpu.yield
      }) : () -> ()
      %run_scoped3A_302 = arith.constant 0 : i32
      "tpu.region"() ({
        %run_scoped3A_305 = tpu.sem_alloc : memref<!tpu.dma_semaphore, #tpu.memory_space<semaphore_mem>>
        %dma_start3A = arith.constant 0 : i32
        %dma_start3A_306 = tpu.memref_slice %arg10[%run_scoped3A_302, %dma_start3A] : memref<2x80xi32, #tpu.memory_space<vmem>> -> memref<1x80xi32, #tpu.memory_space<vmem>>
        %dma_start3A_307 = tpu.memref_squeeze %dma_start3A_306 : memref<1x80xi32, #tpu.memory_space<vmem>> -> memref<80xi32, #tpu.memory_space<vmem>>
        %dma_start3A_308 = arith.constant 0 : i32
        %dma_start3A_309 = arith.constant 0 : i32
        %dma_start3A_310 = tpu.memref_slice %arg14[%dma_start3A_308, %dma_start3A_309] : memref<512x128xf32, #tpu.memory_space<vmem_shared>> -> memref<512x128xf32, #tpu.memory_space<vmem_shared>>
        tpu.enqueue_indirect_dma source(%arg12 : memref<80x128xf32, #tpu.memory_space<vmem>>) target(%dma_start3A_310 : memref<512x128xf32, #tpu.memory_space<vmem_shared>>) offsets(%dma_start3A_307 : memref<80xi32, #tpu.memory_space<vmem>>) semaphore(%run_scoped3A_305 : memref<!tpu.dma_semaphore, #tpu.memory_space<semaphore_mem>>) {add = true}
        %dma_wait3A_311 = arith.constant 0 : i32
        %dma_wait3A_312 = tpu.memref_slice %arg10[%run_scoped3A_302, %dma_wait3A_311] : memref<2x80xi32, #tpu.memory_space<vmem>> -> memref<1x80xi32, #tpu.memory_space<vmem>>
        %dma_wait3A_313 = tpu.memref_squeeze %dma_wait3A_312 : memref<1x80xi32, #tpu.memory_space<vmem>> -> memref<80xi32, #tpu.memory_space<vmem>>
        %dma_wait3A_314 = arith.constant 0 : i32
        %dma_wait3A_315 = arith.constant 0 : i32
        %dma_wait3A_316 = tpu.memref_slice %arg14[%dma_wait3A_314, %dma_wait3A_315] : memref<512x128xf32, #tpu.memory_space<vmem_shared>> -> memref<512x128xf32, #tpu.memory_space<vmem_shared>>
        tpu.wait_indirect_dma semaphore(%run_scoped3A_305 : memref<!tpu.dma_semaphore, #tpu.memory_space<semaphore_mem>>) src(%arg12 : memref<80x128xf32, #tpu.memory_space<vmem>>) dst(%dma_wait3A_316 : memref<512x128xf32, #tpu.memory_space<vmem_shared>>)
        tpu.yield
      }) : () -> ()
      %run_scoped3A_303 = arith.constant 1 : i32
      "tpu.region"() ({
        %run_scoped3A_305 = tpu.sem_alloc : memref<!tpu.dma_semaphore, #tpu.memory_space<semaphore_mem>>
        %dma_start3A = arith.constant 80 : i32
        %dma_start3A_306 = arith.constant 0 : i32
        %dma_start3A_307 = tpu.memref_slice %arg8[%dma_start3A, %dma_start3A_306] : memref<160x128xf32, #tpu.memory_space<vmem>> -> memref<80x128xf32, #tpu.memory_space<vmem>>
        %dma_start3A_308 = arith.constant 0 : i32
        %dma_start3A_309 = tpu.memref_slice %arg10[%run_scoped3A_303, %dma_start3A_308] : memref<2x80xi32, #tpu.memory_space<vmem>> -> memref<1x80xi32, #tpu.memory_space<vmem>>
        %dma_start3A_310 = tpu.memref_squeeze %dma_start3A_309 : memref<1x80xi32, #tpu.memory_space<vmem>> -> memref<80xi32, #tpu.memory_space<vmem>>
        %dma_start3A_311 = arith.constant 0 : i32
        %dma_start3A_312 = arith.constant 0 : i32
        %dma_start3A_313 = tpu.memref_slice %arg13[%dma_start3A_311, %dma_start3A_312] : memref<512x128xf32, #tpu.memory_space<vmem_shared>> -> memref<512x128xf32, #tpu.memory_space<vmem_shared>>
        tpu.enqueue_indirect_dma source(%dma_start3A_307 : memref<80x128xf32, #tpu.memory_space<vmem>>) target(%dma_start3A_313 : memref<512x128xf32, #tpu.memory_space<vmem_shared>>) offsets(%dma_start3A_310 : memref<80xi32, #tpu.memory_space<vmem>>) semaphore(%run_scoped3A_305 : memref<!tpu.dma_semaphore, #tpu.memory_space<semaphore_mem>>) {add = true}
        %dma_wait3A_314 = arith.constant 80 : i32
        %dma_wait3A_315 = arith.constant 0 : i32
        %dma_wait3A_316 = tpu.memref_slice %arg8[%dma_wait3A_314, %dma_wait3A_315] : memref<160x128xf32, #tpu.memory_space<vmem>> -> memref<80x128xf32, #tpu.memory_space<vmem>>
        %dma_wait3A_317 = arith.constant 0 : i32
        %dma_wait3A_318 = tpu.memref_slice %arg10[%run_scoped3A_303, %dma_wait3A_317] : memref<2x80xi32, #tpu.memory_space<vmem>> -> memref<1x80xi32, #tpu.memory_space<vmem>>
        %dma_wait3A_319 = tpu.memref_squeeze %dma_wait3A_318 : memref<1x80xi32, #tpu.memory_space<vmem>> -> memref<80xi32, #tpu.memory_space<vmem>>
        %dma_wait3A_320 = arith.constant 0 : i32
        %dma_wait3A_321 = arith.constant 0 : i32
        %dma_wait3A_322 = tpu.memref_slice %arg13[%dma_wait3A_320, %dma_wait3A_321] : memref<512x128xf32, #tpu.memory_space<vmem_shared>> -> memref<512x128xf32, #tpu.memory_space<vmem_shared>>
        tpu.wait_indirect_dma semaphore(%run_scoped3A_305 : memref<!tpu.dma_semaphore, #tpu.memory_space<semaphore_mem>>) src(%dma_wait3A_316 : memref<80x128xf32, #tpu.memory_space<vmem>>) dst(%dma_wait3A_322 : memref<512x128xf32, #tpu.memory_space<vmem_shared>>)
        tpu.yield
      }) : () -> ()
      %run_scoped3A_304 = arith.constant 1 : i32
      "tpu.region"() ({
        %run_scoped3A_305 = tpu.sem_alloc : memref<!tpu.dma_semaphore, #tpu.memory_space<semaphore_mem>>
        %dma_start3A = arith.constant 0 : i32
        %dma_start3A_306 = tpu.memref_slice %arg10[%run_scoped3A_304, %dma_start3A] : memref<2x80xi32, #tpu.memory_space<vmem>> -> memref<1x80xi32, #tpu.memory_space<vmem>>
        %dma_start3A_307 = tpu.memref_squeeze %dma_start3A_306 : memref<1x80xi32, #tpu.memory_space<vmem>> -> memref<80xi32, #tpu.memory_space<vmem>>
        %dma_start3A_308 = arith.constant 0 : i32
        %dma_start3A_309 = arith.constant 0 : i32
        %dma_start3A_310 = tpu.memref_slice %arg14[%dma_start3A_308, %dma_start3A_309] : memref<512x128xf32, #tpu.memory_space<vmem_shared>> -> memref<512x128xf32, #tpu.memory_space<vmem_shared>>
        tpu.enqueue_indirect_dma source(%arg12 : memref<80x128xf32, #tpu.memory_space<vmem>>) target(%dma_start3A_310 : memref<512x128xf32, #tpu.memory_space<vmem_shared>>) offsets(%dma_start3A_307 : memref<80xi32, #tpu.memory_space<vmem>>) semaphore(%run_scoped3A_305 : memref<!tpu.dma_semaphore, #tpu.memory_space<semaphore_mem>>) {add = true}
        %dma_wait3A_311 = arith.constant 0 : i32
        %dma_wait3A_312 = tpu.memref_slice %arg10[%run_scoped3A_304, %dma_wait3A_311] : memref<2x80xi32, #tpu.memory_space<vmem>> -> memref<1x80xi32, #tpu.memory_space<vmem>>
        %dma_wait3A_313 = tpu.memref_squeeze %dma_wait3A_312 : memref<1x80xi32, #tpu.memory_space<vmem>> -> memref<80xi32, #tpu.memory_space<vmem>>
        %dma_wait3A_314 = arith.constant 0 : i32
        %dma_wait3A_315 = arith.constant 0 : i32
        %dma_wait3A_316 = tpu.memref_slice %arg14[%dma_wait3A_314, %dma_wait3A_315] : memref<512x128xf32, #tpu.memory_space<vmem_shared>> -> memref<512x128xf32, #tpu.memory_space<vmem_shared>>
        tpu.wait_indirect_dma semaphore(%run_scoped3A_305 : memref<!tpu.dma_semaphore, #tpu.memory_space<semaphore_mem>>) src(%arg12 : memref<80x128xf32, #tpu.memory_space<vmem>>) dst(%dma_wait3A_316 : memref<512x128xf32, #tpu.memory_space<vmem_shared>>)
        tpu.yield
      }) : () -> ()
    } else {
    }
    %add3A_223 = arith.constant 512 : i32
    %add3A_224 = arith.addi %add3A, %add3A_223 : i32
    %lt3A_225 = arith.constant 625 : i32
    %lt3A_226 = arith.cmpi slt, %add3A_224, %lt3A_225 : i32
    %convert_element_type3A_227 = arith.extui %lt3A_226 : i1 to i32
    %cond3A_228 = arith.constant 0 : i32
    %cond3A_229 = arith.cmpi ne, %convert_element_type3A_227, %cond3A_228 : i32
    scf.if %cond3A_229 {
      %mul3A_291 = arith.constant 160 : i32
      %mul3A_292 = arith.muli %add3A_224, %mul3A_291 : i32
      %dma_start3A = arith.constant 0 : i32
      %dma_start3A_293 = tpu.memref_slice %arg2[%mul3A_292, %dma_start3A] : memref<100000x128xf32, #tpu.memory_space<hbm>> -> memref<160x128xf32, #tpu.memory_space<hbm>>
      %dma_start3A_294 = arith.constant 0 : i32
      %dma_start3A_295 = tpu.memref_slice %arg2[%mul3A_292, %dma_start3A_294] : memref<100000x128xf32, #tpu.memory_space<hbm>> -> memref<160x128xf32, #tpu.memory_space<hbm>>
      tpu.enqueue_dma source(%dma_start3A_295 : memref<160x128xf32, #tpu.memory_space<hbm>>) target(%arg8 : memref<160x128xf32, #tpu.memory_space<vmem>>) target_semaphore(%arg15 : memref<!tpu.dma_semaphore, #tpu.memory_space<semaphore_mem>>)
      %mul3A_296 = arith.constant 2 : i32
      %mul3A_297 = arith.muli %add3A_224, %mul3A_296 : i32
      %dma_start3A_298 = arith.constant 0 : i32
      %dma_start3A_299 = tpu.memref_slice %arg3[%mul3A_297, %dma_start3A_298] : memref<1250x80xi32, #tpu.memory_space<hbm>> -> memref<2x80xi32, #tpu.memory_space<hbm>>
      %dma_start3A_300 = arith.constant 0 : i32
      %dma_start3A_301 = tpu.memref_slice %arg3[%mul3A_297, %dma_start3A_300] : memref<1250x80xi32, #tpu.memory_space<hbm>> -> memref<2x80xi32, #tpu.memory_space<hbm>>
      tpu.enqueue_dma source(%dma_start3A_301 : memref<2x80xi32, #tpu.memory_space<hbm>>) target(%arg10 : memref<2x80xi32, #tpu.memory_space<vmem>>) target_semaphore(%arg15 : memref<!tpu.dma_semaphore, #tpu.memory_space<semaphore_mem>>)
    } else {
    }
    %add3A_230 = arith.constant 480 : i32
    %add3A_231 = arith.addi %add3A, %add3A_230 : i32
    %lt3A_232 = arith.constant 625 : i32
    %lt3A_233 = arith.cmpi slt, %add3A_231, %lt3A_232 : i32
    %convert_element_type3A_234 = arith.extui %lt3A_233 : i1 to i32
    %cond3A_235 = arith.constant 0 : i32
    %cond3A_236 = arith.cmpi ne, %convert_element_type3A_234, %cond3A_235 : i32
    scf.if %cond3A_236 {
      %mul3A_291 = arith.constant 160 : i32
      %mul3A_292 = arith.muli %add3A_231, %mul3A_291 : i32
      %dma_wait3A = arith.constant 0 : i32
      %dma_wait3A_293 = tpu.memref_slice %arg2[%mul3A_292, %dma_wait3A] : memref<100000x128xf32, #tpu.memory_space<hbm>> -> memref<160x128xf32, #tpu.memory_space<hbm>>
      %dma_wait3A_294 = arith.constant 0 : i32
      %dma_wait3A_295 = tpu.memref_slice %arg2[%mul3A_292, %dma_wait3A_294] : memref<100000x128xf32, #tpu.memory_space<hbm>> -> memref<160x128xf32, #tpu.memory_space<hbm>>
      tpu.wait_dma2 semaphore(%arg16 : memref<!tpu.dma_semaphore, #tpu.memory_space<semaphore_mem>>) src(%dma_wait3A_295 : memref<160x128xf32, #tpu.memory_space<hbm>>) dst(%arg9 : memref<160x128xf32, #tpu.memory_space<vmem>>)
      %mul3A_296 = arith.constant 2 : i32
      %mul3A_297 = arith.muli %add3A_231, %mul3A_296 : i32
      %dma_wait3A_298 = arith.constant 0 : i32
      %dma_wait3A_299 = tpu.memref_slice %arg3[%mul3A_297, %dma_wait3A_298] : memref<1250x80xi32, #tpu.memory_space<hbm>> -> memref<2x80xi32, #tpu.memory_space<hbm>>
      %dma_wait3A_300 = arith.constant 0 : i32
      %dma_wait3A_301 = tpu.memref_slice %arg3[%mul3A_297, %dma_wait3A_300] : memref<1250x80xi32, #tpu.memory_space<hbm>> -> memref<2x80xi32, #tpu.memory_space<hbm>>
      tpu.wait_dma2 semaphore(%arg16 : memref<!tpu.dma_semaphore, #tpu.memory_space<semaphore_mem>>) src(%dma_wait3A_301 : memref<2x80xi32, #tpu.memory_space<hbm>>) dst(%arg11 : memref<2x80xi32, #tpu.memory_space<vmem>>)
      %run_scoped3A = arith.constant 0 : i32
      "tpu.region"() ({
        %run_scoped3A_305 = tpu.sem_alloc : memref<!tpu.dma_semaphore, #tpu.memory_space<semaphore_mem>>
        %dma_start3A = arith.constant 0 : i32
        %dma_start3A_306 = arith.constant 0 : i32
        %dma_start3A_307 = tpu.memref_slice %arg9[%dma_start3A, %dma_start3A_306] : memref<160x128xf32, #tpu.memory_space<vmem>> -> memref<80x128xf32, #tpu.memory_space<vmem>>
        %dma_start3A_308 = arith.constant 0 : i32
        %dma_start3A_309 = tpu.memref_slice %arg11[%run_scoped3A, %dma_start3A_308] : memref<2x80xi32, #tpu.memory_space<vmem>> -> memref<1x80xi32, #tpu.memory_space<vmem>>
        %dma_start3A_310 = tpu.memref_squeeze %dma_start3A_309 : memref<1x80xi32, #tpu.memory_space<vmem>> -> memref<80xi32, #tpu.memory_space<vmem>>
        %dma_start3A_311 = arith.constant 0 : i32
        %dma_start3A_312 = arith.constant 0 : i32
        %dma_start3A_313 = tpu.memref_slice %arg13[%dma_start3A_311, %dma_start3A_312] : memref<512x128xf32, #tpu.memory_space<vmem_shared>> -> memref<512x128xf32, #tpu.memory_space<vmem_shared>>
        tpu.enqueue_indirect_dma source(%dma_start3A_307 : memref<80x128xf32, #tpu.memory_space<vmem>>) target(%dma_start3A_313 : memref<512x128xf32, #tpu.memory_space<vmem_shared>>) offsets(%dma_start3A_310 : memref<80xi32, #tpu.memory_space<vmem>>) semaphore(%run_scoped3A_305 : memref<!tpu.dma_semaphore, #tpu.memory_space<semaphore_mem>>) {add = true}
        %dma_wait3A_314 = arith.constant 0 : i32
        %dma_wait3A_315 = arith.constant 0 : i32
        %dma_wait3A_316 = tpu.memref_slice %arg9[%dma_wait3A_314, %dma_wait3A_315] : memref<160x128xf32, #tpu.memory_space<vmem>> -> memref<80x128xf32, #tpu.memory_space<vmem>>
        %dma_wait3A_317 = arith.constant 0 : i32
        %dma_wait3A_318 = tpu.memref_slice %arg11[%run_scoped3A, %dma_wait3A_317] : memref<2x80xi32, #tpu.memory_space<vmem>> -> memref<1x80xi32, #tpu.memory_space<vmem>>
        %dma_wait3A_319 = tpu.memref_squeeze %dma_wait3A_318 : memref<1x80xi32, #tpu.memory_space<vmem>> -> memref<80xi32, #tpu.memory_space<vmem>>
        %dma_wait3A_320 = arith.constant 0 : i32
        %dma_wait3A_321 = arith.constant 0 : i32
        %dma_wait3A_322 = tpu.memref_slice %arg13[%dma_wait3A_320, %dma_wait3A_321] : memref<512x128xf32, #tpu.memory_space<vmem_shared>> -> memref<512x128xf32, #tpu.memory_space<vmem_shared>>
        tpu.wait_indirect_dma semaphore(%run_scoped3A_305 : memref<!tpu.dma_semaphore, #tpu.memory_space<semaphore_mem>>) src(%dma_wait3A_316 : memref<80x128xf32, #tpu.memory_space<vmem>>) dst(%dma_wait3A_322 : memref<512x128xf32, #tpu.memory_space<vmem_shared>>)
        tpu.yield
      }) : () -> ()
      %run_scoped3A_302 = arith.constant 0 : i32
      "tpu.region"() ({
        %run_scoped3A_305 = tpu.sem_alloc : memref<!tpu.dma_semaphore, #tpu.memory_space<semaphore_mem>>
        %dma_start3A = arith.constant 0 : i32
        %dma_start3A_306 = tpu.memref_slice %arg11[%run_scoped3A_302, %dma_start3A] : memref<2x80xi32, #tpu.memory_space<vmem>> -> memref<1x80xi32, #tpu.memory_space<vmem>>
        %dma_start3A_307 = tpu.memref_squeeze %dma_start3A_306 : memref<1x80xi32, #tpu.memory_space<vmem>> -> memref<80xi32, #tpu.memory_space<vmem>>
        %dma_start3A_308 = arith.constant 0 : i32
        %dma_start3A_309 = arith.constant 0 : i32
        %dma_start3A_310 = tpu.memref_slice %arg14[%dma_start3A_308, %dma_start3A_309] : memref<512x128xf32, #tpu.memory_space<vmem_shared>> -> memref<512x128xf32, #tpu.memory_space<vmem_shared>>
        tpu.enqueue_indirect_dma source(%arg12 : memref<80x128xf32, #tpu.memory_space<vmem>>) target(%dma_start3A_310 : memref<512x128xf32, #tpu.memory_space<vmem_shared>>) offsets(%dma_start3A_307 : memref<80xi32, #tpu.memory_space<vmem>>) semaphore(%run_scoped3A_305 : memref<!tpu.dma_semaphore, #tpu.memory_space<semaphore_mem>>) {add = true}
        %dma_wait3A_311 = arith.constant 0 : i32
        %dma_wait3A_312 = tpu.memref_slice %arg11[%run_scoped3A_302, %dma_wait3A_311] : memref<2x80xi32, #tpu.memory_space<vmem>> -> memref<1x80xi32, #tpu.memory_space<vmem>>
        %dma_wait3A_313 = tpu.memref_squeeze %dma_wait3A_312 : memref<1x80xi32, #tpu.memory_space<vmem>> -> memref<80xi32, #tpu.memory_space<vmem>>
        %dma_wait3A_314 = arith.constant 0 : i32
        %dma_wait3A_315 = arith.constant 0 : i32
        %dma_wait3A_316 = tpu.memref_slice %arg14[%dma_wait3A_314, %dma_wait3A_315] : memref<512x128xf32, #tpu.memory_space<vmem_shared>> -> memref<512x128xf32, #tpu.memory_space<vmem_shared>>
        tpu.wait_indirect_dma semaphore(%run_scoped3A_305 : memref<!tpu.dma_semaphore, #tpu.memory_space<semaphore_mem>>) src(%arg12 : memref<80x128xf32, #tpu.memory_space<vmem>>) dst(%dma_wait3A_316 : memref<512x128xf32, #tpu.memory_space<vmem_shared>>)
        tpu.yield
      }) : () -> ()
      %run_scoped3A_303 = arith.constant 1 : i32
      "tpu.region"() ({
        %run_scoped3A_305 = tpu.sem_alloc : memref<!tpu.dma_semaphore, #tpu.memory_space<semaphore_mem>>
        %dma_start3A = arith.constant 80 : i32
        %dma_start3A_306 = arith.constant 0 : i32
        %dma_start3A_307 = tpu.memref_slice %arg9[%dma_start3A, %dma_start3A_306] : memref<160x128xf32, #tpu.memory_space<vmem>> -> memref<80x128xf32, #tpu.memory_space<vmem>>
        %dma_start3A_308 = arith.constant 0 : i32
        %dma_start3A_309 = tpu.memref_slice %arg11[%run_scoped3A_303, %dma_start3A_308] : memref<2x80xi32, #tpu.memory_space<vmem>> -> memref<1x80xi32, #tpu.memory_space<vmem>>
        %dma_start3A_310 = tpu.memref_squeeze %dma_start3A_309 : memref<1x80xi32, #tpu.memory_space<vmem>> -> memref<80xi32, #tpu.memory_space<vmem>>
        %dma_start3A_311 = arith.constant 0 : i32
        %dma_start3A_312 = arith.constant 0 : i32
        %dma_start3A_313 = tpu.memref_slice %arg13[%dma_start3A_311, %dma_start3A_312] : memref<512x128xf32, #tpu.memory_space<vmem_shared>> -> memref<512x128xf32, #tpu.memory_space<vmem_shared>>
        tpu.enqueue_indirect_dma source(%dma_start3A_307 : memref<80x128xf32, #tpu.memory_space<vmem>>) target(%dma_start3A_313 : memref<512x128xf32, #tpu.memory_space<vmem_shared>>) offsets(%dma_start3A_310 : memref<80xi32, #tpu.memory_space<vmem>>) semaphore(%run_scoped3A_305 : memref<!tpu.dma_semaphore, #tpu.memory_space<semaphore_mem>>) {add = true}
        %dma_wait3A_314 = arith.constant 80 : i32
        %dma_wait3A_315 = arith.constant 0 : i32
        %dma_wait3A_316 = tpu.memref_slice %arg9[%dma_wait3A_314, %dma_wait3A_315] : memref<160x128xf32, #tpu.memory_space<vmem>> -> memref<80x128xf32, #tpu.memory_space<vmem>>
        %dma_wait3A_317 = arith.constant 0 : i32
        %dma_wait3A_318 = tpu.memref_slice %arg11[%run_scoped3A_303, %dma_wait3A_317] : memref<2x80xi32, #tpu.memory_space<vmem>> -> memref<1x80xi32, #tpu.memory_space<vmem>>
        %dma_wait3A_319 = tpu.memref_squeeze %dma_wait3A_318 : memref<1x80xi32, #tpu.memory_space<vmem>> -> memref<80xi32, #tpu.memory_space<vmem>>
        %dma_wait3A_320 = arith.constant 0 : i32
        %dma_wait3A_321 = arith.constant 0 : i32
        %dma_wait3A_322 = tpu.memref_slice %arg13[%dma_wait3A_320, %dma_wait3A_321] : memref<512x128xf32, #tpu.memory_space<vmem_shared>> -> memref<512x128xf32, #tpu.memory_space<vmem_shared>>
        tpu.wait_indirect_dma semaphore(%run_scoped3A_305 : memref<!tpu.dma_semaphore, #tpu.memory_space<semaphore_mem>>) src(%dma_wait3A_316 : memref<80x128xf32, #tpu.memory_space<vmem>>) dst(%dma_wait3A_322 : memref<512x128xf32, #tpu.memory_space<vmem_shared>>)
        tpu.yield
      }) : () -> ()
      %run_scoped3A_304 = arith.constant 1 : i32
      "tpu.region"() ({
        %run_scoped3A_305 = tpu.sem_alloc : memref<!tpu.dma_semaphore, #tpu.memory_space<semaphore_mem>>
        %dma_start3A = arith.constant 0 : i32
        %dma_start3A_306 = tpu.memref_slice %arg11[%run_scoped3A_304, %dma_start3A] : memref<2x80xi32, #tpu.memory_space<vmem>> -> memref<1x80xi32, #tpu.memory_space<vmem>>
        %dma_start3A_307 = tpu.memref_squeeze %dma_start3A_306 : memref<1x80xi32, #tpu.memory_space<vmem>> -> memref<80xi32, #tpu.memory_space<vmem>>
        %dma_start3A_308 = arith.constant 0 : i32
        %dma_start3A_309 = arith.constant 0 : i32
        %dma_start3A_310 = tpu.memref_slice %arg14[%dma_start3A_308, %dma_start3A_309] : memref<512x128xf32, #tpu.memory_space<vmem_shared>> -> memref<512x128xf32, #tpu.memory_space<vmem_shared>>
        tpu.enqueue_indirect_dma source(%arg12 : memref<80x128xf32, #tpu.memory_space<vmem>>) target(%dma_start3A_310 : memref<512x128xf32, #tpu.memory_space<vmem_shared>>) offsets(%dma_start3A_307 : memref<80xi32, #tpu.memory_space<vmem>>) semaphore(%run_scoped3A_305 : memref<!tpu.dma_semaphore, #tpu.memory_space<semaphore_mem>>) {add = true}
        %dma_wait3A_311 = arith.constant 0 : i32
        %dma_wait3A_312 = tpu.memref_slice %arg11[%run_scoped3A_304, %dma_wait3A_311] : memref<2x80xi32, #tpu.memory_space<vmem>> -> memref<1x80xi32, #tpu.memory_space<vmem>>
        %dma_wait3A_313 = tpu.memref_squeeze %dma_wait3A_312 : memref<1x80xi32, #tpu.memory_space<vmem>> -> memref<80xi32, #tpu.memory_space<vmem>>
        %dma_wait3A_314 = arith.constant 0 : i32
        %dma_wait3A_315 = arith.constant 0 : i32
        %dma_wait3A_316 = tpu.memref_slice %arg14[%dma_wait3A_314, %dma_wait3A_315] : memref<512x128xf32, #tpu.memory_space<vmem_shared>> -> memref<512x128xf32, #tpu.memory_space<vmem_shared>>
        tpu.wait_indirect_dma semaphore(%run_scoped3A_305 : memref<!tpu.dma_semaphore, #tpu.memory_space<semaphore_mem>>) src(%arg12 : memref<80x128xf32, #tpu.memory_space<vmem>>) dst(%dma_wait3A_316 : memref<512x128xf32, #tpu.memory_space<vmem_shared>>)
        tpu.yield
      }) : () -> ()
    } else {
    }
    %add3A_237 = arith.constant 544 : i32
    %add3A_238 = arith.addi %add3A, %add3A_237 : i32
    %lt3A_239 = arith.constant 625 : i32
    %lt3A_240 = arith.cmpi slt, %add3A_238, %lt3A_239 : i32
    %convert_element_type3A_241 = arith.extui %lt3A_240 : i1 to i32
    %cond3A_242 = arith.constant 0 : i32
    %cond3A_243 = arith.cmpi ne, %convert_element_type3A_241, %cond3A_242 : i32
    scf.if %cond3A_243 {
      %mul3A_291 = arith.constant 160 : i32
      %mul3A_292 = arith.muli %add3A_238, %mul3A_291 : i32
      %dma_start3A = arith.constant 0 : i32
      %dma_start3A_293 = tpu.memref_slice %arg2[%mul3A_292, %dma_start3A] : memref<100000x128xf32, #tpu.memory_space<hbm>> -> memref<160x128xf32, #tpu.memory_space<hbm>>
      %dma_start3A_294 = arith.constant 0 : i32
      %dma_start3A_295 = tpu.memref_slice %arg2[%mul3A_292, %dma_start3A_294] : memref<100000x128xf32, #tpu.memory_space<hbm>> -> memref<160x128xf32, #tpu.memory_space<hbm>>
      tpu.enqueue_dma source(%dma_start3A_295 : memref<160x128xf32, #tpu.memory_space<hbm>>) target(%arg9 : memref<160x128xf32, #tpu.memory_space<vmem>>) target_semaphore(%arg16 : memref<!tpu.dma_semaphore, #tpu.memory_space<semaphore_mem>>)
      %mul3A_296 = arith.constant 2 : i32
      %mul3A_297 = arith.muli %add3A_238, %mul3A_296 : i32
      %dma_start3A_298 = arith.constant 0 : i32
      %dma_start3A_299 = tpu.memref_slice %arg3[%mul3A_297, %dma_start3A_298] : memref<1250x80xi32, #tpu.memory_space<hbm>> -> memref<2x80xi32, #tpu.memory_space<hbm>>
      %dma_start3A_300 = arith.constant 0 : i32
      %dma_start3A_301 = tpu.memref_slice %arg3[%mul3A_297, %dma_start3A_300] : memref<1250x80xi32, #tpu.memory_space<hbm>> -> memref<2x80xi32, #tpu.memory_space<hbm>>
      tpu.enqueue_dma source(%dma_start3A_301 : memref<2x80xi32, #tpu.memory_space<hbm>>) target(%arg11 : memref<2x80xi32, #tpu.memory_space<vmem>>) target_semaphore(%arg16 : memref<!tpu.dma_semaphore, #tpu.memory_space<semaphore_mem>>)
    } else {
    }
    %add3A_244 = arith.constant 512 : i32
    %add3A_245 = arith.addi %add3A, %add3A_244 : i32
    %lt3A_246 = arith.constant 625 : i32
    %lt3A_247 = arith.cmpi slt, %add3A_245, %lt3A_246 : i32
    %convert_element_type3A_248 = arith.extui %lt3A_247 : i1 to i32
    %cond3A_249 = arith.constant 0 : i32
    %cond3A_250 = arith.cmpi ne, %convert_element_type3A_248, %cond3A_249 : i32
    scf.if %cond3A_250 {
      %mul3A_291 = arith.constant 160 : i32
      %mul3A_292 = arith.muli %add3A_245, %mul3A_291 : i32
      %dma_wait3A = arith.constant 0 : i32
      %dma_wait3A_293 = tpu.memref_slice %arg2[%mul3A_292, %dma_wait3A] : memref<100000x128xf32, #tpu.memory_space<hbm>> -> memref<160x128xf32, #tpu.memory_space<hbm>>
      %dma_wait3A_294 = arith.constant 0 : i32
      %dma_wait3A_295 = tpu.memref_slice %arg2[%mul3A_292, %dma_wait3A_294] : memref<100000x128xf32, #tpu.memory_space<hbm>> -> memref<160x128xf32, #tpu.memory_space<hbm>>
      tpu.wait_dma2 semaphore(%arg15 : memref<!tpu.dma_semaphore, #tpu.memory_space<semaphore_mem>>) src(%dma_wait3A_295 : memref<160x128xf32, #tpu.memory_space<hbm>>) dst(%arg8 : memref<160x128xf32, #tpu.memory_space<vmem>>)
      %mul3A_296 = arith.constant 2 : i32
      %mul3A_297 = arith.muli %add3A_245, %mul3A_296 : i32
      %dma_wait3A_298 = arith.constant 0 : i32
      %dma_wait3A_299 = tpu.memref_slice %arg3[%mul3A_297, %dma_wait3A_298] : memref<1250x80xi32, #tpu.memory_space<hbm>> -> memref<2x80xi32, #tpu.memory_space<hbm>>
      %dma_wait3A_300 = arith.constant 0 : i32
      %dma_wait3A_301 = tpu.memref_slice %arg3[%mul3A_297, %dma_wait3A_300] : memref<1250x80xi32, #tpu.memory_space<hbm>> -> memref<2x80xi32, #tpu.memory_space<hbm>>
      tpu.wait_dma2 semaphore(%arg15 : memref<!tpu.dma_semaphore, #tpu.memory_space<semaphore_mem>>) src(%dma_wait3A_301 : memref<2x80xi32, #tpu.memory_space<hbm>>) dst(%arg10 : memref<2x80xi32, #tpu.memory_space<vmem>>)
      %run_scoped3A = arith.constant 0 : i32
      "tpu.region"() ({
        %run_scoped3A_305 = tpu.sem_alloc : memref<!tpu.dma_semaphore, #tpu.memory_space<semaphore_mem>>
        %dma_start3A = arith.constant 0 : i32
        %dma_start3A_306 = arith.constant 0 : i32
        %dma_start3A_307 = tpu.memref_slice %arg8[%dma_start3A, %dma_start3A_306] : memref<160x128xf32, #tpu.memory_space<vmem>> -> memref<80x128xf32, #tpu.memory_space<vmem>>
        %dma_start3A_308 = arith.constant 0 : i32
        %dma_start3A_309 = tpu.memref_slice %arg10[%run_scoped3A, %dma_start3A_308] : memref<2x80xi32, #tpu.memory_space<vmem>> -> memref<1x80xi32, #tpu.memory_space<vmem>>
        %dma_start3A_310 = tpu.memref_squeeze %dma_start3A_309 : memref<1x80xi32, #tpu.memory_space<vmem>> -> memref<80xi32, #tpu.memory_space<vmem>>
        %dma_start3A_311 = arith.constant 0 : i32
        %dma_start3A_312 = arith.constant 0 : i32
        %dma_start3A_313 = tpu.memref_slice %arg13[%dma_start3A_311, %dma_start3A_312] : memref<512x128xf32, #tpu.memory_space<vmem_shared>> -> memref<512x128xf32, #tpu.memory_space<vmem_shared>>
        tpu.enqueue_indirect_dma source(%dma_start3A_307 : memref<80x128xf32, #tpu.memory_space<vmem>>) target(%dma_start3A_313 : memref<512x128xf32, #tpu.memory_space<vmem_shared>>) offsets(%dma_start3A_310 : memref<80xi32, #tpu.memory_space<vmem>>) semaphore(%run_scoped3A_305 : memref<!tpu.dma_semaphore, #tpu.memory_space<semaphore_mem>>) {add = true}
        %dma_wait3A_314 = arith.constant 0 : i32
        %dma_wait3A_315 = arith.constant 0 : i32
        %dma_wait3A_316 = tpu.memref_slice %arg8[%dma_wait3A_314, %dma_wait3A_315] : memref<160x128xf32, #tpu.memory_space<vmem>> -> memref<80x128xf32, #tpu.memory_space<vmem>>
        %dma_wait3A_317 = arith.constant 0 : i32
        %dma_wait3A_318 = tpu.memref_slice %arg10[%run_scoped3A, %dma_wait3A_317] : memref<2x80xi32, #tpu.memory_space<vmem>> -> memref<1x80xi32, #tpu.memory_space<vmem>>
        %dma_wait3A_319 = tpu.memref_squeeze %dma_wait3A_318 : memref<1x80xi32, #tpu.memory_space<vmem>> -> memref<80xi32, #tpu.memory_space<vmem>>
        %dma_wait3A_320 = arith.constant 0 : i32
        %dma_wait3A_321 = arith.constant 0 : i32
        %dma_wait3A_322 = tpu.memref_slice %arg13[%dma_wait3A_320, %dma_wait3A_321] : memref<512x128xf32, #tpu.memory_space<vmem_shared>> -> memref<512x128xf32, #tpu.memory_space<vmem_shared>>
        tpu.wait_indirect_dma semaphore(%run_scoped3A_305 : memref<!tpu.dma_semaphore, #tpu.memory_space<semaphore_mem>>) src(%dma_wait3A_316 : memref<80x128xf32, #tpu.memory_space<vmem>>) dst(%dma_wait3A_322 : memref<512x128xf32, #tpu.memory_space<vmem_shared>>)
        tpu.yield
      }) : () -> ()
      %run_scoped3A_302 = arith.constant 0 : i32
      "tpu.region"() ({
        %run_scoped3A_305 = tpu.sem_alloc : memref<!tpu.dma_semaphore, #tpu.memory_space<semaphore_mem>>
        %dma_start3A = arith.constant 0 : i32
        %dma_start3A_306 = tpu.memref_slice %arg10[%run_scoped3A_302, %dma_start3A] : memref<2x80xi32, #tpu.memory_space<vmem>> -> memref<1x80xi32, #tpu.memory_space<vmem>>
        %dma_start3A_307 = tpu.memref_squeeze %dma_start3A_306 : memref<1x80xi32, #tpu.memory_space<vmem>> -> memref<80xi32, #tpu.memory_space<vmem>>
        %dma_start3A_308 = arith.constant 0 : i32
        %dma_start3A_309 = arith.constant 0 : i32
        %dma_start3A_310 = tpu.memref_slice %arg14[%dma_start3A_308, %dma_start3A_309] : memref<512x128xf32, #tpu.memory_space<vmem_shared>> -> memref<512x128xf32, #tpu.memory_space<vmem_shared>>
        tpu.enqueue_indirect_dma source(%arg12 : memref<80x128xf32, #tpu.memory_space<vmem>>) target(%dma_start3A_310 : memref<512x128xf32, #tpu.memory_space<vmem_shared>>) offsets(%dma_start3A_307 : memref<80xi32, #tpu.memory_space<vmem>>) semaphore(%run_scoped3A_305 : memref<!tpu.dma_semaphore, #tpu.memory_space<semaphore_mem>>) {add = true}
        %dma_wait3A_311 = arith.constant 0 : i32
        %dma_wait3A_312 = tpu.memref_slice %arg10[%run_scoped3A_302, %dma_wait3A_311] : memref<2x80xi32, #tpu.memory_space<vmem>> -> memref<1x80xi32, #tpu.memory_space<vmem>>
        %dma_wait3A_313 = tpu.memref_squeeze %dma_wait3A_312 : memref<1x80xi32, #tpu.memory_space<vmem>> -> memref<80xi32, #tpu.memory_space<vmem>>
        %dma_wait3A_314 = arith.constant 0 : i32
        %dma_wait3A_315 = arith.constant 0 : i32
        %dma_wait3A_316 = tpu.memref_slice %arg14[%dma_wait3A_314, %dma_wait3A_315] : memref<512x128xf32, #tpu.memory_space<vmem_shared>> -> memref<512x128xf32, #tpu.memory_space<vmem_shared>>
        tpu.wait_indirect_dma semaphore(%run_scoped3A_305 : memref<!tpu.dma_semaphore, #tpu.memory_space<semaphore_mem>>) src(%arg12 : memref<80x128xf32, #tpu.memory_space<vmem>>) dst(%dma_wait3A_316 : memref<512x128xf32, #tpu.memory_space<vmem_shared>>)
        tpu.yield
      }) : () -> ()
      %run_scoped3A_303 = arith.constant 1 : i32
      "tpu.region"() ({
        %run_scoped3A_305 = tpu.sem_alloc : memref<!tpu.dma_semaphore, #tpu.memory_space<semaphore_mem>>
        %dma_start3A = arith.constant 80 : i32
        %dma_start3A_306 = arith.constant 0 : i32
        %dma_start3A_307 = tpu.memref_slice %arg8[%dma_start3A, %dma_start3A_306] : memref<160x128xf32, #tpu.memory_space<vmem>> -> memref<80x128xf32, #tpu.memory_space<vmem>>
        %dma_start3A_308 = arith.constant 0 : i32
        %dma_start3A_309 = tpu.memref_slice %arg10[%run_scoped3A_303, %dma_start3A_308] : memref<2x80xi32, #tpu.memory_space<vmem>> -> memref<1x80xi32, #tpu.memory_space<vmem>>
        %dma_start3A_310 = tpu.memref_squeeze %dma_start3A_309 : memref<1x80xi32, #tpu.memory_space<vmem>> -> memref<80xi32, #tpu.memory_space<vmem>>
        %dma_start3A_311 = arith.constant 0 : i32
        %dma_start3A_312 = arith.constant 0 : i32
        %dma_start3A_313 = tpu.memref_slice %arg13[%dma_start3A_311, %dma_start3A_312] : memref<512x128xf32, #tpu.memory_space<vmem_shared>> -> memref<512x128xf32, #tpu.memory_space<vmem_shared>>
        tpu.enqueue_indirect_dma source(%dma_start3A_307 : memref<80x128xf32, #tpu.memory_space<vmem>>) target(%dma_start3A_313 : memref<512x128xf32, #tpu.memory_space<vmem_shared>>) offsets(%dma_start3A_310 : memref<80xi32, #tpu.memory_space<vmem>>) semaphore(%run_scoped3A_305 : memref<!tpu.dma_semaphore, #tpu.memory_space<semaphore_mem>>) {add = true}
        %dma_wait3A_314 = arith.constant 80 : i32
        %dma_wait3A_315 = arith.constant 0 : i32
        %dma_wait3A_316 = tpu.memref_slice %arg8[%dma_wait3A_314, %dma_wait3A_315] : memref<160x128xf32, #tpu.memory_space<vmem>> -> memref<80x128xf32, #tpu.memory_space<vmem>>
        %dma_wait3A_317 = arith.constant 0 : i32
        %dma_wait3A_318 = tpu.memref_slice %arg10[%run_scoped3A_303, %dma_wait3A_317] : memref<2x80xi32, #tpu.memory_space<vmem>> -> memref<1x80xi32, #tpu.memory_space<vmem>>
        %dma_wait3A_319 = tpu.memref_squeeze %dma_wait3A_318 : memref<1x80xi32, #tpu.memory_space<vmem>> -> memref<80xi32, #tpu.memory_space<vmem>>
        %dma_wait3A_320 = arith.constant 0 : i32
        %dma_wait3A_321 = arith.constant 0 : i32
        %dma_wait3A_322 = tpu.memref_slice %arg13[%dma_wait3A_320, %dma_wait3A_321] : memref<512x128xf32, #tpu.memory_space<vmem_shared>> -> memref<512x128xf32, #tpu.memory_space<vmem_shared>>
        tpu.wait_indirect_dma semaphore(%run_scoped3A_305 : memref<!tpu.dma_semaphore, #tpu.memory_space<semaphore_mem>>) src(%dma_wait3A_316 : memref<80x128xf32, #tpu.memory_space<vmem>>) dst(%dma_wait3A_322 : memref<512x128xf32, #tpu.memory_space<vmem_shared>>)
        tpu.yield
      }) : () -> ()
      %run_scoped3A_304 = arith.constant 1 : i32
      "tpu.region"() ({
        %run_scoped3A_305 = tpu.sem_alloc : memref<!tpu.dma_semaphore, #tpu.memory_space<semaphore_mem>>
        %dma_start3A = arith.constant 0 : i32
        %dma_start3A_306 = tpu.memref_slice %arg10[%run_scoped3A_304, %dma_start3A] : memref<2x80xi32, #tpu.memory_space<vmem>> -> memref<1x80xi32, #tpu.memory_space<vmem>>
        %dma_start3A_307 = tpu.memref_squeeze %dma_start3A_306 : memref<1x80xi32, #tpu.memory_space<vmem>> -> memref<80xi32, #tpu.memory_space<vmem>>
        %dma_start3A_308 = arith.constant 0 : i32
        %dma_start3A_309 = arith.constant 0 : i32
        %dma_start3A_310 = tpu.memref_slice %arg14[%dma_start3A_308, %dma_start3A_309] : memref<512x128xf32, #tpu.memory_space<vmem_shared>> -> memref<512x128xf32, #tpu.memory_space<vmem_shared>>
        tpu.enqueue_indirect_dma source(%arg12 : memref<80x128xf32, #tpu.memory_space<vmem>>) target(%dma_start3A_310 : memref<512x128xf32, #tpu.memory_space<vmem_shared>>) offsets(%dma_start3A_307 : memref<80xi32, #tpu.memory_space<vmem>>) semaphore(%run_scoped3A_305 : memref<!tpu.dma_semaphore, #tpu.memory_space<semaphore_mem>>) {add = true}
        %dma_wait3A_311 = arith.constant 0 : i32
        %dma_wait3A_312 = tpu.memref_slice %arg10[%run_scoped3A_304, %dma_wait3A_311] : memref<2x80xi32, #tpu.memory_space<vmem>> -> memref<1x80xi32, #tpu.memory_space<vmem>>
        %dma_wait3A_313 = tpu.memref_squeeze %dma_wait3A_312 : memref<1x80xi32, #tpu.memory_space<vmem>> -> memref<80xi32, #tpu.memory_space<vmem>>
        %dma_wait3A_314 = arith.constant 0 : i32
        %dma_wait3A_315 = arith.constant 0 : i32
        %dma_wait3A_316 = tpu.memref_slice %arg14[%dma_wait3A_314, %dma_wait3A_315] : memref<512x128xf32, #tpu.memory_space<vmem_shared>> -> memref<512x128xf32, #tpu.memory_space<vmem_shared>>
        tpu.wait_indirect_dma semaphore(%run_scoped3A_305 : memref<!tpu.dma_semaphore, #tpu.memory_space<semaphore_mem>>) src(%arg12 : memref<80x128xf32, #tpu.memory_space<vmem>>) dst(%dma_wait3A_316 : memref<512x128xf32, #tpu.memory_space<vmem_shared>>)
        tpu.yield
      }) : () -> ()
    } else {
    }
    %add3A_251 = arith.constant 576 : i32
    %add3A_252 = arith.addi %add3A, %add3A_251 : i32
    %lt3A_253 = arith.constant 625 : i32
    %lt3A_254 = arith.cmpi slt, %add3A_252, %lt3A_253 : i32
    %convert_element_type3A_255 = arith.extui %lt3A_254 : i1 to i32
    %cond3A_256 = arith.constant 0 : i32
    %cond3A_257 = arith.cmpi ne, %convert_element_type3A_255, %cond3A_256 : i32
    scf.if %cond3A_257 {
      %mul3A_291 = arith.constant 160 : i32
      %mul3A_292 = arith.muli %add3A_252, %mul3A_291 : i32
      %dma_start3A = arith.constant 0 : i32
      %dma_start3A_293 = tpu.memref_slice %arg2[%mul3A_292, %dma_start3A] : memref<100000x128xf32, #tpu.memory_space<hbm>> -> memref<160x128xf32, #tpu.memory_space<hbm>>
      %dma_start3A_294 = arith.constant 0 : i32
      %dma_start3A_295 = tpu.memref_slice %arg2[%mul3A_292, %dma_start3A_294] : memref<100000x128xf32, #tpu.memory_space<hbm>> -> memref<160x128xf32, #tpu.memory_space<hbm>>
      tpu.enqueue_dma source(%dma_start3A_295 : memref<160x128xf32, #tpu.memory_space<hbm>>) target(%arg8 : memref<160x128xf32, #tpu.memory_space<vmem>>) target_semaphore(%arg15 : memref<!tpu.dma_semaphore, #tpu.memory_space<semaphore_mem>>)
      %mul3A_296 = arith.constant 2 : i32
      %mul3A_297 = arith.muli %add3A_252, %mul3A_296 : i32
      %dma_start3A_298 = arith.constant 0 : i32
      %dma_start3A_299 = tpu.memref_slice %arg3[%mul3A_297, %dma_start3A_298] : memref<1250x80xi32, #tpu.memory_space<hbm>> -> memref<2x80xi32, #tpu.memory_space<hbm>>
      %dma_start3A_300 = arith.constant 0 : i32
      %dma_start3A_301 = tpu.memref_slice %arg3[%mul3A_297, %dma_start3A_300] : memref<1250x80xi32, #tpu.memory_space<hbm>> -> memref<2x80xi32, #tpu.memory_space<hbm>>
      tpu.enqueue_dma source(%dma_start3A_301 : memref<2x80xi32, #tpu.memory_space<hbm>>) target(%arg10 : memref<2x80xi32, #tpu.memory_space<vmem>>) target_semaphore(%arg15 : memref<!tpu.dma_semaphore, #tpu.memory_space<semaphore_mem>>)
    } else {
    }
    %add3A_258 = arith.constant 544 : i32
    %add3A_259 = arith.addi %add3A, %add3A_258 : i32
    %lt3A_260 = arith.constant 625 : i32
    %lt3A_261 = arith.cmpi slt, %add3A_259, %lt3A_260 : i32
    %convert_element_type3A_262 = arith.extui %lt3A_261 : i1 to i32
    %cond3A_263 = arith.constant 0 : i32
    %cond3A_264 = arith.cmpi ne, %convert_element_type3A_262, %cond3A_263 : i32
    scf.if %cond3A_264 {
      %mul3A_291 = arith.constant 160 : i32
      %mul3A_292 = arith.muli %add3A_259, %mul3A_291 : i32
      %dma_wait3A = arith.constant 0 : i32
      %dma_wait3A_293 = tpu.memref_slice %arg2[%mul3A_292, %dma_wait3A] : memref<100000x128xf32, #tpu.memory_space<hbm>> -> memref<160x128xf32, #tpu.memory_space<hbm>>
      %dma_wait3A_294 = arith.constant 0 : i32
      %dma_wait3A_295 = tpu.memref_slice %arg2[%mul3A_292, %dma_wait3A_294] : memref<100000x128xf32, #tpu.memory_space<hbm>> -> memref<160x128xf32, #tpu.memory_space<hbm>>
      tpu.wait_dma2 semaphore(%arg16 : memref<!tpu.dma_semaphore, #tpu.memory_space<semaphore_mem>>) src(%dma_wait3A_295 : memref<160x128xf32, #tpu.memory_space<hbm>>) dst(%arg9 : memref<160x128xf32, #tpu.memory_space<vmem>>)
      %mul3A_296 = arith.constant 2 : i32
      %mul3A_297 = arith.muli %add3A_259, %mul3A_296 : i32
      %dma_wait3A_298 = arith.constant 0 : i32
      %dma_wait3A_299 = tpu.memref_slice %arg3[%mul3A_297, %dma_wait3A_298] : memref<1250x80xi32, #tpu.memory_space<hbm>> -> memref<2x80xi32, #tpu.memory_space<hbm>>
      %dma_wait3A_300 = arith.constant 0 : i32
      %dma_wait3A_301 = tpu.memref_slice %arg3[%mul3A_297, %dma_wait3A_300] : memref<1250x80xi32, #tpu.memory_space<hbm>> -> memref<2x80xi32, #tpu.memory_space<hbm>>
      tpu.wait_dma2 semaphore(%arg16 : memref<!tpu.dma_semaphore, #tpu.memory_space<semaphore_mem>>) src(%dma_wait3A_301 : memref<2x80xi32, #tpu.memory_space<hbm>>) dst(%arg11 : memref<2x80xi32, #tpu.memory_space<vmem>>)
      %run_scoped3A = arith.constant 0 : i32
      "tpu.region"() ({
        %run_scoped3A_305 = tpu.sem_alloc : memref<!tpu.dma_semaphore, #tpu.memory_space<semaphore_mem>>
        %dma_start3A = arith.constant 0 : i32
        %dma_start3A_306 = arith.constant 0 : i32
        %dma_start3A_307 = tpu.memref_slice %arg9[%dma_start3A, %dma_start3A_306] : memref<160x128xf32, #tpu.memory_space<vmem>> -> memref<80x128xf32, #tpu.memory_space<vmem>>
        %dma_start3A_308 = arith.constant 0 : i32
        %dma_start3A_309 = tpu.memref_slice %arg11[%run_scoped3A, %dma_start3A_308] : memref<2x80xi32, #tpu.memory_space<vmem>> -> memref<1x80xi32, #tpu.memory_space<vmem>>
        %dma_start3A_310 = tpu.memref_squeeze %dma_start3A_309 : memref<1x80xi32, #tpu.memory_space<vmem>> -> memref<80xi32, #tpu.memory_space<vmem>>
        %dma_start3A_311 = arith.constant 0 : i32
        %dma_start3A_312 = arith.constant 0 : i32
        %dma_start3A_313 = tpu.memref_slice %arg13[%dma_start3A_311, %dma_start3A_312] : memref<512x128xf32, #tpu.memory_space<vmem_shared>> -> memref<512x128xf32, #tpu.memory_space<vmem_shared>>
        tpu.enqueue_indirect_dma source(%dma_start3A_307 : memref<80x128xf32, #tpu.memory_space<vmem>>) target(%dma_start3A_313 : memref<512x128xf32, #tpu.memory_space<vmem_shared>>) offsets(%dma_start3A_310 : memref<80xi32, #tpu.memory_space<vmem>>) semaphore(%run_scoped3A_305 : memref<!tpu.dma_semaphore, #tpu.memory_space<semaphore_mem>>) {add = true}
        %dma_wait3A_314 = arith.constant 0 : i32
        %dma_wait3A_315 = arith.constant 0 : i32
        %dma_wait3A_316 = tpu.memref_slice %arg9[%dma_wait3A_314, %dma_wait3A_315] : memref<160x128xf32, #tpu.memory_space<vmem>> -> memref<80x128xf32, #tpu.memory_space<vmem>>
        %dma_wait3A_317 = arith.constant 0 : i32
        %dma_wait3A_318 = tpu.memref_slice %arg11[%run_scoped3A, %dma_wait3A_317] : memref<2x80xi32, #tpu.memory_space<vmem>> -> memref<1x80xi32, #tpu.memory_space<vmem>>
        %dma_wait3A_319 = tpu.memref_squeeze %dma_wait3A_318 : memref<1x80xi32, #tpu.memory_space<vmem>> -> memref<80xi32, #tpu.memory_space<vmem>>
        %dma_wait3A_320 = arith.constant 0 : i32
        %dma_wait3A_321 = arith.constant 0 : i32
        %dma_wait3A_322 = tpu.memref_slice %arg13[%dma_wait3A_320, %dma_wait3A_321] : memref<512x128xf32, #tpu.memory_space<vmem_shared>> -> memref<512x128xf32, #tpu.memory_space<vmem_shared>>
        tpu.wait_indirect_dma semaphore(%run_scoped3A_305 : memref<!tpu.dma_semaphore, #tpu.memory_space<semaphore_mem>>) src(%dma_wait3A_316 : memref<80x128xf32, #tpu.memory_space<vmem>>) dst(%dma_wait3A_322 : memref<512x128xf32, #tpu.memory_space<vmem_shared>>)
        tpu.yield
      }) : () -> ()
      %run_scoped3A_302 = arith.constant 0 : i32
      "tpu.region"() ({
        %run_scoped3A_305 = tpu.sem_alloc : memref<!tpu.dma_semaphore, #tpu.memory_space<semaphore_mem>>
        %dma_start3A = arith.constant 0 : i32
        %dma_start3A_306 = tpu.memref_slice %arg11[%run_scoped3A_302, %dma_start3A] : memref<2x80xi32, #tpu.memory_space<vmem>> -> memref<1x80xi32, #tpu.memory_space<vmem>>
        %dma_start3A_307 = tpu.memref_squeeze %dma_start3A_306 : memref<1x80xi32, #tpu.memory_space<vmem>> -> memref<80xi32, #tpu.memory_space<vmem>>
        %dma_start3A_308 = arith.constant 0 : i32
        %dma_start3A_309 = arith.constant 0 : i32
        %dma_start3A_310 = tpu.memref_slice %arg14[%dma_start3A_308, %dma_start3A_309] : memref<512x128xf32, #tpu.memory_space<vmem_shared>> -> memref<512x128xf32, #tpu.memory_space<vmem_shared>>
        tpu.enqueue_indirect_dma source(%arg12 : memref<80x128xf32, #tpu.memory_space<vmem>>) target(%dma_start3A_310 : memref<512x128xf32, #tpu.memory_space<vmem_shared>>) offsets(%dma_start3A_307 : memref<80xi32, #tpu.memory_space<vmem>>) semaphore(%run_scoped3A_305 : memref<!tpu.dma_semaphore, #tpu.memory_space<semaphore_mem>>) {add = true}
        %dma_wait3A_311 = arith.constant 0 : i32
        %dma_wait3A_312 = tpu.memref_slice %arg11[%run_scoped3A_302, %dma_wait3A_311] : memref<2x80xi32, #tpu.memory_space<vmem>> -> memref<1x80xi32, #tpu.memory_space<vmem>>
        %dma_wait3A_313 = tpu.memref_squeeze %dma_wait3A_312 : memref<1x80xi32, #tpu.memory_space<vmem>> -> memref<80xi32, #tpu.memory_space<vmem>>
        %dma_wait3A_314 = arith.constant 0 : i32
        %dma_wait3A_315 = arith.constant 0 : i32
        %dma_wait3A_316 = tpu.memref_slice %arg14[%dma_wait3A_314, %dma_wait3A_315] : memref<512x128xf32, #tpu.memory_space<vmem_shared>> -> memref<512x128xf32, #tpu.memory_space<vmem_shared>>
        tpu.wait_indirect_dma semaphore(%run_scoped3A_305 : memref<!tpu.dma_semaphore, #tpu.memory_space<semaphore_mem>>) src(%arg12 : memref<80x128xf32, #tpu.memory_space<vmem>>) dst(%dma_wait3A_316 : memref<512x128xf32, #tpu.memory_space<vmem_shared>>)
        tpu.yield
      }) : () -> ()
      %run_scoped3A_303 = arith.constant 1 : i32
      "tpu.region"() ({
        %run_scoped3A_305 = tpu.sem_alloc : memref<!tpu.dma_semaphore, #tpu.memory_space<semaphore_mem>>
        %dma_start3A = arith.constant 80 : i32
        %dma_start3A_306 = arith.constant 0 : i32
        %dma_start3A_307 = tpu.memref_slice %arg9[%dma_start3A, %dma_start3A_306] : memref<160x128xf32, #tpu.memory_space<vmem>> -> memref<80x128xf32, #tpu.memory_space<vmem>>
        %dma_start3A_308 = arith.constant 0 : i32
        %dma_start3A_309 = tpu.memref_slice %arg11[%run_scoped3A_303, %dma_start3A_308] : memref<2x80xi32, #tpu.memory_space<vmem>> -> memref<1x80xi32, #tpu.memory_space<vmem>>
        %dma_start3A_310 = tpu.memref_squeeze %dma_start3A_309 : memref<1x80xi32, #tpu.memory_space<vmem>> -> memref<80xi32, #tpu.memory_space<vmem>>
        %dma_start3A_311 = arith.constant 0 : i32
        %dma_start3A_312 = arith.constant 0 : i32
        %dma_start3A_313 = tpu.memref_slice %arg13[%dma_start3A_311, %dma_start3A_312] : memref<512x128xf32, #tpu.memory_space<vmem_shared>> -> memref<512x128xf32, #tpu.memory_space<vmem_shared>>
        tpu.enqueue_indirect_dma source(%dma_start3A_307 : memref<80x128xf32, #tpu.memory_space<vmem>>) target(%dma_start3A_313 : memref<512x128xf32, #tpu.memory_space<vmem_shared>>) offsets(%dma_start3A_310 : memref<80xi32, #tpu.memory_space<vmem>>) semaphore(%run_scoped3A_305 : memref<!tpu.dma_semaphore, #tpu.memory_space<semaphore_mem>>) {add = true}
        %dma_wait3A_314 = arith.constant 80 : i32
        %dma_wait3A_315 = arith.constant 0 : i32
        %dma_wait3A_316 = tpu.memref_slice %arg9[%dma_wait3A_314, %dma_wait3A_315] : memref<160x128xf32, #tpu.memory_space<vmem>> -> memref<80x128xf32, #tpu.memory_space<vmem>>
        %dma_wait3A_317 = arith.constant 0 : i32
        %dma_wait3A_318 = tpu.memref_slice %arg11[%run_scoped3A_303, %dma_wait3A_317] : memref<2x80xi32, #tpu.memory_space<vmem>> -> memref<1x80xi32, #tpu.memory_space<vmem>>
        %dma_wait3A_319 = tpu.memref_squeeze %dma_wait3A_318 : memref<1x80xi32, #tpu.memory_space<vmem>> -> memref<80xi32, #tpu.memory_space<vmem>>
        %dma_wait3A_320 = arith.constant 0 : i32
        %dma_wait3A_321 = arith.constant 0 : i32
        %dma_wait3A_322 = tpu.memref_slice %arg13[%dma_wait3A_320, %dma_wait3A_321] : memref<512x128xf32, #tpu.memory_space<vmem_shared>> -> memref<512x128xf32, #tpu.memory_space<vmem_shared>>
        tpu.wait_indirect_dma semaphore(%run_scoped3A_305 : memref<!tpu.dma_semaphore, #tpu.memory_space<semaphore_mem>>) src(%dma_wait3A_316 : memref<80x128xf32, #tpu.memory_space<vmem>>) dst(%dma_wait3A_322 : memref<512x128xf32, #tpu.memory_space<vmem_shared>>)
        tpu.yield
      }) : () -> ()
      %run_scoped3A_304 = arith.constant 1 : i32
      "tpu.region"() ({
        %run_scoped3A_305 = tpu.sem_alloc : memref<!tpu.dma_semaphore, #tpu.memory_space<semaphore_mem>>
        %dma_start3A = arith.constant 0 : i32
        %dma_start3A_306 = tpu.memref_slice %arg11[%run_scoped3A_304, %dma_start3A] : memref<2x80xi32, #tpu.memory_space<vmem>> -> memref<1x80xi32, #tpu.memory_space<vmem>>
        %dma_start3A_307 = tpu.memref_squeeze %dma_start3A_306 : memref<1x80xi32, #tpu.memory_space<vmem>> -> memref<80xi32, #tpu.memory_space<vmem>>
        %dma_start3A_308 = arith.constant 0 : i32
        %dma_start3A_309 = arith.constant 0 : i32
        %dma_start3A_310 = tpu.memref_slice %arg14[%dma_start3A_308, %dma_start3A_309] : memref<512x128xf32, #tpu.memory_space<vmem_shared>> -> memref<512x128xf32, #tpu.memory_space<vmem_shared>>
        tpu.enqueue_indirect_dma source(%arg12 : memref<80x128xf32, #tpu.memory_space<vmem>>) target(%dma_start3A_310 : memref<512x128xf32, #tpu.memory_space<vmem_shared>>) offsets(%dma_start3A_307 : memref<80xi32, #tpu.memory_space<vmem>>) semaphore(%run_scoped3A_305 : memref<!tpu.dma_semaphore, #tpu.memory_space<semaphore_mem>>) {add = true}
        %dma_wait3A_311 = arith.constant 0 : i32
        %dma_wait3A_312 = tpu.memref_slice %arg11[%run_scoped3A_304, %dma_wait3A_311] : memref<2x80xi32, #tpu.memory_space<vmem>> -> memref<1x80xi32, #tpu.memory_space<vmem>>
        %dma_wait3A_313 = tpu.memref_squeeze %dma_wait3A_312 : memref<1x80xi32, #tpu.memory_space<vmem>> -> memref<80xi32, #tpu.memory_space<vmem>>
        %dma_wait3A_314 = arith.constant 0 : i32
        %dma_wait3A_315 = arith.constant 0 : i32
        %dma_wait3A_316 = tpu.memref_slice %arg14[%dma_wait3A_314, %dma_wait3A_315] : memref<512x128xf32, #tpu.memory_space<vmem_shared>> -> memref<512x128xf32, #tpu.memory_space<vmem_shared>>
        tpu.wait_indirect_dma semaphore(%run_scoped3A_305 : memref<!tpu.dma_semaphore, #tpu.memory_space<semaphore_mem>>) src(%arg12 : memref<80x128xf32, #tpu.memory_space<vmem>>) dst(%dma_wait3A_316 : memref<512x128xf32, #tpu.memory_space<vmem_shared>>)
        tpu.yield
      }) : () -> ()
    } else {
    }
    %add3A_265 = arith.constant 608 : i32
    %add3A_266 = arith.addi %add3A, %add3A_265 : i32
    %lt3A_267 = arith.constant 625 : i32
    %lt3A_268 = arith.cmpi slt, %add3A_266, %lt3A_267 : i32
    %convert_element_type3A_269 = arith.extui %lt3A_268 : i1 to i32
    %cond3A_270 = arith.constant 0 : i32
    %cond3A_271 = arith.cmpi ne, %convert_element_type3A_269, %cond3A_270 : i32
    scf.if %cond3A_271 {
      %mul3A_291 = arith.constant 160 : i32
      %mul3A_292 = arith.muli %add3A_266, %mul3A_291 : i32
      %dma_start3A = arith.constant 0 : i32
      %dma_start3A_293 = tpu.memref_slice %arg2[%mul3A_292, %dma_start3A] : memref<100000x128xf32, #tpu.memory_space<hbm>> -> memref<160x128xf32, #tpu.memory_space<hbm>>
      %dma_start3A_294 = arith.constant 0 : i32
      %dma_start3A_295 = tpu.memref_slice %arg2[%mul3A_292, %dma_start3A_294] : memref<100000x128xf32, #tpu.memory_space<hbm>> -> memref<160x128xf32, #tpu.memory_space<hbm>>
      tpu.enqueue_dma source(%dma_start3A_295 : memref<160x128xf32, #tpu.memory_space<hbm>>) target(%arg9 : memref<160x128xf32, #tpu.memory_space<vmem>>) target_semaphore(%arg16 : memref<!tpu.dma_semaphore, #tpu.memory_space<semaphore_mem>>)
      %mul3A_296 = arith.constant 2 : i32
      %mul3A_297 = arith.muli %add3A_266, %mul3A_296 : i32
      %dma_start3A_298 = arith.constant 0 : i32
      %dma_start3A_299 = tpu.memref_slice %arg3[%mul3A_297, %dma_start3A_298] : memref<1250x80xi32, #tpu.memory_space<hbm>> -> memref<2x80xi32, #tpu.memory_space<hbm>>
      %dma_start3A_300 = arith.constant 0 : i32
      %dma_start3A_301 = tpu.memref_slice %arg3[%mul3A_297, %dma_start3A_300] : memref<1250x80xi32, #tpu.memory_space<hbm>> -> memref<2x80xi32, #tpu.memory_space<hbm>>
      tpu.enqueue_dma source(%dma_start3A_301 : memref<2x80xi32, #tpu.memory_space<hbm>>) target(%arg11 : memref<2x80xi32, #tpu.memory_space<vmem>>) target_semaphore(%arg16 : memref<!tpu.dma_semaphore, #tpu.memory_space<semaphore_mem>>)
    } else {
    }
    %add3A_272 = arith.constant 576 : i32
    %add3A_273 = arith.addi %add3A, %add3A_272 : i32
    %lt3A_274 = arith.constant 625 : i32
    %lt3A_275 = arith.cmpi slt, %add3A_273, %lt3A_274 : i32
    %convert_element_type3A_276 = arith.extui %lt3A_275 : i1 to i32
    %cond3A_277 = arith.constant 0 : i32
    %cond3A_278 = arith.cmpi ne, %convert_element_type3A_276, %cond3A_277 : i32
    scf.if %cond3A_278 {
      %mul3A_291 = arith.constant 160 : i32
      %mul3A_292 = arith.muli %add3A_273, %mul3A_291 : i32
      %dma_wait3A = arith.constant 0 : i32
      %dma_wait3A_293 = tpu.memref_slice %arg2[%mul3A_292, %dma_wait3A] : memref<100000x128xf32, #tpu.memory_space<hbm>> -> memref<160x128xf32, #tpu.memory_space<hbm>>
      %dma_wait3A_294 = arith.constant 0 : i32
      %dma_wait3A_295 = tpu.memref_slice %arg2[%mul3A_292, %dma_wait3A_294] : memref<100000x128xf32, #tpu.memory_space<hbm>> -> memref<160x128xf32, #tpu.memory_space<hbm>>
      tpu.wait_dma2 semaphore(%arg15 : memref<!tpu.dma_semaphore, #tpu.memory_space<semaphore_mem>>) src(%dma_wait3A_295 : memref<160x128xf32, #tpu.memory_space<hbm>>) dst(%arg8 : memref<160x128xf32, #tpu.memory_space<vmem>>)
      %mul3A_296 = arith.constant 2 : i32
      %mul3A_297 = arith.muli %add3A_273, %mul3A_296 : i32
      %dma_wait3A_298 = arith.constant 0 : i32
      %dma_wait3A_299 = tpu.memref_slice %arg3[%mul3A_297, %dma_wait3A_298] : memref<1250x80xi32, #tpu.memory_space<hbm>> -> memref<2x80xi32, #tpu.memory_space<hbm>>
      %dma_wait3A_300 = arith.constant 0 : i32
      %dma_wait3A_301 = tpu.memref_slice %arg3[%mul3A_297, %dma_wait3A_300] : memref<1250x80xi32, #tpu.memory_space<hbm>> -> memref<2x80xi32, #tpu.memory_space<hbm>>
      tpu.wait_dma2 semaphore(%arg15 : memref<!tpu.dma_semaphore, #tpu.memory_space<semaphore_mem>>) src(%dma_wait3A_301 : memref<2x80xi32, #tpu.memory_space<hbm>>) dst(%arg10 : memref<2x80xi32, #tpu.memory_space<vmem>>)
      %run_scoped3A = arith.constant 0 : i32
      "tpu.region"() ({
        %run_scoped3A_305 = tpu.sem_alloc : memref<!tpu.dma_semaphore, #tpu.memory_space<semaphore_mem>>
        %dma_start3A = arith.constant 0 : i32
        %dma_start3A_306 = arith.constant 0 : i32
        %dma_start3A_307 = tpu.memref_slice %arg8[%dma_start3A, %dma_start3A_306] : memref<160x128xf32, #tpu.memory_space<vmem>> -> memref<80x128xf32, #tpu.memory_space<vmem>>
        %dma_start3A_308 = arith.constant 0 : i32
        %dma_start3A_309 = tpu.memref_slice %arg10[%run_scoped3A, %dma_start3A_308] : memref<2x80xi32, #tpu.memory_space<vmem>> -> memref<1x80xi32, #tpu.memory_space<vmem>>
        %dma_start3A_310 = tpu.memref_squeeze %dma_start3A_309 : memref<1x80xi32, #tpu.memory_space<vmem>> -> memref<80xi32, #tpu.memory_space<vmem>>
        %dma_start3A_311 = arith.constant 0 : i32
        %dma_start3A_312 = arith.constant 0 : i32
        %dma_start3A_313 = tpu.memref_slice %arg13[%dma_start3A_311, %dma_start3A_312] : memref<512x128xf32, #tpu.memory_space<vmem_shared>> -> memref<512x128xf32, #tpu.memory_space<vmem_shared>>
        tpu.enqueue_indirect_dma source(%dma_start3A_307 : memref<80x128xf32, #tpu.memory_space<vmem>>) target(%dma_start3A_313 : memref<512x128xf32, #tpu.memory_space<vmem_shared>>) offsets(%dma_start3A_310 : memref<80xi32, #tpu.memory_space<vmem>>) semaphore(%run_scoped3A_305 : memref<!tpu.dma_semaphore, #tpu.memory_space<semaphore_mem>>) {add = true}
        %dma_wait3A_314 = arith.constant 0 : i32
        %dma_wait3A_315 = arith.constant 0 : i32
        %dma_wait3A_316 = tpu.memref_slice %arg8[%dma_wait3A_314, %dma_wait3A_315] : memref<160x128xf32, #tpu.memory_space<vmem>> -> memref<80x128xf32, #tpu.memory_space<vmem>>
        %dma_wait3A_317 = arith.constant 0 : i32
        %dma_wait3A_318 = tpu.memref_slice %arg10[%run_scoped3A, %dma_wait3A_317] : memref<2x80xi32, #tpu.memory_space<vmem>> -> memref<1x80xi32, #tpu.memory_space<vmem>>
        %dma_wait3A_319 = tpu.memref_squeeze %dma_wait3A_318 : memref<1x80xi32, #tpu.memory_space<vmem>> -> memref<80xi32, #tpu.memory_space<vmem>>
        %dma_wait3A_320 = arith.constant 0 : i32
        %dma_wait3A_321 = arith.constant 0 : i32
        %dma_wait3A_322 = tpu.memref_slice %arg13[%dma_wait3A_320, %dma_wait3A_321] : memref<512x128xf32, #tpu.memory_space<vmem_shared>> -> memref<512x128xf32, #tpu.memory_space<vmem_shared>>
        tpu.wait_indirect_dma semaphore(%run_scoped3A_305 : memref<!tpu.dma_semaphore, #tpu.memory_space<semaphore_mem>>) src(%dma_wait3A_316 : memref<80x128xf32, #tpu.memory_space<vmem>>) dst(%dma_wait3A_322 : memref<512x128xf32, #tpu.memory_space<vmem_shared>>)
        tpu.yield
      }) : () -> ()
      %run_scoped3A_302 = arith.constant 0 : i32
      "tpu.region"() ({
        %run_scoped3A_305 = tpu.sem_alloc : memref<!tpu.dma_semaphore, #tpu.memory_space<semaphore_mem>>
        %dma_start3A = arith.constant 0 : i32
        %dma_start3A_306 = tpu.memref_slice %arg10[%run_scoped3A_302, %dma_start3A] : memref<2x80xi32, #tpu.memory_space<vmem>> -> memref<1x80xi32, #tpu.memory_space<vmem>>
        %dma_start3A_307 = tpu.memref_squeeze %dma_start3A_306 : memref<1x80xi32, #tpu.memory_space<vmem>> -> memref<80xi32, #tpu.memory_space<vmem>>
        %dma_start3A_308 = arith.constant 0 : i32
        %dma_start3A_309 = arith.constant 0 : i32
        %dma_start3A_310 = tpu.memref_slice %arg14[%dma_start3A_308, %dma_start3A_309] : memref<512x128xf32, #tpu.memory_space<vmem_shared>> -> memref<512x128xf32, #tpu.memory_space<vmem_shared>>
        tpu.enqueue_indirect_dma source(%arg12 : memref<80x128xf32, #tpu.memory_space<vmem>>) target(%dma_start3A_310 : memref<512x128xf32, #tpu.memory_space<vmem_shared>>) offsets(%dma_start3A_307 : memref<80xi32, #tpu.memory_space<vmem>>) semaphore(%run_scoped3A_305 : memref<!tpu.dma_semaphore, #tpu.memory_space<semaphore_mem>>) {add = true}
        %dma_wait3A_311 = arith.constant 0 : i32
        %dma_wait3A_312 = tpu.memref_slice %arg10[%run_scoped3A_302, %dma_wait3A_311] : memref<2x80xi32, #tpu.memory_space<vmem>> -> memref<1x80xi32, #tpu.memory_space<vmem>>
        %dma_wait3A_313 = tpu.memref_squeeze %dma_wait3A_312 : memref<1x80xi32, #tpu.memory_space<vmem>> -> memref<80xi32, #tpu.memory_space<vmem>>
        %dma_wait3A_314 = arith.constant 0 : i32
        %dma_wait3A_315 = arith.constant 0 : i32
        %dma_wait3A_316 = tpu.memref_slice %arg14[%dma_wait3A_314, %dma_wait3A_315] : memref<512x128xf32, #tpu.memory_space<vmem_shared>> -> memref<512x128xf32, #tpu.memory_space<vmem_shared>>
        tpu.wait_indirect_dma semaphore(%run_scoped3A_305 : memref<!tpu.dma_semaphore, #tpu.memory_space<semaphore_mem>>) src(%arg12 : memref<80x128xf32, #tpu.memory_space<vmem>>) dst(%dma_wait3A_316 : memref<512x128xf32, #tpu.memory_space<vmem_shared>>)
        tpu.yield
      }) : () -> ()
      %run_scoped3A_303 = arith.constant 1 : i32
      "tpu.region"() ({
        %run_scoped3A_305 = tpu.sem_alloc : memref<!tpu.dma_semaphore, #tpu.memory_space<semaphore_mem>>
        %dma_start3A = arith.constant 80 : i32
        %dma_start3A_306 = arith.constant 0 : i32
        %dma_start3A_307 = tpu.memref_slice %arg8[%dma_start3A, %dma_start3A_306] : memref<160x128xf32, #tpu.memory_space<vmem>> -> memref<80x128xf32, #tpu.memory_space<vmem>>
        %dma_start3A_308 = arith.constant 0 : i32
        %dma_start3A_309 = tpu.memref_slice %arg10[%run_scoped3A_303, %dma_start3A_308] : memref<2x80xi32, #tpu.memory_space<vmem>> -> memref<1x80xi32, #tpu.memory_space<vmem>>
        %dma_start3A_310 = tpu.memref_squeeze %dma_start3A_309 : memref<1x80xi32, #tpu.memory_space<vmem>> -> memref<80xi32, #tpu.memory_space<vmem>>
        %dma_start3A_311 = arith.constant 0 : i32
        %dma_start3A_312 = arith.constant 0 : i32
        %dma_start3A_313 = tpu.memref_slice %arg13[%dma_start3A_311, %dma_start3A_312] : memref<512x128xf32, #tpu.memory_space<vmem_shared>> -> memref<512x128xf32, #tpu.memory_space<vmem_shared>>
        tpu.enqueue_indirect_dma source(%dma_start3A_307 : memref<80x128xf32, #tpu.memory_space<vmem>>) target(%dma_start3A_313 : memref<512x128xf32, #tpu.memory_space<vmem_shared>>) offsets(%dma_start3A_310 : memref<80xi32, #tpu.memory_space<vmem>>) semaphore(%run_scoped3A_305 : memref<!tpu.dma_semaphore, #tpu.memory_space<semaphore_mem>>) {add = true}
        %dma_wait3A_314 = arith.constant 80 : i32
        %dma_wait3A_315 = arith.constant 0 : i32
        %dma_wait3A_316 = tpu.memref_slice %arg8[%dma_wait3A_314, %dma_wait3A_315] : memref<160x128xf32, #tpu.memory_space<vmem>> -> memref<80x128xf32, #tpu.memory_space<vmem>>
        %dma_wait3A_317 = arith.constant 0 : i32
        %dma_wait3A_318 = tpu.memref_slice %arg10[%run_scoped3A_303, %dma_wait3A_317] : memref<2x80xi32, #tpu.memory_space<vmem>> -> memref<1x80xi32, #tpu.memory_space<vmem>>
        %dma_wait3A_319 = tpu.memref_squeeze %dma_wait3A_318 : memref<1x80xi32, #tpu.memory_space<vmem>> -> memref<80xi32, #tpu.memory_space<vmem>>
        %dma_wait3A_320 = arith.constant 0 : i32
        %dma_wait3A_321 = arith.constant 0 : i32
        %dma_wait3A_322 = tpu.memref_slice %arg13[%dma_wait3A_320, %dma_wait3A_321] : memref<512x128xf32, #tpu.memory_space<vmem_shared>> -> memref<512x128xf32, #tpu.memory_space<vmem_shared>>
        tpu.wait_indirect_dma semaphore(%run_scoped3A_305 : memref<!tpu.dma_semaphore, #tpu.memory_space<semaphore_mem>>) src(%dma_wait3A_316 : memref<80x128xf32, #tpu.memory_space<vmem>>) dst(%dma_wait3A_322 : memref<512x128xf32, #tpu.memory_space<vmem_shared>>)
        tpu.yield
      }) : () -> ()
      %run_scoped3A_304 = arith.constant 1 : i32
      "tpu.region"() ({
        %run_scoped3A_305 = tpu.sem_alloc : memref<!tpu.dma_semaphore, #tpu.memory_space<semaphore_mem>>
        %dma_start3A = arith.constant 0 : i32
        %dma_start3A_306 = tpu.memref_slice %arg10[%run_scoped3A_304, %dma_start3A] : memref<2x80xi32, #tpu.memory_space<vmem>> -> memref<1x80xi32, #tpu.memory_space<vmem>>
        %dma_start3A_307 = tpu.memref_squeeze %dma_start3A_306 : memref<1x80xi32, #tpu.memory_space<vmem>> -> memref<80xi32, #tpu.memory_space<vmem>>
        %dma_start3A_308 = arith.constant 0 : i32
        %dma_start3A_309 = arith.constant 0 : i32
        %dma_start3A_310 = tpu.memref_slice %arg14[%dma_start3A_308, %dma_start3A_309] : memref<512x128xf32, #tpu.memory_space<vmem_shared>> -> memref<512x128xf32, #tpu.memory_space<vmem_shared>>
        tpu.enqueue_indirect_dma source(%arg12 : memref<80x128xf32, #tpu.memory_space<vmem>>) target(%dma_start3A_310 : memref<512x128xf32, #tpu.memory_space<vmem_shared>>) offsets(%dma_start3A_307 : memref<80xi32, #tpu.memory_space<vmem>>) semaphore(%run_scoped3A_305 : memref<!tpu.dma_semaphore, #tpu.memory_space<semaphore_mem>>) {add = true}
        %dma_wait3A_311 = arith.constant 0 : i32
        %dma_wait3A_312 = tpu.memref_slice %arg10[%run_scoped3A_304, %dma_wait3A_311] : memref<2x80xi32, #tpu.memory_space<vmem>> -> memref<1x80xi32, #tpu.memory_space<vmem>>
        %dma_wait3A_313 = tpu.memref_squeeze %dma_wait3A_312 : memref<1x80xi32, #tpu.memory_space<vmem>> -> memref<80xi32, #tpu.memory_space<vmem>>
        %dma_wait3A_314 = arith.constant 0 : i32
        %dma_wait3A_315 = arith.constant 0 : i32
        %dma_wait3A_316 = tpu.memref_slice %arg14[%dma_wait3A_314, %dma_wait3A_315] : memref<512x128xf32, #tpu.memory_space<vmem_shared>> -> memref<512x128xf32, #tpu.memory_space<vmem_shared>>
        tpu.wait_indirect_dma semaphore(%run_scoped3A_305 : memref<!tpu.dma_semaphore, #tpu.memory_space<semaphore_mem>>) src(%arg12 : memref<80x128xf32, #tpu.memory_space<vmem>>) dst(%dma_wait3A_316 : memref<512x128xf32, #tpu.memory_space<vmem_shared>>)
        tpu.yield
      }) : () -> ()
    } else {
    }
    %add3A_279 = arith.constant 608 : i32
    %add3A_280 = arith.addi %add3A, %add3A_279 : i32
    %lt3A_281 = arith.constant 625 : i32
    %lt3A_282 = arith.cmpi slt, %add3A_280, %lt3A_281 : i32
    %convert_element_type3A_283 = arith.extui %lt3A_282 : i1 to i32
    %cond3A_284 = arith.constant 0 : i32
    %cond3A_285 = arith.cmpi ne, %convert_element_type3A_283, %cond3A_284 : i32
    scf.if %cond3A_285 {
      %mul3A_291 = arith.constant 160 : i32
      %mul3A_292 = arith.muli %add3A_280, %mul3A_291 : i32
      %dma_wait3A = arith.constant 0 : i32
      %dma_wait3A_293 = tpu.memref_slice %arg2[%mul3A_292, %dma_wait3A] : memref<100000x128xf32, #tpu.memory_space<hbm>> -> memref<160x128xf32, #tpu.memory_space<hbm>>
      %dma_wait3A_294 = arith.constant 0 : i32
      %dma_wait3A_295 = tpu.memref_slice %arg2[%mul3A_292, %dma_wait3A_294] : memref<100000x128xf32, #tpu.memory_space<hbm>> -> memref<160x128xf32, #tpu.memory_space<hbm>>
      tpu.wait_dma2 semaphore(%arg16 : memref<!tpu.dma_semaphore, #tpu.memory_space<semaphore_mem>>) src(%dma_wait3A_295 : memref<160x128xf32, #tpu.memory_space<hbm>>) dst(%arg9 : memref<160x128xf32, #tpu.memory_space<vmem>>)
      %mul3A_296 = arith.constant 2 : i32
      %mul3A_297 = arith.muli %add3A_280, %mul3A_296 : i32
      %dma_wait3A_298 = arith.constant 0 : i32
      %dma_wait3A_299 = tpu.memref_slice %arg3[%mul3A_297, %dma_wait3A_298] : memref<1250x80xi32, #tpu.memory_space<hbm>> -> memref<2x80xi32, #tpu.memory_space<hbm>>
      %dma_wait3A_300 = arith.constant 0 : i32
      %dma_wait3A_301 = tpu.memref_slice %arg3[%mul3A_297, %dma_wait3A_300] : memref<1250x80xi32, #tpu.memory_space<hbm>> -> memref<2x80xi32, #tpu.memory_space<hbm>>
      tpu.wait_dma2 semaphore(%arg16 : memref<!tpu.dma_semaphore, #tpu.memory_space<semaphore_mem>>) src(%dma_wait3A_301 : memref<2x80xi32, #tpu.memory_space<hbm>>) dst(%arg11 : memref<2x80xi32, #tpu.memory_space<vmem>>)
      %run_scoped3A = arith.constant 0 : i32
      "tpu.region"() ({
        %run_scoped3A_305 = tpu.sem_alloc : memref<!tpu.dma_semaphore, #tpu.memory_space<semaphore_mem>>
        %dma_start3A = arith.constant 0 : i32
        %dma_start3A_306 = arith.constant 0 : i32
        %dma_start3A_307 = tpu.memref_slice %arg9[%dma_start3A, %dma_start3A_306] : memref<160x128xf32, #tpu.memory_space<vmem>> -> memref<80x128xf32, #tpu.memory_space<vmem>>
        %dma_start3A_308 = arith.constant 0 : i32
        %dma_start3A_309 = tpu.memref_slice %arg11[%run_scoped3A, %dma_start3A_308] : memref<2x80xi32, #tpu.memory_space<vmem>> -> memref<1x80xi32, #tpu.memory_space<vmem>>
        %dma_start3A_310 = tpu.memref_squeeze %dma_start3A_309 : memref<1x80xi32, #tpu.memory_space<vmem>> -> memref<80xi32, #tpu.memory_space<vmem>>
        %dma_start3A_311 = arith.constant 0 : i32
        %dma_start3A_312 = arith.constant 0 : i32
        %dma_start3A_313 = tpu.memref_slice %arg13[%dma_start3A_311, %dma_start3A_312] : memref<512x128xf32, #tpu.memory_space<vmem_shared>> -> memref<512x128xf32, #tpu.memory_space<vmem_shared>>
        tpu.enqueue_indirect_dma source(%dma_start3A_307 : memref<80x128xf32, #tpu.memory_space<vmem>>) target(%dma_start3A_313 : memref<512x128xf32, #tpu.memory_space<vmem_shared>>) offsets(%dma_start3A_310 : memref<80xi32, #tpu.memory_space<vmem>>) semaphore(%run_scoped3A_305 : memref<!tpu.dma_semaphore, #tpu.memory_space<semaphore_mem>>) {add = true}
        %dma_wait3A_314 = arith.constant 0 : i32
        %dma_wait3A_315 = arith.constant 0 : i32
        %dma_wait3A_316 = tpu.memref_slice %arg9[%dma_wait3A_314, %dma_wait3A_315] : memref<160x128xf32, #tpu.memory_space<vmem>> -> memref<80x128xf32, #tpu.memory_space<vmem>>
        %dma_wait3A_317 = arith.constant 0 : i32
        %dma_wait3A_318 = tpu.memref_slice %arg11[%run_scoped3A, %dma_wait3A_317] : memref<2x80xi32, #tpu.memory_space<vmem>> -> memref<1x80xi32, #tpu.memory_space<vmem>>
        %dma_wait3A_319 = tpu.memref_squeeze %dma_wait3A_318 : memref<1x80xi32, #tpu.memory_space<vmem>> -> memref<80xi32, #tpu.memory_space<vmem>>
        %dma_wait3A_320 = arith.constant 0 : i32
        %dma_wait3A_321 = arith.constant 0 : i32
        %dma_wait3A_322 = tpu.memref_slice %arg13[%dma_wait3A_320, %dma_wait3A_321] : memref<512x128xf32, #tpu.memory_space<vmem_shared>> -> memref<512x128xf32, #tpu.memory_space<vmem_shared>>
        tpu.wait_indirect_dma semaphore(%run_scoped3A_305 : memref<!tpu.dma_semaphore, #tpu.memory_space<semaphore_mem>>) src(%dma_wait3A_316 : memref<80x128xf32, #tpu.memory_space<vmem>>) dst(%dma_wait3A_322 : memref<512x128xf32, #tpu.memory_space<vmem_shared>>)
        tpu.yield
      }) : () -> ()
      %run_scoped3A_302 = arith.constant 0 : i32
      "tpu.region"() ({
        %run_scoped3A_305 = tpu.sem_alloc : memref<!tpu.dma_semaphore, #tpu.memory_space<semaphore_mem>>
        %dma_start3A = arith.constant 0 : i32
        %dma_start3A_306 = tpu.memref_slice %arg11[%run_scoped3A_302, %dma_start3A] : memref<2x80xi32, #tpu.memory_space<vmem>> -> memref<1x80xi32, #tpu.memory_space<vmem>>
        %dma_start3A_307 = tpu.memref_squeeze %dma_start3A_306 : memref<1x80xi32, #tpu.memory_space<vmem>> -> memref<80xi32, #tpu.memory_space<vmem>>
        %dma_start3A_308 = arith.constant 0 : i32
        %dma_start3A_309 = arith.constant 0 : i32
        %dma_start3A_310 = tpu.memref_slice %arg14[%dma_start3A_308, %dma_start3A_309] : memref<512x128xf32, #tpu.memory_space<vmem_shared>> -> memref<512x128xf32, #tpu.memory_space<vmem_shared>>
        tpu.enqueue_indirect_dma source(%arg12 : memref<80x128xf32, #tpu.memory_space<vmem>>) target(%dma_start3A_310 : memref<512x128xf32, #tpu.memory_space<vmem_shared>>) offsets(%dma_start3A_307 : memref<80xi32, #tpu.memory_space<vmem>>) semaphore(%run_scoped3A_305 : memref<!tpu.dma_semaphore, #tpu.memory_space<semaphore_mem>>) {add = true}
        %dma_wait3A_311 = arith.constant 0 : i32
        %dma_wait3A_312 = tpu.memref_slice %arg11[%run_scoped3A_302, %dma_wait3A_311] : memref<2x80xi32, #tpu.memory_space<vmem>> -> memref<1x80xi32, #tpu.memory_space<vmem>>
        %dma_wait3A_313 = tpu.memref_squeeze %dma_wait3A_312 : memref<1x80xi32, #tpu.memory_space<vmem>> -> memref<80xi32, #tpu.memory_space<vmem>>
        %dma_wait3A_314 = arith.constant 0 : i32
        %dma_wait3A_315 = arith.constant 0 : i32
        %dma_wait3A_316 = tpu.memref_slice %arg14[%dma_wait3A_314, %dma_wait3A_315] : memref<512x128xf32, #tpu.memory_space<vmem_shared>> -> memref<512x128xf32, #tpu.memory_space<vmem_shared>>
        tpu.wait_indirect_dma semaphore(%run_scoped3A_305 : memref<!tpu.dma_semaphore, #tpu.memory_space<semaphore_mem>>) src(%arg12 : memref<80x128xf32, #tpu.memory_space<vmem>>) dst(%dma_wait3A_316 : memref<512x128xf32, #tpu.memory_space<vmem_shared>>)
        tpu.yield
      }) : () -> ()
      %run_scoped3A_303 = arith.constant 1 : i32
      "tpu.region"() ({
        %run_scoped3A_305 = tpu.sem_alloc : memref<!tpu.dma_semaphore, #tpu.memory_space<semaphore_mem>>
        %dma_start3A = arith.constant 80 : i32
        %dma_start3A_306 = arith.constant 0 : i32
        %dma_start3A_307 = tpu.memref_slice %arg9[%dma_start3A, %dma_start3A_306] : memref<160x128xf32, #tpu.memory_space<vmem>> -> memref<80x128xf32, #tpu.memory_space<vmem>>
        %dma_start3A_308 = arith.constant 0 : i32
        %dma_start3A_309 = tpu.memref_slice %arg11[%run_scoped3A_303, %dma_start3A_308] : memref<2x80xi32, #tpu.memory_space<vmem>> -> memref<1x80xi32, #tpu.memory_space<vmem>>
        %dma_start3A_310 = tpu.memref_squeeze %dma_start3A_309 : memref<1x80xi32, #tpu.memory_space<vmem>> -> memref<80xi32, #tpu.memory_space<vmem>>
        %dma_start3A_311 = arith.constant 0 : i32
        %dma_start3A_312 = arith.constant 0 : i32
        %dma_start3A_313 = tpu.memref_slice %arg13[%dma_start3A_311, %dma_start3A_312] : memref<512x128xf32, #tpu.memory_space<vmem_shared>> -> memref<512x128xf32, #tpu.memory_space<vmem_shared>>
        tpu.enqueue_indirect_dma source(%dma_start3A_307 : memref<80x128xf32, #tpu.memory_space<vmem>>) target(%dma_start3A_313 : memref<512x128xf32, #tpu.memory_space<vmem_shared>>) offsets(%dma_start3A_310 : memref<80xi32, #tpu.memory_space<vmem>>) semaphore(%run_scoped3A_305 : memref<!tpu.dma_semaphore, #tpu.memory_space<semaphore_mem>>) {add = true}
        %dma_wait3A_314 = arith.constant 80 : i32
        %dma_wait3A_315 = arith.constant 0 : i32
        %dma_wait3A_316 = tpu.memref_slice %arg9[%dma_wait3A_314, %dma_wait3A_315] : memref<160x128xf32, #tpu.memory_space<vmem>> -> memref<80x128xf32, #tpu.memory_space<vmem>>
        %dma_wait3A_317 = arith.constant 0 : i32
        %dma_wait3A_318 = tpu.memref_slice %arg11[%run_scoped3A_303, %dma_wait3A_317] : memref<2x80xi32, #tpu.memory_space<vmem>> -> memref<1x80xi32, #tpu.memory_space<vmem>>
        %dma_wait3A_319 = tpu.memref_squeeze %dma_wait3A_318 : memref<1x80xi32, #tpu.memory_space<vmem>> -> memref<80xi32, #tpu.memory_space<vmem>>
        %dma_wait3A_320 = arith.constant 0 : i32
        %dma_wait3A_321 = arith.constant 0 : i32
        %dma_wait3A_322 = tpu.memref_slice %arg13[%dma_wait3A_320, %dma_wait3A_321] : memref<512x128xf32, #tpu.memory_space<vmem_shared>> -> memref<512x128xf32, #tpu.memory_space<vmem_shared>>
        tpu.wait_indirect_dma semaphore(%run_scoped3A_305 : memref<!tpu.dma_semaphore, #tpu.memory_space<semaphore_mem>>) src(%dma_wait3A_316 : memref<80x128xf32, #tpu.memory_space<vmem>>) dst(%dma_wait3A_322 : memref<512x128xf32, #tpu.memory_space<vmem_shared>>)
        tpu.yield
      }) : () -> ()
      %run_scoped3A_304 = arith.constant 1 : i32
      "tpu.region"() ({
        %run_scoped3A_305 = tpu.sem_alloc : memref<!tpu.dma_semaphore, #tpu.memory_space<semaphore_mem>>
        %dma_start3A = arith.constant 0 : i32
        %dma_start3A_306 = tpu.memref_slice %arg11[%run_scoped3A_304, %dma_start3A] : memref<2x80xi32, #tpu.memory_space<vmem>> -> memref<1x80xi32, #tpu.memory_space<vmem>>
        %dma_start3A_307 = tpu.memref_squeeze %dma_start3A_306 : memref<1x80xi32, #tpu.memory_space<vmem>> -> memref<80xi32, #tpu.memory_space<vmem>>
        %dma_start3A_308 = arith.constant 0 : i32
        %dma_start3A_309 = arith.constant 0 : i32
        %dma_start3A_310 = tpu.memref_slice %arg14[%dma_start3A_308, %dma_start3A_309] : memref<512x128xf32, #tpu.memory_space<vmem_shared>> -> memref<512x128xf32, #tpu.memory_space<vmem_shared>>
        tpu.enqueue_indirect_dma source(%arg12 : memref<80x128xf32, #tpu.memory_space<vmem>>) target(%dma_start3A_310 : memref<512x128xf32, #tpu.memory_space<vmem_shared>>) offsets(%dma_start3A_307 : memref<80xi32, #tpu.memory_space<vmem>>) semaphore(%run_scoped3A_305 : memref<!tpu.dma_semaphore, #tpu.memory_space<semaphore_mem>>) {add = true}
        %dma_wait3A_311 = arith.constant 0 : i32
        %dma_wait3A_312 = tpu.memref_slice %arg11[%run_scoped3A_304, %dma_wait3A_311] : memref<2x80xi32, #tpu.memory_space<vmem>> -> memref<1x80xi32, #tpu.memory_space<vmem>>
        %dma_wait3A_313 = tpu.memref_squeeze %dma_wait3A_312 : memref<1x80xi32, #tpu.memory_space<vmem>> -> memref<80xi32, #tpu.memory_space<vmem>>
        %dma_wait3A_314 = arith.constant 0 : i32
        %dma_wait3A_315 = arith.constant 0 : i32
        %dma_wait3A_316 = tpu.memref_slice %arg14[%dma_wait3A_314, %dma_wait3A_315] : memref<512x128xf32, #tpu.memory_space<vmem_shared>> -> memref<512x128xf32, #tpu.memory_space<vmem_shared>>
        tpu.wait_indirect_dma semaphore(%run_scoped3A_305 : memref<!tpu.dma_semaphore, #tpu.memory_space<semaphore_mem>>) src(%arg12 : memref<80x128xf32, #tpu.memory_space<vmem>>) dst(%dma_wait3A_316 : memref<512x128xf32, #tpu.memory_space<vmem_shared>>)
        tpu.yield
      }) : () -> ()
    } else {
    }
    %barrier3A_286 = arith.constant 0 : index
    tpu.barrier barrier_id(%barrier3A_286)
    %eq3A = arith.constant 0 : i32
    %eq3A_287 = arith.cmpi eq, %arg1, %eq3A : i32
    %convert_element_type3A_288 = arith.extui %eq3A_287 : i1 to i32
    %cond3A_289 = arith.constant 0 : i32
    %cond3A_290 = arith.cmpi ne, %convert_element_type3A_288, %cond3A_289 : i32
    scf.if %cond3A_290 {
      "tpu.region"() ({
        %run_scoped3A = tpu.sem_alloc : memref<!tpu.dma_semaphore, #tpu.memory_space<semaphore_mem>>
        %dma_start3A = arith.constant 0 : i32
        %dma_start3A_291 = arith.constant 0 : i32
        %dma_start3A_292 = tpu.memref_slice %arg6[%arg0, %dma_start3A, %dma_start3A_291] : memref<2x512x128xf32, #tpu.memory_space<hbm>> -> memref<1x512x128xf32, #tpu.memory_space<hbm>>
        %dma_start3A_293 = tpu.memref_squeeze %dma_start3A_292 : memref<1x512x128xf32, #tpu.memory_space<hbm>> -> memref<512x128xf32, #tpu.memory_space<hbm>>
        tpu.enqueue_dma source(%arg13 : memref<512x128xf32, #tpu.memory_space<vmem_shared>>) target(%dma_start3A_293 : memref<512x128xf32, #tpu.memory_space<hbm>>) target_semaphore(%run_scoped3A : memref<!tpu.dma_semaphore, #tpu.memory_space<semaphore_mem>>)
        %dma_wait3A = arith.constant 0 : i32
        %dma_wait3A_294 = arith.constant 0 : i32
        %dma_wait3A_295 = tpu.memref_slice %arg6[%arg0, %dma_wait3A, %dma_wait3A_294] : memref<2x512x128xf32, #tpu.memory_space<hbm>> -> memref<1x512x128xf32, #tpu.memory_space<hbm>>
        %dma_wait3A_296 = tpu.memref_squeeze %dma_wait3A_295 : memref<1x512x128xf32, #tpu.memory_space<hbm>> -> memref<512x128xf32, #tpu.memory_space<hbm>>
        tpu.wait_dma2 semaphore(%run_scoped3A : memref<!tpu.dma_semaphore, #tpu.memory_space<semaphore_mem>>) src(%arg13 : memref<512x128xf32, #tpu.memory_space<vmem_shared>>) dst(%dma_wait3A_296 : memref<512x128xf32, #tpu.memory_space<hbm>>)
        tpu.yield
      }) : () -> ()
      "tpu.region"() ({
        %run_scoped3A = tpu.sem_alloc : memref<!tpu.dma_semaphore, #tpu.memory_space<semaphore_mem>>
        %dma_start3A = arith.constant 0 : i32
        %dma_start3A_291 = arith.constant 0 : i32
        %dma_start3A_292 = tpu.memref_slice %arg7[%arg0, %dma_start3A, %dma_start3A_291] : memref<2x512x128xf32, #tpu.memory_space<hbm>> -> memref<1x512x128xf32, #tpu.memory_space<hbm>>
        %dma_start3A_293 = tpu.memref_squeeze %dma_start3A_292 : memref<1x512x128xf32, #tpu.memory_space<hbm>> -> memref<512x128xf32, #tpu.memory_space<hbm>>
        tpu.enqueue_dma source(%arg14 : memref<512x128xf32, #tpu.memory_space<vmem_shared>>) target(%dma_start3A_293 : memref<512x128xf32, #tpu.memory_space<hbm>>) target_semaphore(%run_scoped3A : memref<!tpu.dma_semaphore, #tpu.memory_space<semaphore_mem>>)
        %dma_wait3A = arith.constant 0 : i32
        %dma_wait3A_294 = arith.constant 0 : i32
        %dma_wait3A_295 = tpu.memref_slice %arg7[%arg0, %dma_wait3A, %dma_wait3A_294] : memref<2x512x128xf32, #tpu.memory_space<hbm>> -> memref<1x512x128xf32, #tpu.memory_space<hbm>>
        %dma_wait3A_296 = tpu.memref_squeeze %dma_wait3A_295 : memref<1x512x128xf32, #tpu.memory_space<hbm>> -> memref<512x128xf32, #tpu.memory_space<hbm>>
        tpu.wait_dma2 semaphore(%run_scoped3A : memref<!tpu.dma_semaphore, #tpu.memory_space<semaphore_mem>>) src(%arg14 : memref<512x128xf32, #tpu.memory_space<vmem_shared>>) dst(%dma_wait3A_296 : memref<512x128xf32, #tpu.memory_space<hbm>>)
        tpu.yield
      }) : () -> ()
    } else {
    }
    return
  }
}

module attributes {stable_mosaic.version = 14 : i64} {
  func.func @_head_body(%arg0: memref<2x512x128xf32, #tpu.memory_space<vmem>>, %arg1: memref<2x512x128xf32, #tpu.memory_space<vmem>>, %arg2: memref<16x128xf32, #tpu.memory_space<vmem>>, %arg3: memref<1x16xf32, #tpu.memory_space<vmem>>, %arg4: memref<512x16xf32, #tpu.memory_space<vmem>>) attributes {dimension_semantics = [], scalar_prefetch = 0 : i64, scratch_operands = 0 : i64, tpu.core_type = #tpu.core_type<tc>} {
    %get3A = arith.constant 0 : index
    %get3A_0 = arith.constant 0 : index
    %get3A_1 = arith.constant 0 : index
    %get3A_2 = vector.load %arg0[%get3A, %get3A_0, %get3A_1] : memref<2x512x128xf32, #tpu.memory_space<vmem>>, vector<1x512x128xf32>
    %get3A_3 = vector.shape_cast %get3A_2 : vector<1x512x128xf32> to vector<512x128xf32>
    %get3A_4 = arith.constant 1 : index
    %get3A_5 = arith.constant 0 : index
    %get3A_6 = arith.constant 0 : index
    %get3A_7 = vector.load %arg0[%get3A_4, %get3A_5, %get3A_6] : memref<2x512x128xf32, #tpu.memory_space<vmem>>, vector<1x512x128xf32>
    %get3A_8 = vector.shape_cast %get3A_7 : vector<1x512x128xf32> to vector<512x128xf32>
    %add3A = arith.addf %get3A_3, %get3A_8 : vector<512x128xf32>
    %get3A_9 = arith.constant 0 : index
    %get3A_10 = arith.constant 0 : index
    %get3A_11 = arith.constant 0 : index
    %get3A_12 = vector.load %arg1[%get3A_9, %get3A_10, %get3A_11] : memref<2x512x128xf32, #tpu.memory_space<vmem>>, vector<1x512x1xf32>
    %get3A_13 = vector.shape_cast %get3A_12 : vector<1x512x1xf32> to vector<512x1xf32>
    %get3A_14 = arith.constant 1 : index
    %get3A_15 = arith.constant 0 : index
    %get3A_16 = arith.constant 0 : index
    %get3A_17 = vector.load %arg1[%get3A_14, %get3A_15, %get3A_16] : memref<2x512x128xf32, #tpu.memory_space<vmem>>, vector<1x512x1xf32>
    %get3A_18 = vector.shape_cast %get3A_17 : vector<1x512x1xf32> to vector<512x1xf32>
    %add3A_19 = arith.addf %get3A_13, %get3A_18 : vector<512x1xf32>
    %max3A = arith.constant 1.000000e+00 : f32
    %max3A_20 = vector.broadcast %max3A : f32 to vector<512x1xf32>
    %max3A_21 = arith.maximumf %add3A_19, %max3A_20 : vector<512x1xf32>
    %div3A = vector.broadcast %max3A_21 : vector<512x1xf32> to vector<512x128xf32>
    %div3A_22 = arith.divf %add3A, %div3A : vector<512x128xf32>
    %get3A_23 = arith.constant 0 : index
    %get3A_24 = arith.constant 0 : index
    %get3A_25 = vector.load %arg2[%get3A_23, %get3A_24] : memref<16x128xf32, #tpu.memory_space<vmem>>, vector<16x128xf32>
    %dot_general3A = arith.constant dense<0.000000e+00> : vector<512x16xf32>
    %dot_general3A_26 = tpu.matmul %div3A_22, %get3A_25, %dot_general3A {dimension_numbers = #tpu.dot_dimension_numbers<[1], [1], [0], [0], [0, 0, 1, 0], [], []>, transpose_lhs_hint = false} : vector<512x128xf32>, vector<16x128xf32>, vector<512x16xf32> -> vector<512x16xf32>
    %get3A_27 = arith.constant 0 : index
    %get3A_28 = arith.constant 0 : index
    %get3A_29 = vector.load %arg3[%get3A_27, %get3A_28] : memref<1x16xf32, #tpu.memory_space<vmem>>, vector<1x16xf32>
    %add3A_30 = vector.broadcast %get3A_29 : vector<1x16xf32> to vector<512x16xf32>
    %add3A_31 = arith.addf %dot_general3A_26, %add3A_30 : vector<512x16xf32>
    %swap3A = arith.constant 0 : index
    %swap3A_32 = arith.constant 0 : index
    %swap3A_33 = vector.load %arg4[%swap3A, %swap3A_32] : memref<512x16xf32, #tpu.memory_space<vmem>>, vector<512x16xf32>
    tpu.vector_store %arg4[%swap3A, %swap3A_32], %add3A_31 {strides = array<i32>} : memref<512x16xf32, #tpu.memory_space<vmem>>, vector<512x16xf32>,
    return
  }
}

</mosaic_0001>

<sc_bundles>
// kernel: kernel.4.cloned.1.call-start
scs
__scs_entry_jumppad:
0x0: {  	(pc) =	sbr.rel $0x88, $3  }
0x1: {  	(tag) =	ssettag $0x0;
	lr =	simm.s32 $0x1  }
0x2: {  	[smem:$0x3F9D] =	sst lr;
	_ =	strace $0xD0000000  }
0x3: {  	_ = 	snop  }
0x4: {  	_ = 	snop  }
0x5: {  	_ = 	snop  }
0x6: {  	_ = 	snop  }
0x7: {  	_ = 	snop  }
__scs_overlays_trampoline_lowered:
0x8: {  	[smem:$0x3FAC] =	sst s0  }
0x9: {  	[smem:$0x3FAD] =	sst s1  }
0xa: {  	[smem:$0x3FAE] =	sst s2  }
0xb: {  	[smem:$0x3FAF] =	sst s3  }
0xc: {  	[smem:$0x3FB0] =	sst s4  }
0xd: {  	[smem:$0x3FB1] =	sst s5  }
0xe: {  	[smem:$0x3FB2] =	sst s6  }
0xf: {  	[smem:$0x3FB3] =	sst s7  }
0x10: {  	[smem:$0x3FB4] =	sst s8  }
0x11: {  	[smem:$0x3FB5] =	sst s9;
	s0 =	simm.s32 @!p0 $0x0  }
0x12: {  	s1 =	sld [smem:$0x3F9B];
	s0 =	simm.s32 @p0 $0x1  }
0x13: {  	[smem:$0x3FB6] =	sst s0;
	s0 =	simm.s32 @!p1 $0x0  }
0x14: {  	s2 =	sld [smem:$0x3F9A];
	s0 =	simm.s32 @p1 $0x1  }
0x15: {  	[smem:$0x3FB7] =	sst s0;
	s0 =	simm.s32 @!p2 $0x0  }
0x16: {  	s3 =	sld [smem:$0x3FDB];
	s0 =	simm.s32 @p2 $0x1  }
0x17: {  	s4 =	simm.s32 $0x1BF5;
	[smem:$0x3FB9] =	sst s0  }
0x18: {  	s0 =	sld [smem:$0x3F9C];
	_ =	swait.ge [sflag:s4], $0x0  }
0x19: {  	s7 =	sld [smem:$0x3F9D]  }
0x1a: {  	s8 =	sadd.s32 $0xFFFFE003, lr  }
0x1b: {  	s9 =	sadd.s32 $0xFFFFFEF7, lr;
	s5 =	simm.s32 $0xFFFFFFFF;
	p2 =	slt.u32 s8, $0xFFFFF086  }
0x1c: {  	p1 =	slt.u32 s9, $0xF7A;
	s5 =	simm.s32 @!p2 $0x0  }
0x1d: {  	s5 =	simm.s32 @p1 $0x1;
	p0 =	seq.s32 s7, s2  }
0x1e: {  	s7 =	smul.u32 @!p0 $0xF7A, s2;
	p2 =	seq.s32 @!p0 s5, $0x0  }
0x1f: {  	s9 =	smul.u32 $0xF7A, s1;
	s8 =	simm.s32 @!p0 $0x1BF5;
	p2 =	por !p2, p0  }
0x20: {  	[sflag:s8] =	ssyncset.s32 @!p0 $0xFFFFF086;
	s6 =	sadd.s32 @!p0 s3, s7;
	s7 =	simm.s32 @!p0 $0x108  }
0x21: {  	s3 =	sadd.s32 s3, s9;
	s6 =	sadd.s32 @!p0 $0x88, s6;
	s7 =	simm.s32 @p2 $0x1082  }
0x22: {  	[simem:s7], [sflag:s8] =	dma.local @!p0 [hbm:s6], $0xF7A  }
0x23: {  	s9 =	sor.u32 $0xD0000000, s2;
	s6 =	simm.s32 $0x108;
	_ =	swait.ge @!p0 [sflag:s8], $0x0  }
0x24: {  	s3 =	sadd.s32 $0x88, s3;
	s6 =	simm.s32 @!p1 $0x1082;
	[sflag:s4] =	ssyncset.s32 $0xFFFFF086  }
0x25: {  	[simem:s6], [sflag:s4] =	dma.local [hbm:s3], $0xF7A  }
0x26: {  	[smem:$0x3F9D] =	sst s1;
	(tag) =	ssettag s2;
	_ =	strace s9  }
0x27: {  	s1 =	sld [smem:$0x3FAD]  }
0x28: {  	s2 =	sld [smem:$0x3FAE]  }
0x29: {  	s4 =	sld [smem:$0x3FB0]  }
0x2a: {  	p0 =	seq.s32 s5, $0x0;
	s5 =	sld [smem:$0x3FB1]  }
0x2b: {  	s6 =	sld [smem:$0x3FB2]  }
0x2c: {  	s7 =	sld [smem:$0x3FB3]  }
0x2d: {  	s3 =	simm.s32 $0x108;
	s8 =	sld [smem:$0x3FB4]  }
0x2e: {  	s3 =	simm.s32 @!p0 $0x1082;
	s9 =	sld [smem:$0x3FB5]  }
0x2f: {  	lr =	sadd.s32 s0, s3;
	s0 =	sld [smem:$0x3FAC]  }
0x30: {  	s3 =	sld [smem:$0x3FAF]  }
0x31: {  	[smem:$0x3FB8] =	sst s10  }
0x32: {  	s10 =	sld [smem:$0x3FB6];
	_ =	sdelay $0x3  }
0x33: {  	p0 =	seq.s32 s10, $0x1;
	s10 =	sld [smem:$0x3FB8];
	_ =	sdelay $0x3  }
0x34: {  	[smem:$0x3FB8] =	sst s10  }
0x35: {  	s10 =	sld [smem:$0x3FB7];
	_ =	sdelay $0x3  }
0x36: {  	p1 =	seq.s32 s10, $0x1;
	s10 =	sld [smem:$0x3FB8];
	_ =	sdelay $0x3  }
0x37: {  	[smem:$0x3FB8] =	sst s10  }
0x38: {  	s10 =	sld [smem:$0x3FB9]  }
0x39: {  	_ = 	snop;
	(pc) =	sbr.ind lr, $3  }
0x3a: {  	_ = 	snop  }
0x3b: {  	_ = 	snop  }
0x3c: {  	p2 =	seq.s32 s10, $0x1;
	s10 =	sld [smem:$0x3FB8]  }
0x3d: {  	_ =	shalt  }
0x3e: {  	_ =	shalt  }
0x3f: {  	_ =	shalt  }
0x40: {  	_ =	shalt  }
0x41: {  	_ =	shalt  }
0x42: {  	_ =	shalt  }
0x43: {  	_ =	shalt  }
0x44: {  	_ =	shalt  }
0x45: {  	_ =	shalt  }
0x46: {  	_ =	shalt  }
0x47: {  	_ =	shalt  }
0x48: {  	_ =	shalt  }
0x49: {  	_ =	shalt  }
0x4a: {  	_ =	shalt  }
0x4b: {  	_ =	shalt  }
0x4c: {  	_ =	shalt  }
0x4d: {  	_ =	shalt  }
0x4e: {  	_ =	shalt  }
0x4f: {  	_ =	shalt  }
0x50: {  	_ =	shalt  }
0x51: {  	_ =	shalt  }
0x52: {  	_ =	shalt  }
0x53: {  	_ =	shalt  }
0x54: {  	_ =	shalt  }
0x55: {  	_ =	shalt  }
0x56: {  	_ =	shalt  }
0x57: {  	_ =	shalt  }
0x58: {  	_ =	shalt  }
0x59: {  	_ =	shalt  }
0x5a: {  	_ =	shalt  }
0x5b: {  	_ =	shalt  }
0x5c: {  	_ =	shalt  }
0x5d: {  	_ =	shalt  }
0x5e: {  	_ =	shalt  }
0x5f: {  	_ =	shalt  }
0x60: {  	_ =	shalt  }
0x61: {  	_ =	shalt  }
0x62: {  	_ =	shalt  }
0x63: {  	_ =	shalt  }
0x64: {  	_ =	shalt  }
0x65: {  	_ =	shalt  }
0x66: {  	_ =	shalt  }
0x67: {  	_ =	shalt  }
0x68: {  	_ =	shalt  }
0x69: {  	_ =	shalt  }
0x6a: {  	_ =	shalt  }
0x6b: {  	_ =	shalt  }
0x6c: {  	_ =	shalt  }
0x6d: {  	_ =	shalt  }
0x6e: {  	_ =	shalt  }
0x6f: {  	_ =	shalt  }
0x70: {  	_ =	shalt  }
0x71: {  	_ =	shalt  }
0x72: {  	_ =	shalt  }
0x73: {  	_ =	shalt  }
0x74: {  	_ =	shalt  }
0x75: {  	_ =	shalt  }
0x76: {  	_ =	shalt  }
0x77: {  	_ =	shalt  }
0x78: {  	_ =	shalt  }
0x79: {  	_ =	shalt  }
0x7a: {  	_ =	shalt  }
0x7b: {  	_ =	shalt  }
0x7c: {  	_ =	shalt  }
0x7d: {  	_ =	shalt  }
0x7e: {  	_ =	shalt  }
0x7f: {  	_ =	shalt  }
0x80: {  	_ =	shalt  }
0x81: {  	_ =	shalt  }
0x82: {  	_ =	shalt  }
0x83: {  	_ =	shalt  }
0x84: {  	_ =	shalt  }
0x85: {  	_ =	shalt  }
0x86: {  	_ =	shalt  }
0x87: {  	_ =	shalt  }
.Lfunc_end0:
.L_simem_size_0:
called_computation_lowered:
.L_overlay_start_0:
0x88: {  	s2 =	sld [smem:$0x3FD9]  }
0x89: {  	s3 =	sld [smem:$0x3FFE];
	_ =	sdelay $0x1  }
0x8a: {  	s1 =	srdreg.scid  }
0x8b: {  	s0 =	sand.u32 $0x1, s1  }
0x8c: {  	s17 =	sshll.u32 s0, $0xA;
	s2 =	sadd.s32 s3, s2  }
0x8d: {  	s2 =	sadd.s32 s2, s17  }
0x8e: {  	[smem:$0x3FC4] =	sst s2  }
0x8f: {  	_ = 	snop  }
0x90: {  	s2 =	sld [smem:$0x3FC9];
	(tm) =	ssettm $0x1  }
0x91: {  	s18 =	sld [smem:$0x3FFB];
	_ =	sdelay $0x3  }
0x92: {  	_ =	strace s18  }
0x93: {  	s3 =	sld [smem:$0x3FFC];
	_ =	sdelay $0x3  }
0x94: {  	_ =	strace s3  }
0x95: {  	s3 =	sld [smem:$0x3FFD];
	_ =	sdelay $0x3  }
0x96: {  	_ =	strace s3  }
0x97: {  	_ =	strace $0x8FFFFFFF  }
0x98: {  	s19 =	sld [smem:$0x3FDB];
	_ =	sdelay $0x1  }
0x99: {  	s4 =	simm.s32 $_scs_section_size  }
0x9a: {  	s5 =	simm.s32 $_size__tile_overlayer_lowered;
	s6 =	simm.s32 $_tile_overlayer_lowered  }
0x9b: {  	s22 =	simm.s32 $0x1BFF;
	s21 =	sshll.u32 s6, $0x1;
	s3 =	sadd.s32 s4, s19  }
0x9c: {  	s7 =	simm.s32 $0x0;
	s20 =	sshll.u32 s5, $0x1;
	s5 =	sadd.s32 s21, s3  }
0x9d: {  	[timem:s7], [sflag:s22] =	dma.local [hbm:s5], s20  }
0x9e: {  	_ =	swait.ge [sflag:s22], s20  }
0x9f: {  	s4 =	ssub.s32 $0x0, s20;
	[sflag:s22] =	ssyncset.done $0x0  }
0xa0: {  	[sflag:s22] =	ssyncadd.s32 s4;
	_ =	sdelay $0x1  }
0xa1: {  	s23 =	simm.s32 $0x1B8B  }
0xa2: {  	_ =	swait.ge [sflag:s23], $0x1  }
0xa3: {  	[sflag:s23] =	ssyncset.done $0x0  }
0xa4: {  	s25 =	simm.s32 $0x1B8E;
	s24 =	sld [smem:$0x3FFE];
	[sflag:s23] =	ssyncadd.s32 $0xFFFFFFFF  }
0xa5: {  	s26 =	simm.s32 $execute0_lowered;
	[smem:$0x3FD2] =	sst s25  }
0xa6: {  	s5 =	sshll.u32 s26, $0x1;
	_ =	strace $0x80000046;
	[dreg:$0x1] =	wrdreg $0xFFFFFFFF  }
0xa7: {  	s28 =	simm.s32 $_size_execute0_lowered;
	s3 =	sadd.s32 s3, s5;
	[dreg:$0x0] =	wrdreg $0x0  }
0xa8: {  	s5 =	sshll.u32 s28, $0x1;
	[dreg:$0x2] =	wrdreg s3  }
0xa9: {  	[dreg:$0x3] =	wrdreg s5  }
0xaa: {  	[dreg:$0x4] =	wrdreg $0xC0  }
0xab: {  	_ =	task [dreg:s7], $0x5FFFF  }
0xac: {  	[dreg:$0x1] =	wrdreg $0xFFFFFFFF  }
0xad: {  	[dreg:$0x0] =	wrdreg $0x60  }
0xae: {  	[dreg:$0x2] =	wrdreg s2  }
0xaf: {  	[dreg:$0x3] =	wrdreg s24  }
0xb0: {  	[dreg:$0x4] =	wrdreg $0xCA000  }
0xb1: {  	[dreg:$0x5] =	wrdreg $0xDA000  }
0xb2: {  	[dreg:$0x6] =	wrdreg $0x9  }
0xb3: {  	_ =	task.clear_ibuf [dreg:s7], $0x7FFFF;
	_ =	strace $0x90000046  }
0xb4: {  	s29 =	simm.s32 $0x9;
	_ =	strace $0x80000048  }
0xb5: {  	_ =	swait.ge [sflag:s29], $0x1  }
0xb6: {  	[sflag:s29] =	ssyncadd.s32 $0xFFFFFFFF  }
0xb7: {  	_ =	strace $0x90000048  }
0xb8: {  	_ =	sfence  }
0xb9: {  	s30 =	sld [smem:$0x0];
	_ =	sdelay $0x2  }
0xba: {  	s31 =	sshll.u32 s1, $0xD;
	s1 =	sshrl.u32 s1, $0x2  }
0xbb: {  	s3 =	sand.u32 $0x4000, s31;
	s1 =	sadd.s32 s1, s30  }
0xbc: {  	s0 =	sor.u32 s3, s0;
	s1 =	sshll.u32 s1, $0x11  }
0xbd: {  	s0 =	sor.u32 s1, s0  }
0xbe: {  	s0 =	sadd.s32 $0x8F2B, s0  }
0xbf: {  	[sflag:s0] =	ssyncadd.remote.s32 $0x1  }
0xc0: {  	_ =	sfence.sel $0xFFFF  }
0xc1: {  	[dreg:$0x0] =	wrdreg $0xFFFFFFFF;
	(pc) =	sbr.abs _section_cstart, $3  }
0xc2: {  	[dreg:$0x1] =	wrdreg $0xFFFFFFFF  }
0xc3: {  	_ =	task.clear_ibuf [dreg:s7], $0x2FFFF;
	_ =	strace $0x9FFFFFFF  }
0xc4: {  	(tm) =	ssettm $0x7FFFFFFF  }
0xc5: {  	_ =	shalt  }
tec
execute0_lowered:
.L_overlay_start_1:
0x0: {  	(tag) =	ssettag $0x1  }
0x1: {  	s4 =	rddreg [dreg:$0x0]  }
0x2: {  	s6 =	rddreg [dreg:$0x1]  }
0x3: {  	s1 =	rddreg [dreg:$0x2];
	s28 =	stileid.u32  }
0x4: {  	s0 =	srdreg.scid;
	s2 =	rddreg [dreg:$0x3]  }
0x5: {  	s3 =	simm.s32 $0x0;
	s30 =	sand.u32 $0x1, s0;
	s5 =	sshll.u32 s28, $0x1  }
0x6: {  	[smem:$0x7FF] =	sst s3;
	s8 =	sadd.s32 $0x6000, s6;
	s18 =	sor.u32 s30, s5  }
0x7: {  	_ =	strace $0x80000047;
	s5 =	sadd.s32 $0x1000, s6;
	[dreg:$0x5] =	wrdreg s8  }
0x8: {  	s7 =	smul.u32 $0xA00, s18;
	s26 =	sshll.u32 s18, $0x8;
	s0 =	sor.u32 $0x20, s18  }
0x9: {  	s9 =	sshll.u32 s18, $0x5;
	s11 =	sor.u32 $0x40, s18;
	s10 =	smul.u32 $0xA00, s0  }
0xa: {  	s15 =	sor.u32 $0x60, s18;
	s20 =	sor.u32 $0x80, s18;
	s12 =	smul.u32 $0xA00, s11  }
0xb: {  	s24 =	sor.u32 $0xA0, s18;
	s8 =	sshll.u32 s0, $0x8;
	s21 =	smul.u32 $0xA00, s20  }
0xc: {  	s9 =	sadd.s32 s5, s9;
	s25 =	smul.u32 $0xA00, s24;
	s7 =	sadd.s32 s4, s7  }
0xd: {  	s8 =	sand.u32 $0x3C00, s8;
	[dreg:$0x7] =	wrdreg s9;
	s9 =	sshll.u32 s11, $0x8  }
0xe: {  	s11 =	smul.u32 $0xA00, s15;
	[dreg:$0x6] =	wrdreg s7;
	s10 =	sadd.s32 s4, s10  }
0xf: {  	s7 =	sand.u32 $0x300, s26;
	s14 =	sadd.s32 s4, s12;
	[dreg:$0x8] =	wrdreg s10  }
0x10: {  	s13 =	sand.u32 $0x5C00, s9;
	s23 =	sadd.s32 s4, s21;
	[dreg:$0xa] =	wrdreg s14  }
0x11: {  	s0 =	sadd.s32 s4, s25;
	s8 =	sor.u32 s7, s8;
	[dreg:$0xe] =	wrdreg s23  }
0x12: {  	s10 =	sshll.u32 s15, $0x8;
	s17 =	sadd.s32 s4, s11;
	[dreg:$0x10] =	wrdreg s0  }
0x13: {  	s14 =	sor.u32 $0xE0, s18;
	s8 =	sshrl.u32 s8, $0x3;
	s16 =	sand.u32 $0x7C00, s10  }
0x14: {  	[dreg:$0xc] =	wrdreg s17;
	s10 =	sshll.u32 s24, $0x8;
	s15 =	smul.u32 $0xA00, s14  }
0x15: {  	s24 =	sor.u32 $0x120, s18;
	s8 =	sadd.s32 s5, s8;
	s9 =	sor.u32 s7, s16  }
0x16: {  	s26 =	sand.u32 $0xBC00, s10;
	s10 =	sor.u32 $0xC0, s18;
	s25 =	smul.u32 $0xA00, s24  }
0x17: {  	[dreg:$0x9] =	wrdreg s8;
	s8 =	sor.u32 s7, s13;
	s19 =	sshrl.u32 s9, $0x3  }
0x18: {  	s9 =	sshll.u32 s20, $0x8;
	s11 =	smul.u32 $0xA00, s10;
	s17 =	sadd.s32 s4, s15  }
0x19: {  	s20 =	sor.u32 $0x100, s18;
	s15 =	sor.u32 $0x160, s18;
	s8 =	sshrl.u32 s8, $0x3  }
0x1a: {  	s22 =	sand.u32 $0x9C00, s9;
	s9 =	sor.u32 s7, s26;
	[dreg:$0x14] =	wrdreg s17  }
0x1b: {  	s21 =	smul.u32 $0xA00, s20;
	s0 =	sadd.s32 s4, s25;
	s25 =	sor.u32 $0x1A0, s18  }
0x1c: {  	s8 =	sadd.s32 s5, s8;
	s9 =	sshrl.u32 s9, $0x3;
	[dreg:$0x18] =	wrdreg s0  }
0x1d: {  	s13 =	sadd.s32 s4, s11;
	[dreg:$0xb] =	wrdreg s8;
	s8 =	sadd.s32 s5, s19  }
0x1e: {  	s11 =	sor.u32 $0x140, s18;
	[dreg:$0xd] =	wrdreg s8;
	s8 =	sor.u32 s7, s22  }
0x1f: {  	[dreg:$0x12] =	wrdreg s13;
	s23 =	sadd.s32 s4, s21;
	s8 =	sshrl.u32 s8, $0x3  }
0x20: {  	s21 =	sor.u32 $0x180, s18;
	[dreg:$0x16] =	wrdreg s23;
	s8 =	sadd.s32 s5, s8  }
0x21: {  	[dreg:$0xf] =	wrdreg s8;
	s8 =	sadd.s32 s5, s9;
	s9 =	sshll.u32 s10, $0x8  }
0x22: {  	s10 =	sshll.u32 s14, $0x8;
	[dreg:$0x11] =	wrdreg s8;
	s12 =	sand.u32 $0xDC00, s9  }
0x23: {  	s16 =	sand.u32 $0xFC00, s10;
	s10 =	sshll.u32 s24, $0x8;
	s8 =	sor.u32 s7, s12  }
0x24: {  	s9 =	sor.u32 s7, s16;
	s26 =	sand.u32 $0x13C00, s10;
	s12 =	smul.u32 $0xA00, s11  }
0x25: {  	s8 =	sshrl.u32 s8, $0x3;
	s19 =	sshrl.u32 s9, $0x3;
	s9 =	sshll.u32 s20, $0x8  }
0x26: {  	s16 =	smul.u32 $0xA00, s15;
	s8 =	sadd.s32 s5, s8;
	s22 =	sand.u32 $0x11C00, s9  }
0x27: {  	s9 =	sor.u32 s7, s26;
	s14 =	sadd.s32 s4, s12;
	s26 =	smul.u32 $0xA00, s25  }
0x28: {  	s12 =	sor.u32 $0x1C0, s18;
	[dreg:$0x13] =	wrdreg s8;
	s8 =	sadd.s32 s5, s19  }
0x29: {  	s10 =	sshrl.u32 s9, $0x3;
	s9 =	sshll.u32 s11, $0x8;
	[dreg:$0x1a] =	wrdreg s14  }
0x2a: {  	s19 =	sadd.s32 s4, s16;
	[dreg:$0x15] =	wrdreg s8;
	s8 =	sor.u32 s7, s22  }
0x2b: {  	s16 =	sor.u32 $0x1E0, s18;
	s22 =	smul.u32 $0xA00, s21;
	s8 =	sshrl.u32 s8, $0x3  }
0x2c: {  	s13 =	sand.u32 $0x15C00, s9;
	[dreg:$0x1c] =	wrdreg s19;
	s8 =	sadd.s32 s5, s8  }
0x2d: {  	s24 =	sadd.s32 s4, s22;
	s22 =	sor.u32 $0x200, s18;
	[dreg:$0x17] =	wrdreg s8  }
0x2e: {  	s8 =	sadd.s32 s5, s10;
	s10 =	sshll.u32 s15, $0x8;
	[dreg:$0x1e] =	wrdreg s24  }
0x2f: {  	[dreg:$0x19] =	wrdreg s8;
	s8 =	sor.u32 s7, s13;
	s17 =	sand.u32 $0x17C00, s10  }
0x30: {  	s10 =	sshll.u32 s25, $0x8;
	s13 =	smul.u32 $0xA00, s12;
	s8 =	sshrl.u32 s8, $0x3  }
0x31: {  	s9 =	sor.u32 s7, s17;
	s0 =	sand.u32 $0x1BC00, s10;
	s10 =	sadd.s32 s4, s26  }
0x32: {  	s17 =	smul.u32 $0xA00, s16;
	s8 =	sadd.s32 s5, s8;
	s20 =	sshrl.u32 s9, $0x3  }
0x33: {  	s9 =	sshll.u32 s21, $0x8;
	[smem:$0x7EE] =	sst s10;
	s15 =	sadd.s32 s4, s13  }
0x34: {  	s10 =	sshll.u32 s16, $0x8;
	[dreg:$0x1b] =	wrdreg s8;
	s8 =	sadd.s32 s5, s20  }
0x35: {  	s23 =	sand.u32 $0x19C00, s9;
	s9 =	sor.u32 s7, s0;
	[smem:$0x7F0] =	sst s15  }
0x36: {  	s19 =	sand.u32 $0x1FC00, s10;
	s20 =	sadd.s32 s4, s17;
	s0 =	sor.u32 $0x220, s18  }
0x37: {  	s15 =	sor.u32 $0x240, s18;
	[dreg:$0x1d] =	wrdreg s8;
	s8 =	sor.u32 s7, s23  }
0x38: {  	s11 =	sshrl.u32 s9, $0x3;
	s9 =	sshll.u32 s12, $0x8;
	s23 =	smul.u32 $0xA00, s22  }
0x39: {  	[smem:$0x7F2] =	sst s20;
	s12 =	smul.u32 $0xA00, s0;
	s10 =	sshll.u32 s0, $0x8  }
0x3a: {  	s16 =	smul.u32 $0xA00, s15;
	s8 =	sshrl.u32 s8, $0x3;
	s14 =	sand.u32 $0x1DC00, s9  }
0x3b: {  	s9 =	sor.u32 s7, s19;
	s10 =	sand.u32 $0x23C00, s10;
	s19 =	sor.u32 $0x260, s18  }
0x3c: {  	s8 =	sadd.s32 s5, s8;
	s21 =	sshrl.u32 s9, $0x3;
	s9 =	sshll.u32 s22, $0x8  }
0x3d: {  	s26 =	sadd.s32 s4, s23;
	s13 =	sadd.s32 s4, s12;
	[dreg:$0x1f] =	wrdreg s8  }
0x3e: {  	s8 =	sadd.s32 s5, s11;
	s25 =	sand.u32 $0x21C00, s9;
	[smem:$0x7F4] =	sst s26  }
0x3f: {  	s9 =	sor.u32 s7, s10;
	[smem:$0x7F6] =	sst s13;
	s10 =	sadd.s32 s4, s16  }
0x40: {  	[smem:$0x7EF] =	sst s8;
	s8 =	sor.u32 s7, s14;
	s14 =	sshrl.u32 s9, $0x3  }
0x41: {  	s9 =	sshll.u32 s15, $0x8;
	[smem:$0x7F8] =	sst s10;
	s8 =	sshrl.u32 s8, $0x3  }
0x42: {  	s17 =	sand.u32 $0x25C00, s9;
	s9 =	smul.u32 $0xA00, s19;
	s8 =	sadd.s32 s5, s8  }
0x43: {  	s24 =	sshll.u32 s30, $0xD;
	s20 =	sshll.u32 s19, $0x8;
	[smem:$0x7F1] =	sst s8  }
0x44: {  	s8 =	sadd.s32 s5, s21;
	s4 =	sadd.s32 s4, s9;
	s9 =	rddreg [dreg:$0x5]  }
0x45: {  	s21 =	sadd.s32 s24, s6;
	[smem:$0x7F3] =	sst s8;
	s8 =	sor.u32 s7, s25  }
0x46: {  	[smem:$0x7FA] =	sst s4;
	s23 =	sadd.s32 $0x8600, s21;
	s25 =	sadd.s32 $0xC600, s21  }
0x47: {  	s4 =	simm.s32 $0xA200;
	s8 =	sshrl.u32 s8, $0x3;
	[smem:$0x7FC] =	sst s23  }
0x48: {  	[tilespmem:s4], [sflag:$0x3] =	stream.linear.gather [hbm4b:s9+s3], $0x2800, $0x38;
	[tilespmem:$0xEA00] =	vst v63  }
0x49: {  	s12 =	sand.u32 $0x27C00, s20;
	[smem:$0x7FD] =	sst s25;
	s8 =	sadd.s32 s5, s8  }
0x4a: {  	s24 =	sshll.u32 s28, $0xC;
	[smem:$0x7F5] =	sst s8;
	s8 =	sadd.s32 s5, s14  }
0x4b: {  	s0 =	sadd.s32 s24, s2;
	[smem:$0x7F7] =	sst s8;
	s8 =	sor.u32 s7, s17  }
0x4c: {  	s10 =	sshrl.u32 s0, $0x3;
	s7 =	sor.u32 s7, s12;
	s8 =	sshrl.u32 s8, $0x3  }
0x4d: {  	[smem:$0x7ED] =	sst s10;
	s7 =	sshrl.u32 s7, $0x3;
	s8 =	sadd.s32 s5, s8  }
0x4e: {  	s26 =	sadd.s32 s24, s1;
	s22 =	sadd.s32 s5, s7;
	[smem:$0x7F9] =	sst s8  }
0x4f: {  	[smem:$0x7FB] =	sst s22;
	s8 =	sshrl.u32 s26, $0x3  }
0x50: {  	s5 =	simm.s32 $0x3;
	[smem:$0x7EC] =	sst s8  }
0x51: {  	_ =	swait.ge [sflag:s5], $0x2800  }
0x52: {  	s11 =	sshll.u32 s28, $0x9;
	s12 =	sld [smem:$0x7EC]  }
0x53: {  	s13 =	sshll.u32 s28, $0x6;
	s6 =	sadd.s32 s11, s6;
	[sflag:s5] =	ssyncset.done $0x0  }
0x54: {  	s6 =	sadd.s32 $0x6600, s6;
	s7 =	sor.u32 $0x1C03, s13;
	[sflag:s5] =	ssyncadd.s32 $0xFFFFD800  }
0x55: {  	[spmem:s12], [sflag:s7] =	dma.local [hbm:s6], $0x200  }
0x56: {  	_ =	swait.ge [sflag:s5], $0x200  }
0x57: {  	s14 =	sld [smem:$0x7ED]  }
0x58: {  	[sflag:s5] =	ssyncset.done $0x0  }
0x59: {  	[sflag:s5] =	ssyncadd.s32 $0xFFFFFE00  }
0x5a: {  	[spmem:s14], [sflag:s7] =	dma.local [hbm:s6], $0x200  }
0x5b: {  	_ =	swait.ge [sflag:s5], $0x200  }
0x5c: {  	[sflag:s5] =	ssyncset.done $0x0  }
0x5d: {  	[sflag:s5] =	ssyncadd.s32 $0xFFFFFE00  }
0x5e: {  	[bflag:$0x0] =	sbarrier.arrive $0xFFFF  }
0x5f: {  	s15 =	rddreg [dreg:$0x6]  }
0x60: {  	[tilespmem:s3], [sflag:$0x1] =	stream.linear.gather [hbm4b:s15+s3], $0x5000, $0x38;
	[tilespmem:$0xEA00] =	vst v63  }
0x61: {  	s8 =	simm.s32 $0xA000;
	s16 =	rddreg [dreg:$0x7]  }
0x62: {  	[tilespmem:s8], [sflag:$0x1] =	stream.linear.gather [hbm4b:s16+s3], $0x100, $0x38;
	[tilespmem:$0xEA00] =	vst v63  }
0x63: {  	s9 =	simm.s32 $0x5000;
	s17 =	rddreg [dreg:$0x8]  }
0x64: {  	[tilespmem:s9], [sflag:$0x2] =	stream.linear.gather [hbm4b:s17+s3], $0x5000, $0x38;
	[tilespmem:$0xEA00] =	vst v63  }
0x65: {  	s11 =	simm.s32 $0x1;
	s10 =	simm.s32 $0xA100;
	s19 =	rddreg [dreg:$0x9]  }
0x66: {  	[tilespmem:s10], [sflag:$0x2] =	stream.linear.gather [hbm4b:s19+s3], $0x100, $0x38;
	[tilespmem:$0xEA00] =	vst v63  }
0x67: {  	_ =	swait.ge [sflag:s11], $0x5000  }
0x68: {  	[sflag:s11] =	ssyncset.done $0x0  }
0x69: {  	[sflag:s11] =	ssyncadd.s32 $0xFFFFB000  }
0x6a: {  	_ =	swait.ge [sflag:s11], $0x100  }
0x6b: {  	[sflag:s11] =	ssyncset.done $0x0  }
0x6c: {  	s12 =	simm.s32 $0x50;
	[sflag:s11] =	ssyncadd.s32 $0xFFFFFF00  }
0x6d: {  	[spmem:s1] =	stream.indirect.scatter.add.f32 [tilespmem:s3], [sflag:$0x3], $0x80, s8, s12, $0xb8;
	[tilespmem:$0xEA00] =	vst v63  }
0x6e: {  	_ =	swait.ge [sflag:s5], $0x2800  }
0x6f: {  	[sflag:s5] =	ssyncset.done $0x0  }
0x70: {  	[sflag:s5] =	ssyncadd.s32 $0xFFFFD800  }
0x71: {  	[spmem:s2] =	stream.indirect.scatter.add.f32 [tilespmem:s4], [sflag:$0x3], $0x80, s8, s12, $0xb8;
	[tilespmem:$0xEA00] =	vst v63  }
0x72: {  	_ =	swait.ge [sflag:s5], $0x2800  }
0x73: {  	[sflag:s5] =	ssyncset.done $0x0  }
0x74: {  	s13 =	simm.s32 $0xA080;
	s14 =	simm.s32 $0x2800;
	[sflag:s5] =	ssyncadd.s32 $0xFFFFD800  }
0x75: {  	[spmem:s1] =	stream.indirect.scatter.add.f32 [tilespmem:s14], [sflag:$0x3], $0x80, s13, s12, $0xb8;
	[tilespmem:$0xEA00] =	vst v63  }
0x76: {  	_ =	swait.ge [sflag:s5], $0x2800  }
0x77: {  	[sflag:s5] =	ssyncset.done $0x0  }
0x78: {  	[sflag:s5] =	ssyncadd.s32 $0xFFFFD800  }
0x79: {  	[spmem:s2] =	stream.indirect.scatter.add.f32 [tilespmem:s4], [sflag:$0x3], $0x80, s13, s12, $0xb8;
	[tilespmem:$0xEA00] =	vst v63  }
0x7a: {  	_ =	swait.ge [sflag:s5], $0x2800  }
0x7b: {  	[sflag:s5] =	ssyncset.done $0x0  }
0x7c: {  	s15 =	rddreg [dreg:$0xa];
	[sflag:s5] =	ssyncadd.s32 $0xFFFFD800  }
0x7d: {  	[tilespmem:s3], [sflag:$0x1] =	stream.linear.gather [hbm4b:s15+s3], $0x5000, $0x38;
	[tilespmem:$0xEA00] =	vst v63  }
0x7e: {  	s16 =	rddreg [dreg:$0xb];
	s15 =	simm.s32 $0x2  }
0x7f: {  	[tilespmem:s8], [sflag:$0x1] =	stream.linear.gather [hbm4b:s16+s3], $0x100, $0x38;
	[tilespmem:$0xEA00] =	vst v63  }
0x80: {  	_ =	swait.ge [sflag:s15], $0x5000  }
0x81: {  	[sflag:s15] =	ssyncset.done $0x0  }
0x82: {  	[sflag:s15] =	ssyncadd.s32 $0xFFFFB000  }
0x83: {  	_ =	swait.ge [sflag:s15], $0x100  }
0x84: {  	[sflag:s15] =	ssyncset.done $0x0  }
0x85: {  	[sflag:s15] =	ssyncadd.s32 $0xFFFFFF00  }
0x86: {  	[spmem:s1] =	stream.indirect.scatter.add.f32 [tilespmem:s9], [sflag:$0x3], $0x80, s10, s12, $0xb8;
	[tilespmem:$0xEA00] =	vst v63  }
0x87: {  	_ =	swait.ge [sflag:s5], $0x2800  }
0x88: {  	[sflag:s5] =	ssyncset.done $0x0  }
0x89: {  	[sflag:s5] =	ssyncadd.s32 $0xFFFFD800  }
0x8a: {  	[spmem:s2] =	stream.indirect.scatter.add.f32 [tilespmem:s4], [sflag:$0x3], $0x80, s10, s12, $0xb8;
	[tilespmem:$0xEA00] =	vst v63  }
0x8b: {  	_ =	swait.ge [sflag:s5], $0x2800  }
0x8c: {  	[sflag:s5] =	ssyncset.done $0x0  }
0x8d: {  	s17 =	simm.s32 $0x7800;
	s16 =	simm.s32 $0xA180;
	[sflag:s5] =	ssyncadd.s32 $0xFFFFD800  }
0x8e: {  	[spmem:s1] =	stream.indirect.scatter.add.f32 [tilespmem:s17], [sflag:$0x3], $0x80, s16, s12, $0xb8;
	[tilespmem:$0xEA00] =	vst v63  }
0x8f: {  	_ =	swait.ge [sflag:s5], $0x2800  }
0x90: {  	[sflag:s5] =	ssyncset.done $0x0  }
0x91: {  	[sflag:s5] =	ssyncadd.s32 $0xFFFFD800  }
0x92: {  	[spmem:s2] =	stream.indirect.scatter.add.f32 [tilespmem:s4], [sflag:$0x3], $0x80, s16, s12, $0xb8;
	[tilespmem:$0xEA00] =	vst v63  }
0x93: {  	_ =	swait.ge [sflag:s5], $0x2800  }
0x94: {  	[sflag:s5] =	ssyncset.done $0x0  }
0x95: {  	s19 =	rddreg [dreg:$0xc];
	[sflag:s5] =	ssyncadd.s32 $0xFFFFD800  }
0x96: {  	[tilespmem:s9], [sflag:$0x2] =	stream.linear.gather [hbm4b:s19+s3], $0x5000, $0x38;
	[tilespmem:$0xEA00] =	vst v63  }
0x97: {  	s20 =	rddreg [dreg:$0xd]  }
0x98: {  	[tilespmem:s10], [sflag:$0x2] =	stream.linear.gather [hbm4b:s20+s3], $0x100, $0x38;
	[tilespmem:$0xEA00] =	vst v63  }
0x99: {  	_ =	swait.ge [sflag:s11], $0x5000  }
0x9a: {  	[sflag:s11] =	ssyncset.done $0x0  }
0x9b: {  	[sflag:s11] =	ssyncadd.s32 $0xFFFFB000  }
0x9c: {  	_ =	swait.ge [sflag:s11], $0x100  }
0x9d: {  	[sflag:s11] =	ssyncset.done $0x0  }
0x9e: {  	[sflag:s11] =	ssyncadd.s32 $0xFFFFFF00  }
0x9f: {  	[spmem:s1] =	stream.indirect.scatter.add.f32 [tilespmem:s3], [sflag:$0x3], $0x80, s8, s12, $0xb8;
	[tilespmem:$0xEA00] =	vst v63  }
0xa0: {  	_ =	swait.ge [sflag:s5], $0x2800  }
0xa1: {  	[sflag:s5] =	ssyncset.done $0x0  }
0xa2: {  	[sflag:s5] =	ssyncadd.s32 $0xFFFFD800  }
0xa3: {  	[spmem:s2] =	stream.indirect.scatter.add.f32 [tilespmem:s4], [sflag:$0x3], $0x80, s8, s12, $0xb8;
	[tilespmem:$0xEA00] =	vst v63  }
0xa4: {  	_ =	swait.ge [sflag:s5], $0x2800  }
0xa5: {  	[sflag:s5] =	ssyncset.done $0x0  }
0xa6: {  	[sflag:s5] =	ssyncadd.s32 $0xFFFFD800  }
0xa7: {  	[spmem:s1] =	stream.indirect.scatter.add.f32 [tilespmem:s14], [sflag:$0x3], $0x80, s13, s12, $0xb8;
	[tilespmem:$0xEA00] =	vst v63  }
0xa8: {  	_ =	swait.ge [sflag:s5], $0x2800  }
0xa9: {  	[sflag:s5] =	ssyncset.done $0x0  }
0xaa: {  	[sflag:s5] =	ssyncadd.s32 $0xFFFFD800  }
0xab: {  	[spmem:s2] =	stream.indirect.scatter.add.f32 [tilespmem:s4], [sflag:$0x3], $0x80, s13, s12, $0xb8;
	[tilespmem:$0xEA00] =	vst v63  }
0xac: {  	_ =	swait.ge [sflag:s5], $0x2800  }
0xad: {  	[sflag:s5] =	ssyncset.done $0x0  }
0xae: {  	s20 =	rddreg [dreg:$0xe];
	[sflag:s5] =	ssyncadd.s32 $0xFFFFD800  }
0xaf: {  	[tilespmem:s3], [sflag:$0x1] =	stream.linear.gather [hbm4b:s20+s3], $0x5000, $0x38;
	[tilespmem:$0xEA00] =	vst v63  }
0xb0: {  	s21 =	rddreg [dreg:$0xf]  }
0xb1: {  	[tilespmem:s8], [sflag:$0x1] =	stream.linear.gather [hbm4b:s21+s3], $0x100, $0x38;
	[tilespmem:$0xEA00] =	vst v63  }
0xb2: {  	_ =	swait.ge [sflag:s15], $0x5000  }
0xb3: {  	[sflag:s15] =	ssyncset.done $0x0  }
0xb4: {  	[sflag:s15] =	ssyncadd.s32 $0xFFFFB000  }
0xb5: {  	_ =	swait.ge [sflag:s15], $0x100  }
0xb6: {  	[sflag:s15] =	ssyncset.done $0x0  }
0xb7: {  	[sflag:s15] =	ssyncadd.s32 $0xFFFFFF00  }
0xb8: {  	[spmem:s1] =	stream.indirect.scatter.add.f32 [tilespmem:s9], [sflag:$0x3], $0x80, s10, s12, $0xb8;
	[tilespmem:$0xEA00] =	vst v63  }
0xb9: {  	_ =	swait.ge [sflag:s5], $0x2800  }
0xba: {  	[sflag:s5] =	ssyncset.done $0x0  }
0xbb: {  	[sflag:s5] =	ssyncadd.s32 $0xFFFFD800  }
0xbc: {  	[spmem:s2] =	stream.indirect.scatter.add.f32 [tilespmem:s4], [sflag:$0x3], $0x80, s10, s12, $0xb8;
	[tilespmem:$0xEA00] =	vst v63  }
0xbd: {  	_ =	swait.ge [sflag:s5], $0x2800  }
0xbe: {  	[sflag:s5] =	ssyncset.done $0x0  }
0xbf: {  	[sflag:s5] =	ssyncadd.s32 $0xFFFFD800  }
0xc0: {  	[spmem:s1] =	stream.indirect.scatter.add.f32 [tilespmem:s17], [sflag:$0x3], $0x80, s16, s12, $0xb8;
	[tilespmem:$0xEA00] =	vst v63  }
0xc1: {  	_ =	swait.ge [sflag:s5], $0x2800  }
0xc2: {  	[sflag:s5] =	ssyncset.done $0x0  }
0xc3: {  	[sflag:s5] =	ssyncadd.s32 $0xFFFFD800  }
0xc4: {  	[spmem:s2] =	stream.indirect.scatter.add.f32 [tilespmem:s4], [sflag:$0x3], $0x80, s16, s12, $0xb8;
	[tilespmem:$0xEA00] =	vst v63  }
0xc5: {  	_ =	swait.ge [sflag:s5], $0x2800  }
0xc6: {  	[sflag:s5] =	ssyncset.done $0x0  }
0xc7: {  	s22 =	rddreg [dreg:$0x10];
	[sflag:s5] =	ssyncadd.s32 $0xFFFFD800  }
0xc8: {  	[tilespmem:s9], [sflag:$0x2] =	stream.linear.gather [hbm4b:s22+s3], $0x5000, $0x38;
	[tilespmem:$0xEA00] =	vst v63  }
0xc9: {  	s23 =	rddreg [dreg:$0x11]  }
0xca: {  	[tilespmem:s10], [sflag:$0x2] =	stream.linear.gather [hbm4b:s23+s3], $0x100, $0x38;
	[tilespmem:$0xEA00] =	vst v63  }
0xcb: {  	_ =	swait.ge [sflag:s11], $0x5000  }
0xcc: {  	[sflag:s11] =	ssyncset.done $0x0  }
0xcd: {  	[sflag:s11] =	ssyncadd.s32 $0xFFFFB000  }
0xce: {  	_ =	swait.ge [sflag:s11], $0x100  }
0xcf: {  	[sflag:s11] =	ssyncset.done $0x0  }
0xd0: {  	[sflag:s11] =	ssyncadd.s32 $0xFFFFFF00  }
0xd1: {  	[spmem:s1] =	stream.indirect.scatter.add.f32 [tilespmem:s3], [sflag:$0x3], $0x80, s8, s12, $0xb8;
	[tilespmem:$0xEA00] =	vst v63  }
0xd2: {  	_ =	swait.ge [sflag:s5], $0x2800  }
0xd3: {  	[sflag:s5] =	ssyncset.done $0x0  }
0xd4: {  	[sflag:s5] =	ssyncadd.s32 $0xFFFFD800  }
0xd5: {  	[spmem:s2] =	stream.indirect.scatter.add.f32 [tilespmem:s4], [sflag:$0x3], $0x80, s8, s12, $0xb8;
	[tilespmem:$0xEA00] =	vst v63  }
0xd6: {  	_ =	swait.ge [sflag:s5], $0x2800  }
0xd7: {  	[sflag:s5] =	ssyncset.done $0x0  }
0xd8: {  	[sflag:s5] =	ssyncadd.s32 $0xFFFFD800  }
0xd9: {  	[spmem:s1] =	stream.indirect.scatter.add.f32 [tilespmem:s14], [sflag:$0x3], $0x80, s13, s12, $0xb8;
	[tilespmem:$0xEA00] =	vst v63  }
0xda: {  	_ =	swait.ge [sflag:s5], $0x2800  }
0xdb: {  	[sflag:s5] =	ssyncset.done $0x0  }
0xdc: {  	[sflag:s5] =	ssyncadd.s32 $0xFFFFD800  }
0xdd: {  	[spmem:s2] =	stream.indirect.scatter.add.f32 [tilespmem:s4], [sflag:$0x3], $0x80, s13, s12, $0xb8;
	[tilespmem:$0xEA00] =	vst v63  }
0xde: {  	_ =	swait.ge [sflag:s5], $0x2800  }
0xdf: {  	[sflag:s5] =	ssyncset.done $0x0  }
0xe0: {  	s24 =	rddreg [dreg:$0x12];
	[sflag:s5] =	ssyncadd.s32 $0xFFFFD800  }
0xe1: {  	[tilespmem:s3], [sflag:$0x1] =	stream.linear.gather [hbm4b:s24+s3], $0x5000, $0x38;
	[tilespmem:$0xEA00] =	vst v63  }
0xe2: {  	s25 =	rddreg [dreg:$0x13]  }
0xe3: {  	[tilespmem:s8], [sflag:$0x1] =	stream.linear.gather [hbm4b:s25+s3], $0x100, $0x38;
	[tilespmem:$0xEA00] =	vst v63  }
0xe4: {  	_ =	swait.ge [sflag:s15], $0x5000  }
0xe5: {  	[sflag:s15] =	ssyncset.done $0x0  }
0xe6: {  	[sflag:s15] =	ssyncadd.s32 $0xFFFFB000  }
0xe7: {  	_ =	swait.ge [sflag:s15], $0x100  }
0xe8: {  	[sflag:s15] =	ssyncset.done $0x0  }
0xe9: {  	[sflag:s15] =	ssyncadd.s32 $0xFFFFFF00  }
0xea: {  	[spmem:s1] =	stream.indirect.scatter.add.f32 [tilespmem:s9], [sflag:$0x3], $0x80, s10, s12, $0xb8;
	[tilespmem:$0xEA00] =	vst v63  }
0xeb: {  	_ =	swait.ge [sflag:s5], $0x2800  }
0xec: {  	[sflag:s5] =	ssyncset.done $0x0  }
0xed: {  	[sflag:s5] =	ssyncadd.s32 $0xFFFFD800  }
0xee: {  	[spmem:s2] =	stream.indirect.scatter.add.f32 [tilespmem:s4], [sflag:$0x3], $0x80, s10, s12, $0xb8;
	[tilespmem:$0xEA00] =	vst v63  }
0xef: {  	_ =	swait.ge [sflag:s5], $0x2800  }
0xf0: {  	[sflag:s5] =	ssyncset.done $0x0  }
0xf1: {  	[sflag:s5] =	ssyncadd.s32 $0xFFFFD800  }
0xf2: {  	[spmem:s1] =	stream.indirect.scatter.add.f32 [tilespmem:s17], [sflag:$0x3], $0x80, s16, s12, $0xb8;
	[tilespmem:$0xEA00] =	vst v63  }
0xf3: {  	_ =	swait.ge [sflag:s5], $0x2800  }
0xf4: {  	[sflag:s5] =	ssyncset.done $0x0  }
0xf5: {  	[sflag:s5] =	ssyncadd.s32 $0xFFFFD800  }
0xf6: {  	[spmem:s2] =	stream.indirect.scatter.add.f32 [tilespmem:s4], [sflag:$0x3], $0x80, s16, s12, $0xb8;
	[tilespmem:$0xEA00] =	vst v63  }
0xf7: {  	_ =	swait.ge [sflag:s5], $0x2800  }
0xf8: {  	[sflag:s5] =	ssyncset.done $0x0  }
0xf9: {  	s26 =	rddreg [dreg:$0x14];
	[sflag:s5] =	ssyncadd.s32 $0xFFFFD800  }
0xfa: {  	[tilespmem:s9], [sflag:$0x2] =	stream.linear.gather [hbm4b:s26+s3], $0x5000, $0x38;
	[tilespmem:$0xEA00] =	vst v63  }
0xfb: {  	s0 =	rddreg [dreg:$0x15]  }
0xfc: {  	[tilespmem:s10], [sflag:$0x2] =	stream.linear.gather [hbm4b:s0+s3], $0x100, $0x38;
	[tilespmem:$0xEA00] =	vst v63  }
0xfd: {  	_ =	swait.ge [sflag:s11], $0x5000  }
0xfe: {  	[sflag:s11] =	ssyncset.done $0x0  }
0xff: {  	[sflag:s11] =	ssyncadd.s32 $0xFFFFB000  }
0x100: {  	_ =	swait.ge [sflag:s11], $0x100  }
0x101: {  	[sflag:s11] =	ssyncset.done $0x0  }
0x102: {  	[sflag:s11] =	ssyncadd.s32 $0xFFFFFF00  }
0x103: {  	[spmem:s1] =	stream.indirect.scatter.add.f32 [tilespmem:s3], [sflag:$0x3], $0x80, s8, s12, $0xb8;
	[tilespmem:$0xEA00] =	vst v63  }
0x104: {  	_ =	swait.ge [sflag:s5], $0x2800  }
0x105: {  	[sflag:s5] =	ssyncset.done $0x0  }
0x106: {  	[sflag:s5] =	ssyncadd.s32 $0xFFFFD800  }
0x107: {  	[spmem:s2] =	stream.indirect.scatter.add.f32 [tilespmem:s4], [sflag:$0x3], $0x80, s8, s12, $0xb8;
	[tilespmem:$0xEA00] =	vst v63  }
0x108: {  	_ =	swait.ge [sflag:s5], $0x2800  }
0x109: {  	[sflag:s5] =	ssyncset.done $0x0  }
0x10a: {  	[sflag:s5] =	ssyncadd.s32 $0xFFFFD800  }
0x10b: {  	[spmem:s1] =	stream.indirect.scatter.add.f32 [tilespmem:s14], [sflag:$0x3], $0x80, s13, s12, $0xb8;
	[tilespmem:$0xEA00] =	vst v63  }
0x10c: {  	_ =	swait.ge [sflag:s5], $0x2800  }
0x10d: {  	[sflag:s5] =	ssyncset.done $0x0  }
0x10e: {  	[sflag:s5] =	ssyncadd.s32 $0xFFFFD800  }
0x10f: {  	[spmem:s2] =	stream.indirect.scatter.add.f32 [tilespmem:s4], [sflag:$0x3], $0x80, s13, s12, $0xb8;
	[tilespmem:$0xEA00] =	vst v63  }
0x110: {  	_ =	swait.ge [sflag:s5], $0x2800  }
0x111: {  	[sflag:s5] =	ssyncset.done $0x0  }
0x112: {  	s20 =	rddreg [dreg:$0x16];
	[sflag:s5] =	ssyncadd.s32 $0xFFFFD800  }
0x113: {  	[tilespmem:s3], [sflag:$0x1] =	stream.linear.gather [hbm4b:s20+s3], $0x5000, $0x38;
	[tilespmem:$0xEA00] =	vst v63  }
0x114: {  	s21 =	rddreg [dreg:$0x17]  }
0x115: {  	[tilespmem:s8], [sflag:$0x1] =	stream.linear.gather [hbm4b:s21+s3], $0x100, $0x38;
	[tilespmem:$0xEA00] =	vst v63  }
0x116: {  	_ =	swait.ge [sflag:s15], $0x5000  }
0x117: {  	[sflag:s15] =	ssyncset.done $0x0  }
0x118: {  	[sflag:s15] =	ssyncadd.s32 $0xFFFFB000  }
0x119: {  	_ =	swait.ge [sflag:s15], $0x100  }
0x11a: {  	[sflag:s15] =	ssyncset.done $0x0  }
0x11b: {  	[sflag:s15] =	ssyncadd.s32 $0xFFFFFF00  }
0x11c: {  	[spmem:s1] =	stream.indirect.scatter.add.f32 [tilespmem:s9], [sflag:$0x3], $0x80, s10, s12, $0xb8;
	[tilespmem:$0xEA00] =	vst v63  }
0x11d: {  	_ =	swait.ge [sflag:s5], $0x2800  }
0x11e: {  	[sflag:s5] =	ssyncset.done $0x0  }
0x11f: {  	[sflag:s5] =	ssyncadd.s32 $0xFFFFD800  }
0x120: {  	[spmem:s2] =	stream.indirect.scatter.add.f32 [tilespmem:s4], [sflag:$0x3], $0x80, s10, s12, $0xb8;
	[tilespmem:$0xEA00] =	vst v63  }
0x121: {  	_ =	swait.ge [sflag:s5], $0x2800  }
0x122: {  	[sflag:s5] =	ssyncset.done $0x0  }
0x123: {  	[sflag:s5] =	ssyncadd.s32 $0xFFFFD800  }
0x124: {  	[spmem:s1] =	stream.indirect.scatter.add.f32 [tilespmem:s17], [sflag:$0x3], $0x80, s16, s12, $0xb8;
	[tilespmem:$0xEA00] =	vst v63  }
0x125: {  	_ =	swait.ge [sflag:s5], $0x2800  }
0x126: {  	[sflag:s5] =	ssyncset.done $0x0  }
0x127: {  	[sflag:s5] =	ssyncadd.s32 $0xFFFFD800  }
0x128: {  	[spmem:s2] =	stream.indirect.scatter.add.f32 [tilespmem:s4], [sflag:$0x3], $0x80, s16, s12, $0xb8;
	[tilespmem:$0xEA00] =	vst v63  }
0x129: {  	_ =	swait.ge [sflag:s5], $0x2800  }
0x12a: {  	[sflag:s5] =	ssyncset.done $0x0  }
0x12b: {  	s22 =	rddreg [dreg:$0x18];
	[sflag:s5] =	ssyncadd.s32 $0xFFFFD800  }
0x12c: {  	[tilespmem:s9], [sflag:$0x2] =	stream.linear.gather [hbm4b:s22+s3], $0x5000, $0x38;
	[tilespmem:$0xEA00] =	vst v63  }
0x12d: {  	s23 =	rddreg [dreg:$0x19]  }
0x12e: {  	[tilespmem:s10], [sflag:$0x2] =	stream.linear.gather [hbm4b:s23+s3], $0x100, $0x38;
	[tilespmem:$0xEA00] =	vst v63  }
0x12f: {  	_ =	swait.ge [sflag:s11], $0x5000  }
0x130: {  	[sflag:s11] =	ssyncset.done $0x0  }
0x131: {  	[sflag:s11] =	ssyncadd.s32 $0xFFFFB000  }
0x132: {  	_ =	swait.ge [sflag:s11], $0x100  }
0x133: {  	[sflag:s11] =	ssyncset.done $0x0  }
0x134: {  	[sflag:s11] =	ssyncadd.s32 $0xFFFFFF00  }
0x135: {  	[spmem:s1] =	stream.indirect.scatter.add.f32 [tilespmem:s3], [sflag:$0x3], $0x80, s8, s12, $0xb8;
	[tilespmem:$0xEA00] =	vst v63  }
0x136: {  	_ =	swait.ge [sflag:s5], $0x2800  }
0x137: {  	[sflag:s5] =	ssyncset.done $0x0  }
0x138: {  	[sflag:s5] =	ssyncadd.s32 $0xFFFFD800  }
0x139: {  	[spmem:s2] =	stream.indirect.scatter.add.f32 [tilespmem:s4], [sflag:$0x3], $0x80, s8, s12, $0xb8;
	[tilespmem:$0xEA00] =	vst v63  }
0x13a: {  	_ =	swait.ge [sflag:s5], $0x2800  }
0x13b: {  	[sflag:s5] =	ssyncset.done $0x0  }
0x13c: {  	[sflag:s5] =	ssyncadd.s32 $0xFFFFD800  }
0x13d: {  	[spmem:s1] =	stream.indirect.scatter.add.f32 [tilespmem:s14], [sflag:$0x3], $0x80, s13, s12, $0xb8;
	[tilespmem:$0xEA00] =	vst v63  }
0x13e: {  	_ =	swait.ge [sflag:s5], $0x2800  }
0x13f: {  	[sflag:s5] =	ssyncset.done $0x0  }
0x140: {  	[sflag:s5] =	ssyncadd.s32 $0xFFFFD800  }
0x141: {  	[spmem:s2] =	stream.indirect.scatter.add.f32 [tilespmem:s4], [sflag:$0x3], $0x80, s13, s12, $0xb8;
	[tilespmem:$0xEA00] =	vst v63  }
0x142: {  	_ =	swait.ge [sflag:s5], $0x2800  }
0x143: {  	[sflag:s5] =	ssyncset.done $0x0  }
0x144: {  	s24 =	rddreg [dreg:$0x1a];
	[sflag:s5] =	ssyncadd.s32 $0xFFFFD800  }
0x145: {  	[tilespmem:s3], [sflag:$0x1] =	stream.linear.gather [hbm4b:s24+s3], $0x5000, $0x38;
	[tilespmem:$0xEA00] =	vst v63  }
0x146: {  	s25 =	rddreg [dreg:$0x1b]  }
0x147: {  	[tilespmem:s8], [sflag:$0x1] =	stream.linear.gather [hbm4b:s25+s3], $0x100, $0x38;
	[tilespmem:$0xEA00] =	vst v63  }
0x148: {  	_ =	swait.ge [sflag:s15], $0x5000  }
0x149: {  	[sflag:s15] =	ssyncset.done $0x0  }
0x14a: {  	[sflag:s15] =	ssyncadd.s32 $0xFFFFB000  }
0x14b: {  	_ =	swait.ge [sflag:s15], $0x100  }
0x14c: {  	[sflag:s15] =	ssyncset.done $0x0  }
0x14d: {  	[sflag:s15] =	ssyncadd.s32 $0xFFFFFF00  }
0x14e: {  	[spmem:s1] =	stream.indirect.scatter.add.f32 [tilespmem:s9], [sflag:$0x3], $0x80, s10, s12, $0xb8;
	[tilespmem:$0xEA00] =	vst v63  }
0x14f: {  	_ =	swait.ge [sflag:s5], $0x2800  }
0x150: {  	[sflag:s5] =	ssyncset.done $0x0  }
0x151: {  	[sflag:s5] =	ssyncadd.s32 $0xFFFFD800  }
0x152: {  	[spmem:s2] =	stream.indirect.scatter.add.f32 [tilespmem:s4], [sflag:$0x3], $0x80, s10, s12, $0xb8;
	[tilespmem:$0xEA00] =	vst v63  }
0x153: {  	_ =	swait.ge [sflag:s5], $0x2800  }
0x154: {  	[sflag:s5] =	ssyncset.done $0x0  }
0x155: {  	[sflag:s5] =	ssyncadd.s32 $0xFFFFD800  }
0x156: {  	[spmem:s1] =	stream.indirect.scatter.add.f32 [tilespmem:s17], [sflag:$0x3], $0x80, s16, s12, $0xb8;
	[tilespmem:$0xEA00] =	vst v63  }
0x157: {  	_ =	swait.ge [sflag:s5], $0x2800  }
0x158: {  	[sflag:s5] =	ssyncset.done $0x0  }
0x159: {  	[sflag:s5] =	ssyncadd.s32 $0xFFFFD800  }
0x15a: {  	[spmem:s2] =	stream.indirect.scatter.add.f32 [tilespmem:s4], [sflag:$0x3], $0x80, s16, s12, $0xb8;
	[tilespmem:$0xEA00] =	vst v63  }
0x15b: {  	_ =	swait.ge [sflag:s5], $0x2800  }
0x15c: {  	[sflag:s5] =	ssyncset.done $0x0  }
0x15d: {  	s26 =	rddreg [dreg:$0x1c];
	[sflag:s5] =	ssyncadd.s32 $0xFFFFD800  }
0x15e: {  	[tilespmem:s9], [sflag:$0x2] =	stream.linear.gather [hbm4b:s26+s3], $0x5000, $0x38;
	[tilespmem:$0xEA00] =	vst v63  }
0x15f: {  	s0 =	rddreg [dreg:$0x1d]  }
0x160: {  	[tilespmem:s10], [sflag:$0x2] =	stream.linear.gather [hbm4b:s0+s3], $0x100, $0x38;
	[tilespmem:$0xEA00] =	vst v63  }
0x161: {  	_ =	swait.ge [sflag:s11], $0x5000  }
0x162: {  	[sflag:s11] =	ssyncset.done $0x0  }
0x163: {  	[sflag:s11] =	ssyncadd.s32 $0xFFFFB000  }
0x164: {  	_ =	swait.ge [sflag:s11], $0x100  }
0x165: {  	[sflag:s11] =	ssyncset.done $0x0  }
0x166: {  	[sflag:s11] =	ssyncadd.s32 $0xFFFFFF00  }
0x167: {  	[spmem:s1] =	stream.indirect.scatter.add.f32 [tilespmem:s3], [sflag:$0x3], $0x80, s8, s12, $0xb8;
	[tilespmem:$0xEA00] =	vst v63  }
0x168: {  	_ =	swait.ge [sflag:s5], $0x2800  }
0x169: {  	[sflag:s5] =	ssyncset.done $0x0  }
0x16a: {  	[sflag:s5] =	ssyncadd.s32 $0xFFFFD800  }
0x16b: {  	[spmem:s2] =	stream.indirect.scatter.add.f32 [tilespmem:s4], [sflag:$0x3], $0x80, s8, s12, $0xb8;
	[tilespmem:$0xEA00] =	vst v63  }
0x16c: {  	_ =	swait.ge [sflag:s5], $0x2800  }
0x16d: {  	[sflag:s5] =	ssyncset.done $0x0  }
0x16e: {  	[sflag:s5] =	ssyncadd.s32 $0xFFFFD800  }
0x16f: {  	[spmem:s1] =	stream.indirect.scatter.add.f32 [tilespmem:s14], [sflag:$0x3], $0x80, s13, s12, $0xb8;
	[tilespmem:$0xEA00] =	vst v63  }
0x170: {  	_ =	swait.ge [sflag:s5], $0x2800  }
0x171: {  	[sflag:s5] =	ssyncset.done $0x0  }
0x172: {  	[sflag:s5] =	ssyncadd.s32 $0xFFFFD800  }
0x173: {  	[spmem:s2] =	stream.indirect.scatter.add.f32 [tilespmem:s4], [sflag:$0x3], $0x80, s13, s12, $0xb8;
	[tilespmem:$0xEA00] =	vst v63  }
0x174: {  	_ =	swait.ge [sflag:s5], $0x2800  }
0x175: {  	[sflag:s5] =	ssyncset.done $0x0  }
0x176: {  	s20 =	rddreg [dreg:$0x1e];
	[sflag:s5] =	ssyncadd.s32 $0xFFFFD800  }
0x177: {  	[tilespmem:s3], [sflag:$0x1] =	stream.linear.gather [hbm4b:s20+s3], $0x5000, $0x38;
	[tilespmem:$0xEA00] =	vst v63  }
0x178: {  	s21 =	rddreg [dreg:$0x1f]  }
0x179: {  	[tilespmem:s8], [sflag:$0x1] =	stream.linear.gather [hbm4b:s21+s3], $0x100, $0x38;
	[tilespmem:$0xEA00] =	vst v63  }
0x17a: {  	_ =	swait.ge [sflag:s15], $0x5000  }
0x17b: {  	[sflag:s15] =	ssyncset.done $0x0  }
0x17c: {  	[sflag:s15] =	ssyncadd.s32 $0xFFFFB000  }
0x17d: {  	_ =	swait.ge [sflag:s15], $0x100  }
0x17e: {  	[sflag:s15] =	ssyncset.done $0x0  }
0x17f: {  	[sflag:s15] =	ssyncadd.s32 $0xFFFFFF00  }
0x180: {  	[spmem:s1] =	stream.indirect.scatter.add.f32 [tilespmem:s9], [sflag:$0x3], $0x80, s10, s12, $0xb8;
	[tilespmem:$0xEA00] =	vst v63  }
0x181: {  	_ =	swait.ge [sflag:s5], $0x2800  }
0x182: {  	[sflag:s5] =	ssyncset.done $0x0  }
0x183: {  	[sflag:s5] =	ssyncadd.s32 $0xFFFFD800  }
0x184: {  	[spmem:s2] =	stream.indirect.scatter.add.f32 [tilespmem:s4], [sflag:$0x3], $0x80, s10, s12, $0xb8;
	[tilespmem:$0xEA00] =	vst v63  }
0x185: {  	_ =	swait.ge [sflag:s5], $0x2800  }
0x186: {  	[sflag:s5] =	ssyncset.done $0x0  }
0x187: {  	[sflag:s5] =	ssyncadd.s32 $0xFFFFD800  }
0x188: {  	[spmem:s1] =	stream.indirect.scatter.add.f32 [tilespmem:s17], [sflag:$0x3], $0x80, s16, s12, $0xb8;
	[tilespmem:$0xEA00] =	vst v63  }
0x189: {  	_ =	swait.ge [sflag:s5], $0x2800  }
0x18a: {  	[sflag:s5] =	ssyncset.done $0x0  }
0x18b: {  	[sflag:s5] =	ssyncadd.s32 $0xFFFFD800  }
0x18c: {  	[spmem:s2] =	stream.indirect.scatter.add.f32 [tilespmem:s4], [sflag:$0x3], $0x80, s16, s12, $0xb8;
	[tilespmem:$0xEA00] =	vst v63  }
0x18d: {  	_ =	swait.ge [sflag:s5], $0x2800  }
0x18e: {  	s22 =	sld [smem:$0x7EE]  }
0x18f: {  	[sflag:s5] =	ssyncset.done $0x0  }
0x190: {  	s23 =	sld [smem:$0x7EF];
	[sflag:s5] =	ssyncadd.s32 $0xFFFFD800  }
0x191: {  	[tilespmem:s9], [sflag:$0x2] =	stream.linear.gather [hbm4b:s22+s3], $0x5000, $0x38;
	[tilespmem:$0xEA00] =	vst v63  }
0x192: {  	_ = 	snop  }
0x193: {  	[tilespmem:s10], [sflag:$0x2] =	stream.linear.gather [hbm4b:s23+s3], $0x100, $0x38;
	[tilespmem:$0xEA00] =	vst v63  }
0x194: {  	_ =	swait.ge [sflag:s11], $0x5000  }
0x195: {  	[sflag:s11] =	ssyncset.done $0x0  }
0x196: {  	[sflag:s11] =	ssyncadd.s32 $0xFFFFB000  }
0x197: {  	_ =	swait.ge [sflag:s11], $0x100  }
0x198: {  	[sflag:s11] =	ssyncset.done $0x0  }
0x199: {  	[sflag:s11] =	ssyncadd.s32 $0xFFFFFF00  }
0x19a: {  	[spmem:s1] =	stream.indirect.scatter.add.f32 [tilespmem:s3], [sflag:$0x3], $0x80, s8, s12, $0xb8;
	[tilespmem:$0xEA00] =	vst v63  }
0x19b: {  	_ =	swait.ge [sflag:s5], $0x2800  }
0x19c: {  	[sflag:s5] =	ssyncset.done $0x0  }
0x19d: {  	[sflag:s5] =	ssyncadd.s32 $0xFFFFD800  }
0x19e: {  	[spmem:s2] =	stream.indirect.scatter.add.f32 [tilespmem:s4], [sflag:$0x3], $0x80, s8, s12, $0xb8;
	[tilespmem:$0xEA00] =	vst v63  }
0x19f: {  	_ =	swait.ge [sflag:s5], $0x2800  }
0x1a0: {  	[sflag:s5] =	ssyncset.done $0x0  }
0x1a1: {  	[sflag:s5] =	ssyncadd.s32 $0xFFFFD800  }
0x1a2: {  	[spmem:s1] =	stream.indirect.scatter.add.f32 [tilespmem:s14], [sflag:$0x3], $0x80, s13, s12, $0xb8;
	[tilespmem:$0xEA00] =	vst v63  }
0x1a3: {  	_ =	swait.ge [sflag:s5], $0x2800  }
0x1a4: {  	[sflag:s5] =	ssyncset.done $0x0  }
0x1a5: {  	[sflag:s5] =	ssyncadd.s32 $0xFFFFD800  }
0x1a6: {  	[spmem:s2] =	stream.indirect.scatter.add.f32 [tilespmem:s4], [sflag:$0x3], $0x80, s13, s12, $0xb8;
	[tilespmem:$0xEA00] =	vst v63  }
0x1a7: {  	_ =	swait.ge [sflag:s5], $0x2800  }
0x1a8: {  	s24 =	sld [smem:$0x7F0]  }
0x1a9: {  	[sflag:s5] =	ssyncset.done $0x0  }
0x1aa: {  	s25 =	sld [smem:$0x7F1];
	[sflag:s5] =	ssyncadd.s32 $0xFFFFD800  }
0x1ab: {  	[tilespmem:s3], [sflag:$0x1] =	stream.linear.gather [hbm4b:s24+s3], $0x5000, $0x38;
	[tilespmem:$0xEA00] =	vst v63  }
0x1ac: {  	_ = 	snop  }
0x1ad: {  	[tilespmem:s8], [sflag:$0x1] =	stream.linear.gather [hbm4b:s25+s3], $0x100, $0x38;
	[tilespmem:$0xEA00] =	vst v63  }
0x1ae: {  	_ =	swait.ge [sflag:s15], $0x5000  }
0x1af: {  	[sflag:s15] =	ssyncset.done $0x0  }
0x1b0: {  	[sflag:s15] =	ssyncadd.s32 $0xFFFFB000  }
0x1b1: {  	_ =	swait.ge [sflag:s15], $0x100  }
0x1b2: {  	[sflag:s15] =	ssyncset.done $0x0  }
0x1b3: {  	[sflag:s15] =	ssyncadd.s32 $0xFFFFFF00  }
0x1b4: {  	[spmem:s1] =	stream.indirect.scatter.add.f32 [tilespmem:s9], [sflag:$0x3], $0x80, s10, s12, $0xb8;
	[tilespmem:$0xEA00] =	vst v63  }
0x1b5: {  	_ =	swait.ge [sflag:s5], $0x2800  }
0x1b6: {  	[sflag:s5] =	ssyncset.done $0x0  }
0x1b7: {  	[sflag:s5] =	ssyncadd.s32 $0xFFFFD800  }
0x1b8: {  	[spmem:s2] =	stream.indirect.scatter.add.f32 [tilespmem:s4], [sflag:$0x3], $0x80, s10, s12, $0xb8;
	[tilespmem:$0xEA00] =	vst v63  }
0x1b9: {  	_ =	swait.ge [sflag:s5], $0x2800  }
0x1ba: {  	[sflag:s5] =	ssyncset.done $0x0  }
0x1bb: {  	[sflag:s5] =	ssyncadd.s32 $0xFFFFD800  }
0x1bc: {  	[spmem:s1] =	stream.indirect.scatter.add.f32 [tilespmem:s17], [sflag:$0x3], $0x80, s16, s12, $0xb8;
	[tilespmem:$0xEA00] =	vst v63  }
0x1bd: {  	_ =	swait.ge [sflag:s5], $0x2800  }
0x1be: {  	[sflag:s5] =	ssyncset.done $0x0  }
0x1bf: {  	[sflag:s5] =	ssyncadd.s32 $0xFFFFD800  }
0x1c0: {  	[spmem:s2] =	stream.indirect.scatter.add.f32 [tilespmem:s4], [sflag:$0x3], $0x80, s16, s12, $0xb8;
	[tilespmem:$0xEA00] =	vst v63  }
0x1c1: {  	_ =	swait.ge [sflag:s5], $0x2800  }
0x1c2: {  	s26 =	sld [smem:$0x7F2]  }
0x1c3: {  	[sflag:s5] =	ssyncset.done $0x0  }
0x1c4: {  	s0 =	sld [smem:$0x7F3];
	[sflag:s5] =	ssyncadd.s32 $0xFFFFD800  }
0x1c5: {  	[tilespmem:s9], [sflag:$0x2] =	stream.linear.gather [hbm4b:s26+s3], $0x5000, $0x38;
	[tilespmem:$0xEA00] =	vst v63  }
0x1c6: {  	_ = 	snop  }
0x1c7: {  	[tilespmem:s10], [sflag:$0x2] =	stream.linear.gather [hbm4b:s0+s3], $0x100, $0x38;
	[tilespmem:$0xEA00] =	vst v63  }
0x1c8: {  	_ =	swait.ge [sflag:s11], $0x5000  }
0x1c9: {  	[sflag:s11] =	ssyncset.done $0x0  }
0x1ca: {  	[sflag:s11] =	ssyncadd.s32 $0xFFFFB000  }
0x1cb: {  	_ =	swait.ge [sflag:s11], $0x100  }
0x1cc: {  	[sflag:s11] =	ssyncset.done $0x0  }
0x1cd: {  	[sflag:s11] =	ssyncadd.s32 $0xFFFFFF00  }
0x1ce: {  	[spmem:s1] =	stream.indirect.scatter.add.f32 [tilespmem:s3], [sflag:$0x3], $0x80, s8, s12, $0xb8;
	[tilespmem:$0xEA00] =	vst v63  }
0x1cf: {  	_ =	swait.ge [sflag:s5], $0x2800  }
0x1d0: {  	[sflag:s5] =	ssyncset.done $0x0  }
0x1d1: {  	[sflag:s5] =	ssyncadd.s32 $0xFFFFD800  }
0x1d2: {  	[spmem:s2] =	stream.indirect.scatter.add.f32 [tilespmem:s4], [sflag:$0x3], $0x80, s8, s12, $0xb8;
	[tilespmem:$0xEA00] =	vst v63  }
0x1d3: {  	_ =	swait.ge [sflag:s5], $0x2800  }
0x1d4: {  	[sflag:s5] =	ssyncset.done $0x0  }
0x1d5: {  	[sflag:s5] =	ssyncadd.s32 $0xFFFFD800  }
0x1d6: {  	[spmem:s1] =	stream.indirect.scatter.add.f32 [tilespmem:s14], [sflag:$0x3], $0x80, s13, s12, $0xb8;
	[tilespmem:$0xEA00] =	vst v63  }
0x1d7: {  	_ =	swait.ge [sflag:s5], $0x2800  }
0x1d8: {  	[sflag:s5] =	ssyncset.done $0x0  }
0x1d9: {  	[sflag:s5] =	ssyncadd.s32 $0xFFFFD800  }
0x1da: {  	[spmem:s2] =	stream.indirect.scatter.add.f32 [tilespmem:s4], [sflag:$0x3], $0x80, s13, s12, $0xb8;
	[tilespmem:$0xEA00] =	vst v63  }
0x1db: {  	_ =	swait.ge [sflag:s5], $0x2800  }
0x1dc: {  	s20 =	sld [smem:$0x7F4]  }
0x1dd: {  	[sflag:s5] =	ssyncset.done $0x0  }
0x1de: {  	s21 =	sld [smem:$0x7F5];
	[sflag:s5] =	ssyncadd.s32 $0xFFFFD800  }
0x1df: {  	[tilespmem:s3], [sflag:$0x1] =	stream.linear.gather [hbm4b:s20+s3], $0x5000, $0x38;
	[tilespmem:$0xEA00] =	vst v63  }
0x1e0: {  	_ = 	snop  }
0x1e1: {  	[tilespmem:s8], [sflag:$0x1] =	stream.linear.gather [hbm4b:s21+s3], $0x100, $0x38;
	[tilespmem:$0xEA00] =	vst v63  }
0x1e2: {  	_ =	swait.ge [sflag:s15], $0x5000  }
0x1e3: {  	[sflag:s15] =	ssyncset.done $0x0  }
0x1e4: {  	[sflag:s15] =	ssyncadd.s32 $0xFFFFB000  }
0x1e5: {  	_ =	swait.ge [sflag:s15], $0x100  }
0x1e6: {  	[sflag:s15] =	ssyncset.done $0x0  }
0x1e7: {  	[sflag:s15] =	ssyncadd.s32 $0xFFFFFF00  }
0x1e8: {  	[spmem:s1] =	stream.indirect.scatter.add.f32 [tilespmem:s9], [sflag:$0x3], $0x80, s10, s12, $0xb8;
	[tilespmem:$0xEA00] =	vst v63  }
0x1e9: {  	_ =	swait.ge [sflag:s5], $0x2800  }
0x1ea: {  	[sflag:s5] =	ssyncset.done $0x0  }
0x1eb: {  	[sflag:s5] =	ssyncadd.s32 $0xFFFFD800  }
0x1ec: {  	[spmem:s2] =	stream.indirect.scatter.add.f32 [tilespmem:s4], [sflag:$0x3], $0x80, s10, s12, $0xb8;
	[tilespmem:$0xEA00] =	vst v63  }
0x1ed: {  	_ =	swait.ge [sflag:s5], $0x2800  }
0x1ee: {  	[sflag:s5] =	ssyncset.done $0x0  }
0x1ef: {  	[sflag:s5] =	ssyncadd.s32 $0xFFFFD800  }
0x1f0: {  	[spmem:s1] =	stream.indirect.scatter.add.f32 [tilespmem:s17], [sflag:$0x3], $0x80, s16, s12, $0xb8;
	[tilespmem:$0xEA00] =	vst v63  }
0x1f1: {  	_ =	swait.ge [sflag:s5], $0x2800  }
0x1f2: {  	[sflag:s5] =	ssyncset.done $0x0  }
0x1f3: {  	[sflag:s5] =	ssyncadd.s32 $0xFFFFD800  }
0x1f4: {  	[spmem:s2] =	stream.indirect.scatter.add.f32 [tilespmem:s4], [sflag:$0x3], $0x80, s16, s12, $0xb8;
	[tilespmem:$0xEA00] =	vst v63  }
0x1f5: {  	_ =	swait.ge [sflag:s5], $0x2800  }
0x1f6: {  	s22 =	sld [smem:$0x7F6]  }
0x1f7: {  	[sflag:s5] =	ssyncset.done $0x0  }
0x1f8: {  	s23 =	sld [smem:$0x7F7];
	[sflag:s5] =	ssyncadd.s32 $0xFFFFD800  }
0x1f9: {  	[tilespmem:s9], [sflag:$0x2] =	stream.linear.gather [hbm4b:s22+s3], $0x5000, $0x38;
	[tilespmem:$0xEA00] =	vst v63  }
0x1fa: {  	_ = 	snop  }
0x1fb: {  	[tilespmem:s10], [sflag:$0x2] =	stream.linear.gather [hbm4b:s23+s3], $0x100, $0x38;
	[tilespmem:$0xEA00] =	vst v63  }
0x1fc: {  	_ =	swait.ge [sflag:s11], $0x5000  }
0x1fd: {  	[sflag:s11] =	ssyncset.done $0x0  }
0x1fe: {  	[sflag:s11] =	ssyncadd.s32 $0xFFFFB000  }
0x1ff: {  	_ =	swait.ge [sflag:s11], $0x100  }
0x200: {  	[sflag:s11] =	ssyncset.done $0x0  }
0x201: {  	[sflag:s11] =	ssyncadd.s32 $0xFFFFFF00  }
0x202: {  	[spmem:s1] =	stream.indirect.scatter.add.f32 [tilespmem:s3], [sflag:$0x3], $0x80, s8, s12, $0xb8;
	[tilespmem:$0xEA00] =	vst v63  }
0x203: {  	_ =	swait.ge [sflag:s5], $0x2800  }
0x204: {  	[sflag:s5] =	ssyncset.done $0x0  }
0x205: {  	[sflag:s5] =	ssyncadd.s32 $0xFFFFD800  }
0x206: {  	[spmem:s2] =	stream.indirect.scatter.add.f32 [tilespmem:s4], [sflag:$0x3], $0x80, s8, s12, $0xb8;
	[tilespmem:$0xEA00] =	vst v63  }
0x207: {  	_ =	swait.ge [sflag:s5], $0x2800  }
0x208: {  	[sflag:s5] =	ssyncset.done $0x0  }
0x209: {  	[sflag:s5] =	ssyncadd.s32 $0xFFFFD800  }
0x20a: {  	[spmem:s1] =	stream.indirect.scatter.add.f32 [tilespmem:s14], [sflag:$0x3], $0x80, s13, s12, $0xb8;
	[tilespmem:$0xEA00] =	vst v63  }
0x20b: {  	_ =	swait.ge [sflag:s5], $0x2800  }
0x20c: {  	[sflag:s5] =	ssyncset.done $0x0  }
0x20d: {  	[sflag:s5] =	ssyncadd.s32 $0xFFFFD800  }
0x20e: {  	[spmem:s2] =	stream.indirect.scatter.add.f32 [tilespmem:s4], [sflag:$0x3], $0x80, s13, s12, $0xb8;
	[tilespmem:$0xEA00] =	vst v63  }
0x20f: {  	_ =	swait.ge [sflag:s5], $0x2800  }
0x210: {  	s24 =	sld [smem:$0x7F8]  }
0x211: {  	[sflag:s5] =	ssyncset.done $0x0  }
0x212: {  	s25 =	sld [smem:$0x7F9];
	[sflag:s5] =	ssyncadd.s32 $0xFFFFD800  }
0x213: {  	[tilespmem:s3], [sflag:$0x1] =	stream.linear.gather [hbm4b:s24+s3], $0x5000, $0x38;
	[tilespmem:$0xEA00] =	vst v63  }
0x214: {  	_ = 	snop  }
0x215: {  	[tilespmem:s8], [sflag:$0x1] =	stream.linear.gather [hbm4b:s25+s3], $0x100, $0x38;
	[tilespmem:$0xEA00] =	vst v63  }
0x216: {  	_ =	swait.ge [sflag:s15], $0x5000  }
0x217: {  	[sflag:s15] =	ssyncset.done $0x0  }
0x218: {  	[sflag:s15] =	ssyncadd.s32 $0xFFFFB000  }
0x219: {  	_ =	swait.ge [sflag:s15], $0x100  }
0x21a: {  	[sflag:s15] =	ssyncset.done $0x0  }
0x21b: {  	[sflag:s15] =	ssyncadd.s32 $0xFFFFFF00  }
0x21c: {  	[spmem:s1] =	stream.indirect.scatter.add.f32 [tilespmem:s9], [sflag:$0x3], $0x80, s10, s12, $0xb8;
	[tilespmem:$0xEA00] =	vst v63  }
0x21d: {  	_ =	swait.ge [sflag:s5], $0x2800  }
0x21e: {  	[sflag:s5] =	ssyncset.done $0x0  }
0x21f: {  	[sflag:s5] =	ssyncadd.s32 $0xFFFFD800  }
0x220: {  	[spmem:s2] =	stream.indirect.scatter.add.f32 [tilespmem:s4], [sflag:$0x3], $0x80, s10, s12, $0xb8;
	[tilespmem:$0xEA00] =	vst v63  }
0x221: {  	_ =	swait.ge [sflag:s5], $0x2800  }
0x222: {  	[sflag:s5] =	ssyncset.done $0x0  }
0x223: {  	[sflag:s5] =	ssyncadd.s32 $0xFFFFD800  }
0x224: {  	[spmem:s1] =	stream.indirect.scatter.add.f32 [tilespmem:s17], [sflag:$0x3], $0x80, s16, s12, $0xb8;
	[tilespmem:$0xEA00] =	vst v63  }
0x225: {  	_ =	swait.ge [sflag:s5], $0x2800  }
0x226: {  	[sflag:s5] =	ssyncset.done $0x0  }
0x227: {  	[sflag:s5] =	ssyncadd.s32 $0xFFFFD800  }
0x228: {  	[spmem:s2] =	stream.indirect.scatter.add.f32 [tilespmem:s4], [sflag:$0x3], $0x80, s16, s12, $0xb8;
	[tilespmem:$0xEA00] =	vst v63  }
0x229: {  	_ =	swait.ge [sflag:s5], $0x2800  }
0x22a: {  	p0 =	sgt.u32 s18, $0x10;
	s20 =	sld [smem:$0x7FA]  }
0x22b: {  	s18 =	simm.s32 @!p0 $0x0;
	[sflag:s5] =	ssyncset.done $0x0  }
0x22c: {  	s19 =	simm.s32 @!p0 $0x5000;
	s21 =	sld [smem:$0x7FB];
	[sflag:s5] =	ssyncadd.s32 $0xFFFFD800  }
0x22d: {  	[tilespmem:s19], [sflag:$0x2] =	stream.linear.gather @!p0 [hbm4b:s20+s18], $0x5000, $0x38;
	[tilespmem:$0xEA00] =	vst v63  }
0x22e: {  	s20 =	simm.s32 @!p0 $0xA100  }
0x22f: {  	[tilespmem:s20], [sflag:$0x2] =	stream.linear.gather @!p0 [hbm4b:s21+s18], $0x100, $0x38;
	[tilespmem:$0xEA00] =	vst v63  }
0x230: {  	_ =	swait.ge [sflag:s11], $0x5000  }
0x231: {  	[sflag:s11] =	ssyncset.done $0x0  }
0x232: {  	[sflag:s11] =	ssyncadd.s32 $0xFFFFB000  }
0x233: {  	_ =	swait.ge [sflag:s11], $0x100  }
0x234: {  	[sflag:s11] =	ssyncset.done $0x0  }
0x235: {  	[sflag:s11] =	ssyncadd.s32 $0xFFFFFF00  }
0x236: {  	[spmem:s1] =	stream.indirect.scatter.add.f32 [tilespmem:s3], [sflag:$0x3], $0x80, s8, s12, $0xb8;
	[tilespmem:$0xEA00] =	vst v63  }
0x237: {  	_ =	swait.ge [sflag:s5], $0x2800  }
0x238: {  	[sflag:s5] =	ssyncset.done $0x0  }
0x239: {  	[sflag:s5] =	ssyncadd.s32 $0xFFFFD800  }
0x23a: {  	[spmem:s2] =	stream.indirect.scatter.add.f32 [tilespmem:s4], [sflag:$0x3], $0x80, s8, s12, $0xb8;
	[tilespmem:$0xEA00] =	vst v63  }
0x23b: {  	_ =	swait.ge [sflag:s5], $0x2800  }
0x23c: {  	[sflag:s5] =	ssyncset.done $0x0  }
0x23d: {  	[sflag:s5] =	ssyncadd.s32 $0xFFFFD800  }
0x23e: {  	[spmem:s1] =	stream.indirect.scatter.add.f32 [tilespmem:s14], [sflag:$0x3], $0x80, s13, s12, $0xb8;
	[tilespmem:$0xEA00] =	vst v63  }
0x23f: {  	_ =	swait.ge [sflag:s5], $0x2800  }
0x240: {  	[sflag:s5] =	ssyncset.done $0x0  }
0x241: {  	[sflag:s5] =	ssyncadd.s32 $0xFFFFD800  }
0x242: {  	[spmem:s2] =	stream.indirect.scatter.add.f32 [tilespmem:s4], [sflag:$0x3], $0x80, s13, s12, $0xb8;
	[tilespmem:$0xEA00] =	vst v63  }
0x243: {  	_ =	swait.ge [sflag:s5], $0x2800  }
0x244: {  	[sflag:s5] =	ssyncset.done $0x0  }
0x245: {  	s21 =	simm.s32 @!p0 $0x2;
	[sflag:s5] =	ssyncadd.s32 $0xFFFFD800  }
0x246: {  	_ =	swait.ge @!p0 [sflag:s21], $0x5000  }
0x247: {  	[sflag:s21] =	ssyncset.done @!p0 $0x0  }
0x248: {  	[sflag:s21] =	ssyncadd.s32 @!p0 $0xFFFFB000  }
0x249: {  	_ =	swait.ge @!p0 [sflag:s21], $0x100  }
0x24a: {  	[sflag:s21] =	ssyncset.done @!p0 $0x0  }
0x24b: {  	s22 =	simm.s32 @!p0 $0x50;
	s23 =	simm.s32 @!p0 $0x3;
	[sflag:s21] =	ssyncadd.s32 @!p0 $0xFFFFFF00  }
0x24c: {  	[spmem:s1] =	stream.indirect.scatter.add.f32 @!p0 [tilespmem:s19], [sflag:$0x3], $0x80, s20, s22, $0xb8;
	[tilespmem:$0xEA00] =	vst v63  }
0x24d: {  	_ =	swait.ge @!p0 [sflag:s23], $0x2800  }
0x24e: {  	[sflag:s23] =	ssyncset.done @!p0 $0x0  }
0x24f: {  	s24 =	simm.s32 @!p0 $0xA200;
	[sflag:s23] =	ssyncadd.s32 @!p0 $0xFFFFD800  }
0x250: {  	[spmem:s2] =	stream.indirect.scatter.add.f32 @!p0 [tilespmem:s24], [sflag:$0x3], $0x80, s20, s22, $0xb8;
	[tilespmem:$0xEA00] =	vst v63  }
0x251: {  	_ =	swait.ge @!p0 [sflag:s23], $0x2800  }
0x252: {  	[sflag:s23] =	ssyncset.done @!p0 $0x0  }
0x253: {  	s0 =	simm.s32 @!p0 $0x7800;
	s25 =	simm.s32 @!p0 $0xA180;
	[sflag:s23] =	ssyncadd.s32 @!p0 $0xFFFFD800  }
0x254: {  	[spmem:s1] =	stream.indirect.scatter.add.f32 @!p0 [tilespmem:s0], [sflag:$0x3], $0x80, s25, s22, $0xb8;
	[tilespmem:$0xEA00] =	vst v63  }
0x255: {  	_ =	swait.ge @!p0 [sflag:s23], $0x2800  }
0x256: {  	[sflag:s23] =	ssyncset.done @!p0 $0x0  }
0x257: {  	[sflag:s23] =	ssyncadd.s32 @!p0 $0xFFFFD800  }
0x258: {  	[spmem:s2] =	stream.indirect.scatter.add.f32 @!p0 [tilespmem:s24], [sflag:$0x3], $0x80, s25, s22, $0xb8;
	[tilespmem:$0xEA00] =	vst v63  }
0x259: {  	_ =	swait.ge @!p0 [sflag:s23], $0x2800  }
0x25a: {  	[sflag:s23] =	ssyncset.done @!p0 $0x0  }
0x25b: {  	[sflag:s23] =	ssyncadd.s32 @!p0 $0xFFFFD800  }
0x25c: {  	[bflag:$0x0] =	sbarrier.arrive $0xFFFF  }
0x25d: {  	s31 =	sld [smem:$0x7FC]  }
0x25e: {  	p1 =	sne.s32 s28, $0x0  }
0x25f: {  	s29 =	sshrl.u32 @!p1 s1, $0x3;
	s28 =	simm.s32 @!p1 $0x3  }
0x260: {  	[hbm:s31], [sflag:s7] =	dma.local @!p1 [spmem:s29], $0x2000  }
0x261: {  	s30 =	ssub.s32 $0x2, s30;
	_ =	swait.ge @!p1 [sflag:s28], $0x2000  }
0x262: {  	s26 =	sshrl.u32 s30, $0x1;
	s31 =	sld [smem:$0x7FD]  }
0x263: {  	s0 =	ssub.s32 s30, s26;
	[sflag:s28] =	ssyncset.done @!p1 $0x0  }
0x264: {  	s30 =	sshrl.u32 @!p1 s2, $0x3;
	s0 =	smax.u32 s0, $0x1;
	[sflag:s28] =	ssyncadd.s32 @!p1 $0xFFFFE000  }
0x265: {  	[hbm:s31], [sflag:s7] =	dma.local @!p1 [spmem:s30], $0x2000  }
0x266: {  	s31 =	sadd.s32 $0xFFFFFFFF, s0  }
0x267: {  	p2 =	sne.s32 s31, $0x0  }
.Ltmp0:
0x268: {  	_ = 	snop;
	(pc) =	sbr.rel @!p2 .LBB2_2-.Ltmp0, $2  }
0x269: {  	_ =	sdelay $0x2  }
0x26a: {  	_ =	swait.ge @!p1 [sflag:s28], $0x2000  }
.LBB2_1:
0x26b: {  	[sflag:s28] =	ssyncset.done @!p1 $0x0  }
0x26c: {  	s0 =	rddreg [dreg:$0x5];
	[sflag:s28] =	ssyncadd.s32 @!p1 $0xFFFFE000  }
0x26d: {  	[tilespmem:s4], [sflag:$0x3] =	stream.linear.gather [hbm4b:s0+s3], $0x2800, $0x38;
	[tilespmem:$0xEA00] =	vst v63  }
0x26e: {  	_ =	swait.ge [sflag:s5], $0x2800  }
0x26f: {  	s26 =	sld [smem:$0x7EC]  }
0x270: {  	[sflag:s5] =	ssyncset.done $0x0  }
0x271: {  	[sflag:s5] =	ssyncadd.s32 $0xFFFFD800  }
0x272: {  	[spmem:s26], [sflag:s7] =	dma.local [hbm:s6], $0x200  }
0x273: {  	_ =	swait.ge [sflag:s5], $0x200  }
0x274: {  	s26 =	sld [smem:$0x7ED]  }
0x275: {  	[sflag:s5] =	ssyncset.done $0x0  }
0x276: {  	[sflag:s5] =	ssyncadd.s32 $0xFFFFFE00  }
0x277: {  	[spmem:s26], [sflag:s7] =	dma.local [hbm:s6], $0x200  }
0x278: {  	_ =	swait.ge [sflag:s5], $0x200  }
0x279: {  	[sflag:s5] =	ssyncset.done $0x0  }
0x27a: {  	[sflag:s5] =	ssyncadd.s32 $0xFFFFFE00  }
0x27b: {  	[bflag:$0x0] =	sbarrier.arrive $0xFFFF  }
0x27c: {  	s0 =	rddreg [dreg:$0x6]  }
0x27d: {  	[tilespmem:s3], [sflag:$0x1] =	stream.linear.gather [hbm4b:s0+s3], $0x5000, $0x38;
	[tilespmem:$0xEA00] =	vst v63  }
0x27e: {  	s26 =	rddreg [dreg:$0x7]  }
0x27f: {  	[tilespmem:s8], [sflag:$0x1] =	stream.linear.gather [hbm4b:s26+s3], $0x100, $0x38;
	[tilespmem:$0xEA00] =	vst v63  }
0x280: {  	s0 =	rddreg [dreg:$0x8]  }
0x281: {  	[tilespmem:s9], [sflag:$0x2] =	stream.linear.gather [hbm4b:s0+s3], $0x5000, $0x38;
	[tilespmem:$0xEA00] =	vst v63  }
0x282: {  	s26 =	rddreg [dreg:$0x9]  }
0x283: {  	[tilespmem:s10], [sflag:$0x2] =	stream.linear.gather [hbm4b:s26+s3], $0x100, $0x38;
	[tilespmem:$0xEA00] =	vst v63  }
0x284: {  	_ =	swait.ge [sflag:s11], $0x5000  }
0x285: {  	[sflag:s11] =	ssyncset.done $0x0  }
0x286: {  	[sflag:s11] =	ssyncadd.s32 $0xFFFFB000  }
0x287: {  	_ =	swait.ge [sflag:s11], $0x100  }
0x288: {  	[sflag:s11] =	ssyncset.done $0x0  }
0x289: {  	[sflag:s11] =	ssyncadd.s32 $0xFFFFFF00  }
0x28a: {  	[spmem:s1] =	stream.indirect.scatter.add.f32 [tilespmem:s3], [sflag:$0x3], $0x80, s8, s12, $0xb8;
	[tilespmem:$0xEA00] =	vst v63  }
0x28b: {  	_ =	swait.ge [sflag:s5], $0x2800  }
0x28c: {  	[sflag:s5] =	ssyncset.done $0x0  }
0x28d: {  	[sflag:s5] =	ssyncadd.s32 $0xFFFFD800  }
0x28e: {  	[spmem:s2] =	stream.indirect.scatter.add.f32 [tilespmem:s4], [sflag:$0x3], $0x80, s8, s12, $0xb8;
	[tilespmem:$0xEA00] =	vst v63  }
0x28f: {  	_ =	swait.ge [sflag:s5], $0x2800  }
0x290: {  	[sflag:s5] =	ssyncset.done $0x0  }
0x291: {  	[sflag:s5] =	ssyncadd.s32 $0xFFFFD800  }
0x292: {  	[spmem:s1] =	stream.indirect.scatter.add.f32 [tilespmem:s14], [sflag:$0x3], $0x80, s13, s12, $0xb8;
	[tilespmem:$0xEA00] =	vst v63  }
0x293: {  	_ =	swait.ge [sflag:s5], $0x2800  }
0x294: {  	[sflag:s5] =	ssyncset.done $0x0  }
0x295: {  	[sflag:s5] =	ssyncadd.s32 $0xFFFFD800  }
0x296: {  	[spmem:s2] =	stream.indirect.scatter.add.f32 [tilespmem:s4], [sflag:$0x3], $0x80, s13, s12, $0xb8;
	[tilespmem:$0xEA00] =	vst v63  }
0x297: {  	_ =	swait.ge [sflag:s5], $0x2800  }
0x298: {  	[sflag:s5] =	ssyncset.done $0x0  }
0x299: {  	s0 =	rddreg [dreg:$0xa];
	[sflag:s5] =	ssyncadd.s32 $0xFFFFD800  }
0x29a: {  	[tilespmem:s3], [sflag:$0x1] =	stream.linear.gather [hbm4b:s0+s3], $0x5000, $0x38;
	[tilespmem:$0xEA00] =	vst v63  }
0x29b: {  	s26 =	rddreg [dreg:$0xb]  }
0x29c: {  	[tilespmem:s8], [sflag:$0x1] =	stream.linear.gather [hbm4b:s26+s3], $0x100, $0x38;
	[tilespmem:$0xEA00] =	vst v63  }
0x29d: {  	_ =	swait.ge [sflag:s15], $0x5000  }
0x29e: {  	[sflag:s15] =	ssyncset.done $0x0  }
0x29f: {  	[sflag:s15] =	ssyncadd.s32 $0xFFFFB000  }
0x2a0: {  	_ =	swait.ge [sflag:s15], $0x100  }
0x2a1: {  	[sflag:s15] =	ssyncset.done $0x0  }
0x2a2: {  	[sflag:s15] =	ssyncadd.s32 $0xFFFFFF00  }
0x2a3: {  	[spmem:s1] =	stream.indirect.scatter.add.f32 [tilespmem:s9], [sflag:$0x3], $0x80, s10, s12, $0xb8;
	[tilespmem:$0xEA00] =	vst v63  }
0x2a4: {  	_ =	swait.ge [sflag:s5], $0x2800  }
0x2a5: {  	[sflag:s5] =	ssyncset.done $0x0  }
0x2a6: {  	[sflag:s5] =	ssyncadd.s32 $0xFFFFD800  }
0x2a7: {  	[spmem:s2] =	stream.indirect.scatter.add.f32 [tilespmem:s4], [sflag:$0x3], $0x80, s10, s12, $0xb8;
	[tilespmem:$0xEA00] =	vst v63  }
0x2a8: {  	_ =	swait.ge [sflag:s5], $0x2800  }
0x2a9: {  	[sflag:s5] =	ssyncset.done $0x0  }
0x2aa: {  	[sflag:s5] =	ssyncadd.s32 $0xFFFFD800  }
0x2ab: {  	[spmem:s1] =	stream.indirect.scatter.add.f32 [tilespmem:s17], [sflag:$0x3], $0x80, s16, s12, $0xb8;
	[tilespmem:$0xEA00] =	vst v63  }
0x2ac: {  	_ =	swait.ge [sflag:s5], $0x2800  }
0x2ad: {  	[sflag:s5] =	ssyncset.done $0x0  }
0x2ae: {  	[sflag:s5] =	ssyncadd.s32 $0xFFFFD800  }
0x2af: {  	[spmem:s2] =	stream.indirect.scatter.add.f32 [tilespmem:s4], [sflag:$0x3], $0x80, s16, s12, $0xb8;
	[tilespmem:$0xEA00] =	vst v63  }
0x2b0: {  	_ =	swait.ge [sflag:s5], $0x2800  }
0x2b1: {  	[sflag:s5] =	ssyncset.done $0x0  }
0x2b2: {  	s0 =	rddreg [dreg:$0xc];
	[sflag:s5] =	ssyncadd.s32 $0xFFFFD800  }
0x2b3: {  	[tilespmem:s9], [sflag:$0x2] =	stream.linear.gather [hbm4b:s0+s3], $0x5000, $0x38;
	[tilespmem:$0xEA00] =	vst v63  }
0x2b4: {  	s26 =	rddreg [dreg:$0xd]  }
0x2b5: {  	[tilespmem:s10], [sflag:$0x2] =	stream.linear.gather [hbm4b:s26+s3], $0x100, $0x38;
	[tilespmem:$0xEA00] =	vst v63  }
0x2b6: {  	_ =	swait.ge [sflag:s11], $0x5000  }
0x2b7: {  	[sflag:s11] =	ssyncset.done $0x0  }
0x2b8: {  	[sflag:s11] =	ssyncadd.s32 $0xFFFFB000  }
0x2b9: {  	_ =	swait.ge [sflag:s11], $0x100  }
0x2ba: {  	[sflag:s11] =	ssyncset.done $0x0  }
0x2bb: {  	[sflag:s11] =	ssyncadd.s32 $0xFFFFFF00  }
0x2bc: {  	[spmem:s1] =	stream.indirect.scatter.add.f32 [tilespmem:s3], [sflag:$0x3], $0x80, s8, s12, $0xb8;
	[tilespmem:$0xEA00] =	vst v63  }
0x2bd: {  	_ =	swait.ge [sflag:s5], $0x2800  }
0x2be: {  	[sflag:s5] =	ssyncset.done $0x0  }
0x2bf: {  	[sflag:s5] =	ssyncadd.s32 $0xFFFFD800  }
0x2c0: {  	[spmem:s2] =	stream.indirect.scatter.add.f32 [tilespmem:s4], [sflag:$0x3], $0x80, s8, s12, $0xb8;
	[tilespmem:$0xEA00] =	vst v63  }
0x2c1: {  	_ =	swait.ge [sflag:s5], $0x2800  }
0x2c2: {  	[sflag:s5] =	ssyncset.done $0x0  }
0x2c3: {  	[sflag:s5] =	ssyncadd.s32 $0xFFFFD800  }
0x2c4: {  	[spmem:s1] =	stream.indirect.scatter.add.f32 [tilespmem:s14], [sflag:$0x3], $0x80, s13, s12, $0xb8;
	[tilespmem:$0xEA00] =	vst v63  }
0x2c5: {  	_ =	swait.ge [sflag:s5], $0x2800  }
0x2c6: {  	[sflag:s5] =	ssyncset.done $0x0  }
0x2c7: {  	[sflag:s5] =	ssyncadd.s32 $0xFFFFD800  }
0x2c8: {  	[spmem:s2] =	stream.indirect.scatter.add.f32 [tilespmem:s4], [sflag:$0x3], $0x80, s13, s12, $0xb8;
	[tilespmem:$0xEA00] =	vst v63  }
0x2c9: {  	_ =	swait.ge [sflag:s5], $0x2800  }
0x2ca: {  	[sflag:s5] =	ssyncset.done $0x0  }
0x2cb: {  	s0 =	rddreg [dreg:$0xe];
	[sflag:s5] =	ssyncadd.s32 $0xFFFFD800  }
0x2cc: {  	[tilespmem:s3], [sflag:$0x1] =	stream.linear.gather [hbm4b:s0+s3], $0x5000, $0x38;
	[tilespmem:$0xEA00] =	vst v63  }
0x2cd: {  	s26 =	rddreg [dreg:$0xf]  }
0x2ce: {  	[tilespmem:s8], [sflag:$0x1] =	stream.linear.gather [hbm4b:s26+s3], $0x100, $0x38;
	[tilespmem:$0xEA00] =	vst v63  }
0x2cf: {  	_ =	swait.ge [sflag:s15], $0x5000  }
0x2d0: {  	[sflag:s15] =	ssyncset.done $0x0  }
0x2d1: {  	[sflag:s15] =	ssyncadd.s32 $0xFFFFB000  }
0x2d2: {  	_ =	swait.ge [sflag:s15], $0x100  }
0x2d3: {  	[sflag:s15] =	ssyncset.done $0x0  }
0x2d4: {  	[sflag:s15] =	ssyncadd.s32 $0xFFFFFF00  }
0x2d5: {  	[spmem:s1] =	stream.indirect.scatter.add.f32 [tilespmem:s9], [sflag:$0x3], $0x80, s10, s12, $0xb8;
	[tilespmem:$0xEA00] =	vst v63  }
0x2d6: {  	_ =	swait.ge [sflag:s5], $0x2800  }
0x2d7: {  	[sflag:s5] =	ssyncset.done $0x0  }
0x2d8: {  	[sflag:s5] =	ssyncadd.s32 $0xFFFFD800  }
0x2d9: {  	[spmem:s2] =	stream.indirect.scatter.add.f32 [tilespmem:s4], [sflag:$0x3], $0x80, s10, s12, $0xb8;
	[tilespmem:$0xEA00] =	vst v63  }
0x2da: {  	_ =	swait.ge [sflag:s5], $0x2800  }
0x2db: {  	[sflag:s5] =	ssyncset.done $0x0  }
0x2dc: {  	[sflag:s5] =	ssyncadd.s32 $0xFFFFD800  }
0x2dd: {  	[spmem:s1] =	stream.indirect.scatter.add.f32 [tilespmem:s17], [sflag:$0x3], $0x80, s16, s12, $0xb8;
	[tilespmem:$0xEA00] =	vst v63  }
0x2de: {  	_ =	swait.ge [sflag:s5], $0x2800  }
0x2df: {  	[sflag:s5] =	ssyncset.done $0x0  }
0x2e0: {  	[sflag:s5] =	ssyncadd.s32 $0xFFFFD800  }
0x2e1: {  	[spmem:s2] =	stream.indirect.scatter.add.f32 [tilespmem:s4], [sflag:$0x3], $0x80, s16, s12, $0xb8;
	[tilespmem:$0xEA00] =	vst v63  }
0x2e2: {  	_ =	swait.ge [sflag:s5], $0x2800  }
0x2e3: {  	[sflag:s5] =	ssyncset.done $0x0  }
0x2e4: {  	s0 =	rddreg [dreg:$0x10];
	[sflag:s5] =	ssyncadd.s32 $0xFFFFD800  }
0x2e5: {  	[tilespmem:s9], [sflag:$0x2] =	stream.linear.gather [hbm4b:s0+s3], $0x5000, $0x38;
	[tilespmem:$0xEA00] =	vst v63  }
0x2e6: {  	s26 =	rddreg [dreg:$0x11]  }
0x2e7: {  	[tilespmem:s10], [sflag:$0x2] =	stream.linear.gather [hbm4b:s26+s3], $0x100, $0x38;
	[tilespmem:$0xEA00] =	vst v63  }
0x2e8: {  	_ =	swait.ge [sflag:s11], $0x5000  }
0x2e9: {  	[sflag:s11] =	ssyncset.done $0x0  }
0x2ea: {  	[sflag:s11] =	ssyncadd.s32 $0xFFFFB000  }
0x2eb: {  	_ =	swait.ge [sflag:s11], $0x100  }
0x2ec: {  	[sflag:s11] =	ssyncset.done $0x0  }
0x2ed: {  	[sflag:s11] =	ssyncadd.s32 $0xFFFFFF00  }
0x2ee: {  	[spmem:s1] =	stream.indirect.scatter.add.f32 [tilespmem:s3], [sflag:$0x3], $0x80, s8, s12, $0xb8;
	[tilespmem:$0xEA00] =	vst v63  }
0x2ef: {  	_ =	swait.ge [sflag:s5], $0x2800  }
0x2f0: {  	[sflag:s5] =	ssyncset.done $0x0  }
0x2f1: {  	[sflag:s5] =	ssyncadd.s32 $0xFFFFD800  }
0x2f2: {  	[spmem:s2] =	stream.indirect.scatter.add.f32 [tilespmem:s4], [sflag:$0x3], $0x80, s8, s12, $0xb8;
	[tilespmem:$0xEA00] =	vst v63  }
0x2f3: {  	_ =	swait.ge [sflag:s5], $0x2800  }
0x2f4: {  	[sflag:s5] =	ssyncset.done $0x0  }
0x2f5: {  	[sflag:s5] =	ssyncadd.s32 $0xFFFFD800  }
0x2f6: {  	[spmem:s1] =	stream.indirect.scatter.add.f32 [tilespmem:s14], [sflag:$0x3], $0x80, s13, s12, $0xb8;
	[tilespmem:$0xEA00] =	vst v63  }
0x2f7: {  	_ =	swait.ge [sflag:s5], $0x2800  }
0x2f8: {  	[sflag:s5] =	ssyncset.done $0x0  }
0x2f9: {  	[sflag:s5] =	ssyncadd.s32 $0xFFFFD800  }
0x2fa: {  	[spmem:s2] =	stream.indirect.scatter.add.f32 [tilespmem:s4], [sflag:$0x3], $0x80, s13, s12, $0xb8;
	[tilespmem:$0xEA00] =	vst v63  }
0x2fb: {  	_ =	swait.ge [sflag:s5], $0x2800  }
0x2fc: {  	[sflag:s5] =	ssyncset.done $0x0  }
0x2fd: {  	s0 =	rddreg [dreg:$0x12];
	[sflag:s5] =	ssyncadd.s32 $0xFFFFD800  }
0x2fe: {  	[tilespmem:s3], [sflag:$0x1] =	stream.linear.gather [hbm4b:s0+s3], $0x5000, $0x38;
	[tilespmem:$0xEA00] =	vst v63  }
0x2ff: {  	s26 =	rddreg [dreg:$0x13]  }
0x300: {  	[tilespmem:s8], [sflag:$0x1] =	stream.linear.gather [hbm4b:s26+s3], $0x100, $0x38;
	[tilespmem:$0xEA00] =	vst v63  }
0x301: {  	_ =	swait.ge [sflag:s15], $0x5000  }
0x302: {  	[sflag:s15] =	ssyncset.done $0x0  }
0x303: {  	[sflag:s15] =	ssyncadd.s32 $0xFFFFB000  }
0x304: {  	_ =	swait.ge [sflag:s15], $0x100  }
0x305: {  	[sflag:s15] =	ssyncset.done $0x0  }
0x306: {  	[sflag:s15] =	ssyncadd.s32 $0xFFFFFF00  }
0x307: {  	[spmem:s1] =	stream.indirect.scatter.add.f32 [tilespmem:s9], [sflag:$0x3], $0x80, s10, s12, $0xb8;
	[tilespmem:$0xEA00] =	vst v63  }
0x308: {  	_ =	swait.ge [sflag:s5], $0x2800  }
0x309: {  	[sflag:s5] =	ssyncset.done $0x0  }
0x30a: {  	[sflag:s5] =	ssyncadd.s32 $0xFFFFD800  }
0x30b: {  	[spmem:s2] =	stream.indirect.scatter.add.f32 [tilespmem:s4], [sflag:$0x3], $0x80, s10, s12, $0xb8;
	[tilespmem:$0xEA00] =	vst v63  }
0x30c: {  	_ =	swait.ge [sflag:s5], $0x2800  }
0x30d: {  	[sflag:s5] =	ssyncset.done $0x0  }
0x30e: {  	[sflag:s5] =	ssyncadd.s32 $0xFFFFD800  }
0x30f: {  	[spmem:s1] =	stream.indirect.scatter.add.f32 [tilespmem:s17], [sflag:$0x3], $0x80, s16, s12, $0xb8;
	[tilespmem:$0xEA00] =	vst v63  }
0x310: {  	_ =	swait.ge [sflag:s5], $0x2800  }
0x311: {  	[sflag:s5] =	ssyncset.done $0x0  }
0x312: {  	[sflag:s5] =	ssyncadd.s32 $0xFFFFD800  }
0x313: {  	[spmem:s2] =	stream.indirect.scatter.add.f32 [tilespmem:s4], [sflag:$0x3], $0x80, s16, s12, $0xb8;
	[tilespmem:$0xEA00] =	vst v63  }
0x314: {  	_ =	swait.ge [sflag:s5], $0x2800  }
0x315: {  	[sflag:s5] =	ssyncset.done $0x0  }
0x316: {  	s0 =	rddreg [dreg:$0x14];
	[sflag:s5] =	ssyncadd.s32 $0xFFFFD800  }
0x317: {  	[tilespmem:s9], [sflag:$0x2] =	stream.linear.gather [hbm4b:s0+s3], $0x5000, $0x38;
	[tilespmem:$0xEA00] =	vst v63  }
0x318: {  	s26 =	rddreg [dreg:$0x15]  }
0x319: {  	[tilespmem:s10], [sflag:$0x2] =	stream.linear.gather [hbm4b:s26+s3], $0x100, $0x38;
	[tilespmem:$0xEA00] =	vst v63  }
0x31a: {  	_ =	swait.ge [sflag:s11], $0x5000  }
0x31b: {  	[sflag:s11] =	ssyncset.done $0x0  }
0x31c: {  	[sflag:s11] =	ssyncadd.s32 $0xFFFFB000  }
0x31d: {  	_ =	swait.ge [sflag:s11], $0x100  }
0x31e: {  	[sflag:s11] =	ssyncset.done $0x0  }
0x31f: {  	[sflag:s11] =	ssyncadd.s32 $0xFFFFFF00  }
0x320: {  	[spmem:s1] =	stream.indirect.scatter.add.f32 [tilespmem:s3], [sflag:$0x3], $0x80, s8, s12, $0xb8;
	[tilespmem:$0xEA00] =	vst v63  }
0x321: {  	_ =	swait.ge [sflag:s5], $0x2800  }
0x322: {  	[sflag:s5] =	ssyncset.done $0x0  }
0x323: {  	[sflag:s5] =	ssyncadd.s32 $0xFFFFD800  }
0x324: {  	[spmem:s2] =	stream.indirect.scatter.add.f32 [tilespmem:s4], [sflag:$0x3], $0x80, s8, s12, $0xb8;
	[tilespmem:$0xEA00] =	vst v63  }
0x325: {  	_ =	swait.ge [sflag:s5], $0x2800  }
0x326: {  	[sflag:s5] =	ssyncset.done $0x0  }
0x327: {  	[sflag:s5] =	ssyncadd.s32 $0xFFFFD800  }
0x328: {  	[spmem:s1] =	stream.indirect.scatter.add.f32 [tilespmem:s14], [sflag:$0x3], $0x80, s13, s12, $0xb8;
	[tilespmem:$0xEA00] =	vst v63  }
0x329: {  	_ =	swait.ge [sflag:s5], $0x2800  }
0x32a: {  	[sflag:s5] =	ssyncset.done $0x0  }
0x32b: {  	[sflag:s5] =	ssyncadd.s32 $0xFFFFD800  }
0x32c: {  	[spmem:s2] =	stream.indirect.scatter.add.f32 [tilespmem:s4], [sflag:$0x3], $0x80, s13, s12, $0xb8;
	[tilespmem:$0xEA00] =	vst v63  }
0x32d: {  	_ =	swait.ge [sflag:s5], $0x2800  }
0x32e: {  	[sflag:s5] =	ssyncset.done $0x0  }
0x32f: {  	s0 =	rddreg [dreg:$0x16];
	[sflag:s5] =	ssyncadd.s32 $0xFFFFD800  }
0x330: {  	[tilespmem:s3], [sflag:$0x1] =	stream.linear.gather [hbm4b:s0+s3], $0x5000, $0x38;
	[tilespmem:$0xEA00] =	vst v63  }
0x331: {  	s26 =	rddreg [dreg:$0x17]  }
0x332: {  	[tilespmem:s8], [sflag:$0x1] =	stream.linear.gather [hbm4b:s26+s3], $0x100, $0x38;
	[tilespmem:$0xEA00] =	vst v63  }
0x333: {  	_ =	swait.ge [sflag:s15], $0x5000  }
0x334: {  	[sflag:s15] =	ssyncset.done $0x0  }
0x335: {  	[sflag:s15] =	ssyncadd.s32 $0xFFFFB000  }
0x336: {  	_ =	swait.ge [sflag:s15], $0x100  }
0x337: {  	[sflag:s15] =	ssyncset.done $0x0  }
0x338: {  	[sflag:s15] =	ssyncadd.s32 $0xFFFFFF00  }
0x339: {  	[spmem:s1] =	stream.indirect.scatter.add.f32 [tilespmem:s9], [sflag:$0x3], $0x80, s10, s12, $0xb8;
	[tilespmem:$0xEA00] =	vst v63  }
0x33a: {  	_ =	swait.ge [sflag:s5], $0x2800  }
0x33b: {  	[sflag:s5] =	ssyncset.done $0x0  }
0x33c: {  	[sflag:s5] =	ssyncadd.s32 $0xFFFFD800  }
0x33d: {  	[spmem:s2] =	stream.indirect.scatter.add.f32 [tilespmem:s4], [sflag:$0x3], $0x80, s10, s12, $0xb8;
	[tilespmem:$0xEA00] =	vst v63  }
0x33e: {  	_ =	swait.ge [sflag:s5], $0x2800  }
0x33f: {  	[sflag:s5] =	ssyncset.done $0x0  }
0x340: {  	[sflag:s5] =	ssyncadd.s32 $0xFFFFD800  }
0x341: {  	[spmem:s1] =	stream.indirect.scatter.add.f32 [tilespmem:s17], [sflag:$0x3], $0x80, s16, s12, $0xb8;
	[tilespmem:$0xEA00] =	vst v63  }
0x342: {  	_ =	swait.ge [sflag:s5], $0x2800  }
0x343: {  	[sflag:s5] =	ssyncset.done $0x0  }
0x344: {  	[sflag:s5] =	ssyncadd.s32 $0xFFFFD800  }
0x345: {  	[spmem:s2] =	stream.indirect.scatter.add.f32 [tilespmem:s4], [sflag:$0x3], $0x80, s16, s12, $0xb8;
	[tilespmem:$0xEA00] =	vst v63  }
0x346: {  	_ =	swait.ge [sflag:s5], $0x2800  }
0x347: {  	[sflag:s5] =	ssyncset.done $0x0  }
0x348: {  	s0 =	rddreg [dreg:$0x18];
	[sflag:s5] =	ssyncadd.s32 $0xFFFFD800  }
0x349: {  	[tilespmem:s9], [sflag:$0x2] =	stream.linear.gather [hbm4b:s0+s3], $0x5000, $0x38;
	[tilespmem:$0xEA00] =	vst v63  }
0x34a: {  	s26 =	rddreg [dreg:$0x19]  }
0x34b: {  	[tilespmem:s10], [sflag:$0x2] =	stream.linear.gather [hbm4b:s26+s3], $0x100, $0x38;
	[tilespmem:$0xEA00] =	vst v63  }
0x34c: {  	_ =	swait.ge [sflag:s11], $0x5000  }
0x34d: {  	[sflag:s11] =	ssyncset.done $0x0  }
0x34e: {  	[sflag:s11] =	ssyncadd.s32 $0xFFFFB000  }
0x34f: {  	_ =	swait.ge [sflag:s11], $0x100  }
0x350: {  	[sflag:s11] =	ssyncset.done $0x0  }
0x351: {  	[sflag:s11] =	ssyncadd.s32 $0xFFFFFF00  }
0x352: {  	[spmem:s1] =	stream.indirect.scatter.add.f32 [tilespmem:s3], [sflag:$0x3], $0x80, s8, s12, $0xb8;
	[tilespmem:$0xEA00] =	vst v63  }
0x353: {  	_ =	swait.ge [sflag:s5], $0x2800  }
0x354: {  	[sflag:s5] =	ssyncset.done $0x0  }
0x355: {  	[sflag:s5] =	ssyncadd.s32 $0xFFFFD800  }
0x356: {  	[spmem:s2] =	stream.indirect.scatter.add.f32 [tilespmem:s4], [sflag:$0x3], $0x80, s8, s12, $0xb8;
	[tilespmem:$0xEA00] =	vst v63  }
0x357: {  	_ =	swait.ge [sflag:s5], $0x2800  }
0x358: {  	[sflag:s5] =	ssyncset.done $0x0  }
0x359: {  	[sflag:s5] =	ssyncadd.s32 $0xFFFFD800  }
0x35a: {  	[spmem:s1] =	stream.indirect.scatter.add.f32 [tilespmem:s14], [sflag:$0x3], $0x80, s13, s12, $0xb8;
	[tilespmem:$0xEA00] =	vst v63  }
0x35b: {  	_ =	swait.ge [sflag:s5], $0x2800  }
0x35c: {  	[sflag:s5] =	ssyncset.done $0x0  }
0x35d: {  	[sflag:s5] =	ssyncadd.s32 $0xFFFFD800  }
0x35e: {  	[spmem:s2] =	stream.indirect.scatter.add.f32 [tilespmem:s4], [sflag:$0x3], $0x80, s13, s12, $0xb8;
	[tilespmem:$0xEA00] =	vst v63  }
0x35f: {  	_ =	swait.ge [sflag:s5], $0x2800  }
0x360: {  	[sflag:s5] =	ssyncset.done $0x0  }
0x361: {  	s0 =	rddreg [dreg:$0x1a];
	[sflag:s5] =	ssyncadd.s32 $0xFFFFD800  }
0x362: {  	[tilespmem:s3], [sflag:$0x1] =	stream.linear.gather [hbm4b:s0+s3], $0x5000, $0x38;
	[tilespmem:$0xEA00] =	vst v63  }
0x363: {  	s26 =	rddreg [dreg:$0x1b]  }
0x364: {  	[tilespmem:s8], [sflag:$0x1] =	stream.linear.gather [hbm4b:s26+s3], $0x100, $0x38;
	[tilespmem:$0xEA00] =	vst v63  }
0x365: {  	_ =	swait.ge [sflag:s15], $0x5000  }
0x366: {  	[sflag:s15] =	ssyncset.done $0x0  }
0x367: {  	[sflag:s15] =	ssyncadd.s32 $0xFFFFB000  }
0x368: {  	_ =	swait.ge [sflag:s15], $0x100  }
0x369: {  	[sflag:s15] =	ssyncset.done $0x0  }
0x36a: {  	[sflag:s15] =	ssyncadd.s32 $0xFFFFFF00  }
0x36b: {  	[spmem:s1] =	stream.indirect.scatter.add.f32 [tilespmem:s9], [sflag:$0x3], $0x80, s10, s12, $0xb8;
	[tilespmem:$0xEA00] =	vst v63  }
0x36c: {  	_ =	swait.ge [sflag:s5], $0x2800  }
0x36d: {  	[sflag:s5] =	ssyncset.done $0x0  }
0x36e: {  	[sflag:s5] =	ssyncadd.s32 $0xFFFFD800  }
0x36f: {  	[spmem:s2] =	stream.indirect.scatter.add.f32 [tilespmem:s4], [sflag:$0x3], $0x80, s10, s12, $0xb8;
	[tilespmem:$0xEA00] =	vst v63  }
0x370: {  	_ =	swait.ge [sflag:s5], $0x2800  }
0x371: {  	[sflag:s5] =	ssyncset.done $0x0  }
0x372: {  	[sflag:s5] =	ssyncadd.s32 $0xFFFFD800  }
0x373: {  	[spmem:s1] =	stream.indirect.scatter.add.f32 [tilespmem:s17], [sflag:$0x3], $0x80, s16, s12, $0xb8;
	[tilespmem:$0xEA00] =	vst v63  }
0x374: {  	_ =	swait.ge [sflag:s5], $0x2800  }
0x375: {  	[sflag:s5] =	ssyncset.done $0x0  }
0x376: {  	[sflag:s5] =	ssyncadd.s32 $0xFFFFD800  }
0x377: {  	[spmem:s2] =	stream.indirect.scatter.add.f32 [tilespmem:s4], [sflag:$0x3], $0x80, s16, s12, $0xb8;
	[tilespmem:$0xEA00] =	vst v63  }
0x378: {  	_ =	swait.ge [sflag:s5], $0x2800  }
0x379: {  	[sflag:s5] =	ssyncset.done $0x0  }
0x37a: {  	s0 =	rddreg [dreg:$0x1c];
	[sflag:s5] =	ssyncadd.s32 $0xFFFFD800  }
0x37b: {  	[tilespmem:s9], [sflag:$0x2] =	stream.linear.gather [hbm4b:s0+s3], $0x5000, $0x38;
	[tilespmem:$0xEA00] =	vst v63  }
0x37c: {  	s26 =	rddreg [dreg:$0x1d]  }
0x37d: {  	[tilespmem:s10], [sflag:$0x2] =	stream.linear.gather [hbm4b:s26+s3], $0x100, $0x38;
	[tilespmem:$0xEA00] =	vst v63  }
0x37e: {  	_ =	swait.ge [sflag:s11], $0x5000  }
0x37f: {  	[sflag:s11] =	ssyncset.done $0x0  }
0x380: {  	[sflag:s11] =	ssyncadd.s32 $0xFFFFB000  }
0x381: {  	_ =	swait.ge [sflag:s11], $0x100  }
0x382: {  	[sflag:s11] =	ssyncset.done $0x0  }
0x383: {  	[sflag:s11] =	ssyncadd.s32 $0xFFFFFF00  }
0x384: {  	[spmem:s1] =	stream.indirect.scatter.add.f32 [tilespmem:s3], [sflag:$0x3], $0x80, s8, s12, $0xb8;
	[tilespmem:$0xEA00] =	vst v63  }
0x385: {  	_ =	swait.ge [sflag:s5], $0x2800  }
0x386: {  	[sflag:s5] =	ssyncset.done $0x0  }
0x387: {  	[sflag:s5] =	ssyncadd.s32 $0xFFFFD800  }
0x388: {  	[spmem:s2] =	stream.indirect.scatter.add.f32 [tilespmem:s4], [sflag:$0x3], $0x80, s8, s12, $0xb8;
	[tilespmem:$0xEA00] =	vst v63  }
0x389: {  	_ =	swait.ge [sflag:s5], $0x2800  }
0x38a: {  	[sflag:s5] =	ssyncset.done $0x0  }
0x38b: {  	[sflag:s5] =	ssyncadd.s32 $0xFFFFD800  }
0x38c: {  	[spmem:s1] =	stream.indirect.scatter.add.f32 [tilespmem:s14], [sflag:$0x3], $0x80, s13, s12, $0xb8;
	[tilespmem:$0xEA00] =	vst v63  }
0x38d: {  	_ =	swait.ge [sflag:s5], $0x2800  }
0x38e: {  	[sflag:s5] =	ssyncset.done $0x0  }
0x38f: {  	[sflag:s5] =	ssyncadd.s32 $0xFFFFD800  }
0x390: {  	[spmem:s2] =	stream.indirect.scatter.add.f32 [tilespmem:s4], [sflag:$0x3], $0x80, s13, s12, $0xb8;
	[tilespmem:$0xEA00] =	vst v63  }
0x391: {  	_ =	swait.ge [sflag:s5], $0x2800  }
0x392: {  	[sflag:s5] =	ssyncset.done $0x0  }
0x393: {  	s0 =	rddreg [dreg:$0x1e];
	[sflag:s5] =	ssyncadd.s32 $0xFFFFD800  }
0x394: {  	[tilespmem:s3], [sflag:$0x1] =	stream.linear.gather [hbm4b:s0+s3], $0x5000, $0x38;
	[tilespmem:$0xEA00] =	vst v63  }
0x395: {  	s26 =	rddreg [dreg:$0x1f]  }
0x396: {  	[tilespmem:s8], [sflag:$0x1] =	stream.linear.gather [hbm4b:s26+s3], $0x100, $0x38;
	[tilespmem:$0xEA00] =	vst v63  }
0x397: {  	_ =	swait.ge [sflag:s15], $0x5000  }
0x398: {  	[sflag:s15] =	ssyncset.done $0x0  }
0x399: {  	[sflag:s15] =	ssyncadd.s32 $0xFFFFB000  }
0x39a: {  	_ =	swait.ge [sflag:s15], $0x100  }
0x39b: {  	[sflag:s15] =	ssyncset.done $0x0  }
0x39c: {  	[sflag:s15] =	ssyncadd.s32 $0xFFFFFF00  }
0x39d: {  	[spmem:s1] =	stream.indirect.scatter.add.f32 [tilespmem:s9], [sflag:$0x3], $0x80, s10, s12, $0xb8;
	[tilespmem:$0xEA00] =	vst v63  }
0x39e: {  	_ =	swait.ge [sflag:s5], $0x2800  }
0x39f: {  	[sflag:s5] =	ssyncset.done $0x0  }
0x3a0: {  	[sflag:s5] =	ssyncadd.s32 $0xFFFFD800  }
0x3a1: {  	[spmem:s2] =	stream.indirect.scatter.add.f32 [tilespmem:s4], [sflag:$0x3], $0x80, s10, s12, $0xb8;
	[tilespmem:$0xEA00] =	vst v63  }
0x3a2: {  	_ =	swait.ge [sflag:s5], $0x2800  }
0x3a3: {  	[sflag:s5] =	ssyncset.done $0x0  }
0x3a4: {  	[sflag:s5] =	ssyncadd.s32 $0xFFFFD800  }
0x3a5: {  	[spmem:s1] =	stream.indirect.scatter.add.f32 [tilespmem:s17], [sflag:$0x3], $0x80, s16, s12, $0xb8;
	[tilespmem:$0xEA00] =	vst v63  }
0x3a6: {  	_ =	swait.ge [sflag:s5], $0x2800  }
0x3a7: {  	[sflag:s5] =	ssyncset.done $0x0  }
0x3a8: {  	[sflag:s5] =	ssyncadd.s32 $0xFFFFD800  }
0x3a9: {  	[spmem:s2] =	stream.indirect.scatter.add.f32 [tilespmem:s4], [sflag:$0x3], $0x80, s16, s12, $0xb8;
	[tilespmem:$0xEA00] =	vst v63  }
0x3aa: {  	_ =	swait.ge [sflag:s5], $0x2800  }
0x3ab: {  	s0 =	sld [smem:$0x7EE]  }
0x3ac: {  	[sflag:s5] =	ssyncset.done $0x0  }
0x3ad: {  	s26 =	sld [smem:$0x7EF];
	[sflag:s5] =	ssyncadd.s32 $0xFFFFD800  }
0x3ae: {  	[tilespmem:s9], [sflag:$0x2] =	stream.linear.gather [hbm4b:s0+s3], $0x5000, $0x38;
	[tilespmem:$0xEA00] =	vst v63  }
0x3af: {  	_ = 	snop  }
0x3b0: {  	[tilespmem:s10], [sflag:$0x2] =	stream.linear.gather [hbm4b:s26+s3], $0x100, $0x38;
	[tilespmem:$0xEA00] =	vst v63  }
0x3b1: {  	_ =	swait.ge [sflag:s11], $0x5000  }
0x3b2: {  	[sflag:s11] =	ssyncset.done $0x0  }
0x3b3: {  	[sflag:s11] =	ssyncadd.s32 $0xFFFFB000  }
0x3b4: {  	_ =	swait.ge [sflag:s11], $0x100  }
0x3b5: {  	[sflag:s11] =	ssyncset.done $0x0  }
0x3b6: {  	[sflag:s11] =	ssyncadd.s32 $0xFFFFFF00  }
0x3b7: {  	[spmem:s1] =	stream.indirect.scatter.add.f32 [tilespmem:s3], [sflag:$0x3], $0x80, s8, s12, $0xb8;
	[tilespmem:$0xEA00] =	vst v63  }
0x3b8: {  	_ =	swait.ge [sflag:s5], $0x2800  }
0x3b9: {  	[sflag:s5] =	ssyncset.done $0x0  }
0x3ba: {  	[sflag:s5] =	ssyncadd.s32 $0xFFFFD800  }
0x3bb: {  	[spmem:s2] =	stream.indirect.scatter.add.f32 [tilespmem:s4], [sflag:$0x3], $0x80, s8, s12, $0xb8;
	[tilespmem:$0xEA00] =	vst v63  }
0x3bc: {  	_ =	swait.ge [sflag:s5], $0x2800  }
0x3bd: {  	[sflag:s5] =	ssyncset.done $0x0  }
0x3be: {  	[sflag:s5] =	ssyncadd.s32 $0xFFFFD800  }
0x3bf: {  	[spmem:s1] =	stream.indirect.scatter.add.f32 [tilespmem:s14], [sflag:$0x3], $0x80, s13, s12, $0xb8;
	[tilespmem:$0xEA00] =	vst v63  }
0x3c0: {  	_ =	swait.ge [sflag:s5], $0x2800  }
0x3c1: {  	[sflag:s5] =	ssyncset.done $0x0  }
0x3c2: {  	[sflag:s5] =	ssyncadd.s32 $0xFFFFD800  }
0x3c3: {  	[spmem:s2] =	stream.indirect.scatter.add.f32 [tilespmem:s4], [sflag:$0x3], $0x80, s13, s12, $0xb8;
	[tilespmem:$0xEA00] =	vst v63  }
0x3c4: {  	_ =	swait.ge [sflag:s5], $0x2800  }
0x3c5: {  	s0 =	sld [smem:$0x7F0]  }
0x3c6: {  	[sflag:s5] =	ssyncset.done $0x0  }
0x3c7: {  	s26 =	sld [smem:$0x7F1];
	[sflag:s5] =	ssyncadd.s32 $0xFFFFD800  }
0x3c8: {  	[tilespmem:s3], [sflag:$0x1] =	stream.linear.gather [hbm4b:s0+s3], $0x5000, $0x38;
	[tilespmem:$0xEA00] =	vst v63  }
0x3c9: {  	_ = 	snop  }
0x3ca: {  	[tilespmem:s8], [sflag:$0x1] =	stream.linear.gather [hbm4b:s26+s3], $0x100, $0x38;
	[tilespmem:$0xEA00] =	vst v63  }
0x3cb: {  	_ =	swait.ge [sflag:s15], $0x5000  }
0x3cc: {  	[sflag:s15] =	ssyncset.done $0x0  }
0x3cd: {  	[sflag:s15] =	ssyncadd.s32 $0xFFFFB000  }
0x3ce: {  	_ =	swait.ge [sflag:s15], $0x100  }
0x3cf: {  	[sflag:s15] =	ssyncset.done $0x0  }
0x3d0: {  	[sflag:s15] =	ssyncadd.s32 $0xFFFFFF00  }
0x3d1: {  	[spmem:s1] =	stream.indirect.scatter.add.f32 [tilespmem:s9], [sflag:$0x3], $0x80, s10, s12, $0xb8;
	[tilespmem:$0xEA00] =	vst v63  }
0x3d2: {  	_ =	swait.ge [sflag:s5], $0x2800  }
0x3d3: {  	[sflag:s5] =	ssyncset.done $0x0  }
0x3d4: {  	[sflag:s5] =	ssyncadd.s32 $0xFFFFD800  }
0x3d5: {  	[spmem:s2] =	stream.indirect.scatter.add.f32 [tilespmem:s4], [sflag:$0x3], $0x80, s10, s12, $0xb8;
	[tilespmem:$0xEA00] =	vst v63  }
0x3d6: {  	_ =	swait.ge [sflag:s5], $0x2800  }
0x3d7: {  	[sflag:s5] =	ssyncset.done $0x0  }
0x3d8: {  	[sflag:s5] =	ssyncadd.s32 $0xFFFFD800  }
0x3d9: {  	[spmem:s1] =	stream.indirect.scatter.add.f32 [tilespmem:s17], [sflag:$0x3], $0x80, s16, s12, $0xb8;
	[tilespmem:$0xEA00] =	vst v63  }
0x3da: {  	_ =	swait.ge [sflag:s5], $0x2800  }
0x3db: {  	[sflag:s5] =	ssyncset.done $0x0  }
0x3dc: {  	[sflag:s5] =	ssyncadd.s32 $0xFFFFD800  }
0x3dd: {  	[spmem:s2] =	stream.indirect.scatter.add.f32 [tilespmem:s4], [sflag:$0x3], $0x80, s16, s12, $0xb8;
	[tilespmem:$0xEA00] =	vst v63  }
0x3de: {  	_ =	swait.ge [sflag:s5], $0x2800  }
0x3df: {  	s0 =	sld [smem:$0x7F2]  }
0x3e0: {  	[sflag:s5] =	ssyncset.done $0x0  }
0x3e1: {  	s26 =	sld [smem:$0x7F3];
	[sflag:s5] =	ssyncadd.s32 $0xFFFFD800  }
0x3e2: {  	[tilespmem:s9], [sflag:$0x2] =	stream.linear.gather [hbm4b:s0+s3], $0x5000, $0x38;
	[tilespmem:$0xEA00] =	vst v63  }
0x3e3: {  	_ = 	snop  }
0x3e4: {  	[tilespmem:s10], [sflag:$0x2] =	stream.linear.gather [hbm4b:s26+s3], $0x100, $0x38;
	[tilespmem:$0xEA00] =	vst v63  }
0x3e5: {  	_ =	swait.ge [sflag:s11], $0x5000  }
0x3e6: {  	[sflag:s11] =	ssyncset.done $0x0  }
0x3e7: {  	[sflag:s11] =	ssyncadd.s32 $0xFFFFB000  }
0x3e8: {  	_ =	swait.ge [sflag:s11], $0x100  }
0x3e9: {  	[sflag:s11] =	ssyncset.done $0x0  }
0x3ea: {  	[sflag:s11] =	ssyncadd.s32 $0xFFFFFF00  }
0x3eb: {  	[spmem:s1] =	stream.indirect.scatter.add.f32 [tilespmem:s3], [sflag:$0x3], $0x80, s8, s12, $0xb8;
	[tilespmem:$0xEA00] =	vst v63  }
0x3ec: {  	_ =	swait.ge [sflag:s5], $0x2800  }
0x3ed: {  	[sflag:s5] =	ssyncset.done $0x0  }
0x3ee: {  	[sflag:s5] =	ssyncadd.s32 $0xFFFFD800  }
0x3ef: {  	[spmem:s2] =	stream.indirect.scatter.add.f32 [tilespmem:s4], [sflag:$0x3], $0x80, s8, s12, $0xb8;
	[tilespmem:$0xEA00] =	vst v63  }
0x3f0: {  	_ =	swait.ge [sflag:s5], $0x2800  }
0x3f1: {  	[sflag:s5] =	ssyncset.done $0x0  }
0x3f2: {  	[sflag:s5] =	ssyncadd.s32 $0xFFFFD800  }
0x3f3: {  	[spmem:s1] =	stream.indirect.scatter.add.f32 [tilespmem:s14], [sflag:$0x3], $0x80, s13, s12, $0xb8;
	[tilespmem:$0xEA00] =	vst v63  }
0x3f4: {  	_ =	swait.ge [sflag:s5], $0x2800  }
0x3f5: {  	[sflag:s5] =	ssyncset.done $0x0  }
0x3f6: {  	[sflag:s5] =	ssyncadd.s32 $0xFFFFD800  }
0x3f7: {  	[spmem:s2] =	stream.indirect.scatter.add.f32 [tilespmem:s4], [sflag:$0x3], $0x80, s13, s12, $0xb8;
	[tilespmem:$0xEA00] =	vst v63  }
0x3f8: {  	_ =	swait.ge [sflag:s5], $0x2800  }
0x3f9: {  	s0 =	sld [smem:$0x7F4]  }
0x3fa: {  	[sflag:s5] =	ssyncset.done $0x0  }
0x3fb: {  	s26 =	sld [smem:$0x7F5];
	[sflag:s5] =	ssyncadd.s32 $0xFFFFD800  }
0x3fc: {  	[tilespmem:s3], [sflag:$0x1] =	stream.linear.gather [hbm4b:s0+s3], $0x5000, $0x38;
	[tilespmem:$0xEA00] =	vst v63  }
0x3fd: {  	_ = 	snop  }
0x3fe: {  	[tilespmem:s8], [sflag:$0x1] =	stream.linear.gather [hbm4b:s26+s3], $0x100, $0x38;
	[tilespmem:$0xEA00] =	vst v63  }
0x3ff: {  	_ =	swait.ge [sflag:s15], $0x5000  }
0x400: {  	[sflag:s15] =	ssyncset.done $0x0  }
0x401: {  	[sflag:s15] =	ssyncadd.s32 $0xFFFFB000  }
0x402: {  	_ =	swait.ge [sflag:s15], $0x100  }
0x403: {  	[sflag:s15] =	ssyncset.done $0x0  }
0x404: {  	[sflag:s15] =	ssyncadd.s32 $0xFFFFFF00  }
0x405: {  	[spmem:s1] =	stream.indirect.scatter.add.f32 [tilespmem:s9], [sflag:$0x3], $0x80, s10, s12, $0xb8;
	[tilespmem:$0xEA00] =	vst v63  }
0x406: {  	_ =	swait.ge [sflag:s5], $0x2800  }
0x407: {  	[sflag:s5] =	ssyncset.done $0x0  }
0x408: {  	[sflag:s5] =	ssyncadd.s32 $0xFFFFD800  }
0x409: {  	[spmem:s2] =	stream.indirect.scatter.add.f32 [tilespmem:s4], [sflag:$0x3], $0x80, s10, s12, $0xb8;
	[tilespmem:$0xEA00] =	vst v63  }
0x40a: {  	_ =	swait.ge [sflag:s5], $0x2800  }
0x40b: {  	[sflag:s5] =	ssyncset.done $0x0  }
0x40c: {  	[sflag:s5] =	ssyncadd.s32 $0xFFFFD800  }
0x40d: {  	[spmem:s1] =	stream.indirect.scatter.add.f32 [tilespmem:s17], [sflag:$0x3], $0x80, s16, s12, $0xb8;
	[tilespmem:$0xEA00] =	vst v63  }
0x40e: {  	_ =	swait.ge [sflag:s5], $0x2800  }
0x40f: {  	[sflag:s5] =	ssyncset.done $0x0  }
0x410: {  	[sflag:s5] =	ssyncadd.s32 $0xFFFFD800  }
0x411: {  	[spmem:s2] =	stream.indirect.scatter.add.f32 [tilespmem:s4], [sflag:$0x3], $0x80, s16, s12, $0xb8;
	[tilespmem:$0xEA00] =	vst v63  }
0x412: {  	_ =	swait.ge [sflag:s5], $0x2800  }
0x413: {  	s0 =	sld [smem:$0x7F6]  }
0x414: {  	[sflag:s5] =	ssyncset.done $0x0  }
0x415: {  	s26 =	sld [smem:$0x7F7];
	[sflag:s5] =	ssyncadd.s32 $0xFFFFD800  }
0x416: {  	[tilespmem:s9], [sflag:$0x2] =	stream.linear.gather [hbm4b:s0+s3], $0x5000, $0x38;
	[tilespmem:$0xEA00] =	vst v63  }
0x417: {  	_ = 	snop  }
0x418: {  	[tilespmem:s10], [sflag:$0x2] =	stream.linear.gather [hbm4b:s26+s3], $0x100, $0x38;
	[tilespmem:$0xEA00] =	vst v63  }
0x419: {  	_ =	swait.ge [sflag:s11], $0x5000  }
0x41a: {  	[sflag:s11] =	ssyncset.done $0x0  }
0x41b: {  	[sflag:s11] =	ssyncadd.s32 $0xFFFFB000  }
0x41c: {  	_ =	swait.ge [sflag:s11], $0x100  }
0x41d: {  	[sflag:s11] =	ssyncset.done $0x0  }
0x41e: {  	[sflag:s11] =	ssyncadd.s32 $0xFFFFFF00  }
0x41f: {  	[spmem:s1] =	stream.indirect.scatter.add.f32 [tilespmem:s3], [sflag:$0x3], $0x80, s8, s12, $0xb8;
	[tilespmem:$0xEA00] =	vst v63  }
0x420: {  	_ =	swait.ge [sflag:s5], $0x2800  }
0x421: {  	[sflag:s5] =	ssyncset.done $0x0  }
0x422: {  	[sflag:s5] =	ssyncadd.s32 $0xFFFFD800  }
0x423: {  	[spmem:s2] =	stream.indirect.scatter.add.f32 [tilespmem:s4], [sflag:$0x3], $0x80, s8, s12, $0xb8;
	[tilespmem:$0xEA00] =	vst v63  }
0x424: {  	_ =	swait.ge [sflag:s5], $0x2800  }
0x425: {  	[sflag:s5] =	ssyncset.done $0x0  }
0x426: {  	[sflag:s5] =	ssyncadd.s32 $0xFFFFD800  }
0x427: {  	[spmem:s1] =	stream.indirect.scatter.add.f32 [tilespmem:s14], [sflag:$0x3], $0x80, s13, s12, $0xb8;
	[tilespmem:$0xEA00] =	vst v63  }
0x428: {  	_ =	swait.ge [sflag:s5], $0x2800  }
0x429: {  	[sflag:s5] =	ssyncset.done $0x0  }
0x42a: {  	[sflag:s5] =	ssyncadd.s32 $0xFFFFD800  }
0x42b: {  	[spmem:s2] =	stream.indirect.scatter.add.f32 [tilespmem:s4], [sflag:$0x3], $0x80, s13, s12, $0xb8;
	[tilespmem:$0xEA00] =	vst v63  }
0x42c: {  	_ =	swait.ge [sflag:s5], $0x2800  }
0x42d: {  	s0 =	sld [smem:$0x7F8]  }
0x42e: {  	[sflag:s5] =	ssyncset.done $0x0  }
0x42f: {  	s26 =	sld [smem:$0x7F9];
	[sflag:s5] =	ssyncadd.s32 $0xFFFFD800  }
0x430: {  	[tilespmem:s3], [sflag:$0x1] =	stream.linear.gather [hbm4b:s0+s3], $0x5000, $0x38;
	[tilespmem:$0xEA00] =	vst v63  }
0x431: {  	_ = 	snop  }
0x432: {  	[tilespmem:s8], [sflag:$0x1] =	stream.linear.gather [hbm4b:s26+s3], $0x100, $0x38;
	[tilespmem:$0xEA00] =	vst v63  }
0x433: {  	_ =	swait.ge [sflag:s15], $0x5000  }
0x434: {  	[sflag:s15] =	ssyncset.done $0x0  }
0x435: {  	[sflag:s15] =	ssyncadd.s32 $0xFFFFB000  }
0x436: {  	_ =	swait.ge [sflag:s15], $0x100  }
0x437: {  	[sflag:s15] =	ssyncset.done $0x0  }
0x438: {  	[sflag:s15] =	ssyncadd.s32 $0xFFFFFF00  }
0x439: {  	[spmem:s1] =	stream.indirect.scatter.add.f32 [tilespmem:s9], [sflag:$0x3], $0x80, s10, s12, $0xb8;
	[tilespmem:$0xEA00] =	vst v63  }
0x43a: {  	_ =	swait.ge [sflag:s5], $0x2800  }
0x43b: {  	[sflag:s5] =	ssyncset.done $0x0  }
0x43c: {  	[sflag:s5] =	ssyncadd.s32 $0xFFFFD800  }
0x43d: {  	[spmem:s2] =	stream.indirect.scatter.add.f32 [tilespmem:s4], [sflag:$0x3], $0x80, s10, s12, $0xb8;
	[tilespmem:$0xEA00] =	vst v63  }
0x43e: {  	_ =	swait.ge [sflag:s5], $0x2800  }
0x43f: {  	[sflag:s5] =	ssyncset.done $0x0  }
0x440: {  	[sflag:s5] =	ssyncadd.s32 $0xFFFFD800  }
0x441: {  	[spmem:s1] =	stream.indirect.scatter.add.f32 [tilespmem:s17], [sflag:$0x3], $0x80, s16, s12, $0xb8;
	[tilespmem:$0xEA00] =	vst v63  }
0x442: {  	_ =	swait.ge [sflag:s5], $0x2800  }
0x443: {  	[sflag:s5] =	ssyncset.done $0x0  }
0x444: {  	[sflag:s5] =	ssyncadd.s32 $0xFFFFD800  }
0x445: {  	[spmem:s2] =	stream.indirect.scatter.add.f32 [tilespmem:s4], [sflag:$0x3], $0x80, s16, s12, $0xb8;
	[tilespmem:$0xEA00] =	vst v63  }
0x446: {  	_ =	swait.ge [sflag:s5], $0x2800  }
0x447: {  	s0 =	sld [smem:$0x7FA]  }
0x448: {  	[sflag:s5] =	ssyncset.done $0x0  }
0x449: {  	s26 =	sld [smem:$0x7FB];
	[sflag:s5] =	ssyncadd.s32 $0xFFFFD800  }
0x44a: {  	[tilespmem:s19], [sflag:$0x2] =	stream.linear.gather @!p0 [hbm4b:s0+s18], $0x5000, $0x38;
	[tilespmem:$0xEA00] =	vst v63  }
0x44b: {  	_ = 	snop  }
0x44c: {  	[tilespmem:s20], [sflag:$0x2] =	stream.linear.gather @!p0 [hbm4b:s26+s18], $0x100, $0x38;
	[tilespmem:$0xEA00] =	vst v63  }
0x44d: {  	_ =	swait.ge [sflag:s11], $0x5000  }
0x44e: {  	[sflag:s11] =	ssyncset.done $0x0  }
0x44f: {  	[sflag:s11] =	ssyncadd.s32 $0xFFFFB000  }
0x450: {  	_ =	swait.ge [sflag:s11], $0x100  }
0x451: {  	[sflag:s11] =	ssyncset.done $0x0  }
0x452: {  	[sflag:s11] =	ssyncadd.s32 $0xFFFFFF00  }
0x453: {  	[spmem:s1] =	stream.indirect.scatter.add.f32 [tilespmem:s3], [sflag:$0x3], $0x80, s8, s12, $0xb8;
	[tilespmem:$0xEA00] =	vst v63  }
0x454: {  	_ =	swait.ge [sflag:s5], $0x2800  }
0x455: {  	[sflag:s5] =	ssyncset.done $0x0  }
0x456: {  	[sflag:s5] =	ssyncadd.s32 $0xFFFFD800  }
0x457: {  	[spmem:s2] =	stream.indirect.scatter.add.f32 [tilespmem:s4], [sflag:$0x3], $0x80, s8, s12, $0xb8;
	[tilespmem:$0xEA00] =	vst v63  }
0x458: {  	_ =	swait.ge [sflag:s5], $0x2800  }
0x459: {  	[sflag:s5] =	ssyncset.done $0x0  }
0x45a: {  	[sflag:s5] =	ssyncadd.s32 $0xFFFFD800  }
0x45b: {  	[spmem:s1] =	stream.indirect.scatter.add.f32 [tilespmem:s14], [sflag:$0x3], $0x80, s13, s12, $0xb8;
	[tilespmem:$0xEA00] =	vst v63  }
0x45c: {  	_ =	swait.ge [sflag:s5], $0x2800  }
0x45d: {  	[sflag:s5] =	ssyncset.done $0x0  }
0x45e: {  	[sflag:s5] =	ssyncadd.s32 $0xFFFFD800  }
0x45f: {  	[spmem:s2] =	stream.indirect.scatter.add.f32 [tilespmem:s4], [sflag:$0x3], $0x80, s13, s12, $0xb8;
	[tilespmem:$0xEA00] =	vst v63  }
0x460: {  	_ =	swait.ge [sflag:s5], $0x2800  }
0x461: {  	[sflag:s5] =	ssyncset.done $0x0  }
0x462: {  	[sflag:s5] =	ssyncadd.s32 $0xFFFFD800  }
0x463: {  	_ =	swait.ge @!p0 [sflag:s21], $0x5000  }
0x464: {  	[sflag:s21] =	ssyncset.done @!p0 $0x0  }
0x465: {  	[sflag:s21] =	ssyncadd.s32 @!p0 $0xFFFFB000  }
0x466: {  	_ =	swait.ge @!p0 [sflag:s21], $0x100  }
0x467: {  	[sflag:s21] =	ssyncset.done @!p0 $0x0  }
0x468: {  	[sflag:s21] =	ssyncadd.s32 @!p0 $0xFFFFFF00  }
0x469: {  	[spmem:s1] =	stream.indirect.scatter.add.f32 @!p0 [tilespmem:s19], [sflag:$0x3], $0x80, s20, s22, $0xb8;
	[tilespmem:$0xEA00] =	vst v63  }
0x46a: {  	_ =	swait.ge @!p0 [sflag:s23], $0x2800  }
0x46b: {  	[sflag:s23] =	ssyncset.done @!p0 $0x0  }
0x46c: {  	[sflag:s23] =	ssyncadd.s32 @!p0 $0xFFFFD800  }
0x46d: {  	[spmem:s2] =	stream.indirect.scatter.add.f32 @!p0 [tilespmem:s24], [sflag:$0x3], $0x80, s20, s22, $0xb8;
	[tilespmem:$0xEA00] =	vst v63  }
0x46e: {  	_ =	swait.ge @!p0 [sflag:s23], $0x2800  }
0x46f: {  	[sflag:s23] =	ssyncset.done @!p0 $0x0  }
0x470: {  	s0 =	simm.s32 @!p0 $0x7800;
	[sflag:s23] =	ssyncadd.s32 @!p0 $0xFFFFD800  }
0x471: {  	[spmem:s1] =	stream.indirect.scatter.add.f32 @!p0 [tilespmem:s0], [sflag:$0x3], $0x80, s25, s22, $0xb8;
	[tilespmem:$0xEA00] =	vst v63  }
0x472: {  	_ =	swait.ge @!p0 [sflag:s23], $0x2800  }
0x473: {  	[sflag:s23] =	ssyncset.done @!p0 $0x0  }
0x474: {  	[sflag:s23] =	ssyncadd.s32 @!p0 $0xFFFFD800  }
0x475: {  	[spmem:s2] =	stream.indirect.scatter.add.f32 @!p0 [tilespmem:s24], [sflag:$0x3], $0x80, s25, s22, $0xb8;
	[tilespmem:$0xEA00] =	vst v63  }
0x476: {  	_ =	swait.ge @!p0 [sflag:s23], $0x2800  }
0x477: {  	[sflag:s23] =	ssyncset.done @!p0 $0x0  }
0x478: {  	[sflag:s23] =	ssyncadd.s32 @!p0 $0xFFFFD800  }
0x479: {  	[bflag:$0x0] =	sbarrier.arrive $0xFFFF  }
0x47a: {  	s0 =	sld [smem:$0x7FC];
	_ =	sdelay $0x1  }
0x47b: {  	s31 =	sadd.s32 $0xFFFFFFFF, s31  }
0x47c: {  	[hbm:s0], [sflag:s7] =	dma.local @!p1 [spmem:s29], $0x2000  }
0x47d: {  	p2 =	sne.s32 s31, $0x0;
	_ =	swait.ge @!p1 [sflag:s28], $0x2000  }
.Ltmp1:
0x47e: {  	s0 =	sld [smem:$0x7FD];
	(pc) =	sbr.rel @p2 .LBB2_1-.Ltmp1, $4  }
0x47f: {  	[sflag:s28] =	ssyncset.done @!p1 $0x0  }
0x480: {  	[sflag:s28] =	ssyncadd.s32 @!p1 $0xFFFFE000  }
0x481: {  	[hbm:s0], [sflag:s7] =	dma.local @!p1 [spmem:s30], $0x2000  }
0x482: {  	_ =	swait.ge @!p1 [sflag:s28], $0x2000  }
.LBB2_2:
0x483: {  	[sflag:s28] =	ssyncset.done @!p1 $0x0  }
0x484: {  	[sflag:s28] =	ssyncadd.s32 @!p1 $0xFFFFE000  }
0x485: {  	_ =	sfence.sel $0x180000  }
0x486: {  	[bflag:$0x0] =	sbarrier.arrive $0xFFFF  }
0x487: {  	_ =	strace $0x90000047  }
0x488: {  	[bflag:$0x2] =	sbarrier.arrive $0xFFFF  }
0x489: {  	s0 =	rddreg [dreg:$0x4]  }
0x48a: {  	s0 =	sadd.s32 @!p1 $0x100000, s0  }
0x48b: {  	[sflag:s0] =	ssyncadd.tile.s32 @!p1 $0x1;
	_ =	shalt  }
.Lfunc_end2:
_tile_overlayer_lowered:
.L_overlay_start_2:
0x48c: {  	(tag) =	ssettag $0x2  }
0x48d: {  	s0 =	rddreg [dreg:$0x0];
	s2 =	stileid.u32  }
0x48e: {  	s1 =	rddreg [dreg:$0x1];
	p0 =	sne.s32 s2, $0x0  }
0x48f: {  	s3 =	rddreg [dreg:$0x2];
	[bflag:$0x3] =	sbarrier.arrive $0xFFFF;
	s2 =	simm.s32 @!p0 $0x1C03  }
0x490: {  	[timem:s3], [sflag:s2] =	dma.local @!p0 [hbm:s0], s1  }
0x491: {  	s0 =	simm.s32 @!p0 $0x3  }
0x492: {  	_ =	swait.ge @!p0 [sflag:s0], s1  }
0x493: {  	s1 =	ssub.s32 @!p0 $0x0, s1;
	[sflag:s0] =	ssyncset.done @!p0 $0x0  }
0x494: {  	[sflag:s0] =	ssyncadd.s32 @!p0 s1  }
0x495: {  	[bflag:$0x3] =	sbarrier.arrive $0xFFFF  }
0x496: {  	_ =	shalt  }

</sc_bundles>
